<compile_context>
chip_gen: v7x
topology: tpu7x:2x2x1
jax: 0.10.2.dev20260603
libtpu: 0.0.44.dev20260713+nightly
codegen_flags: <defaults>
</compile_context>

<pallas_src>
import functools

import jax
import jax.numpy as jnp
from jax import lax
from jax.experimental import pallas as pl
from jax.experimental.pallas import tpu as pltpu
from jax.experimental.pallas import tpu_sc as plsc

NUM_FIELDS = 26
VOCAB = 100000
DENSE_DIM = 13
BATCH = 4096

NC = 2
NS = 16
L = 16
NW = NC * NS
B_PER_W = BATCH // NW
CHUNKS = B_PER_W // L


def _sc_body(sparse_ref, dense_ref, table_ref, params_ref, out_ref,
             idx_v, gath_v, dense_v, w_v, out_v, sem):
    wid = lax.axis_index("s") * NC + lax.axis_index("c")
    base = wid * B_PER_W

    pltpu.sync_copy(sparse_ref.at[:, pl.ds(base, B_PER_W)], idx_v)

    copies = [
        pltpu.async_copy(table_ref.at[f].at[idx_v.at[f]], gath_v.at[f], sem)
        for f in range(NUM_FIELDS)
    ]

    pltpu.sync_copy(dense_ref.at[:, pl.ds(base, B_PER_W)], dense_v)
    pltpu.sync_copy(params_ref, w_v)
    wvec = w_v[:]

    slices = [pl.ds(c * L, L) for c in range(CHUNKS)]
    accs = []
    for c in range(CHUNKS):
        acc = dense_v[0, slices[c]] * wvec[0]
        for d in range(1, DENSE_DIM):
            acc = acc + dense_v[d, slices[c]] * wvec[d]
        accs.append(acc + (wvec[DENSE_DIM] + wvec[DENSE_DIM + 1]))

    for f in range(NUM_FIELDS):
        copies[f].wait()
        for c in range(CHUNKS):
            accs[c] = accs[c] + gath_v[f, slices[c]]

    for c in range(CHUNKS):
        out_v[slices[c]] = 1.0 / (1.0 + jnp.exp(-accs[c]))

    pltpu.sync_copy(out_v, out_ref.at[pl.ds(base, B_PER_W)])


@jax.jit
def _run(sparse_t, dense_t, table2d, params):
    mesh = plsc.VectorSubcoreMesh(core_axis_name="c", subcore_axis_name="s")
    call = functools.partial(
        pl.kernel,
        mesh=mesh,
        compiler_params=pltpu.CompilerParams(
            needs_layout_passes=False, use_tc_tiling_on_sc=False
        ),
        out_type=jax.ShapeDtypeStruct((BATCH,), jnp.float32),
        scratch_types=[
            pltpu.VMEM((NUM_FIELDS, B_PER_W), jnp.int32),
            pltpu.VMEM((NUM_FIELDS, B_PER_W), jnp.float32),
            pltpu.VMEM((DENSE_DIM, B_PER_W), jnp.float32),
            pltpu.VMEM((L,), jnp.float32),
            pltpu.VMEM((B_PER_W,), jnp.float32),
            pltpu.SemaphoreType.DMA,
        ],
    )(_sc_body)
    return call(sparse_t, dense_t, table2d, params)


def kernel(sparse_inputs, dense_inputs, tables, dense_W, dense_b, bias):
    sparse_t = jnp.transpose(sparse_inputs).astype(jnp.int32)
    dense_t = jnp.transpose(dense_inputs)
    table2d = lax.optimization_barrier(
        tables.reshape(NUM_FIELDS, VOCAB)
    )
    params = jnp.concatenate([
        dense_W.reshape(DENSE_DIM),
        dense_b.reshape(1),
        bias.reshape(1),
        jnp.zeros((1,), jnp.float32),
    ])
    return _run(sparse_t, dense_t, table2d, params)

# --- scband reference (transcript-rebuilt; emitter-appended) ---
"""Pipeline reference for scband-logistic-regression-3427383902871 (READ-ONLY COPY).

The authoritative reference and input builder live on the scoring server;
editing this copy changes nothing except your own understanding.
"""

import jax, jax.numpy as jnp
import numpy as np

NUM_FIELDS = 26
VOCAB = 100000
DENSE_DIM = 13
BATCH = 4096

def setup_inputs(seed: int = 0) -> dict:
    key = jax.random.key(seed)
    k1, k2, k3, k4, k5 = jax.random.split(key, 5)
    sparse_inputs = jax.random.randint(k1, (BATCH, NUM_FIELDS), 0, VOCAB, dtype=jnp.int64 if jax.config.jax_enable_x64 else jnp.int32)
    dense_inputs = jax.random.normal(k2, (BATCH, DENSE_DIM), dtype=jnp.float32)
    # stacked per-field embedding tables, each [VOCAB, 1]
    tables = jax.random.normal(k3, (NUM_FIELDS, VOCAB, 1), dtype=jnp.float32) * 0.01
    dense_W = jax.random.normal(k4, (1, DENSE_DIM), dtype=jnp.float32) * 0.1
    dense_b = jnp.zeros((1,), dtype=jnp.float32)
    bias = jnp.zeros((1,), dtype=jnp.float32)
    return {"sparse_inputs": sparse_inputs, "dense_inputs": dense_inputs, "tables": tables, "dense_W": dense_W, "dense_b": dense_b, "bias": bias}

def reference(sparse_inputs, dense_inputs, tables, dense_W, dense_b, bias):
    B = sparse_inputs.shape[0]
    logits = jnp.broadcast_to(bias, (B, 1))
    # per-field embedding lookup: tables[f][sparse_inputs[:, f]] -> [B, F, 1]
    gathered = jax.vmap(lambda t, idx: jnp.take(t, idx, axis=0), in_axes=(0, 1), out_axes=1)(tables, sparse_inputs)
    logits = logits + jnp.sum(gathered, axis=1)
    logits = logits + dense_inputs @ dense_W.T + dense_b
    return jax.nn.sigmoid(logits).squeeze(-1)

if __name__ == "__main__":
    import jax
    _d = setup_inputs()
    print(jax.jit(kernel)(*tuple(_d.values())))

</pallas_src>

<mosaic_0001>
#map = affine_map<(d0, d1) -> (0, 0)>
#map1 = affine_map<(d0, d1) -> (0)>
module attributes {stable_mosaic.version = 14 : i64} {
  func.func @_sc_body(%arg0: i32, %arg1: i32, %arg2: memref<26x4096xi32, #tpu.memory_space<hbm>>, %arg3: memref<13x4096xf32, #tpu.memory_space<hbm>>, %arg4: memref<26x100000xf32, #tpu.memory_space<hbm>>, %arg5: memref<16xf32, #tpu.memory_space<hbm>>, %arg6: memref<4096xf32, #tpu.memory_space<hbm>>, %arg7: memref<26x128xi32, #tpu.memory_space<vmem>>, %arg8: memref<26x128xf32, #tpu.memory_space<vmem>>, %arg9: memref<13x128xf32, #tpu.memory_space<vmem>>, %arg10: memref<16xf32, #tpu.memory_space<vmem>>, %arg11: memref<128xf32, #tpu.memory_space<vmem>>, %arg12: memref<!tpu.dma_semaphore, #tpu.memory_space<semaphore_mem>>) attributes {dimension_semantics = [#tpu.dimension_semantics<core_parallel>, #tpu.dimension_semantics<subcore_parallel>], iteration_bounds = array<i64: 2, 16>, scalar_prefetch = 0 : i64, scratch_operands = 6 : i64, tpu.core_type = #tpu.core_type<sc_vector_subcore>, window_params = [{transform_indices = #map}, {transform_indices = #map}, {transform_indices = #map}, {transform_indices = #map1}, {transform_indices = #map1}]} {
    %mul3A = arith.constant 2 : i32
    %mul3A_0 = arith.muli %arg1, %mul3A : i32
    %add3A = arith.addi %mul3A_0, %arg0 : i32
    %mul3A_1 = arith.constant 128 : i32
    %mul3A_2 = arith.muli %add3A, %mul3A_1 : i32
    "tpu.region"() ({
      %run_scoped3A = tpu.sem_alloc : memref<!tpu.dma_semaphore, #tpu.memory_space<semaphore_mem>>
      %dma_start3A_2844 = arith.constant 0 : i32
      %dma_start3A_2845 = tpu.memref_slice %arg2[%dma_start3A_2844, %mul3A_2] : memref<26x4096xi32, #tpu.memory_space<hbm>> -> memref<26x128xi32, #tpu.memory_space<hbm>>
      %dma_start3A_2846 = arith.constant 0 : i32
      %dma_start3A_2847 = tpu.memref_slice %arg2[%dma_start3A_2846, %mul3A_2] : memref<26x4096xi32, #tpu.memory_space<hbm>> -> memref<26x128xi32, #tpu.memory_space<hbm>>
      tpu.enqueue_dma source(%dma_start3A_2847 : memref<26x128xi32, #tpu.memory_space<hbm>>) target(%arg7 : memref<26x128xi32, #tpu.memory_space<vmem>>) target_semaphore(%run_scoped3A : memref<!tpu.dma_semaphore, #tpu.memory_space<semaphore_mem>>)
      %dma_wait3A_2848 = arith.constant 0 : i32
      %dma_wait3A_2849 = tpu.memref_slice %arg2[%dma_wait3A_2848, %mul3A_2] : memref<26x4096xi32, #tpu.memory_space<hbm>> -> memref<26x128xi32, #tpu.memory_space<hbm>>
      %dma_wait3A_2850 = arith.constant 0 : i32
      %dma_wait3A_2851 = tpu.memref_slice %arg2[%dma_wait3A_2850, %mul3A_2] : memref<26x4096xi32, #tpu.memory_space<hbm>> -> memref<26x128xi32, #tpu.memory_space<hbm>>
      tpu.wait_dma2 semaphore(%run_scoped3A : memref<!tpu.dma_semaphore, #tpu.memory_space<semaphore_mem>>) src(%dma_wait3A_2851 : memref<26x128xi32, #tpu.memory_space<hbm>>) dst(%arg7 : memref<26x128xi32, #tpu.memory_space<vmem>>)
      tpu.yield
    }) : () -> ()
    %dma_start3A = arith.constant 0 : i32
    %dma_start3A_3 = arith.constant 0 : i32
    %dma_start3A_4 = arith.constant 0 : i32
    %dma_start3A_5 = arith.constant 0 : i32
    %dma_start3A_6 = tpu.memref_slice %arg8[%dma_start3A_4, %dma_start3A_5] : memref<26x128xf32, #tpu.memory_space<vmem>> -> memref<1x128xf32, #tpu.memory_space<vmem>>
    %dma_start3A_7 = tpu.memref_squeeze %dma_start3A_6 : memref<1x128xf32, #tpu.memory_space<vmem>> -> memref<128xf32, #tpu.memory_space<vmem>>
    %dma_start3A_8 = arith.constant 0 : i32
    %dma_start3A_9 = tpu.memref_slice %arg7[%dma_start3A_3, %dma_start3A_8] : memref<26x128xi32, #tpu.memory_space<vmem>> -> memref<1x128xi32, #tpu.memory_space<vmem>>
    %dma_start3A_10 = tpu.memref_squeeze %dma_start3A_9 : memref<1x128xi32, #tpu.memory_space<vmem>> -> memref<128xi32, #tpu.memory_space<vmem>>
    %dma_start3A_11 = arith.constant 0 : i32
    %dma_start3A_12 = tpu.memref_slice %arg4[%dma_start3A, %dma_start3A_11] : memref<26x100000xf32, #tpu.memory_space<hbm>> -> memref<1x100000xf32, #tpu.memory_space<hbm>>
    %dma_start3A_13 = tpu.memref_squeeze %dma_start3A_12 : memref<1x100000xf32, #tpu.memory_space<hbm>> -> memref<100000xf32, #tpu.memory_space<hbm>>
    %dma_start3A_14 = arith.constant 0 : i32
    %dma_start3A_15 = tpu.memref_slice %dma_start3A_13[%dma_start3A_14] : memref<100000xf32, #tpu.memory_space<hbm>> -> memref<100000xf32, #tpu.memory_space<hbm>>
    tpu.enqueue_indirect_dma source(%dma_start3A_15 : memref<100000xf32, #tpu.memory_space<hbm>>) target(%dma_start3A_7 : memref<128xf32, #tpu.memory_space<vmem>>) offsets(%dma_start3A_10 : memref<128xi32, #tpu.memory_space<vmem>>) semaphore(%arg12 : memref<!tpu.dma_semaphore, #tpu.memory_space<semaphore_mem>>)
    %dma_start3A_16 = arith.constant 1 : i32
    %dma_start3A_17 = arith.constant 1 : i32
    %dma_start3A_18 = arith.constant 1 : i32
    %dma_start3A_19 = arith.constant 0 : i32
    %dma_start3A_20 = tpu.memref_slice %arg8[%dma_start3A_18, %dma_start3A_19] : memref<26x128xf32, #tpu.memory_space<vmem>> -> memref<1x128xf32, #tpu.memory_space<vmem>>
    %dma_start3A_21 = tpu.memref_squeeze %dma_start3A_20 : memref<1x128xf32, #tpu.memory_space<vmem>> -> memref<128xf32, #tpu.memory_space<vmem>>
    %dma_start3A_22 = arith.constant 0 : i32
    %dma_start3A_23 = tpu.memref_slice %arg7[%dma_start3A_17, %dma_start3A_22] : memref<26x128xi32, #tpu.memory_space<vmem>> -> memref<1x128xi32, #tpu.memory_space<vmem>>
    %dma_start3A_24 = tpu.memref_squeeze %dma_start3A_23 : memref<1x128xi32, #tpu.memory_space<vmem>> -> memref<128xi32, #tpu.memory_space<vmem>>
    %dma_start3A_25 = arith.constant 0 : i32
    %dma_start3A_26 = tpu.memref_slice %arg4[%dma_start3A_16, %dma_start3A_25] : memref<26x100000xf32, #tpu.memory_space<hbm>> -> memref<1x100000xf32, #tpu.memory_space<hbm>>
    %dma_start3A_27 = tpu.memref_squeeze %dma_start3A_26 : memref<1x100000xf32, #tpu.memory_space<hbm>> -> memref<100000xf32, #tpu.memory_space<hbm>>
    %dma_start3A_28 = arith.constant 0 : i32
    %dma_start3A_29 = tpu.memref_slice %dma_start3A_27[%dma_start3A_28] : memref<100000xf32, #tpu.memory_space<hbm>> -> memref<100000xf32, #tpu.memory_space<hbm>>
    tpu.enqueue_indirect_dma source(%dma_start3A_29 : memref<100000xf32, #tpu.memory_space<hbm>>) target(%dma_start3A_21 : memref<128xf32, #tpu.memory_space<vmem>>) offsets(%dma_start3A_24 : memref<128xi32, #tpu.memory_space<vmem>>) semaphore(%arg12 : memref<!tpu.dma_semaphore, #tpu.memory_space<semaphore_mem>>)
    %dma_start3A_30 = arith.constant 2 : i32
    %dma_start3A_31 = arith.constant 2 : i32
    %dma_start3A_32 = arith.constant 2 : i32
    %dma_start3A_33 = arith.constant 0 : i32
    %dma_start3A_34 = tpu.memref_slice %arg8[%dma_start3A_32, %dma_start3A_33] : memref<26x128xf32, #tpu.memory_space<vmem>> -> memref<1x128xf32, #tpu.memory_space<vmem>>
    %dma_start3A_35 = tpu.memref_squeeze %dma_start3A_34 : memref<1x128xf32, #tpu.memory_space<vmem>> -> memref<128xf32, #tpu.memory_space<vmem>>
    %dma_start3A_36 = arith.constant 0 : i32
    %dma_start3A_37 = tpu.memref_slice %arg7[%dma_start3A_31, %dma_start3A_36] : memref<26x128xi32, #tpu.memory_space<vmem>> -> memref<1x128xi32, #tpu.memory_space<vmem>>
    %dma_start3A_38 = tpu.memref_squeeze %dma_start3A_37 : memref<1x128xi32, #tpu.memory_space<vmem>> -> memref<128xi32, #tpu.memory_space<vmem>>
    %dma_start3A_39 = arith.constant 0 : i32
    %dma_start3A_40 = tpu.memref_slice %arg4[%dma_start3A_30, %dma_start3A_39] : memref<26x100000xf32, #tpu.memory_space<hbm>> -> memref<1x100000xf32, #tpu.memory_space<hbm>>
    %dma_start3A_41 = tpu.memref_squeeze %dma_start3A_40 : memref<1x100000xf32, #tpu.memory_space<hbm>> -> memref<100000xf32, #tpu.memory_space<hbm>>
    %dma_start3A_42 = arith.constant 0 : i32
    %dma_start3A_43 = tpu.memref_slice %dma_start3A_41[%dma_start3A_42] : memref<100000xf32, #tpu.memory_space<hbm>> -> memref<100000xf32, #tpu.memory_space<hbm>>
    tpu.enqueue_indirect_dma source(%dma_start3A_43 : memref<100000xf32, #tpu.memory_space<hbm>>) target(%dma_start3A_35 : memref<128xf32, #tpu.memory_space<vmem>>) offsets(%dma_start3A_38 : memref<128xi32, #tpu.memory_space<vmem>>) semaphore(%arg12 : memref<!tpu.dma_semaphore, #tpu.memory_space<semaphore_mem>>)
    %dma_start3A_44 = arith.constant 3 : i32
    %dma_start3A_45 = arith.constant 3 : i32
    %dma_start3A_46 = arith.constant 3 : i32
    %dma_start3A_47 = arith.constant 0 : i32
    %dma_start3A_48 = tpu.memref_slice %arg8[%dma_start3A_46, %dma_start3A_47] : memref<26x128xf32, #tpu.memory_space<vmem>> -> memref<1x128xf32, #tpu.memory_space<vmem>>
    %dma_start3A_49 = tpu.memref_squeeze %dma_start3A_48 : memref<1x128xf32, #tpu.memory_space<vmem>> -> memref<128xf32, #tpu.memory_space<vmem>>
    %dma_start3A_50 = arith.constant 0 : i32
    %dma_start3A_51 = tpu.memref_slice %arg7[%dma_start3A_45, %dma_start3A_50] : memref<26x128xi32, #tpu.memory_space<vmem>> -> memref<1x128xi32, #tpu.memory_space<vmem>>
    %dma_start3A_52 = tpu.memref_squeeze %dma_start3A_51 : memref<1x128xi32, #tpu.memory_space<vmem>> -> memref<128xi32, #tpu.memory_space<vmem>>
    %dma_start3A_53 = arith.constant 0 : i32
    %dma_start3A_54 = tpu.memref_slice %arg4[%dma_start3A_44, %dma_start3A_53] : memref<26x100000xf32, #tpu.memory_space<hbm>> -> memref<1x100000xf32, #tpu.memory_space<hbm>>
    %dma_start3A_55 = tpu.memref_squeeze %dma_start3A_54 : memref<1x100000xf32, #tpu.memory_space<hbm>> -> memref<100000xf32, #tpu.memory_space<hbm>>
    %dma_start3A_56 = arith.constant 0 : i32
    %dma_start3A_57 = tpu.memref_slice %dma_start3A_55[%dma_start3A_56] : memref<100000xf32, #tpu.memory_space<hbm>> -> memref<100000xf32, #tpu.memory_space<hbm>>
    tpu.enqueue_indirect_dma source(%dma_start3A_57 : memref<100000xf32, #tpu.memory_space<hbm>>) target(%dma_start3A_49 : memref<128xf32, #tpu.memory_space<vmem>>) offsets(%dma_start3A_52 : memref<128xi32, #tpu.memory_space<vmem>>) semaphore(%arg12 : memref<!tpu.dma_semaphore, #tpu.memory_space<semaphore_mem>>)
    %dma_start3A_58 = arith.constant 4 : i32
    %dma_start3A_59 = arith.constant 4 : i32
    %dma_start3A_60 = arith.constant 4 : i32
    %dma_start3A_61 = arith.constant 0 : i32
    %dma_start3A_62 = tpu.memref_slice %arg8[%dma_start3A_60, %dma_start3A_61] : memref<26x128xf32, #tpu.memory_space<vmem>> -> memref<1x128xf32, #tpu.memory_space<vmem>>
    %dma_start3A_63 = tpu.memref_squeeze %dma_start3A_62 : memref<1x128xf32, #tpu.memory_space<vmem>> -> memref<128xf32, #tpu.memory_space<vmem>>
    %dma_start3A_64 = arith.constant 0 : i32
    %dma_start3A_65 = tpu.memref_slice %arg7[%dma_start3A_59, %dma_start3A_64] : memref<26x128xi32, #tpu.memory_space<vmem>> -> memref<1x128xi32, #tpu.memory_space<vmem>>
    %dma_start3A_66 = tpu.memref_squeeze %dma_start3A_65 : memref<1x128xi32, #tpu.memory_space<vmem>> -> memref<128xi32, #tpu.memory_space<vmem>>
    %dma_start3A_67 = arith.constant 0 : i32
    %dma_start3A_68 = tpu.memref_slice %arg4[%dma_start3A_58, %dma_start3A_67] : memref<26x100000xf32, #tpu.memory_space<hbm>> -> memref<1x100000xf32, #tpu.memory_space<hbm>>
    %dma_start3A_69 = tpu.memref_squeeze %dma_start3A_68 : memref<1x100000xf32, #tpu.memory_space<hbm>> -> memref<100000xf32, #tpu.memory_space<hbm>>
    %dma_start3A_70 = arith.constant 0 : i32
    %dma_start3A_71 = tpu.memref_slice %dma_start3A_69[%dma_start3A_70] : memref<100000xf32, #tpu.memory_space<hbm>> -> memref<100000xf32, #tpu.memory_space<hbm>>
    tpu.enqueue_indirect_dma source(%dma_start3A_71 : memref<100000xf32, #tpu.memory_space<hbm>>) target(%dma_start3A_63 : memref<128xf32, #tpu.memory_space<vmem>>) offsets(%dma_start3A_66 : memref<128xi32, #tpu.memory_space<vmem>>) semaphore(%arg12 : memref<!tpu.dma_semaphore, #tpu.memory_space<semaphore_mem>>)
    %dma_start3A_72 = arith.constant 5 : i32
    %dma_start3A_73 = arith.constant 5 : i32
    %dma_start3A_74 = arith.constant 5 : i32
    %dma_start3A_75 = arith.constant 0 : i32
    %dma_start3A_76 = tpu.memref_slice %arg8[%dma_start3A_74, %dma_start3A_75] : memref<26x128xf32, #tpu.memory_space<vmem>> -> memref<1x128xf32, #tpu.memory_space<vmem>>
    %dma_start3A_77 = tpu.memref_squeeze %dma_start3A_76 : memref<1x128xf32, #tpu.memory_space<vmem>> -> memref<128xf32, #tpu.memory_space<vmem>>
    %dma_start3A_78 = arith.constant 0 : i32
    %dma_start3A_79 = tpu.memref_slice %arg7[%dma_start3A_73, %dma_start3A_78] : memref<26x128xi32, #tpu.memory_space<vmem>> -> memref<1x128xi32, #tpu.memory_space<vmem>>
    %dma_start3A_80 = tpu.memref_squeeze %dma_start3A_79 : memref<1x128xi32, #tpu.memory_space<vmem>> -> memref<128xi32, #tpu.memory_space<vmem>>
    %dma_start3A_81 = arith.constant 0 : i32
    %dma_start3A_82 = tpu.memref_slice %arg4[%dma_start3A_72, %dma_start3A_81] : memref<26x100000xf32, #tpu.memory_space<hbm>> -> memref<1x100000xf32, #tpu.memory_space<hbm>>
    %dma_start3A_83 = tpu.memref_squeeze %dma_start3A_82 : memref<1x100000xf32, #tpu.memory_space<hbm>> -> memref<100000xf32, #tpu.memory_space<hbm>>
    %dma_start3A_84 = arith.constant 0 : i32
    %dma_start3A_85 = tpu.memref_slice %dma_start3A_83[%dma_start3A_84] : memref<100000xf32, #tpu.memory_space<hbm>> -> memref<100000xf32, #tpu.memory_space<hbm>>
    tpu.enqueue_indirect_dma source(%dma_start3A_85 : memref<100000xf32, #tpu.memory_space<hbm>>) target(%dma_start3A_77 : memref<128xf32, #tpu.memory_space<vmem>>) offsets(%dma_start3A_80 : memref<128xi32, #tpu.memory_space<vmem>>) semaphore(%arg12 : memref<!tpu.dma_semaphore, #tpu.memory_space<semaphore_mem>>)
    %dma_start3A_86 = arith.constant 6 : i32
    %dma_start3A_87 = arith.constant 6 : i32
    %dma_start3A_88 = arith.constant 6 : i32
    %dma_start3A_89 = arith.constant 0 : i32
    %dma_start3A_90 = tpu.memref_slice %arg8[%dma_start3A_88, %dma_start3A_89] : memref<26x128xf32, #tpu.memory_space<vmem>> -> memref<1x128xf32, #tpu.memory_space<vmem>>
    %dma_start3A_91 = tpu.memref_squeeze %dma_start3A_90 : memref<1x128xf32, #tpu.memory_space<vmem>> -> memref<128xf32, #tpu.memory_space<vmem>>
    %dma_start3A_92 = arith.constant 0 : i32
    %dma_start3A_93 = tpu.memref_slice %arg7[%dma_start3A_87, %dma_start3A_92] : memref<26x128xi32, #tpu.memory_space<vmem>> -> memref<1x128xi32, #tpu.memory_space<vmem>>
    %dma_start3A_94 = tpu.memref_squeeze %dma_start3A_93 : memref<1x128xi32, #tpu.memory_space<vmem>> -> memref<128xi32, #tpu.memory_space<vmem>>
    %dma_start3A_95 = arith.constant 0 : i32
    %dma_start3A_96 = tpu.memref_slice %arg4[%dma_start3A_86, %dma_start3A_95] : memref<26x100000xf32, #tpu.memory_space<hbm>> -> memref<1x100000xf32, #tpu.memory_space<hbm>>
    %dma_start3A_97 = tpu.memref_squeeze %dma_start3A_96 : memref<1x100000xf32, #tpu.memory_space<hbm>> -> memref<100000xf32, #tpu.memory_space<hbm>>
    %dma_start3A_98 = arith.constant 0 : i32
    %dma_start3A_99 = tpu.memref_slice %dma_start3A_97[%dma_start3A_98] : memref<100000xf32, #tpu.memory_space<hbm>> -> memref<100000xf32, #tpu.memory_space<hbm>>
    tpu.enqueue_indirect_dma source(%dma_start3A_99 : memref<100000xf32, #tpu.memory_space<hbm>>) target(%dma_start3A_91 : memref<128xf32, #tpu.memory_space<vmem>>) offsets(%dma_start3A_94 : memref<128xi32, #tpu.memory_space<vmem>>) semaphore(%arg12 : memref<!tpu.dma_semaphore, #tpu.memory_space<semaphore_mem>>)
    %dma_start3A_100 = arith.constant 7 : i32
    %dma_start3A_101 = arith.constant 7 : i32
    %dma_start3A_102 = arith.constant 7 : i32
    %dma_start3A_103 = arith.constant 0 : i32
    %dma_start3A_104 = tpu.memref_slice %arg8[%dma_start3A_102, %dma_start3A_103] : memref<26x128xf32, #tpu.memory_space<vmem>> -> memref<1x128xf32, #tpu.memory_space<vmem>>
    %dma_start3A_105 = tpu.memref_squeeze %dma_start3A_104 : memref<1x128xf32, #tpu.memory_space<vmem>> -> memref<128xf32, #tpu.memory_space<vmem>>
    %dma_start3A_106 = arith.constant 0 : i32
    %dma_start3A_107 = tpu.memref_slice %arg7[%dma_start3A_101, %dma_start3A_106] : memref<26x128xi32, #tpu.memory_space<vmem>> -> memref<1x128xi32, #tpu.memory_space<vmem>>
    %dma_start3A_108 = tpu.memref_squeeze %dma_start3A_107 : memref<1x128xi32, #tpu.memory_space<vmem>> -> memref<128xi32, #tpu.memory_space<vmem>>
    %dma_start3A_109 = arith.constant 0 : i32
    %dma_start3A_110 = tpu.memref_slice %arg4[%dma_start3A_100, %dma_start3A_109] : memref<26x100000xf32, #tpu.memory_space<hbm>> -> memref<1x100000xf32, #tpu.memory_space<hbm>>
    %dma_start3A_111 = tpu.memref_squeeze %dma_start3A_110 : memref<1x100000xf32, #tpu.memory_space<hbm>> -> memref<100000xf32, #tpu.memory_space<hbm>>
    %dma_start3A_112 = arith.constant 0 : i32
    %dma_start3A_113 = tpu.memref_slice %dma_start3A_111[%dma_start3A_112] : memref<100000xf32, #tpu.memory_space<hbm>> -> memref<100000xf32, #tpu.memory_space<hbm>>
    tpu.enqueue_indirect_dma source(%dma_start3A_113 : memref<100000xf32, #tpu.memory_space<hbm>>) target(%dma_start3A_105 : memref<128xf32, #tpu.memory_space<vmem>>) offsets(%dma_start3A_108 : memref<128xi32, #tpu.memory_space<vmem>>) semaphore(%arg12 : memref<!tpu.dma_semaphore, #tpu.memory_space<semaphore_mem>>)
    %dma_start3A_114 = arith.constant 8 : i32
    %dma_start3A_115 = arith.constant 8 : i32
    %dma_start3A_116 = arith.constant 8 : i32
    %dma_start3A_117 = arith.constant 0 : i32
    %dma_start3A_118 = tpu.memref_slice %arg8[%dma_start3A_116, %dma_start3A_117] : memref<26x128xf32, #tpu.memory_space<vmem>> -> memref<1x128xf32, #tpu.memory_space<vmem>>
    %dma_start3A_119 = tpu.memref_squeeze %dma_start3A_118 : memref<1x128xf32, #tpu.memory_space<vmem>> -> memref<128xf32, #tpu.memory_space<vmem>>
    %dma_start3A_120 = arith.constant 0 : i32
    %dma_start3A_121 = tpu.memref_slice %arg7[%dma_start3A_115, %dma_start3A_120] : memref<26x128xi32, #tpu.memory_space<vmem>> -> memref<1x128xi32, #tpu.memory_space<vmem>>
    %dma_start3A_122 = tpu.memref_squeeze %dma_start3A_121 : memref<1x128xi32, #tpu.memory_space<vmem>> -> memref<128xi32, #tpu.memory_space<vmem>>
    %dma_start3A_123 = arith.constant 0 : i32
    %dma_start3A_124 = tpu.memref_slice %arg4[%dma_start3A_114, %dma_start3A_123] : memref<26x100000xf32, #tpu.memory_space<hbm>> -> memref<1x100000xf32, #tpu.memory_space<hbm>>
    %dma_start3A_125 = tpu.memref_squeeze %dma_start3A_124 : memref<1x100000xf32, #tpu.memory_space<hbm>> -> memref<100000xf32, #tpu.memory_space<hbm>>
    %dma_start3A_126 = arith.constant 0 : i32
    %dma_start3A_127 = tpu.memref_slice %dma_start3A_125[%dma_start3A_126] : memref<100000xf32, #tpu.memory_space<hbm>> -> memref<100000xf32, #tpu.memory_space<hbm>>
    tpu.enqueue_indirect_dma source(%dma_start3A_127 : memref<100000xf32, #tpu.memory_space<hbm>>) target(%dma_start3A_119 : memref<128xf32, #tpu.memory_space<vmem>>) offsets(%dma_start3A_122 : memref<128xi32, #tpu.memory_space<vmem>>) semaphore(%arg12 : memref<!tpu.dma_semaphore, #tpu.memory_space<semaphore_mem>>)
    %dma_start3A_128 = arith.constant 9 : i32
    %dma_start3A_129 = arith.constant 9 : i32
    %dma_start3A_130 = arith.constant 9 : i32
    %dma_start3A_131 = arith.constant 0 : i32
    %dma_start3A_132 = tpu.memref_slice %arg8[%dma_start3A_130, %dma_start3A_131] : memref<26x128xf32, #tpu.memory_space<vmem>> -> memref<1x128xf32, #tpu.memory_space<vmem>>
    %dma_start3A_133 = tpu.memref_squeeze %dma_start3A_132 : memref<1x128xf32, #tpu.memory_space<vmem>> -> memref<128xf32, #tpu.memory_space<vmem>>
    %dma_start3A_134 = arith.constant 0 : i32
    %dma_start3A_135 = tpu.memref_slice %arg7[%dma_start3A_129, %dma_start3A_134] : memref<26x128xi32, #tpu.memory_space<vmem>> -> memref<1x128xi32, #tpu.memory_space<vmem>>
    %dma_start3A_136 = tpu.memref_squeeze %dma_start3A_135 : memref<1x128xi32, #tpu.memory_space<vmem>> -> memref<128xi32, #tpu.memory_space<vmem>>
    %dma_start3A_137 = arith.constant 0 : i32
    %dma_start3A_138 = tpu.memref_slice %arg4[%dma_start3A_128, %dma_start3A_137] : memref<26x100000xf32, #tpu.memory_space<hbm>> -> memref<1x100000xf32, #tpu.memory_space<hbm>>
    %dma_start3A_139 = tpu.memref_squeeze %dma_start3A_138 : memref<1x100000xf32, #tpu.memory_space<hbm>> -> memref<100000xf32, #tpu.memory_space<hbm>>
    %dma_start3A_140 = arith.constant 0 : i32
    %dma_start3A_141 = tpu.memref_slice %dma_start3A_139[%dma_start3A_140] : memref<100000xf32, #tpu.memory_space<hbm>> -> memref<100000xf32, #tpu.memory_space<hbm>>
    tpu.enqueue_indirect_dma source(%dma_start3A_141 : memref<100000xf32, #tpu.memory_space<hbm>>) target(%dma_start3A_133 : memref<128xf32, #tpu.memory_space<vmem>>) offsets(%dma_start3A_136 : memref<128xi32, #tpu.memory_space<vmem>>) semaphore(%arg12 : memref<!tpu.dma_semaphore, #tpu.memory_space<semaphore_mem>>)
    %dma_start3A_142 = arith.constant 10 : i32
    %dma_start3A_143 = arith.constant 10 : i32
    %dma_start3A_144 = arith.constant 10 : i32
    %dma_start3A_145 = arith.constant 0 : i32
    %dma_start3A_146 = tpu.memref_slice %arg8[%dma_start3A_144, %dma_start3A_145] : memref<26x128xf32, #tpu.memory_space<vmem>> -> memref<1x128xf32, #tpu.memory_space<vmem>>
    %dma_start3A_147 = tpu.memref_squeeze %dma_start3A_146 : memref<1x128xf32, #tpu.memory_space<vmem>> -> memref<128xf32, #tpu.memory_space<vmem>>
    %dma_start3A_148 = arith.constant 0 : i32
    %dma_start3A_149 = tpu.memref_slice %arg7[%dma_start3A_143, %dma_start3A_148] : memref<26x128xi32, #tpu.memory_space<vmem>> -> memref<1x128xi32, #tpu.memory_space<vmem>>
    %dma_start3A_150 = tpu.memref_squeeze %dma_start3A_149 : memref<1x128xi32, #tpu.memory_space<vmem>> -> memref<128xi32, #tpu.memory_space<vmem>>
    %dma_start3A_151 = arith.constant 0 : i32
    %dma_start3A_152 = tpu.memref_slice %arg4[%dma_start3A_142, %dma_start3A_151] : memref<26x100000xf32, #tpu.memory_space<hbm>> -> memref<1x100000xf32, #tpu.memory_space<hbm>>
    %dma_start3A_153 = tpu.memref_squeeze %dma_start3A_152 : memref<1x100000xf32, #tpu.memory_space<hbm>> -> memref<100000xf32, #tpu.memory_space<hbm>>
    %dma_start3A_154 = arith.constant 0 : i32
    %dma_start3A_155 = tpu.memref_slice %dma_start3A_153[%dma_start3A_154] : memref<100000xf32, #tpu.memory_space<hbm>> -> memref<100000xf32, #tpu.memory_space<hbm>>
    tpu.enqueue_indirect_dma source(%dma_start3A_155 : memref<100000xf32, #tpu.memory_space<hbm>>) target(%dma_start3A_147 : memref<128xf32, #tpu.memory_space<vmem>>) offsets(%dma_start3A_150 : memref<128xi32, #tpu.memory_space<vmem>>) semaphore(%arg12 : memref<!tpu.dma_semaphore, #tpu.memory_space<semaphore_mem>>)
    %dma_start3A_156 = arith.constant 11 : i32
    %dma_start3A_157 = arith.constant 11 : i32
    %dma_start3A_158 = arith.constant 11 : i32
    %dma_start3A_159 = arith.constant 0 : i32
    %dma_start3A_160 = tpu.memref_slice %arg8[%dma_start3A_158, %dma_start3A_159] : memref<26x128xf32, #tpu.memory_space<vmem>> -> memref<1x128xf32, #tpu.memory_space<vmem>>
    %dma_start3A_161 = tpu.memref_squeeze %dma_start3A_160 : memref<1x128xf32, #tpu.memory_space<vmem>> -> memref<128xf32, #tpu.memory_space<vmem>>
    %dma_start3A_162 = arith.constant 0 : i32
    %dma_start3A_163 = tpu.memref_slice %arg7[%dma_start3A_157, %dma_start3A_162] : memref<26x128xi32, #tpu.memory_space<vmem>> -> memref<1x128xi32, #tpu.memory_space<vmem>>
    %dma_start3A_164 = tpu.memref_squeeze %dma_start3A_163 : memref<1x128xi32, #tpu.memory_space<vmem>> -> memref<128xi32, #tpu.memory_space<vmem>>
    %dma_start3A_165 = arith.constant 0 : i32
    %dma_start3A_166 = tpu.memref_slice %arg4[%dma_start3A_156, %dma_start3A_165] : memref<26x100000xf32, #tpu.memory_space<hbm>> -> memref<1x100000xf32, #tpu.memory_space<hbm>>
    %dma_start3A_167 = tpu.memref_squeeze %dma_start3A_166 : memref<1x100000xf32, #tpu.memory_space<hbm>> -> memref<100000xf32, #tpu.memory_space<hbm>>
    %dma_start3A_168 = arith.constant 0 : i32
    %dma_start3A_169 = tpu.memref_slice %dma_start3A_167[%dma_start3A_168] : memref<100000xf32, #tpu.memory_space<hbm>> -> memref<100000xf32, #tpu.memory_space<hbm>>
    tpu.enqueue_indirect_dma source(%dma_start3A_169 : memref<100000xf32, #tpu.memory_space<hbm>>) target(%dma_start3A_161 : memref<128xf32, #tpu.memory_space<vmem>>) offsets(%dma_start3A_164 : memref<128xi32, #tpu.memory_space<vmem>>) semaphore(%arg12 : memref<!tpu.dma_semaphore, #tpu.memory_space<semaphore_mem>>)
    %dma_start3A_170 = arith.constant 12 : i32
    %dma_start3A_171 = arith.constant 12 : i32
    %dma_start3A_172 = arith.constant 12 : i32
    %dma_start3A_173 = arith.constant 0 : i32
    %dma_start3A_174 = tpu.memref_slice %arg8[%dma_start3A_172, %dma_start3A_173] : memref<26x128xf32, #tpu.memory_space<vmem>> -> memref<1x128xf32, #tpu.memory_space<vmem>>
    %dma_start3A_175 = tpu.memref_squeeze %dma_start3A_174 : memref<1x128xf32, #tpu.memory_space<vmem>> -> memref<128xf32, #tpu.memory_space<vmem>>
    %dma_start3A_176 = arith.constant 0 : i32
    %dma_start3A_177 = tpu.memref_slice %arg7[%dma_start3A_171, %dma_start3A_176] : memref<26x128xi32, #tpu.memory_space<vmem>> -> memref<1x128xi32, #tpu.memory_space<vmem>>
    %dma_start3A_178 = tpu.memref_squeeze %dma_start3A_177 : memref<1x128xi32, #tpu.memory_space<vmem>> -> memref<128xi32, #tpu.memory_space<vmem>>
    %dma_start3A_179 = arith.constant 0 : i32
    %dma_start3A_180 = tpu.memref_slice %arg4[%dma_start3A_170, %dma_start3A_179] : memref<26x100000xf32, #tpu.memory_space<hbm>> -> memref<1x100000xf32, #tpu.memory_space<hbm>>
    %dma_start3A_181 = tpu.memref_squeeze %dma_start3A_180 : memref<1x100000xf32, #tpu.memory_space<hbm>> -> memref<100000xf32, #tpu.memory_space<hbm>>
    %dma_start3A_182 = arith.constant 0 : i32
    %dma_start3A_183 = tpu.memref_slice %dma_start3A_181[%dma_start3A_182] : memref<100000xf32, #tpu.memory_space<hbm>> -> memref<100000xf32, #tpu.memory_space<hbm>>
    tpu.enqueue_indirect_dma source(%dma_start3A_183 : memref<100000xf32, #tpu.memory_space<hbm>>) target(%dma_start3A_175 : memref<128xf32, #tpu.memory_space<vmem>>) offsets(%dma_start3A_178 : memref<128xi32, #tpu.memory_space<vmem>>) semaphore(%arg12 : memref<!tpu.dma_semaphore, #tpu.memory_space<semaphore_mem>>)
    %dma_start3A_184 = arith.constant 13 : i32
    %dma_start3A_185 = arith.constant 13 : i32
    %dma_start3A_186 = arith.constant 13 : i32
    %dma_start3A_187 = arith.constant 0 : i32
    %dma_start3A_188 = tpu.memref_slice %arg8[%dma_start3A_186, %dma_start3A_187] : memref<26x128xf32, #tpu.memory_space<vmem>> -> memref<1x128xf32, #tpu.memory_space<vmem>>
    %dma_start3A_189 = tpu.memref_squeeze %dma_start3A_188 : memref<1x128xf32, #tpu.memory_space<vmem>> -> memref<128xf32, #tpu.memory_space<vmem>>
    %dma_start3A_190 = arith.constant 0 : i32
    %dma_start3A_191 = tpu.memref_slice %arg7[%dma_start3A_185, %dma_start3A_190] : memref<26x128xi32, #tpu.memory_space<vmem>> -> memref<1x128xi32, #tpu.memory_space<vmem>>
    %dma_start3A_192 = tpu.memref_squeeze %dma_start3A_191 : memref<1x128xi32, #tpu.memory_space<vmem>> -> memref<128xi32, #tpu.memory_space<vmem>>
    %dma_start3A_193 = arith.constant 0 : i32
    %dma_start3A_194 = tpu.memref_slice %arg4[%dma_start3A_184, %dma_start3A_193] : memref<26x100000xf32, #tpu.memory_space<hbm>> -> memref<1x100000xf32, #tpu.memory_space<hbm>>
    %dma_start3A_195 = tpu.memref_squeeze %dma_start3A_194 : memref<1x100000xf32, #tpu.memory_space<hbm>> -> memref<100000xf32, #tpu.memory_space<hbm>>
    %dma_start3A_196 = arith.constant 0 : i32
    %dma_start3A_197 = tpu.memref_slice %dma_start3A_195[%dma_start3A_196] : memref<100000xf32, #tpu.memory_space<hbm>> -> memref<100000xf32, #tpu.memory_space<hbm>>
    tpu.enqueue_indirect_dma source(%dma_start3A_197 : memref<100000xf32, #tpu.memory_space<hbm>>) target(%dma_start3A_189 : memref<128xf32, #tpu.memory_space<vmem>>) offsets(%dma_start3A_192 : memref<128xi32, #tpu.memory_space<vmem>>) semaphore(%arg12 : memref<!tpu.dma_semaphore, #tpu.memory_space<semaphore_mem>>)
    %dma_start3A_198 = arith.constant 14 : i32
    %dma_start3A_199 = arith.constant 14 : i32
    %dma_start3A_200 = arith.constant 14 : i32
    %dma_start3A_201 = arith.constant 0 : i32
    %dma_start3A_202 = tpu.memref_slice %arg8[%dma_start3A_200, %dma_start3A_201] : memref<26x128xf32, #tpu.memory_space<vmem>> -> memref<1x128xf32, #tpu.memory_space<vmem>>
    %dma_start3A_203 = tpu.memref_squeeze %dma_start3A_202 : memref<1x128xf32, #tpu.memory_space<vmem>> -> memref<128xf32, #tpu.memory_space<vmem>>
    %dma_start3A_204 = arith.constant 0 : i32
    %dma_start3A_205 = tpu.memref_slice %arg7[%dma_start3A_199, %dma_start3A_204] : memref<26x128xi32, #tpu.memory_space<vmem>> -> memref<1x128xi32, #tpu.memory_space<vmem>>
    %dma_start3A_206 = tpu.memref_squeeze %dma_start3A_205 : memref<1x128xi32, #tpu.memory_space<vmem>> -> memref<128xi32, #tpu.memory_space<vmem>>
    %dma_start3A_207 = arith.constant 0 : i32
    %dma_start3A_208 = tpu.memref_slice %arg4[%dma_start3A_198, %dma_start3A_207] : memref<26x100000xf32, #tpu.memory_space<hbm>> -> memref<1x100000xf32, #tpu.memory_space<hbm>>
    %dma_start3A_209 = tpu.memref_squeeze %dma_start3A_208 : memref<1x100000xf32, #tpu.memory_space<hbm>> -> memref<100000xf32, #tpu.memory_space<hbm>>
    %dma_start3A_210 = arith.constant 0 : i32
    %dma_start3A_211 = tpu.memref_slice %dma_start3A_209[%dma_start3A_210] : memref<100000xf32, #tpu.memory_space<hbm>> -> memref<100000xf32, #tpu.memory_space<hbm>>
    tpu.enqueue_indirect_dma source(%dma_start3A_211 : memref<100000xf32, #tpu.memory_space<hbm>>) target(%dma_start3A_203 : memref<128xf32, #tpu.memory_space<vmem>>) offsets(%dma_start3A_206 : memref<128xi32, #tpu.memory_space<vmem>>) semaphore(%arg12 : memref<!tpu.dma_semaphore, #tpu.memory_space<semaphore_mem>>)
    %dma_start3A_212 = arith.constant 15 : i32
    %dma_start3A_213 = arith.constant 15 : i32
    %dma_start3A_214 = arith.constant 15 : i32
    %dma_start3A_215 = arith.constant 0 : i32
    %dma_start3A_216 = tpu.memref_slice %arg8[%dma_start3A_214, %dma_start3A_215] : memref<26x128xf32, #tpu.memory_space<vmem>> -> memref<1x128xf32, #tpu.memory_space<vmem>>
    %dma_start3A_217 = tpu.memref_squeeze %dma_start3A_216 : memref<1x128xf32, #tpu.memory_space<vmem>> -> memref<128xf32, #tpu.memory_space<vmem>>
    %dma_start3A_218 = arith.constant 0 : i32
    %dma_start3A_219 = tpu.memref_slice %arg7[%dma_start3A_213, %dma_start3A_218] : memref<26x128xi32, #tpu.memory_space<vmem>> -> memref<1x128xi32, #tpu.memory_space<vmem>>
    %dma_start3A_220 = tpu.memref_squeeze %dma_start3A_219 : memref<1x128xi32, #tpu.memory_space<vmem>> -> memref<128xi32, #tpu.memory_space<vmem>>
    %dma_start3A_221 = arith.constant 0 : i32
    %dma_start3A_222 = tpu.memref_slice %arg4[%dma_start3A_212, %dma_start3A_221] : memref<26x100000xf32, #tpu.memory_space<hbm>> -> memref<1x100000xf32, #tpu.memory_space<hbm>>
    %dma_start3A_223 = tpu.memref_squeeze %dma_start3A_222 : memref<1x100000xf32, #tpu.memory_space<hbm>> -> memref<100000xf32, #tpu.memory_space<hbm>>
    %dma_start3A_224 = arith.constant 0 : i32
    %dma_start3A_225 = tpu.memref_slice %dma_start3A_223[%dma_start3A_224] : memref<100000xf32, #tpu.memory_space<hbm>> -> memref<100000xf32, #tpu.memory_space<hbm>>
    tpu.enqueue_indirect_dma source(%dma_start3A_225 : memref<100000xf32, #tpu.memory_space<hbm>>) target(%dma_start3A_217 : memref<128xf32, #tpu.memory_space<vmem>>) offsets(%dma_start3A_220 : memref<128xi32, #tpu.memory_space<vmem>>) semaphore(%arg12 : memref<!tpu.dma_semaphore, #tpu.memory_space<semaphore_mem>>)
    %dma_start3A_226 = arith.constant 16 : i32
    %dma_start3A_227 = arith.constant 16 : i32
    %dma_start3A_228 = arith.constant 16 : i32
    %dma_start3A_229 = arith.constant 0 : i32
    %dma_start3A_230 = tpu.memref_slice %arg8[%dma_start3A_228, %dma_start3A_229] : memref<26x128xf32, #tpu.memory_space<vmem>> -> memref<1x128xf32, #tpu.memory_space<vmem>>
    %dma_start3A_231 = tpu.memref_squeeze %dma_start3A_230 : memref<1x128xf32, #tpu.memory_space<vmem>> -> memref<128xf32, #tpu.memory_space<vmem>>
    %dma_start3A_232 = arith.constant 0 : i32
    %dma_start3A_233 = tpu.memref_slice %arg7[%dma_start3A_227, %dma_start3A_232] : memref<26x128xi32, #tpu.memory_space<vmem>> -> memref<1x128xi32, #tpu.memory_space<vmem>>
    %dma_start3A_234 = tpu.memref_squeeze %dma_start3A_233 : memref<1x128xi32, #tpu.memory_space<vmem>> -> memref<128xi32, #tpu.memory_space<vmem>>
    %dma_start3A_235 = arith.constant 0 : i32
    %dma_start3A_236 = tpu.memref_slice %arg4[%dma_start3A_226, %dma_start3A_235] : memref<26x100000xf32, #tpu.memory_space<hbm>> -> memref<1x100000xf32, #tpu.memory_space<hbm>>
    %dma_start3A_237 = tpu.memref_squeeze %dma_start3A_236 : memref<1x100000xf32, #tpu.memory_space<hbm>> -> memref<100000xf32, #tpu.memory_space<hbm>>
    %dma_start3A_238 = arith.constant 0 : i32
    %dma_start3A_239 = tpu.memref_slice %dma_start3A_237[%dma_start3A_238] : memref<100000xf32, #tpu.memory_space<hbm>> -> memref<100000xf32, #tpu.memory_space<hbm>>
    tpu.enqueue_indirect_dma source(%dma_start3A_239 : memref<100000xf32, #tpu.memory_space<hbm>>) target(%dma_start3A_231 : memref<128xf32, #tpu.memory_space<vmem>>) offsets(%dma_start3A_234 : memref<128xi32, #tpu.memory_space<vmem>>) semaphore(%arg12 : memref<!tpu.dma_semaphore, #tpu.memory_space<semaphore_mem>>)
    %dma_start3A_240 = arith.constant 17 : i32
    %dma_start3A_241 = arith.constant 17 : i32
    %dma_start3A_242 = arith.constant 17 : i32
    %dma_start3A_243 = arith.constant 0 : i32
    %dma_start3A_244 = tpu.memref_slice %arg8[%dma_start3A_242, %dma_start3A_243] : memref<26x128xf32, #tpu.memory_space<vmem>> -> memref<1x128xf32, #tpu.memory_space<vmem>>
    %dma_start3A_245 = tpu.memref_squeeze %dma_start3A_244 : memref<1x128xf32, #tpu.memory_space<vmem>> -> memref<128xf32, #tpu.memory_space<vmem>>
    %dma_start3A_246 = arith.constant 0 : i32
    %dma_start3A_247 = tpu.memref_slice %arg7[%dma_start3A_241, %dma_start3A_246] : memref<26x128xi32, #tpu.memory_space<vmem>> -> memref<1x128xi32, #tpu.memory_space<vmem>>
    %dma_start3A_248 = tpu.memref_squeeze %dma_start3A_247 : memref<1x128xi32, #tpu.memory_space<vmem>> -> memref<128xi32, #tpu.memory_space<vmem>>
    %dma_start3A_249 = arith.constant 0 : i32
    %dma_start3A_250 = tpu.memref_slice %arg4[%dma_start3A_240, %dma_start3A_249] : memref<26x100000xf32, #tpu.memory_space<hbm>> -> memref<1x100000xf32, #tpu.memory_space<hbm>>
    %dma_start3A_251 = tpu.memref_squeeze %dma_start3A_250 : memref<1x100000xf32, #tpu.memory_space<hbm>> -> memref<100000xf32, #tpu.memory_space<hbm>>
    %dma_start3A_252 = arith.constant 0 : i32
    %dma_start3A_253 = tpu.memref_slice %dma_start3A_251[%dma_start3A_252] : memref<100000xf32, #tpu.memory_space<hbm>> -> memref<100000xf32, #tpu.memory_space<hbm>>
    tpu.enqueue_indirect_dma source(%dma_start3A_253 : memref<100000xf32, #tpu.memory_space<hbm>>) target(%dma_start3A_245 : memref<128xf32, #tpu.memory_space<vmem>>) offsets(%dma_start3A_248 : memref<128xi32, #tpu.memory_space<vmem>>) semaphore(%arg12 : memref<!tpu.dma_semaphore, #tpu.memory_space<semaphore_mem>>)
    %dma_start3A_254 = arith.constant 18 : i32
    %dma_start3A_255 = arith.constant 18 : i32
    %dma_start3A_256 = arith.constant 18 : i32
    %dma_start3A_257 = arith.constant 0 : i32
    %dma_start3A_258 = tpu.memref_slice %arg8[%dma_start3A_256, %dma_start3A_257] : memref<26x128xf32, #tpu.memory_space<vmem>> -> memref<1x128xf32, #tpu.memory_space<vmem>>
    %dma_start3A_259 = tpu.memref_squeeze %dma_start3A_258 : memref<1x128xf32, #tpu.memory_space<vmem>> -> memref<128xf32, #tpu.memory_space<vmem>>
    %dma_start3A_260 = arith.constant 0 : i32
    %dma_start3A_261 = tpu.memref_slice %arg7[%dma_start3A_255, %dma_start3A_260] : memref<26x128xi32, #tpu.memory_space<vmem>> -> memref<1x128xi32, #tpu.memory_space<vmem>>
    %dma_start3A_262 = tpu.memref_squeeze %dma_start3A_261 : memref<1x128xi32, #tpu.memory_space<vmem>> -> memref<128xi32, #tpu.memory_space<vmem>>
    %dma_start3A_263 = arith.constant 0 : i32
    %dma_start3A_264 = tpu.memref_slice %arg4[%dma_start3A_254, %dma_start3A_263] : memref<26x100000xf32, #tpu.memory_space<hbm>> -> memref<1x100000xf32, #tpu.memory_space<hbm>>
    %dma_start3A_265 = tpu.memref_squeeze %dma_start3A_264 : memref<1x100000xf32, #tpu.memory_space<hbm>> -> memref<100000xf32, #tpu.memory_space<hbm>>
    %dma_start3A_266 = arith.constant 0 : i32
    %dma_start3A_267 = tpu.memref_slice %dma_start3A_265[%dma_start3A_266] : memref<100000xf32, #tpu.memory_space<hbm>> -> memref<100000xf32, #tpu.memory_space<hbm>>
    tpu.enqueue_indirect_dma source(%dma_start3A_267 : memref<100000xf32, #tpu.memory_space<hbm>>) target(%dma_start3A_259 : memref<128xf32, #tpu.memory_space<vmem>>) offsets(%dma_start3A_262 : memref<128xi32, #tpu.memory_space<vmem>>) semaphore(%arg12 : memref<!tpu.dma_semaphore, #tpu.memory_space<semaphore_mem>>)
    %dma_start3A_268 = arith.constant 19 : i32
    %dma_start3A_269 = arith.constant 19 : i32
    %dma_start3A_270 = arith.constant 19 : i32
    %dma_start3A_271 = arith.constant 0 : i32
    %dma_start3A_272 = tpu.memref_slice %arg8[%dma_start3A_270, %dma_start3A_271] : memref<26x128xf32, #tpu.memory_space<vmem>> -> memref<1x128xf32, #tpu.memory_space<vmem>>
    %dma_start3A_273 = tpu.memref_squeeze %dma_start3A_272 : memref<1x128xf32, #tpu.memory_space<vmem>> -> memref<128xf32, #tpu.memory_space<vmem>>
    %dma_start3A_274 = arith.constant 0 : i32
    %dma_start3A_275 = tpu.memref_slice %arg7[%dma_start3A_269, %dma_start3A_274] : memref<26x128xi32, #tpu.memory_space<vmem>> -> memref<1x128xi32, #tpu.memory_space<vmem>>
    %dma_start3A_276 = tpu.memref_squeeze %dma_start3A_275 : memref<1x128xi32, #tpu.memory_space<vmem>> -> memref<128xi32, #tpu.memory_space<vmem>>
    %dma_start3A_277 = arith.constant 0 : i32
    %dma_start3A_278 = tpu.memref_slice %arg4[%dma_start3A_268, %dma_start3A_277] : memref<26x100000xf32, #tpu.memory_space<hbm>> -> memref<1x100000xf32, #tpu.memory_space<hbm>>
    %dma_start3A_279 = tpu.memref_squeeze %dma_start3A_278 : memref<1x100000xf32, #tpu.memory_space<hbm>> -> memref<100000xf32, #tpu.memory_space<hbm>>
    %dma_start3A_280 = arith.constant 0 : i32
    %dma_start3A_281 = tpu.memref_slice %dma_start3A_279[%dma_start3A_280] : memref<100000xf32, #tpu.memory_space<hbm>> -> memref<100000xf32, #tpu.memory_space<hbm>>
    tpu.enqueue_indirect_dma source(%dma_start3A_281 : memref<100000xf32, #tpu.memory_space<hbm>>) target(%dma_start3A_273 : memref<128xf32, #tpu.memory_space<vmem>>) offsets(%dma_start3A_276 : memref<128xi32, #tpu.memory_space<vmem>>) semaphore(%arg12 : memref<!tpu.dma_semaphore, #tpu.memory_space<semaphore_mem>>)
    %dma_start3A_282 = arith.constant 20 : i32
    %dma_start3A_283 = arith.constant 20 : i32
    %dma_start3A_284 = arith.constant 20 : i32
    %dma_start3A_285 = arith.constant 0 : i32
    %dma_start3A_286 = tpu.memref_slice %arg8[%dma_start3A_284, %dma_start3A_285] : memref<26x128xf32, #tpu.memory_space<vmem>> -> memref<1x128xf32, #tpu.memory_space<vmem>>
    %dma_start3A_287 = tpu.memref_squeeze %dma_start3A_286 : memref<1x128xf32, #tpu.memory_space<vmem>> -> memref<128xf32, #tpu.memory_space<vmem>>
    %dma_start3A_288 = arith.constant 0 : i32
    %dma_start3A_289 = tpu.memref_slice %arg7[%dma_start3A_283, %dma_start3A_288] : memref<26x128xi32, #tpu.memory_space<vmem>> -> memref<1x128xi32, #tpu.memory_space<vmem>>
    %dma_start3A_290 = tpu.memref_squeeze %dma_start3A_289 : memref<1x128xi32, #tpu.memory_space<vmem>> -> memref<128xi32, #tpu.memory_space<vmem>>
    %dma_start3A_291 = arith.constant 0 : i32
    %dma_start3A_292 = tpu.memref_slice %arg4[%dma_start3A_282, %dma_start3A_291] : memref<26x100000xf32, #tpu.memory_space<hbm>> -> memref<1x100000xf32, #tpu.memory_space<hbm>>
    %dma_start3A_293 = tpu.memref_squeeze %dma_start3A_292 : memref<1x100000xf32, #tpu.memory_space<hbm>> -> memref<100000xf32, #tpu.memory_space<hbm>>
    %dma_start3A_294 = arith.constant 0 : i32
    %dma_start3A_295 = tpu.memref_slice %dma_start3A_293[%dma_start3A_294] : memref<100000xf32, #tpu.memory_space<hbm>> -> memref<100000xf32, #tpu.memory_space<hbm>>
    tpu.enqueue_indirect_dma source(%dma_start3A_295 : memref<100000xf32, #tpu.memory_space<hbm>>) target(%dma_start3A_287 : memref<128xf32, #tpu.memory_space<vmem>>) offsets(%dma_start3A_290 : memref<128xi32, #tpu.memory_space<vmem>>) semaphore(%arg12 : memref<!tpu.dma_semaphore, #tpu.memory_space<semaphore_mem>>)
    %dma_start3A_296 = arith.constant 21 : i32
    %dma_start3A_297 = arith.constant 21 : i32
    %dma_start3A_298 = arith.constant 21 : i32
    %dma_start3A_299 = arith.constant 0 : i32
    %dma_start3A_300 = tpu.memref_slice %arg8[%dma_start3A_298, %dma_start3A_299] : memref<26x128xf32, #tpu.memory_space<vmem>> -> memref<1x128xf32, #tpu.memory_space<vmem>>
    %dma_start3A_301 = tpu.memref_squeeze %dma_start3A_300 : memref<1x128xf32, #tpu.memory_space<vmem>> -> memref<128xf32, #tpu.memory_space<vmem>>
    %dma_start3A_302 = arith.constant 0 : i32
    %dma_start3A_303 = tpu.memref_slice %arg7[%dma_start3A_297, %dma_start3A_302] : memref<26x128xi32, #tpu.memory_space<vmem>> -> memref<1x128xi32, #tpu.memory_space<vmem>>
    %dma_start3A_304 = tpu.memref_squeeze %dma_start3A_303 : memref<1x128xi32, #tpu.memory_space<vmem>> -> memref<128xi32, #tpu.memory_space<vmem>>
    %dma_start3A_305 = arith.constant 0 : i32
    %dma_start3A_306 = tpu.memref_slice %arg4[%dma_start3A_296, %dma_start3A_305] : memref<26x100000xf32, #tpu.memory_space<hbm>> -> memref<1x100000xf32, #tpu.memory_space<hbm>>
    %dma_start3A_307 = tpu.memref_squeeze %dma_start3A_306 : memref<1x100000xf32, #tpu.memory_space<hbm>> -> memref<100000xf32, #tpu.memory_space<hbm>>
    %dma_start3A_308 = arith.constant 0 : i32
    %dma_start3A_309 = tpu.memref_slice %dma_start3A_307[%dma_start3A_308] : memref<100000xf32, #tpu.memory_space<hbm>> -> memref<100000xf32, #tpu.memory_space<hbm>>
    tpu.enqueue_indirect_dma source(%dma_start3A_309 : memref<100000xf32, #tpu.memory_space<hbm>>) target(%dma_start3A_301 : memref<128xf32, #tpu.memory_space<vmem>>) offsets(%dma_start3A_304 : memref<128xi32, #tpu.memory_space<vmem>>) semaphore(%arg12 : memref<!tpu.dma_semaphore, #tpu.memory_space<semaphore_mem>>)
    %dma_start3A_310 = arith.constant 22 : i32
    %dma_start3A_311 = arith.constant 22 : i32
    %dma_start3A_312 = arith.constant 22 : i32
    %dma_start3A_313 = arith.constant 0 : i32
    %dma_start3A_314 = tpu.memref_slice %arg8[%dma_start3A_312, %dma_start3A_313] : memref<26x128xf32, #tpu.memory_space<vmem>> -> memref<1x128xf32, #tpu.memory_space<vmem>>
    %dma_start3A_315 = tpu.memref_squeeze %dma_start3A_314 : memref<1x128xf32, #tpu.memory_space<vmem>> -> memref<128xf32, #tpu.memory_space<vmem>>
    %dma_start3A_316 = arith.constant 0 : i32
    %dma_start3A_317 = tpu.memref_slice %arg7[%dma_start3A_311, %dma_start3A_316] : memref<26x128xi32, #tpu.memory_space<vmem>> -> memref<1x128xi32, #tpu.memory_space<vmem>>
    %dma_start3A_318 = tpu.memref_squeeze %dma_start3A_317 : memref<1x128xi32, #tpu.memory_space<vmem>> -> memref<128xi32, #tpu.memory_space<vmem>>
    %dma_start3A_319 = arith.constant 0 : i32
    %dma_start3A_320 = tpu.memref_slice %arg4[%dma_start3A_310, %dma_start3A_319] : memref<26x100000xf32, #tpu.memory_space<hbm>> -> memref<1x100000xf32, #tpu.memory_space<hbm>>
    %dma_start3A_321 = tpu.memref_squeeze %dma_start3A_320 : memref<1x100000xf32, #tpu.memory_space<hbm>> -> memref<100000xf32, #tpu.memory_space<hbm>>
    %dma_start3A_322 = arith.constant 0 : i32
    %dma_start3A_323 = tpu.memref_slice %dma_start3A_321[%dma_start3A_322] : memref<100000xf32, #tpu.memory_space<hbm>> -> memref<100000xf32, #tpu.memory_space<hbm>>
    tpu.enqueue_indirect_dma source(%dma_start3A_323 : memref<100000xf32, #tpu.memory_space<hbm>>) target(%dma_start3A_315 : memref<128xf32, #tpu.memory_space<vmem>>) offsets(%dma_start3A_318 : memref<128xi32, #tpu.memory_space<vmem>>) semaphore(%arg12 : memref<!tpu.dma_semaphore, #tpu.memory_space<semaphore_mem>>)
    %dma_start3A_324 = arith.constant 23 : i32
    %dma_start3A_325 = arith.constant 23 : i32
    %dma_start3A_326 = arith.constant 23 : i32
    %dma_start3A_327 = arith.constant 0 : i32
    %dma_start3A_328 = tpu.memref_slice %arg8[%dma_start3A_326, %dma_start3A_327] : memref<26x128xf32, #tpu.memory_space<vmem>> -> memref<1x128xf32, #tpu.memory_space<vmem>>
    %dma_start3A_329 = tpu.memref_squeeze %dma_start3A_328 : memref<1x128xf32, #tpu.memory_space<vmem>> -> memref<128xf32, #tpu.memory_space<vmem>>
    %dma_start3A_330 = arith.constant 0 : i32
    %dma_start3A_331 = tpu.memref_slice %arg7[%dma_start3A_325, %dma_start3A_330] : memref<26x128xi32, #tpu.memory_space<vmem>> -> memref<1x128xi32, #tpu.memory_space<vmem>>
    %dma_start3A_332 = tpu.memref_squeeze %dma_start3A_331 : memref<1x128xi32, #tpu.memory_space<vmem>> -> memref<128xi32, #tpu.memory_space<vmem>>
    %dma_start3A_333 = arith.constant 0 : i32
    %dma_start3A_334 = tpu.memref_slice %arg4[%dma_start3A_324, %dma_start3A_333] : memref<26x100000xf32, #tpu.memory_space<hbm>> -> memref<1x100000xf32, #tpu.memory_space<hbm>>
    %dma_start3A_335 = tpu.memref_squeeze %dma_start3A_334 : memref<1x100000xf32, #tpu.memory_space<hbm>> -> memref<100000xf32, #tpu.memory_space<hbm>>
    %dma_start3A_336 = arith.constant 0 : i32
    %dma_start3A_337 = tpu.memref_slice %dma_start3A_335[%dma_start3A_336] : memref<100000xf32, #tpu.memory_space<hbm>> -> memref<100000xf32, #tpu.memory_space<hbm>>
    tpu.enqueue_indirect_dma source(%dma_start3A_337 : memref<100000xf32, #tpu.memory_space<hbm>>) target(%dma_start3A_329 : memref<128xf32, #tpu.memory_space<vmem>>) offsets(%dma_start3A_332 : memref<128xi32, #tpu.memory_space<vmem>>) semaphore(%arg12 : memref<!tpu.dma_semaphore, #tpu.memory_space<semaphore_mem>>)
    %dma_start3A_338 = arith.constant 24 : i32
    %dma_start3A_339 = arith.constant 24 : i32
    %dma_start3A_340 = arith.constant 24 : i32
    %dma_start3A_341 = arith.constant 0 : i32
    %dma_start3A_342 = tpu.memref_slice %arg8[%dma_start3A_340, %dma_start3A_341] : memref<26x128xf32, #tpu.memory_space<vmem>> -> memref<1x128xf32, #tpu.memory_space<vmem>>
    %dma_start3A_343 = tpu.memref_squeeze %dma_start3A_342 : memref<1x128xf32, #tpu.memory_space<vmem>> -> memref<128xf32, #tpu.memory_space<vmem>>
    %dma_start3A_344 = arith.constant 0 : i32
    %dma_start3A_345 = tpu.memref_slice %arg7[%dma_start3A_339, %dma_start3A_344] : memref<26x128xi32, #tpu.memory_space<vmem>> -> memref<1x128xi32, #tpu.memory_space<vmem>>
    %dma_start3A_346 = tpu.memref_squeeze %dma_start3A_345 : memref<1x128xi32, #tpu.memory_space<vmem>> -> memref<128xi32, #tpu.memory_space<vmem>>
    %dma_start3A_347 = arith.constant 0 : i32
    %dma_start3A_348 = tpu.memref_slice %arg4[%dma_start3A_338, %dma_start3A_347] : memref<26x100000xf32, #tpu.memory_space<hbm>> -> memref<1x100000xf32, #tpu.memory_space<hbm>>
    %dma_start3A_349 = tpu.memref_squeeze %dma_start3A_348 : memref<1x100000xf32, #tpu.memory_space<hbm>> -> memref<100000xf32, #tpu.memory_space<hbm>>
    %dma_start3A_350 = arith.constant 0 : i32
    %dma_start3A_351 = tpu.memref_slice %dma_start3A_349[%dma_start3A_350] : memref<100000xf32, #tpu.memory_space<hbm>> -> memref<100000xf32, #tpu.memory_space<hbm>>
    tpu.enqueue_indirect_dma source(%dma_start3A_351 : memref<100000xf32, #tpu.memory_space<hbm>>) target(%dma_start3A_343 : memref<128xf32, #tpu.memory_space<vmem>>) offsets(%dma_start3A_346 : memref<128xi32, #tpu.memory_space<vmem>>) semaphore(%arg12 : memref<!tpu.dma_semaphore, #tpu.memory_space<semaphore_mem>>)
    %dma_start3A_352 = arith.constant 25 : i32
    %dma_start3A_353 = arith.constant 25 : i32
    %dma_start3A_354 = arith.constant 25 : i32
    %dma_start3A_355 = arith.constant 0 : i32
    %dma_start3A_356 = tpu.memref_slice %arg8[%dma_start3A_354, %dma_start3A_355] : memref<26x128xf32, #tpu.memory_space<vmem>> -> memref<1x128xf32, #tpu.memory_space<vmem>>
    %dma_start3A_357 = tpu.memref_squeeze %dma_start3A_356 : memref<1x128xf32, #tpu.memory_space<vmem>> -> memref<128xf32, #tpu.memory_space<vmem>>
    %dma_start3A_358 = arith.constant 0 : i32
    %dma_start3A_359 = tpu.memref_slice %arg7[%dma_start3A_353, %dma_start3A_358] : memref<26x128xi32, #tpu.memory_space<vmem>> -> memref<1x128xi32, #tpu.memory_space<vmem>>
    %dma_start3A_360 = tpu.memref_squeeze %dma_start3A_359 : memref<1x128xi32, #tpu.memory_space<vmem>> -> memref<128xi32, #tpu.memory_space<vmem>>
    %dma_start3A_361 = arith.constant 0 : i32
    %dma_start3A_362 = tpu.memref_slice %arg4[%dma_start3A_352, %dma_start3A_361] : memref<26x100000xf32, #tpu.memory_space<hbm>> -> memref<1x100000xf32, #tpu.memory_space<hbm>>
    %dma_start3A_363 = tpu.memref_squeeze %dma_start3A_362 : memref<1x100000xf32, #tpu.memory_space<hbm>> -> memref<100000xf32, #tpu.memory_space<hbm>>
    %dma_start3A_364 = arith.constant 0 : i32
    %dma_start3A_365 = tpu.memref_slice %dma_start3A_363[%dma_start3A_364] : memref<100000xf32, #tpu.memory_space<hbm>> -> memref<100000xf32, #tpu.memory_space<hbm>>
    tpu.enqueue_indirect_dma source(%dma_start3A_365 : memref<100000xf32, #tpu.memory_space<hbm>>) target(%dma_start3A_357 : memref<128xf32, #tpu.memory_space<vmem>>) offsets(%dma_start3A_360 : memref<128xi32, #tpu.memory_space<vmem>>) semaphore(%arg12 : memref<!tpu.dma_semaphore, #tpu.memory_space<semaphore_mem>>)
    "tpu.region"() ({
      %run_scoped3A = tpu.sem_alloc : memref<!tpu.dma_semaphore, #tpu.memory_space<semaphore_mem>>
      %dma_start3A_2844 = arith.constant 0 : i32
      %dma_start3A_2845 = tpu.memref_slice %arg3[%dma_start3A_2844, %mul3A_2] : memref<13x4096xf32, #tpu.memory_space<hbm>> -> memref<13x128xf32, #tpu.memory_space<hbm>>
      %dma_start3A_2846 = arith.constant 0 : i32
      %dma_start3A_2847 = tpu.memref_slice %arg3[%dma_start3A_2846, %mul3A_2] : memref<13x4096xf32, #tpu.memory_space<hbm>> -> memref<13x128xf32, #tpu.memory_space<hbm>>
      tpu.enqueue_dma source(%dma_start3A_2847 : memref<13x128xf32, #tpu.memory_space<hbm>>) target(%arg9 : memref<13x128xf32, #tpu.memory_space<vmem>>) target_semaphore(%run_scoped3A : memref<!tpu.dma_semaphore, #tpu.memory_space<semaphore_mem>>)
      %dma_wait3A_2848 = arith.constant 0 : i32
      %dma_wait3A_2849 = tpu.memref_slice %arg3[%dma_wait3A_2848, %mul3A_2] : memref<13x4096xf32, #tpu.memory_space<hbm>> -> memref<13x128xf32, #tpu.memory_space<hbm>>
      %dma_wait3A_2850 = arith.constant 0 : i32
      %dma_wait3A_2851 = tpu.memref_slice %arg3[%dma_wait3A_2850, %mul3A_2] : memref<13x4096xf32, #tpu.memory_space<hbm>> -> memref<13x128xf32, #tpu.memory_space<hbm>>
      tpu.wait_dma2 semaphore(%run_scoped3A : memref<!tpu.dma_semaphore, #tpu.memory_space<semaphore_mem>>) src(%dma_wait3A_2851 : memref<13x128xf32, #tpu.memory_space<hbm>>) dst(%arg9 : memref<13x128xf32, #tpu.memory_space<vmem>>)
      tpu.yield
    }) : () -> ()
    "tpu.region"() ({
      %run_scoped3A = tpu.sem_alloc : memref<!tpu.dma_semaphore, #tpu.memory_space<semaphore_mem>>
      tpu.enqueue_dma source(%arg5 : memref<16xf32, #tpu.memory_space<hbm>>) target(%arg10 : memref<16xf32, #tpu.memory_space<vmem>>) target_semaphore(%run_scoped3A : memref<!tpu.dma_semaphore, #tpu.memory_space<semaphore_mem>>)
      tpu.wait_dma2 semaphore(%run_scoped3A : memref<!tpu.dma_semaphore, #tpu.memory_space<semaphore_mem>>) src(%arg5 : memref<16xf32, #tpu.memory_space<hbm>>) dst(%arg10 : memref<16xf32, #tpu.memory_space<vmem>>)
      tpu.yield
    }) : () -> ()
    %get3A = arith.constant 0 : index
    %get3A_366 = tpu.vector_load %arg10[%get3A] {strides = array<i32>} : memref<16xf32, #tpu.memory_space<vmem>>, vector<16xf32>,
    %get3A_367 = arith.constant 0 : i32
    %get3A_368 = arith.index_cast %get3A_367 : i32 to index
    %get3A_369 = arith.constant 0 : index
    %get3A_370 = tpu.vector_load %arg9[%get3A_368, %get3A_369] {strides = array<i32>} : memref<13x128xf32, #tpu.memory_space<vmem>>, vector<16xf32>,
    %slice3A = vector.extract_strided_slice %get3A_366 {offsets = [0], sizes = [1], strides = [1]} : vector<16xf32> to vector<1xf32>
    %squeeze3A = vector.extract %slice3A[0] : f32 from vector<1xf32>
    %mul3A_371 = vector.broadcast %squeeze3A : f32 to vector<16xf32>
    %mul3A_372 = arith.mulf %get3A_370, %mul3A_371 : vector<16xf32>
    %get3A_373 = arith.constant 1 : i32
    %get3A_374 = arith.index_cast %get3A_373 : i32 to index
    %get3A_375 = arith.constant 0 : index
    %get3A_376 = tpu.vector_load %arg9[%get3A_374, %get3A_375] {strides = array<i32>} : memref<13x128xf32, #tpu.memory_space<vmem>>, vector<16xf32>,
    %slice3A_377 = vector.extract_strided_slice %get3A_366 {offsets = [1], sizes = [1], strides = [1]} : vector<16xf32> to vector<1xf32>
    %squeeze3A_378 = vector.extract %slice3A_377[0] : f32 from vector<1xf32>
    %mul3A_379 = vector.broadcast %squeeze3A_378 : f32 to vector<16xf32>
    %mul3A_380 = arith.mulf %get3A_376, %mul3A_379 : vector<16xf32>
    %add3A_381 = arith.addf %mul3A_372, %mul3A_380 : vector<16xf32>
    %get3A_382 = arith.constant 2 : i32
    %get3A_383 = arith.index_cast %get3A_382 : i32 to index
    %get3A_384 = arith.constant 0 : index
    %get3A_385 = tpu.vector_load %arg9[%get3A_383, %get3A_384] {strides = array<i32>} : memref<13x128xf32, #tpu.memory_space<vmem>>, vector<16xf32>,
    %slice3A_386 = vector.extract_strided_slice %get3A_366 {offsets = [2], sizes = [1], strides = [1]} : vector<16xf32> to vector<1xf32>
    %squeeze3A_387 = vector.extract %slice3A_386[0] : f32 from vector<1xf32>
    %mul3A_388 = vector.broadcast %squeeze3A_387 : f32 to vector<16xf32>
    %mul3A_389 = arith.mulf %get3A_385, %mul3A_388 : vector<16xf32>
    %add3A_390 = arith.addf %add3A_381, %mul3A_389 : vector<16xf32>
    %get3A_391 = arith.constant 3 : i32
    %get3A_392 = arith.index_cast %get3A_391 : i32 to index
    %get3A_393 = arith.constant 0 : index
    %get3A_394 = tpu.vector_load %arg9[%get3A_392, %get3A_393] {strides = array<i32>} : memref<13x128xf32, #tpu.memory_space<vmem>>, vector<16xf32>,
    %slice3A_395 = vector.extract_strided_slice %get3A_366 {offsets = [3], sizes = [1], strides = [1]} : vector<16xf32> to vector<1xf32>
    %squeeze3A_396 = vector.extract %slice3A_395[0] : f32 from vector<1xf32>
    %mul3A_397 = vector.broadcast %squeeze3A_396 : f32 to vector<16xf32>
    %mul3A_398 = arith.mulf %get3A_394, %mul3A_397 : vector<16xf32>
    %add3A_399 = arith.addf %add3A_390, %mul3A_398 : vector<16xf32>
    %get3A_400 = arith.constant 4 : i32
    %get3A_401 = arith.index_cast %get3A_400 : i32 to index
    %get3A_402 = arith.constant 0 : index
    %get3A_403 = tpu.vector_load %arg9[%get3A_401, %get3A_402] {strides = array<i32>} : memref<13x128xf32, #tpu.memory_space<vmem>>, vector<16xf32>,
    %slice3A_404 = vector.extract_strided_slice %get3A_366 {offsets = [4], sizes = [1], strides = [1]} : vector<16xf32> to vector<1xf32>
    %squeeze3A_405 = vector.extract %slice3A_404[0] : f32 from vector<1xf32>
    %mul3A_406 = vector.broadcast %squeeze3A_405 : f32 to vector<16xf32>
    %mul3A_407 = arith.mulf %get3A_403, %mul3A_406 : vector<16xf32>
    %add3A_408 = arith.addf %add3A_399, %mul3A_407 : vector<16xf32>
    %get3A_409 = arith.constant 5 : i32
    %get3A_410 = arith.index_cast %get3A_409 : i32 to index
    %get3A_411 = arith.constant 0 : index
    %get3A_412 = tpu.vector_load %arg9[%get3A_410, %get3A_411] {strides = array<i32>} : memref<13x128xf32, #tpu.memory_space<vmem>>, vector<16xf32>,
    %slice3A_413 = vector.extract_strided_slice %get3A_366 {offsets = [5], sizes = [1], strides = [1]} : vector<16xf32> to vector<1xf32>
    %squeeze3A_414 = vector.extract %slice3A_413[0] : f32 from vector<1xf32>
    %mul3A_415 = vector.broadcast %squeeze3A_414 : f32 to vector<16xf32>
    %mul3A_416 = arith.mulf %get3A_412, %mul3A_415 : vector<16xf32>
    %add3A_417 = arith.addf %add3A_408, %mul3A_416 : vector<16xf32>
    %get3A_418 = arith.constant 6 : i32
    %get3A_419 = arith.index_cast %get3A_418 : i32 to index
    %get3A_420 = arith.constant 0 : index
    %get3A_421 = tpu.vector_load %arg9[%get3A_419, %get3A_420] {strides = array<i32>} : memref<13x128xf32, #tpu.memory_space<vmem>>, vector<16xf32>,
    %slice3A_422 = vector.extract_strided_slice %get3A_366 {offsets = [6], sizes = [1], strides = [1]} : vector<16xf32> to vector<1xf32>
    %squeeze3A_423 = vector.extract %slice3A_422[0] : f32 from vector<1xf32>
    %mul3A_424 = vector.broadcast %squeeze3A_423 : f32 to vector<16xf32>
    %mul3A_425 = arith.mulf %get3A_421, %mul3A_424 : vector<16xf32>
    %add3A_426 = arith.addf %add3A_417, %mul3A_425 : vector<16xf32>
    %get3A_427 = arith.constant 7 : i32
    %get3A_428 = arith.index_cast %get3A_427 : i32 to index
    %get3A_429 = arith.constant 0 : index
    %get3A_430 = tpu.vector_load %arg9[%get3A_428, %get3A_429] {strides = array<i32>} : memref<13x128xf32, #tpu.memory_space<vmem>>, vector<16xf32>,
    %slice3A_431 = vector.extract_strided_slice %get3A_366 {offsets = [7], sizes = [1], strides = [1]} : vector<16xf32> to vector<1xf32>
    %squeeze3A_432 = vector.extract %slice3A_431[0] : f32 from vector<1xf32>
    %mul3A_433 = vector.broadcast %squeeze3A_432 : f32 to vector<16xf32>
    %mul3A_434 = arith.mulf %get3A_430, %mul3A_433 : vector<16xf32>
    %add3A_435 = arith.addf %add3A_426, %mul3A_434 : vector<16xf32>
    %get3A_436 = arith.constant 8 : i32
    %get3A_437 = arith.index_cast %get3A_436 : i32 to index
    %get3A_438 = arith.constant 0 : index
    %get3A_439 = tpu.vector_load %arg9[%get3A_437, %get3A_438] {strides = array<i32>} : memref<13x128xf32, #tpu.memory_space<vmem>>, vector<16xf32>,
    %slice3A_440 = vector.extract_strided_slice %get3A_366 {offsets = [8], sizes = [1], strides = [1]} : vector<16xf32> to vector<1xf32>
    %squeeze3A_441 = vector.extract %slice3A_440[0] : f32 from vector<1xf32>
    %mul3A_442 = vector.broadcast %squeeze3A_441 : f32 to vector<16xf32>
    %mul3A_443 = arith.mulf %get3A_439, %mul3A_442 : vector<16xf32>
    %add3A_444 = arith.addf %add3A_435, %mul3A_443 : vector<16xf32>
    %get3A_445 = arith.constant 9 : i32
    %get3A_446 = arith.index_cast %get3A_445 : i32 to index
    %get3A_447 = arith.constant 0 : index
    %get3A_448 = tpu.vector_load %arg9[%get3A_446, %get3A_447] {strides = array<i32>} : memref<13x128xf32, #tpu.memory_space<vmem>>, vector<16xf32>,
    %slice3A_449 = vector.extract_strided_slice %get3A_366 {offsets = [9], sizes = [1], strides = [1]} : vector<16xf32> to vector<1xf32>
    %squeeze3A_450 = vector.extract %slice3A_449[0] : f32 from vector<1xf32>
    %mul3A_451 = vector.broadcast %squeeze3A_450 : f32 to vector<16xf32>
    %mul3A_452 = arith.mulf %get3A_448, %mul3A_451 : vector<16xf32>
    %add3A_453 = arith.addf %add3A_444, %mul3A_452 : vector<16xf32>
    %get3A_454 = arith.constant 10 : i32
    %get3A_455 = arith.index_cast %get3A_454 : i32 to index
    %get3A_456 = arith.constant 0 : index
    %get3A_457 = tpu.vector_load %arg9[%get3A_455, %get3A_456] {strides = array<i32>} : memref<13x128xf32, #tpu.memory_space<vmem>>, vector<16xf32>,
    %slice3A_458 = vector.extract_strided_slice %get3A_366 {offsets = [10], sizes = [1], strides = [1]} : vector<16xf32> to vector<1xf32>
    %squeeze3A_459 = vector.extract %slice3A_458[0] : f32 from vector<1xf32>
    %mul3A_460 = vector.broadcast %squeeze3A_459 : f32 to vector<16xf32>
    %mul3A_461 = arith.mulf %get3A_457, %mul3A_460 : vector<16xf32>
    %add3A_462 = arith.addf %add3A_453, %mul3A_461 : vector<16xf32>
    %get3A_463 = arith.constant 11 : i32
    %get3A_464 = arith.index_cast %get3A_463 : i32 to index
    %get3A_465 = arith.constant 0 : index
    %get3A_466 = tpu.vector_load %arg9[%get3A_464, %get3A_465] {strides = array<i32>} : memref<13x128xf32, #tpu.memory_space<vmem>>, vector<16xf32>,
    %slice3A_467 = vector.extract_strided_slice %get3A_366 {offsets = [11], sizes = [1], strides = [1]} : vector<16xf32> to vector<1xf32>
    %squeeze3A_468 = vector.extract %slice3A_467[0] : f32 from vector<1xf32>
    %mul3A_469 = vector.broadcast %squeeze3A_468 : f32 to vector<16xf32>
    %mul3A_470 = arith.mulf %get3A_466, %mul3A_469 : vector<16xf32>
    %add3A_471 = arith.addf %add3A_462, %mul3A_470 : vector<16xf32>
    %get3A_472 = arith.constant 12 : i32
    %get3A_473 = arith.index_cast %get3A_472 : i32 to index
    %get3A_474 = arith.constant 0 : index
    %get3A_475 = tpu.vector_load %arg9[%get3A_473, %get3A_474] {strides = array<i32>} : memref<13x128xf32, #tpu.memory_space<vmem>>, vector<16xf32>,
    %slice3A_476 = vector.extract_strided_slice %get3A_366 {offsets = [12], sizes = [1], strides = [1]} : vector<16xf32> to vector<1xf32>
    %squeeze3A_477 = vector.extract %slice3A_476[0] : f32 from vector<1xf32>
    %mul3A_478 = vector.broadcast %squeeze3A_477 : f32 to vector<16xf32>
    %mul3A_479 = arith.mulf %get3A_475, %mul3A_478 : vector<16xf32>
    %add3A_480 = arith.addf %add3A_471, %mul3A_479 : vector<16xf32>
    %slice3A_481 = vector.extract_strided_slice %get3A_366 {offsets = [13], sizes = [1], strides = [1]} : vector<16xf32> to vector<1xf32>
    %squeeze3A_482 = vector.extract %slice3A_481[0] : f32 from vector<1xf32>
    %slice3A_483 = vector.extract_strided_slice %get3A_366 {offsets = [14], sizes = [1], strides = [1]} : vector<16xf32> to vector<1xf32>
    %squeeze3A_484 = vector.extract %slice3A_483[0] : f32 from vector<1xf32>
    %add3A_485 = arith.addf %squeeze3A_482, %squeeze3A_484 : f32
    %add3A_486 = vector.broadcast %add3A_485 : f32 to vector<16xf32>
    %add3A_487 = arith.addf %add3A_480, %add3A_486 : vector<16xf32>
    %get3A_488 = arith.constant 0 : i32
    %get3A_489 = arith.index_cast %get3A_488 : i32 to index
    %get3A_490 = arith.constant 16 : index
    %get3A_491 = tpu.vector_load %arg9[%get3A_489, %get3A_490] {strides = array<i32>} : memref<13x128xf32, #tpu.memory_space<vmem>>, vector<16xf32>,
    %slice3A_492 = vector.extract_strided_slice %get3A_366 {offsets = [0], sizes = [1], strides = [1]} : vector<16xf32> to vector<1xf32>
    %squeeze3A_493 = vector.extract %slice3A_492[0] : f32 from vector<1xf32>
    %mul3A_494 = vector.broadcast %squeeze3A_493 : f32 to vector<16xf32>
    %mul3A_495 = arith.mulf %get3A_491, %mul3A_494 : vector<16xf32>
    %get3A_496 = arith.constant 1 : i32
    %get3A_497 = arith.index_cast %get3A_496 : i32 to index
    %get3A_498 = arith.constant 16 : index
    %get3A_499 = tpu.vector_load %arg9[%get3A_497, %get3A_498] {strides = array<i32>} : memref<13x128xf32, #tpu.memory_space<vmem>>, vector<16xf32>,
    %slice3A_500 = vector.extract_strided_slice %get3A_366 {offsets = [1], sizes = [1], strides = [1]} : vector<16xf32> to vector<1xf32>
    %squeeze3A_501 = vector.extract %slice3A_500[0] : f32 from vector<1xf32>
    %mul3A_502 = vector.broadcast %squeeze3A_501 : f32 to vector<16xf32>
    %mul3A_503 = arith.mulf %get3A_499, %mul3A_502 : vector<16xf32>
    %add3A_504 = arith.addf %mul3A_495, %mul3A_503 : vector<16xf32>
    %get3A_505 = arith.constant 2 : i32
    %get3A_506 = arith.index_cast %get3A_505 : i32 to index
    %get3A_507 = arith.constant 16 : index
    %get3A_508 = tpu.vector_load %arg9[%get3A_506, %get3A_507] {strides = array<i32>} : memref<13x128xf32, #tpu.memory_space<vmem>>, vector<16xf32>,
    %slice3A_509 = vector.extract_strided_slice %get3A_366 {offsets = [2], sizes = [1], strides = [1]} : vector<16xf32> to vector<1xf32>
    %squeeze3A_510 = vector.extract %slice3A_509[0] : f32 from vector<1xf32>
    %mul3A_511 = vector.broadcast %squeeze3A_510 : f32 to vector<16xf32>
    %mul3A_512 = arith.mulf %get3A_508, %mul3A_511 : vector<16xf32>
    %add3A_513 = arith.addf %add3A_504, %mul3A_512 : vector<16xf32>
    %get3A_514 = arith.constant 3 : i32
    %get3A_515 = arith.index_cast %get3A_514 : i32 to index
    %get3A_516 = arith.constant 16 : index
    %get3A_517 = tpu.vector_load %arg9[%get3A_515, %get3A_516] {strides = array<i32>} : memref<13x128xf32, #tpu.memory_space<vmem>>, vector<16xf32>,
    %slice3A_518 = vector.extract_strided_slice %get3A_366 {offsets = [3], sizes = [1], strides = [1]} : vector<16xf32> to vector<1xf32>
    %squeeze3A_519 = vector.extract %slice3A_518[0] : f32 from vector<1xf32>
    %mul3A_520 = vector.broadcast %squeeze3A_519 : f32 to vector<16xf32>
    %mul3A_521 = arith.mulf %get3A_517, %mul3A_520 : vector<16xf32>
    %add3A_522 = arith.addf %add3A_513, %mul3A_521 : vector<16xf32>
    %get3A_523 = arith.constant 4 : i32
    %get3A_524 = arith.index_cast %get3A_523 : i32 to index
    %get3A_525 = arith.constant 16 : index
    %get3A_526 = tpu.vector_load %arg9[%get3A_524, %get3A_525] {strides = array<i32>} : memref<13x128xf32, #tpu.memory_space<vmem>>, vector<16xf32>,
    %slice3A_527 = vector.extract_strided_slice %get3A_366 {offsets = [4], sizes = [1], strides = [1]} : vector<16xf32> to vector<1xf32>
    %squeeze3A_528 = vector.extract %slice3A_527[0] : f32 from vector<1xf32>
    %mul3A_529 = vector.broadcast %squeeze3A_528 : f32 to vector<16xf32>
    %mul3A_530 = arith.mulf %get3A_526, %mul3A_529 : vector<16xf32>
    %add3A_531 = arith.addf %add3A_522, %mul3A_530 : vector<16xf32>
    %get3A_532 = arith.constant 5 : i32
    %get3A_533 = arith.index_cast %get3A_532 : i32 to index
    %get3A_534 = arith.constant 16 : index
    %get3A_535 = tpu.vector_load %arg9[%get3A_533, %get3A_534] {strides = array<i32>} : memref<13x128xf32, #tpu.memory_space<vmem>>, vector<16xf32>,
    %slice3A_536 = vector.extract_strided_slice %get3A_366 {offsets = [5], sizes = [1], strides = [1]} : vector<16xf32> to vector<1xf32>
    %squeeze3A_537 = vector.extract %slice3A_536[0] : f32 from vector<1xf32>
    %mul3A_538 = vector.broadcast %squeeze3A_537 : f32 to vector<16xf32>
    %mul3A_539 = arith.mulf %get3A_535, %mul3A_538 : vector<16xf32>
    %add3A_540 = arith.addf %add3A_531, %mul3A_539 : vector<16xf32>
    %get3A_541 = arith.constant 6 : i32
    %get3A_542 = arith.index_cast %get3A_541 : i32 to index
    %get3A_543 = arith.constant 16 : index
    %get3A_544 = tpu.vector_load %arg9[%get3A_542, %get3A_543] {strides = array<i32>} : memref<13x128xf32, #tpu.memory_space<vmem>>, vector<16xf32>,
    %slice3A_545 = vector.extract_strided_slice %get3A_366 {offsets = [6], sizes = [1], strides = [1]} : vector<16xf32> to vector<1xf32>
    %squeeze3A_546 = vector.extract %slice3A_545[0] : f32 from vector<1xf32>
    %mul3A_547 = vector.broadcast %squeeze3A_546 : f32 to vector<16xf32>
    %mul3A_548 = arith.mulf %get3A_544, %mul3A_547 : vector<16xf32>
    %add3A_549 = arith.addf %add3A_540, %mul3A_548 : vector<16xf32>
    %get3A_550 = arith.constant 7 : i32
    %get3A_551 = arith.index_cast %get3A_550 : i32 to index
    %get3A_552 = arith.constant 16 : index
    %get3A_553 = tpu.vector_load %arg9[%get3A_551, %get3A_552] {strides = array<i32>} : memref<13x128xf32, #tpu.memory_space<vmem>>, vector<16xf32>,
    %slice3A_554 = vector.extract_strided_slice %get3A_366 {offsets = [7], sizes = [1], strides = [1]} : vector<16xf32> to vector<1xf32>
    %squeeze3A_555 = vector.extract %slice3A_554[0] : f32 from vector<1xf32>
    %mul3A_556 = vector.broadcast %squeeze3A_555 : f32 to vector<16xf32>
    %mul3A_557 = arith.mulf %get3A_553, %mul3A_556 : vector<16xf32>
    %add3A_558 = arith.addf %add3A_549, %mul3A_557 : vector<16xf32>
    %get3A_559 = arith.constant 8 : i32
    %get3A_560 = arith.index_cast %get3A_559 : i32 to index
    %get3A_561 = arith.constant 16 : index
    %get3A_562 = tpu.vector_load %arg9[%get3A_560, %get3A_561] {strides = array<i32>} : memref<13x128xf32, #tpu.memory_space<vmem>>, vector<16xf32>,
    %slice3A_563 = vector.extract_strided_slice %get3A_366 {offsets = [8], sizes = [1], strides = [1]} : vector<16xf32> to vector<1xf32>
    %squeeze3A_564 = vector.extract %slice3A_563[0] : f32 from vector<1xf32>
    %mul3A_565 = vector.broadcast %squeeze3A_564 : f32 to vector<16xf32>
    %mul3A_566 = arith.mulf %get3A_562, %mul3A_565 : vector<16xf32>
    %add3A_567 = arith.addf %add3A_558, %mul3A_566 : vector<16xf32>
    %get3A_568 = arith.constant 9 : i32
    %get3A_569 = arith.index_cast %get3A_568 : i32 to index
    %get3A_570 = arith.constant 16 : index
    %get3A_571 = tpu.vector_load %arg9[%get3A_569, %get3A_570] {strides = array<i32>} : memref<13x128xf32, #tpu.memory_space<vmem>>, vector<16xf32>,
    %slice3A_572 = vector.extract_strided_slice %get3A_366 {offsets = [9], sizes = [1], strides = [1]} : vector<16xf32> to vector<1xf32>
    %squeeze3A_573 = vector.extract %slice3A_572[0] : f32 from vector<1xf32>
    %mul3A_574 = vector.broadcast %squeeze3A_573 : f32 to vector<16xf32>
    %mul3A_575 = arith.mulf %get3A_571, %mul3A_574 : vector<16xf32>
    %add3A_576 = arith.addf %add3A_567, %mul3A_575 : vector<16xf32>
    %get3A_577 = arith.constant 10 : i32
    %get3A_578 = arith.index_cast %get3A_577 : i32 to index
    %get3A_579 = arith.constant 16 : index
    %get3A_580 = tpu.vector_load %arg9[%get3A_578, %get3A_579] {strides = array<i32>} : memref<13x128xf32, #tpu.memory_space<vmem>>, vector<16xf32>,
    %slice3A_581 = vector.extract_strided_slice %get3A_366 {offsets = [10], sizes = [1], strides = [1]} : vector<16xf32> to vector<1xf32>
    %squeeze3A_582 = vector.extract %slice3A_581[0] : f32 from vector<1xf32>
    %mul3A_583 = vector.broadcast %squeeze3A_582 : f32 to vector<16xf32>
    %mul3A_584 = arith.mulf %get3A_580, %mul3A_583 : vector<16xf32>
    %add3A_585 = arith.addf %add3A_576, %mul3A_584 : vector<16xf32>
    %get3A_586 = arith.constant 11 : i32
    %get3A_587 = arith.index_cast %get3A_586 : i32 to index
    %get3A_588 = arith.constant 16 : index
    %get3A_589 = tpu.vector_load %arg9[%get3A_587, %get3A_588] {strides = array<i32>} : memref<13x128xf32, #tpu.memory_space<vmem>>, vector<16xf32>,
    %slice3A_590 = vector.extract_strided_slice %get3A_366 {offsets = [11], sizes = [1], strides = [1]} : vector<16xf32> to vector<1xf32>
    %squeeze3A_591 = vector.extract %slice3A_590[0] : f32 from vector<1xf32>
    %mul3A_592 = vector.broadcast %squeeze3A_591 : f32 to vector<16xf32>
    %mul3A_593 = arith.mulf %get3A_589, %mul3A_592 : vector<16xf32>
    %add3A_594 = arith.addf %add3A_585, %mul3A_593 : vector<16xf32>
    %get3A_595 = arith.constant 12 : i32
    %get3A_596 = arith.index_cast %get3A_595 : i32 to index
    %get3A_597 = arith.constant 16 : index
    %get3A_598 = tpu.vector_load %arg9[%get3A_596, %get3A_597] {strides = array<i32>} : memref<13x128xf32, #tpu.memory_space<vmem>>, vector<16xf32>,
    %slice3A_599 = vector.extract_strided_slice %get3A_366 {offsets = [12], sizes = [1], strides = [1]} : vector<16xf32> to vector<1xf32>
    %squeeze3A_600 = vector.extract %slice3A_599[0] : f32 from vector<1xf32>
    %mul3A_601 = vector.broadcast %squeeze3A_600 : f32 to vector<16xf32>
    %mul3A_602 = arith.mulf %get3A_598, %mul3A_601 : vector<16xf32>
    %add3A_603 = arith.addf %add3A_594, %mul3A_602 : vector<16xf32>
    %slice3A_604 = vector.extract_strided_slice %get3A_366 {offsets = [13], sizes = [1], strides = [1]} : vector<16xf32> to vector<1xf32>
    %squeeze3A_605 = vector.extract %slice3A_604[0] : f32 from vector<1xf32>
    %slice3A_606 = vector.extract_strided_slice %get3A_366 {offsets = [14], sizes = [1], strides = [1]} : vector<16xf32> to vector<1xf32>
    %squeeze3A_607 = vector.extract %slice3A_606[0] : f32 from vector<1xf32>
    %add3A_608 = arith.addf %squeeze3A_605, %squeeze3A_607 : f32
    %add3A_609 = vector.broadcast %add3A_608 : f32 to vector<16xf32>
    %add3A_610 = arith.addf %add3A_603, %add3A_609 : vector<16xf32>
    %get3A_611 = arith.constant 0 : i32
    %get3A_612 = arith.index_cast %get3A_611 : i32 to index
    %get3A_613 = arith.constant 32 : index
    %get3A_614 = tpu.vector_load %arg9[%get3A_612, %get3A_613] {strides = array<i32>} : memref<13x128xf32, #tpu.memory_space<vmem>>, vector<16xf32>,
    %slice3A_615 = vector.extract_strided_slice %get3A_366 {offsets = [0], sizes = [1], strides = [1]} : vector<16xf32> to vector<1xf32>
    %squeeze3A_616 = vector.extract %slice3A_615[0] : f32 from vector<1xf32>
    %mul3A_617 = vector.broadcast %squeeze3A_616 : f32 to vector<16xf32>
    %mul3A_618 = arith.mulf %get3A_614, %mul3A_617 : vector<16xf32>
    %get3A_619 = arith.constant 1 : i32
    %get3A_620 = arith.index_cast %get3A_619 : i32 to index
    %get3A_621 = arith.constant 32 : index
    %get3A_622 = tpu.vector_load %arg9[%get3A_620, %get3A_621] {strides = array<i32>} : memref<13x128xf32, #tpu.memory_space<vmem>>, vector<16xf32>,
    %slice3A_623 = vector.extract_strided_slice %get3A_366 {offsets = [1], sizes = [1], strides = [1]} : vector<16xf32> to vector<1xf32>
    %squeeze3A_624 = vector.extract %slice3A_623[0] : f32 from vector<1xf32>
    %mul3A_625 = vector.broadcast %squeeze3A_624 : f32 to vector<16xf32>
    %mul3A_626 = arith.mulf %get3A_622, %mul3A_625 : vector<16xf32>
    %add3A_627 = arith.addf %mul3A_618, %mul3A_626 : vector<16xf32>
    %get3A_628 = arith.constant 2 : i32
    %get3A_629 = arith.index_cast %get3A_628 : i32 to index
    %get3A_630 = arith.constant 32 : index
    %get3A_631 = tpu.vector_load %arg9[%get3A_629, %get3A_630] {strides = array<i32>} : memref<13x128xf32, #tpu.memory_space<vmem>>, vector<16xf32>,
    %slice3A_632 = vector.extract_strided_slice %get3A_366 {offsets = [2], sizes = [1], strides = [1]} : vector<16xf32> to vector<1xf32>
    %squeeze3A_633 = vector.extract %slice3A_632[0] : f32 from vector<1xf32>
    %mul3A_634 = vector.broadcast %squeeze3A_633 : f32 to vector<16xf32>
    %mul3A_635 = arith.mulf %get3A_631, %mul3A_634 : vector<16xf32>
    %add3A_636 = arith.addf %add3A_627, %mul3A_635 : vector<16xf32>
    %get3A_637 = arith.constant 3 : i32
    %get3A_638 = arith.index_cast %get3A_637 : i32 to index
    %get3A_639 = arith.constant 32 : index
    %get3A_640 = tpu.vector_load %arg9[%get3A_638, %get3A_639] {strides = array<i32>} : memref<13x128xf32, #tpu.memory_space<vmem>>, vector<16xf32>,
    %slice3A_641 = vector.extract_strided_slice %get3A_366 {offsets = [3], sizes = [1], strides = [1]} : vector<16xf32> to vector<1xf32>
    %squeeze3A_642 = vector.extract %slice3A_641[0] : f32 from vector<1xf32>
    %mul3A_643 = vector.broadcast %squeeze3A_642 : f32 to vector<16xf32>
    %mul3A_644 = arith.mulf %get3A_640, %mul3A_643 : vector<16xf32>
    %add3A_645 = arith.addf %add3A_636, %mul3A_644 : vector<16xf32>
    %get3A_646 = arith.constant 4 : i32
    %get3A_647 = arith.index_cast %get3A_646 : i32 to index
    %get3A_648 = arith.constant 32 : index
    %get3A_649 = tpu.vector_load %arg9[%get3A_647, %get3A_648] {strides = array<i32>} : memref<13x128xf32, #tpu.memory_space<vmem>>, vector<16xf32>,
    %slice3A_650 = vector.extract_strided_slice %get3A_366 {offsets = [4], sizes = [1], strides = [1]} : vector<16xf32> to vector<1xf32>
    %squeeze3A_651 = vector.extract %slice3A_650[0] : f32 from vector<1xf32>
    %mul3A_652 = vector.broadcast %squeeze3A_651 : f32 to vector<16xf32>
    %mul3A_653 = arith.mulf %get3A_649, %mul3A_652 : vector<16xf32>
    %add3A_654 = arith.addf %add3A_645, %mul3A_653 : vector<16xf32>
    %get3A_655 = arith.constant 5 : i32
    %get3A_656 = arith.index_cast %get3A_655 : i32 to index
    %get3A_657 = arith.constant 32 : index
    %get3A_658 = tpu.vector_load %arg9[%get3A_656, %get3A_657] {strides = array<i32>} : memref<13x128xf32, #tpu.memory_space<vmem>>, vector<16xf32>,
    %slice3A_659 = vector.extract_strided_slice %get3A_366 {offsets = [5], sizes = [1], strides = [1]} : vector<16xf32> to vector<1xf32>
    %squeeze3A_660 = vector.extract %slice3A_659[0] : f32 from vector<1xf32>
    %mul3A_661 = vector.broadcast %squeeze3A_660 : f32 to vector<16xf32>
    %mul3A_662 = arith.mulf %get3A_658, %mul3A_661 : vector<16xf32>
    %add3A_663 = arith.addf %add3A_654, %mul3A_662 : vector<16xf32>
    %get3A_664 = arith.constant 6 : i32
    %get3A_665 = arith.index_cast %get3A_664 : i32 to index
    %get3A_666 = arith.constant 32 : index
    %get3A_667 = tpu.vector_load %arg9[%get3A_665, %get3A_666] {strides = array<i32>} : memref<13x128xf32, #tpu.memory_space<vmem>>, vector<16xf32>,
    %slice3A_668 = vector.extract_strided_slice %get3A_366 {offsets = [6], sizes = [1], strides = [1]} : vector<16xf32> to vector<1xf32>
    %squeeze3A_669 = vector.extract %slice3A_668[0] : f32 from vector<1xf32>
    %mul3A_670 = vector.broadcast %squeeze3A_669 : f32 to vector<16xf32>
    %mul3A_671 = arith.mulf %get3A_667, %mul3A_670 : vector<16xf32>
    %add3A_672 = arith.addf %add3A_663, %mul3A_671 : vector<16xf32>
    %get3A_673 = arith.constant 7 : i32
    %get3A_674 = arith.index_cast %get3A_673 : i32 to index
    %get3A_675 = arith.constant 32 : index
    %get3A_676 = tpu.vector_load %arg9[%get3A_674, %get3A_675] {strides = array<i32>} : memref<13x128xf32, #tpu.memory_space<vmem>>, vector<16xf32>,
    %slice3A_677 = vector.extract_strided_slice %get3A_366 {offsets = [7], sizes = [1], strides = [1]} : vector<16xf32> to vector<1xf32>
    %squeeze3A_678 = vector.extract %slice3A_677[0] : f32 from vector<1xf32>
    %mul3A_679 = vector.broadcast %squeeze3A_678 : f32 to vector<16xf32>
    %mul3A_680 = arith.mulf %get3A_676, %mul3A_679 : vector<16xf32>
    %add3A_681 = arith.addf %add3A_672, %mul3A_680 : vector<16xf32>
    %get3A_682 = arith.constant 8 : i32
    %get3A_683 = arith.index_cast %get3A_682 : i32 to index
    %get3A_684 = arith.constant 32 : index
    %get3A_685 = tpu.vector_load %arg9[%get3A_683, %get3A_684] {strides = array<i32>} : memref<13x128xf32, #tpu.memory_space<vmem>>, vector<16xf32>,
    %slice3A_686 = vector.extract_strided_slice %get3A_366 {offsets = [8], sizes = [1], strides = [1]} : vector<16xf32> to vector<1xf32>
    %squeeze3A_687 = vector.extract %slice3A_686[0] : f32 from vector<1xf32>
    %mul3A_688 = vector.broadcast %squeeze3A_687 : f32 to vector<16xf32>
    %mul3A_689 = arith.mulf %get3A_685, %mul3A_688 : vector<16xf32>
    %add3A_690 = arith.addf %add3A_681, %mul3A_689 : vector<16xf32>
    %get3A_691 = arith.constant 9 : i32
    %get3A_692 = arith.index_cast %get3A_691 : i32 to index
    %get3A_693 = arith.constant 32 : index
    %get3A_694 = tpu.vector_load %arg9[%get3A_692, %get3A_693] {strides = array<i32>} : memref<13x128xf32, #tpu.memory_space<vmem>>, vector<16xf32>,
    %slice3A_695 = vector.extract_strided_slice %get3A_366 {offsets = [9], sizes = [1], strides = [1]} : vector<16xf32> to vector<1xf32>
    %squeeze3A_696 = vector.extract %slice3A_695[0] : f32 from vector<1xf32>
    %mul3A_697 = vector.broadcast %squeeze3A_696 : f32 to vector<16xf32>
    %mul3A_698 = arith.mulf %get3A_694, %mul3A_697 : vector<16xf32>
    %add3A_699 = arith.addf %add3A_690, %mul3A_698 : vector<16xf32>
    %get3A_700 = arith.constant 10 : i32
    %get3A_701 = arith.index_cast %get3A_700 : i32 to index
    %get3A_702 = arith.constant 32 : index
    %get3A_703 = tpu.vector_load %arg9[%get3A_701, %get3A_702] {strides = array<i32>} : memref<13x128xf32, #tpu.memory_space<vmem>>, vector<16xf32>,
    %slice3A_704 = vector.extract_strided_slice %get3A_366 {offsets = [10], sizes = [1], strides = [1]} : vector<16xf32> to vector<1xf32>
    %squeeze3A_705 = vector.extract %slice3A_704[0] : f32 from vector<1xf32>
    %mul3A_706 = vector.broadcast %squeeze3A_705 : f32 to vector<16xf32>
    %mul3A_707 = arith.mulf %get3A_703, %mul3A_706 : vector<16xf32>
    %add3A_708 = arith.addf %add3A_699, %mul3A_707 : vector<16xf32>
    %get3A_709 = arith.constant 11 : i32
    %get3A_710 = arith.index_cast %get3A_709 : i32 to index
    %get3A_711 = arith.constant 32 : index
    %get3A_712 = tpu.vector_load %arg9[%get3A_710, %get3A_711] {strides = array<i32>} : memref<13x128xf32, #tpu.memory_space<vmem>>, vector<16xf32>,
    %slice3A_713 = vector.extract_strided_slice %get3A_366 {offsets = [11], sizes = [1], strides = [1]} : vector<16xf32> to vector<1xf32>
    %squeeze3A_714 = vector.extract %slice3A_713[0] : f32 from vector<1xf32>
    %mul3A_715 = vector.broadcast %squeeze3A_714 : f32 to vector<16xf32>
    %mul3A_716 = arith.mulf %get3A_712, %mul3A_715 : vector<16xf32>
    %add3A_717 = arith.addf %add3A_708, %mul3A_716 : vector<16xf32>
    %get3A_718 = arith.constant 12 : i32
    %get3A_719 = arith.index_cast %get3A_718 : i32 to index
    %get3A_720 = arith.constant 32 : index
    %get3A_721 = tpu.vector_load %arg9[%get3A_719, %get3A_720] {strides = array<i32>} : memref<13x128xf32, #tpu.memory_space<vmem>>, vector<16xf32>,
    %slice3A_722 = vector.extract_strided_slice %get3A_366 {offsets = [12], sizes = [1], strides = [1]} : vector<16xf32> to vector<1xf32>
    %squeeze3A_723 = vector.extract %slice3A_722[0] : f32 from vector<1xf32>
    %mul3A_724 = vector.broadcast %squeeze3A_723 : f32 to vector<16xf32>
    %mul3A_725 = arith.mulf %get3A_721, %mul3A_724 : vector<16xf32>
    %add3A_726 = arith.addf %add3A_717, %mul3A_725 : vector<16xf32>
    %slice3A_727 = vector.extract_strided_slice %get3A_366 {offsets = [13], sizes = [1], strides = [1]} : vector<16xf32> to vector<1xf32>
    %squeeze3A_728 = vector.extract %slice3A_727[0] : f32 from vector<1xf32>
    %slice3A_729 = vector.extract_strided_slice %get3A_366 {offsets = [14], sizes = [1], strides = [1]} : vector<16xf32> to vector<1xf32>
    %squeeze3A_730 = vector.extract %slice3A_729[0] : f32 from vector<1xf32>
    %add3A_731 = arith.addf %squeeze3A_728, %squeeze3A_730 : f32
    %add3A_732 = vector.broadcast %add3A_731 : f32 to vector<16xf32>
    %add3A_733 = arith.addf %add3A_726, %add3A_732 : vector<16xf32>
    %get3A_734 = arith.constant 0 : i32
    %get3A_735 = arith.index_cast %get3A_734 : i32 to index
    %get3A_736 = arith.constant 48 : index
    %get3A_737 = tpu.vector_load %arg9[%get3A_735, %get3A_736] {strides = array<i32>} : memref<13x128xf32, #tpu.memory_space<vmem>>, vector<16xf32>,
    %slice3A_738 = vector.extract_strided_slice %get3A_366 {offsets = [0], sizes = [1], strides = [1]} : vector<16xf32> to vector<1xf32>
    %squeeze3A_739 = vector.extract %slice3A_738[0] : f32 from vector<1xf32>
    %mul3A_740 = vector.broadcast %squeeze3A_739 : f32 to vector<16xf32>
    %mul3A_741 = arith.mulf %get3A_737, %mul3A_740 : vector<16xf32>
    %get3A_742 = arith.constant 1 : i32
    %get3A_743 = arith.index_cast %get3A_742 : i32 to index
    %get3A_744 = arith.constant 48 : index
    %get3A_745 = tpu.vector_load %arg9[%get3A_743, %get3A_744] {strides = array<i32>} : memref<13x128xf32, #tpu.memory_space<vmem>>, vector<16xf32>,
    %slice3A_746 = vector.extract_strided_slice %get3A_366 {offsets = [1], sizes = [1], strides = [1]} : vector<16xf32> to vector<1xf32>
    %squeeze3A_747 = vector.extract %slice3A_746[0] : f32 from vector<1xf32>
    %mul3A_748 = vector.broadcast %squeeze3A_747 : f32 to vector<16xf32>
    %mul3A_749 = arith.mulf %get3A_745, %mul3A_748 : vector<16xf32>
    %add3A_750 = arith.addf %mul3A_741, %mul3A_749 : vector<16xf32>
    %get3A_751 = arith.constant 2 : i32
    %get3A_752 = arith.index_cast %get3A_751 : i32 to index
    %get3A_753 = arith.constant 48 : index
    %get3A_754 = tpu.vector_load %arg9[%get3A_752, %get3A_753] {strides = array<i32>} : memref<13x128xf32, #tpu.memory_space<vmem>>, vector<16xf32>,
    %slice3A_755 = vector.extract_strided_slice %get3A_366 {offsets = [2], sizes = [1], strides = [1]} : vector<16xf32> to vector<1xf32>
    %squeeze3A_756 = vector.extract %slice3A_755[0] : f32 from vector<1xf32>
    %mul3A_757 = vector.broadcast %squeeze3A_756 : f32 to vector<16xf32>
    %mul3A_758 = arith.mulf %get3A_754, %mul3A_757 : vector<16xf32>
    %add3A_759 = arith.addf %add3A_750, %mul3A_758 : vector<16xf32>
    %get3A_760 = arith.constant 3 : i32
    %get3A_761 = arith.index_cast %get3A_760 : i32 to index
    %get3A_762 = arith.constant 48 : index
    %get3A_763 = tpu.vector_load %arg9[%get3A_761, %get3A_762] {strides = array<i32>} : memref<13x128xf32, #tpu.memory_space<vmem>>, vector<16xf32>,
    %slice3A_764 = vector.extract_strided_slice %get3A_366 {offsets = [3], sizes = [1], strides = [1]} : vector<16xf32> to vector<1xf32>
    %squeeze3A_765 = vector.extract %slice3A_764[0] : f32 from vector<1xf32>
    %mul3A_766 = vector.broadcast %squeeze3A_765 : f32 to vector<16xf32>
    %mul3A_767 = arith.mulf %get3A_763, %mul3A_766 : vector<16xf32>
    %add3A_768 = arith.addf %add3A_759, %mul3A_767 : vector<16xf32>
    %get3A_769 = arith.constant 4 : i32
    %get3A_770 = arith.index_cast %get3A_769 : i32 to index
    %get3A_771 = arith.constant 48 : index
    %get3A_772 = tpu.vector_load %arg9[%get3A_770, %get3A_771] {strides = array<i32>} : memref<13x128xf32, #tpu.memory_space<vmem>>, vector<16xf32>,
    %slice3A_773 = vector.extract_strided_slice %get3A_366 {offsets = [4], sizes = [1], strides = [1]} : vector<16xf32> to vector<1xf32>
    %squeeze3A_774 = vector.extract %slice3A_773[0] : f32 from vector<1xf32>
    %mul3A_775 = vector.broadcast %squeeze3A_774 : f32 to vector<16xf32>
    %mul3A_776 = arith.mulf %get3A_772, %mul3A_775 : vector<16xf32>
    %add3A_777 = arith.addf %add3A_768, %mul3A_776 : vector<16xf32>
    %get3A_778 = arith.constant 5 : i32
    %get3A_779 = arith.index_cast %get3A_778 : i32 to index
    %get3A_780 = arith.constant 48 : index
    %get3A_781 = tpu.vector_load %arg9[%get3A_779, %get3A_780] {strides = array<i32>} : memref<13x128xf32, #tpu.memory_space<vmem>>, vector<16xf32>,
    %slice3A_782 = vector.extract_strided_slice %get3A_366 {offsets = [5], sizes = [1], strides = [1]} : vector<16xf32> to vector<1xf32>
    %squeeze3A_783 = vector.extract %slice3A_782[0] : f32 from vector<1xf32>
    %mul3A_784 = vector.broadcast %squeeze3A_783 : f32 to vector<16xf32>
    %mul3A_785 = arith.mulf %get3A_781, %mul3A_784 : vector<16xf32>
    %add3A_786 = arith.addf %add3A_777, %mul3A_785 : vector<16xf32>
    %get3A_787 = arith.constant 6 : i32
    %get3A_788 = arith.index_cast %get3A_787 : i32 to index
    %get3A_789 = arith.constant 48 : index
    %get3A_790 = tpu.vector_load %arg9[%get3A_788, %get3A_789] {strides = array<i32>} : memref<13x128xf32, #tpu.memory_space<vmem>>, vector<16xf32>,
    %slice3A_791 = vector.extract_strided_slice %get3A_366 {offsets = [6], sizes = [1], strides = [1]} : vector<16xf32> to vector<1xf32>
    %squeeze3A_792 = vector.extract %slice3A_791[0] : f32 from vector<1xf32>
    %mul3A_793 = vector.broadcast %squeeze3A_792 : f32 to vector<16xf32>
    %mul3A_794 = arith.mulf %get3A_790, %mul3A_793 : vector<16xf32>
    %add3A_795 = arith.addf %add3A_786, %mul3A_794 : vector<16xf32>
    %get3A_796 = arith.constant 7 : i32
    %get3A_797 = arith.index_cast %get3A_796 : i32 to index
    %get3A_798 = arith.constant 48 : index
    %get3A_799 = tpu.vector_load %arg9[%get3A_797, %get3A_798] {strides = array<i32>} : memref<13x128xf32, #tpu.memory_space<vmem>>, vector<16xf32>,
    %slice3A_800 = vector.extract_strided_slice %get3A_366 {offsets = [7], sizes = [1], strides = [1]} : vector<16xf32> to vector<1xf32>
    %squeeze3A_801 = vector.extract %slice3A_800[0] : f32 from vector<1xf32>
    %mul3A_802 = vector.broadcast %squeeze3A_801 : f32 to vector<16xf32>
    %mul3A_803 = arith.mulf %get3A_799, %mul3A_802 : vector<16xf32>
    %add3A_804 = arith.addf %add3A_795, %mul3A_803 : vector<16xf32>
    %get3A_805 = arith.constant 8 : i32
    %get3A_806 = arith.index_cast %get3A_805 : i32 to index
    %get3A_807 = arith.constant 48 : index
    %get3A_808 = tpu.vector_load %arg9[%get3A_806, %get3A_807] {strides = array<i32>} : memref<13x128xf32, #tpu.memory_space<vmem>>, vector<16xf32>,
    %slice3A_809 = vector.extract_strided_slice %get3A_366 {offsets = [8], sizes = [1], strides = [1]} : vector<16xf32> to vector<1xf32>
    %squeeze3A_810 = vector.extract %slice3A_809[0] : f32 from vector<1xf32>
    %mul3A_811 = vector.broadcast %squeeze3A_810 : f32 to vector<16xf32>
    %mul3A_812 = arith.mulf %get3A_808, %mul3A_811 : vector<16xf32>
    %add3A_813 = arith.addf %add3A_804, %mul3A_812 : vector<16xf32>
    %get3A_814 = arith.constant 9 : i32
    %get3A_815 = arith.index_cast %get3A_814 : i32 to index
    %get3A_816 = arith.constant 48 : index
    %get3A_817 = tpu.vector_load %arg9[%get3A_815, %get3A_816] {strides = array<i32>} : memref<13x128xf32, #tpu.memory_space<vmem>>, vector<16xf32>,
    %slice3A_818 = vector.extract_strided_slice %get3A_366 {offsets = [9], sizes = [1], strides = [1]} : vector<16xf32> to vector<1xf32>
    %squeeze3A_819 = vector.extract %slice3A_818[0] : f32 from vector<1xf32>
    %mul3A_820 = vector.broadcast %squeeze3A_819 : f32 to vector<16xf32>
    %mul3A_821 = arith.mulf %get3A_817, %mul3A_820 : vector<16xf32>
    %add3A_822 = arith.addf %add3A_813, %mul3A_821 : vector<16xf32>
    %get3A_823 = arith.constant 10 : i32
    %get3A_824 = arith.index_cast %get3A_823 : i32 to index
    %get3A_825 = arith.constant 48 : index
    %get3A_826 = tpu.vector_load %arg9[%get3A_824, %get3A_825] {strides = array<i32>} : memref<13x128xf32, #tpu.memory_space<vmem>>, vector<16xf32>,
    %slice3A_827 = vector.extract_strided_slice %get3A_366 {offsets = [10], sizes = [1], strides = [1]} : vector<16xf32> to vector<1xf32>
    %squeeze3A_828 = vector.extract %slice3A_827[0] : f32 from vector<1xf32>
    %mul3A_829 = vector.broadcast %squeeze3A_828 : f32 to vector<16xf32>
    %mul3A_830 = arith.mulf %get3A_826, %mul3A_829 : vector<16xf32>
    %add3A_831 = arith.addf %add3A_822, %mul3A_830 : vector<16xf32>
    %get3A_832 = arith.constant 11 : i32
    %get3A_833 = arith.index_cast %get3A_832 : i32 to index
    %get3A_834 = arith.constant 48 : index
    %get3A_835 = tpu.vector_load %arg9[%get3A_833, %get3A_834] {strides = array<i32>} : memref<13x128xf32, #tpu.memory_space<vmem>>, vector<16xf32>,
    %slice3A_836 = vector.extract_strided_slice %get3A_366 {offsets = [11], sizes = [1], strides = [1]} : vector<16xf32> to vector<1xf32>
    %squeeze3A_837 = vector.extract %slice3A_836[0] : f32 from vector<1xf32>
    %mul3A_838 = vector.broadcast %squeeze3A_837 : f32 to vector<16xf32>
    %mul3A_839 = arith.mulf %get3A_835, %mul3A_838 : vector<16xf32>
    %add3A_840 = arith.addf %add3A_831, %mul3A_839 : vector<16xf32>
    %get3A_841 = arith.constant 12 : i32
    %get3A_842 = arith.index_cast %get3A_841 : i32 to index
    %get3A_843 = arith.constant 48 : index
    %get3A_844 = tpu.vector_load %arg9[%get3A_842, %get3A_843] {strides = array<i32>} : memref<13x128xf32, #tpu.memory_space<vmem>>, vector<16xf32>,
    %slice3A_845 = vector.extract_strided_slice %get3A_366 {offsets = [12], sizes = [1], strides = [1]} : vector<16xf32> to vector<1xf32>
    %squeeze3A_846 = vector.extract %slice3A_845[0] : f32 from vector<1xf32>
    %mul3A_847 = vector.broadcast %squeeze3A_846 : f32 to vector<16xf32>
    %mul3A_848 = arith.mulf %get3A_844, %mul3A_847 : vector<16xf32>
    %add3A_849 = arith.addf %add3A_840, %mul3A_848 : vector<16xf32>
    %slice3A_850 = vector.extract_strided_slice %get3A_366 {offsets = [13], sizes = [1], strides = [1]} : vector<16xf32> to vector<1xf32>
    %squeeze3A_851 = vector.extract %slice3A_850[0] : f32 from vector<1xf32>
    %slice3A_852 = vector.extract_strided_slice %get3A_366 {offsets = [14], sizes = [1], strides = [1]} : vector<16xf32> to vector<1xf32>
    %squeeze3A_853 = vector.extract %slice3A_852[0] : f32 from vector<1xf32>
    %add3A_854 = arith.addf %squeeze3A_851, %squeeze3A_853 : f32
    %add3A_855 = vector.broadcast %add3A_854 : f32 to vector<16xf32>
    %add3A_856 = arith.addf %add3A_849, %add3A_855 : vector<16xf32>
    %get3A_857 = arith.constant 0 : i32
    %get3A_858 = arith.index_cast %get3A_857 : i32 to index
    %get3A_859 = arith.constant 64 : index
    %get3A_860 = tpu.vector_load %arg9[%get3A_858, %get3A_859] {strides = array<i32>} : memref<13x128xf32, #tpu.memory_space<vmem>>, vector<16xf32>,
    %slice3A_861 = vector.extract_strided_slice %get3A_366 {offsets = [0], sizes = [1], strides = [1]} : vector<16xf32> to vector<1xf32>
    %squeeze3A_862 = vector.extract %slice3A_861[0] : f32 from vector<1xf32>
    %mul3A_863 = vector.broadcast %squeeze3A_862 : f32 to vector<16xf32>
    %mul3A_864 = arith.mulf %get3A_860, %mul3A_863 : vector<16xf32>
    %get3A_865 = arith.constant 1 : i32
    %get3A_866 = arith.index_cast %get3A_865 : i32 to index
    %get3A_867 = arith.constant 64 : index
    %get3A_868 = tpu.vector_load %arg9[%get3A_866, %get3A_867] {strides = array<i32>} : memref<13x128xf32, #tpu.memory_space<vmem>>, vector<16xf32>,
    %slice3A_869 = vector.extract_strided_slice %get3A_366 {offsets = [1], sizes = [1], strides = [1]} : vector<16xf32> to vector<1xf32>
    %squeeze3A_870 = vector.extract %slice3A_869[0] : f32 from vector<1xf32>
    %mul3A_871 = vector.broadcast %squeeze3A_870 : f32 to vector<16xf32>
    %mul3A_872 = arith.mulf %get3A_868, %mul3A_871 : vector<16xf32>
    %add3A_873 = arith.addf %mul3A_864, %mul3A_872 : vector<16xf32>
    %get3A_874 = arith.constant 2 : i32
    %get3A_875 = arith.index_cast %get3A_874 : i32 to index
    %get3A_876 = arith.constant 64 : index
    %get3A_877 = tpu.vector_load %arg9[%get3A_875, %get3A_876] {strides = array<i32>} : memref<13x128xf32, #tpu.memory_space<vmem>>, vector<16xf32>,
    %slice3A_878 = vector.extract_strided_slice %get3A_366 {offsets = [2], sizes = [1], strides = [1]} : vector<16xf32> to vector<1xf32>
    %squeeze3A_879 = vector.extract %slice3A_878[0] : f32 from vector<1xf32>
    %mul3A_880 = vector.broadcast %squeeze3A_879 : f32 to vector<16xf32>
    %mul3A_881 = arith.mulf %get3A_877, %mul3A_880 : vector<16xf32>
    %add3A_882 = arith.addf %add3A_873, %mul3A_881 : vector<16xf32>
    %get3A_883 = arith.constant 3 : i32
    %get3A_884 = arith.index_cast %get3A_883 : i32 to index
    %get3A_885 = arith.constant 64 : index
    %get3A_886 = tpu.vector_load %arg9[%get3A_884, %get3A_885] {strides = array<i32>} : memref<13x128xf32, #tpu.memory_space<vmem>>, vector<16xf32>,
    %slice3A_887 = vector.extract_strided_slice %get3A_366 {offsets = [3], sizes = [1], strides = [1]} : vector<16xf32> to vector<1xf32>
    %squeeze3A_888 = vector.extract %slice3A_887[0] : f32 from vector<1xf32>
    %mul3A_889 = vector.broadcast %squeeze3A_888 : f32 to vector<16xf32>
    %mul3A_890 = arith.mulf %get3A_886, %mul3A_889 : vector<16xf32>
    %add3A_891 = arith.addf %add3A_882, %mul3A_890 : vector<16xf32>
    %get3A_892 = arith.constant 4 : i32
    %get3A_893 = arith.index_cast %get3A_892 : i32 to index
    %get3A_894 = arith.constant 64 : index
    %get3A_895 = tpu.vector_load %arg9[%get3A_893, %get3A_894] {strides = array<i32>} : memref<13x128xf32, #tpu.memory_space<vmem>>, vector<16xf32>,
    %slice3A_896 = vector.extract_strided_slice %get3A_366 {offsets = [4], sizes = [1], strides = [1]} : vector<16xf32> to vector<1xf32>
    %squeeze3A_897 = vector.extract %slice3A_896[0] : f32 from vector<1xf32>
    %mul3A_898 = vector.broadcast %squeeze3A_897 : f32 to vector<16xf32>
    %mul3A_899 = arith.mulf %get3A_895, %mul3A_898 : vector<16xf32>
    %add3A_900 = arith.addf %add3A_891, %mul3A_899 : vector<16xf32>
    %get3A_901 = arith.constant 5 : i32
    %get3A_902 = arith.index_cast %get3A_901 : i32 to index
    %get3A_903 = arith.constant 64 : index
    %get3A_904 = tpu.vector_load %arg9[%get3A_902, %get3A_903] {strides = array<i32>} : memref<13x128xf32, #tpu.memory_space<vmem>>, vector<16xf32>,
    %slice3A_905 = vector.extract_strided_slice %get3A_366 {offsets = [5], sizes = [1], strides = [1]} : vector<16xf32> to vector<1xf32>
    %squeeze3A_906 = vector.extract %slice3A_905[0] : f32 from vector<1xf32>
    %mul3A_907 = vector.broadcast %squeeze3A_906 : f32 to vector<16xf32>
    %mul3A_908 = arith.mulf %get3A_904, %mul3A_907 : vector<16xf32>
    %add3A_909 = arith.addf %add3A_900, %mul3A_908 : vector<16xf32>
    %get3A_910 = arith.constant 6 : i32
    %get3A_911 = arith.index_cast %get3A_910 : i32 to index
    %get3A_912 = arith.constant 64 : index
    %get3A_913 = tpu.vector_load %arg9[%get3A_911, %get3A_912] {strides = array<i32>} : memref<13x128xf32, #tpu.memory_space<vmem>>, vector<16xf32>,
    %slice3A_914 = vector.extract_strided_slice %get3A_366 {offsets = [6], sizes = [1], strides = [1]} : vector<16xf32> to vector<1xf32>
    %squeeze3A_915 = vector.extract %slice3A_914[0] : f32 from vector<1xf32>
    %mul3A_916 = vector.broadcast %squeeze3A_915 : f32 to vector<16xf32>
    %mul3A_917 = arith.mulf %get3A_913, %mul3A_916 : vector<16xf32>
    %add3A_918 = arith.addf %add3A_909, %mul3A_917 : vector<16xf32>
    %get3A_919 = arith.constant 7 : i32
    %get3A_920 = arith.index_cast %get3A_919 : i32 to index
    %get3A_921 = arith.constant 64 : index
    %get3A_922 = tpu.vector_load %arg9[%get3A_920, %get3A_921] {strides = array<i32>} : memref<13x128xf32, #tpu.memory_space<vmem>>, vector<16xf32>,
    %slice3A_923 = vector.extract_strided_slice %get3A_366 {offsets = [7], sizes = [1], strides = [1]} : vector<16xf32> to vector<1xf32>
    %squeeze3A_924 = vector.extract %slice3A_923[0] : f32 from vector<1xf32>
    %mul3A_925 = vector.broadcast %squeeze3A_924 : f32 to vector<16xf32>
    %mul3A_926 = arith.mulf %get3A_922, %mul3A_925 : vector<16xf32>
    %add3A_927 = arith.addf %add3A_918, %mul3A_926 : vector<16xf32>
    %get3A_928 = arith.constant 8 : i32
    %get3A_929 = arith.index_cast %get3A_928 : i32 to index
    %get3A_930 = arith.constant 64 : index
    %get3A_931 = tpu.vector_load %arg9[%get3A_929, %get3A_930] {strides = array<i32>} : memref<13x128xf32, #tpu.memory_space<vmem>>, vector<16xf32>,
    %slice3A_932 = vector.extract_strided_slice %get3A_366 {offsets = [8], sizes = [1], strides = [1]} : vector<16xf32> to vector<1xf32>
    %squeeze3A_933 = vector.extract %slice3A_932[0] : f32 from vector<1xf32>
    %mul3A_934 = vector.broadcast %squeeze3A_933 : f32 to vector<16xf32>
    %mul3A_935 = arith.mulf %get3A_931, %mul3A_934 : vector<16xf32>
    %add3A_936 = arith.addf %add3A_927, %mul3A_935 : vector<16xf32>
    %get3A_937 = arith.constant 9 : i32
    %get3A_938 = arith.index_cast %get3A_937 : i32 to index
    %get3A_939 = arith.constant 64 : index
    %get3A_940 = tpu.vector_load %arg9[%get3A_938, %get3A_939] {strides = array<i32>} : memref<13x128xf32, #tpu.memory_space<vmem>>, vector<16xf32>,
    %slice3A_941 = vector.extract_strided_slice %get3A_366 {offsets = [9], sizes = [1], strides = [1]} : vector<16xf32> to vector<1xf32>
    %squeeze3A_942 = vector.extract %slice3A_941[0] : f32 from vector<1xf32>
    %mul3A_943 = vector.broadcast %squeeze3A_942 : f32 to vector<16xf32>
    %mul3A_944 = arith.mulf %get3A_940, %mul3A_943 : vector<16xf32>
    %add3A_945 = arith.addf %add3A_936, %mul3A_944 : vector<16xf32>
    %get3A_946 = arith.constant 10 : i32
    %get3A_947 = arith.index_cast %get3A_946 : i32 to index
    %get3A_948 = arith.constant 64 : index
    %get3A_949 = tpu.vector_load %arg9[%get3A_947, %get3A_948] {strides = array<i32>} : memref<13x128xf32, #tpu.memory_space<vmem>>, vector<16xf32>,
    %slice3A_950 = vector.extract_strided_slice %get3A_366 {offsets = [10], sizes = [1], strides = [1]} : vector<16xf32> to vector<1xf32>
    %squeeze3A_951 = vector.extract %slice3A_950[0] : f32 from vector<1xf32>
    %mul3A_952 = vector.broadcast %squeeze3A_951 : f32 to vector<16xf32>
    %mul3A_953 = arith.mulf %get3A_949, %mul3A_952 : vector<16xf32>
    %add3A_954 = arith.addf %add3A_945, %mul3A_953 : vector<16xf32>
    %get3A_955 = arith.constant 11 : i32
    %get3A_956 = arith.index_cast %get3A_955 : i32 to index
    %get3A_957 = arith.constant 64 : index
    %get3A_958 = tpu.vector_load %arg9[%get3A_956, %get3A_957] {strides = array<i32>} : memref<13x128xf32, #tpu.memory_space<vmem>>, vector<16xf32>,
    %slice3A_959 = vector.extract_strided_slice %get3A_366 {offsets = [11], sizes = [1], strides = [1]} : vector<16xf32> to vector<1xf32>
    %squeeze3A_960 = vector.extract %slice3A_959[0] : f32 from vector<1xf32>
    %mul3A_961 = vector.broadcast %squeeze3A_960 : f32 to vector<16xf32>
    %mul3A_962 = arith.mulf %get3A_958, %mul3A_961 : vector<16xf32>
    %add3A_963 = arith.addf %add3A_954, %mul3A_962 : vector<16xf32>
    %get3A_964 = arith.constant 12 : i32
    %get3A_965 = arith.index_cast %get3A_964 : i32 to index
    %get3A_966 = arith.constant 64 : index
    %get3A_967 = tpu.vector_load %arg9[%get3A_965, %get3A_966] {strides = array<i32>} : memref<13x128xf32, #tpu.memory_space<vmem>>, vector<16xf32>,
    %slice3A_968 = vector.extract_strided_slice %get3A_366 {offsets = [12], sizes = [1], strides = [1]} : vector<16xf32> to vector<1xf32>
    %squeeze3A_969 = vector.extract %slice3A_968[0] : f32 from vector<1xf32>
    %mul3A_970 = vector.broadcast %squeeze3A_969 : f32 to vector<16xf32>
    %mul3A_971 = arith.mulf %get3A_967, %mul3A_970 : vector<16xf32>
    %add3A_972 = arith.addf %add3A_963, %mul3A_971 : vector<16xf32>
    %slice3A_973 = vector.extract_strided_slice %get3A_366 {offsets = [13], sizes = [1], strides = [1]} : vector<16xf32> to vector<1xf32>
    %squeeze3A_974 = vector.extract %slice3A_973[0] : f32 from vector<1xf32>
    %slice3A_975 = vector.extract_strided_slice %get3A_366 {offsets = [14], sizes = [1], strides = [1]} : vector<16xf32> to vector<1xf32>
    %squeeze3A_976 = vector.extract %slice3A_975[0] : f32 from vector<1xf32>
    %add3A_977 = arith.addf %squeeze3A_974, %squeeze3A_976 : f32
    %add3A_978 = vector.broadcast %add3A_977 : f32 to vector<16xf32>
    %add3A_979 = arith.addf %add3A_972, %add3A_978 : vector<16xf32>
    %get3A_980 = arith.constant 0 : i32
    %get3A_981 = arith.index_cast %get3A_980 : i32 to index
    %get3A_982 = arith.constant 80 : index
    %get3A_983 = tpu.vector_load %arg9[%get3A_981, %get3A_982] {strides = array<i32>} : memref<13x128xf32, #tpu.memory_space<vmem>>, vector<16xf32>,
    %slice3A_984 = vector.extract_strided_slice %get3A_366 {offsets = [0], sizes = [1], strides = [1]} : vector<16xf32> to vector<1xf32>
    %squeeze3A_985 = vector.extract %slice3A_984[0] : f32 from vector<1xf32>
    %mul3A_986 = vector.broadcast %squeeze3A_985 : f32 to vector<16xf32>
    %mul3A_987 = arith.mulf %get3A_983, %mul3A_986 : vector<16xf32>
    %get3A_988 = arith.constant 1 : i32
    %get3A_989 = arith.index_cast %get3A_988 : i32 to index
    %get3A_990 = arith.constant 80 : index
    %get3A_991 = tpu.vector_load %arg9[%get3A_989, %get3A_990] {strides = array<i32>} : memref<13x128xf32, #tpu.memory_space<vmem>>, vector<16xf32>,
    %slice3A_992 = vector.extract_strided_slice %get3A_366 {offsets = [1], sizes = [1], strides = [1]} : vector<16xf32> to vector<1xf32>
    %squeeze3A_993 = vector.extract %slice3A_992[0] : f32 from vector<1xf32>
    %mul3A_994 = vector.broadcast %squeeze3A_993 : f32 to vector<16xf32>
    %mul3A_995 = arith.mulf %get3A_991, %mul3A_994 : vector<16xf32>
    %add3A_996 = arith.addf %mul3A_987, %mul3A_995 : vector<16xf32>
    %get3A_997 = arith.constant 2 : i32
    %get3A_998 = arith.index_cast %get3A_997 : i32 to index
    %get3A_999 = arith.constant 80 : index
    %get3A_1000 = tpu.vector_load %arg9[%get3A_998, %get3A_999] {strides = array<i32>} : memref<13x128xf32, #tpu.memory_space<vmem>>, vector<16xf32>,
    %slice3A_1001 = vector.extract_strided_slice %get3A_366 {offsets = [2], sizes = [1], strides = [1]} : vector<16xf32> to vector<1xf32>
    %squeeze3A_1002 = vector.extract %slice3A_1001[0] : f32 from vector<1xf32>
    %mul3A_1003 = vector.broadcast %squeeze3A_1002 : f32 to vector<16xf32>
    %mul3A_1004 = arith.mulf %get3A_1000, %mul3A_1003 : vector<16xf32>
    %add3A_1005 = arith.addf %add3A_996, %mul3A_1004 : vector<16xf32>
    %get3A_1006 = arith.constant 3 : i32
    %get3A_1007 = arith.index_cast %get3A_1006 : i32 to index
    %get3A_1008 = arith.constant 80 : index
    %get3A_1009 = tpu.vector_load %arg9[%get3A_1007, %get3A_1008] {strides = array<i32>} : memref<13x128xf32, #tpu.memory_space<vmem>>, vector<16xf32>,
    %slice3A_1010 = vector.extract_strided_slice %get3A_366 {offsets = [3], sizes = [1], strides = [1]} : vector<16xf32> to vector<1xf32>
    %squeeze3A_1011 = vector.extract %slice3A_1010[0] : f32 from vector<1xf32>
    %mul3A_1012 = vector.broadcast %squeeze3A_1011 : f32 to vector<16xf32>
    %mul3A_1013 = arith.mulf %get3A_1009, %mul3A_1012 : vector<16xf32>
    %add3A_1014 = arith.addf %add3A_1005, %mul3A_1013 : vector<16xf32>
    %get3A_1015 = arith.constant 4 : i32
    %get3A_1016 = arith.index_cast %get3A_1015 : i32 to index
    %get3A_1017 = arith.constant 80 : index
    %get3A_1018 = tpu.vector_load %arg9[%get3A_1016, %get3A_1017] {strides = array<i32>} : memref<13x128xf32, #tpu.memory_space<vmem>>, vector<16xf32>,
    %slice3A_1019 = vector.extract_strided_slice %get3A_366 {offsets = [4], sizes = [1], strides = [1]} : vector<16xf32> to vector<1xf32>
    %squeeze3A_1020 = vector.extract %slice3A_1019[0] : f32 from vector<1xf32>
    %mul3A_1021 = vector.broadcast %squeeze3A_1020 : f32 to vector<16xf32>
    %mul3A_1022 = arith.mulf %get3A_1018, %mul3A_1021 : vector<16xf32>
    %add3A_1023 = arith.addf %add3A_1014, %mul3A_1022 : vector<16xf32>
    %get3A_1024 = arith.constant 5 : i32
    %get3A_1025 = arith.index_cast %get3A_1024 : i32 to index
    %get3A_1026 = arith.constant 80 : index
    %get3A_1027 = tpu.vector_load %arg9[%get3A_1025, %get3A_1026] {strides = array<i32>} : memref<13x128xf32, #tpu.memory_space<vmem>>, vector<16xf32>,
    %slice3A_1028 = vector.extract_strided_slice %get3A_366 {offsets = [5], sizes = [1], strides = [1]} : vector<16xf32> to vector<1xf32>
    %squeeze3A_1029 = vector.extract %slice3A_1028[0] : f32 from vector<1xf32>
    %mul3A_1030 = vector.broadcast %squeeze3A_1029 : f32 to vector<16xf32>
    %mul3A_1031 = arith.mulf %get3A_1027, %mul3A_1030 : vector<16xf32>
    %add3A_1032 = arith.addf %add3A_1023, %mul3A_1031 : vector<16xf32>
    %get3A_1033 = arith.constant 6 : i32
    %get3A_1034 = arith.index_cast %get3A_1033 : i32 to index
    %get3A_1035 = arith.constant 80 : index
    %get3A_1036 = tpu.vector_load %arg9[%get3A_1034, %get3A_1035] {strides = array<i32>} : memref<13x128xf32, #tpu.memory_space<vmem>>, vector<16xf32>,
    %slice3A_1037 = vector.extract_strided_slice %get3A_366 {offsets = [6], sizes = [1], strides = [1]} : vector<16xf32> to vector<1xf32>
    %squeeze3A_1038 = vector.extract %slice3A_1037[0] : f32 from vector<1xf32>
    %mul3A_1039 = vector.broadcast %squeeze3A_1038 : f32 to vector<16xf32>
    %mul3A_1040 = arith.mulf %get3A_1036, %mul3A_1039 : vector<16xf32>
    %add3A_1041 = arith.addf %add3A_1032, %mul3A_1040 : vector<16xf32>
    %get3A_1042 = arith.constant 7 : i32
    %get3A_1043 = arith.index_cast %get3A_1042 : i32 to index
    %get3A_1044 = arith.constant 80 : index
    %get3A_1045 = tpu.vector_load %arg9[%get3A_1043, %get3A_1044] {strides = array<i32>} : memref<13x128xf32, #tpu.memory_space<vmem>>, vector<16xf32>,
    %slice3A_1046 = vector.extract_strided_slice %get3A_366 {offsets = [7], sizes = [1], strides = [1]} : vector<16xf32> to vector<1xf32>
    %squeeze3A_1047 = vector.extract %slice3A_1046[0] : f32 from vector<1xf32>
    %mul3A_1048 = vector.broadcast %squeeze3A_1047 : f32 to vector<16xf32>
    %mul3A_1049 = arith.mulf %get3A_1045, %mul3A_1048 : vector<16xf32>
    %add3A_1050 = arith.addf %add3A_1041, %mul3A_1049 : vector<16xf32>
    %get3A_1051 = arith.constant 8 : i32
    %get3A_1052 = arith.index_cast %get3A_1051 : i32 to index
    %get3A_1053 = arith.constant 80 : index
    %get3A_1054 = tpu.vector_load %arg9[%get3A_1052, %get3A_1053] {strides = array<i32>} : memref<13x128xf32, #tpu.memory_space<vmem>>, vector<16xf32>,
    %slice3A_1055 = vector.extract_strided_slice %get3A_366 {offsets = [8], sizes = [1], strides = [1]} : vector<16xf32> to vector<1xf32>
    %squeeze3A_1056 = vector.extract %slice3A_1055[0] : f32 from vector<1xf32>
    %mul3A_1057 = vector.broadcast %squeeze3A_1056 : f32 to vector<16xf32>
    %mul3A_1058 = arith.mulf %get3A_1054, %mul3A_1057 : vector<16xf32>
    %add3A_1059 = arith.addf %add3A_1050, %mul3A_1058 : vector<16xf32>
    %get3A_1060 = arith.constant 9 : i32
    %get3A_1061 = arith.index_cast %get3A_1060 : i32 to index
    %get3A_1062 = arith.constant 80 : index
    %get3A_1063 = tpu.vector_load %arg9[%get3A_1061, %get3A_1062] {strides = array<i32>} : memref<13x128xf32, #tpu.memory_space<vmem>>, vector<16xf32>,
    %slice3A_1064 = vector.extract_strided_slice %get3A_366 {offsets = [9], sizes = [1], strides = [1]} : vector<16xf32> to vector<1xf32>
    %squeeze3A_1065 = vector.extract %slice3A_1064[0] : f32 from vector<1xf32>
    %mul3A_1066 = vector.broadcast %squeeze3A_1065 : f32 to vector<16xf32>
    %mul3A_1067 = arith.mulf %get3A_1063, %mul3A_1066 : vector<16xf32>
    %add3A_1068 = arith.addf %add3A_1059, %mul3A_1067 : vector<16xf32>
    %get3A_1069 = arith.constant 10 : i32
    %get3A_1070 = arith.index_cast %get3A_1069 : i32 to index
    %get3A_1071 = arith.constant 80 : index
    %get3A_1072 = tpu.vector_load %arg9[%get3A_1070, %get3A_1071] {strides = array<i32>} : memref<13x128xf32, #tpu.memory_space<vmem>>, vector<16xf32>,
    %slice3A_1073 = vector.extract_strided_slice %get3A_366 {offsets = [10], sizes = [1], strides = [1]} : vector<16xf32> to vector<1xf32>
    %squeeze3A_1074 = vector.extract %slice3A_1073[0] : f32 from vector<1xf32>
    %mul3A_1075 = vector.broadcast %squeeze3A_1074 : f32 to vector<16xf32>
    %mul3A_1076 = arith.mulf %get3A_1072, %mul3A_1075 : vector<16xf32>
    %add3A_1077 = arith.addf %add3A_1068, %mul3A_1076 : vector<16xf32>
    %get3A_1078 = arith.constant 11 : i32
    %get3A_1079 = arith.index_cast %get3A_1078 : i32 to index
    %get3A_1080 = arith.constant 80 : index
    %get3A_1081 = tpu.vector_load %arg9[%get3A_1079, %get3A_1080] {strides = array<i32>} : memref<13x128xf32, #tpu.memory_space<vmem>>, vector<16xf32>,
    %slice3A_1082 = vector.extract_strided_slice %get3A_366 {offsets = [11], sizes = [1], strides = [1]} : vector<16xf32> to vector<1xf32>
    %squeeze3A_1083 = vector.extract %slice3A_1082[0] : f32 from vector<1xf32>
    %mul3A_1084 = vector.broadcast %squeeze3A_1083 : f32 to vector<16xf32>
    %mul3A_1085 = arith.mulf %get3A_1081, %mul3A_1084 : vector<16xf32>
    %add3A_1086 = arith.addf %add3A_1077, %mul3A_1085 : vector<16xf32>
    %get3A_1087 = arith.constant 12 : i32
    %get3A_1088 = arith.index_cast %get3A_1087 : i32 to index
    %get3A_1089 = arith.constant 80 : index
    %get3A_1090 = tpu.vector_load %arg9[%get3A_1088, %get3A_1089] {strides = array<i32>} : memref<13x128xf32, #tpu.memory_space<vmem>>, vector<16xf32>,
    %slice3A_1091 = vector.extract_strided_slice %get3A_366 {offsets = [12], sizes = [1], strides = [1]} : vector<16xf32> to vector<1xf32>
    %squeeze3A_1092 = vector.extract %slice3A_1091[0] : f32 from vector<1xf32>
    %mul3A_1093 = vector.broadcast %squeeze3A_1092 : f32 to vector<16xf32>
    %mul3A_1094 = arith.mulf %get3A_1090, %mul3A_1093 : vector<16xf32>
    %add3A_1095 = arith.addf %add3A_1086, %mul3A_1094 : vector<16xf32>
    %slice3A_1096 = vector.extract_strided_slice %get3A_366 {offsets = [13], sizes = [1], strides = [1]} : vector<16xf32> to vector<1xf32>
    %squeeze3A_1097 = vector.extract %slice3A_1096[0] : f32 from vector<1xf32>
    %slice3A_1098 = vector.extract_strided_slice %get3A_366 {offsets = [14], sizes = [1], strides = [1]} : vector<16xf32> to vector<1xf32>
    %squeeze3A_1099 = vector.extract %slice3A_1098[0] : f32 from vector<1xf32>
    %add3A_1100 = arith.addf %squeeze3A_1097, %squeeze3A_1099 : f32
    %add3A_1101 = vector.broadcast %add3A_1100 : f32 to vector<16xf32>
    %add3A_1102 = arith.addf %add3A_1095, %add3A_1101 : vector<16xf32>
    %get3A_1103 = arith.constant 0 : i32
    %get3A_1104 = arith.index_cast %get3A_1103 : i32 to index
    %get3A_1105 = arith.constant 96 : index
    %get3A_1106 = tpu.vector_load %arg9[%get3A_1104, %get3A_1105] {strides = array<i32>} : memref<13x128xf32, #tpu.memory_space<vmem>>, vector<16xf32>,
    %slice3A_1107 = vector.extract_strided_slice %get3A_366 {offsets = [0], sizes = [1], strides = [1]} : vector<16xf32> to vector<1xf32>
    %squeeze3A_1108 = vector.extract %slice3A_1107[0] : f32 from vector<1xf32>
    %mul3A_1109 = vector.broadcast %squeeze3A_1108 : f32 to vector<16xf32>
    %mul3A_1110 = arith.mulf %get3A_1106, %mul3A_1109 : vector<16xf32>
    %get3A_1111 = arith.constant 1 : i32
    %get3A_1112 = arith.index_cast %get3A_1111 : i32 to index
    %get3A_1113 = arith.constant 96 : index
    %get3A_1114 = tpu.vector_load %arg9[%get3A_1112, %get3A_1113] {strides = array<i32>} : memref<13x128xf32, #tpu.memory_space<vmem>>, vector<16xf32>,
    %slice3A_1115 = vector.extract_strided_slice %get3A_366 {offsets = [1], sizes = [1], strides = [1]} : vector<16xf32> to vector<1xf32>
    %squeeze3A_1116 = vector.extract %slice3A_1115[0] : f32 from vector<1xf32>
    %mul3A_1117 = vector.broadcast %squeeze3A_1116 : f32 to vector<16xf32>
    %mul3A_1118 = arith.mulf %get3A_1114, %mul3A_1117 : vector<16xf32>
    %add3A_1119 = arith.addf %mul3A_1110, %mul3A_1118 : vector<16xf32>
    %get3A_1120 = arith.constant 2 : i32
    %get3A_1121 = arith.index_cast %get3A_1120 : i32 to index
    %get3A_1122 = arith.constant 96 : index
    %get3A_1123 = tpu.vector_load %arg9[%get3A_1121, %get3A_1122] {strides = array<i32>} : memref<13x128xf32, #tpu.memory_space<vmem>>, vector<16xf32>,
    %slice3A_1124 = vector.extract_strided_slice %get3A_366 {offsets = [2], sizes = [1], strides = [1]} : vector<16xf32> to vector<1xf32>
    %squeeze3A_1125 = vector.extract %slice3A_1124[0] : f32 from vector<1xf32>
    %mul3A_1126 = vector.broadcast %squeeze3A_1125 : f32 to vector<16xf32>
    %mul3A_1127 = arith.mulf %get3A_1123, %mul3A_1126 : vector<16xf32>
    %add3A_1128 = arith.addf %add3A_1119, %mul3A_1127 : vector<16xf32>
    %get3A_1129 = arith.constant 3 : i32
    %get3A_1130 = arith.index_cast %get3A_1129 : i32 to index
    %get3A_1131 = arith.constant 96 : index
    %get3A_1132 = tpu.vector_load %arg9[%get3A_1130, %get3A_1131] {strides = array<i32>} : memref<13x128xf32, #tpu.memory_space<vmem>>, vector<16xf32>,
    %slice3A_1133 = vector.extract_strided_slice %get3A_366 {offsets = [3], sizes = [1], strides = [1]} : vector<16xf32> to vector<1xf32>
    %squeeze3A_1134 = vector.extract %slice3A_1133[0] : f32 from vector<1xf32>
    %mul3A_1135 = vector.broadcast %squeeze3A_1134 : f32 to vector<16xf32>
    %mul3A_1136 = arith.mulf %get3A_1132, %mul3A_1135 : vector<16xf32>
    %add3A_1137 = arith.addf %add3A_1128, %mul3A_1136 : vector<16xf32>
    %get3A_1138 = arith.constant 4 : i32
    %get3A_1139 = arith.index_cast %get3A_1138 : i32 to index
    %get3A_1140 = arith.constant 96 : index
    %get3A_1141 = tpu.vector_load %arg9[%get3A_1139, %get3A_1140] {strides = array<i32>} : memref<13x128xf32, #tpu.memory_space<vmem>>, vector<16xf32>,
    %slice3A_1142 = vector.extract_strided_slice %get3A_366 {offsets = [4], sizes = [1], strides = [1]} : vector<16xf32> to vector<1xf32>
    %squeeze3A_1143 = vector.extract %slice3A_1142[0] : f32 from vector<1xf32>
    %mul3A_1144 = vector.broadcast %squeeze3A_1143 : f32 to vector<16xf32>
    %mul3A_1145 = arith.mulf %get3A_1141, %mul3A_1144 : vector<16xf32>
    %add3A_1146 = arith.addf %add3A_1137, %mul3A_1145 : vector<16xf32>
    %get3A_1147 = arith.constant 5 : i32
    %get3A_1148 = arith.index_cast %get3A_1147 : i32 to index
    %get3A_1149 = arith.constant 96 : index
    %get3A_1150 = tpu.vector_load %arg9[%get3A_1148, %get3A_1149] {strides = array<i32>} : memref<13x128xf32, #tpu.memory_space<vmem>>, vector<16xf32>,
    %slice3A_1151 = vector.extract_strided_slice %get3A_366 {offsets = [5], sizes = [1], strides = [1]} : vector<16xf32> to vector<1xf32>
    %squeeze3A_1152 = vector.extract %slice3A_1151[0] : f32 from vector<1xf32>
    %mul3A_1153 = vector.broadcast %squeeze3A_1152 : f32 to vector<16xf32>
    %mul3A_1154 = arith.mulf %get3A_1150, %mul3A_1153 : vector<16xf32>
    %add3A_1155 = arith.addf %add3A_1146, %mul3A_1154 : vector<16xf32>
    %get3A_1156 = arith.constant 6 : i32
    %get3A_1157 = arith.index_cast %get3A_1156 : i32 to index
    %get3A_1158 = arith.constant 96 : index
    %get3A_1159 = tpu.vector_load %arg9[%get3A_1157, %get3A_1158] {strides = array<i32>} : memref<13x128xf32, #tpu.memory_space<vmem>>, vector<16xf32>,
    %slice3A_1160 = vector.extract_strided_slice %get3A_366 {offsets = [6], sizes = [1], strides = [1]} : vector<16xf32> to vector<1xf32>
    %squeeze3A_1161 = vector.extract %slice3A_1160[0] : f32 from vector<1xf32>
    %mul3A_1162 = vector.broadcast %squeeze3A_1161 : f32 to vector<16xf32>
    %mul3A_1163 = arith.mulf %get3A_1159, %mul3A_1162 : vector<16xf32>
    %add3A_1164 = arith.addf %add3A_1155, %mul3A_1163 : vector<16xf32>
    %get3A_1165 = arith.constant 7 : i32
    %get3A_1166 = arith.index_cast %get3A_1165 : i32 to index
    %get3A_1167 = arith.constant 96 : index
    %get3A_1168 = tpu.vector_load %arg9[%get3A_1166, %get3A_1167] {strides = array<i32>} : memref<13x128xf32, #tpu.memory_space<vmem>>, vector<16xf32>,
    %slice3A_1169 = vector.extract_strided_slice %get3A_366 {offsets = [7], sizes = [1], strides = [1]} : vector<16xf32> to vector<1xf32>
    %squeeze3A_1170 = vector.extract %slice3A_1169[0] : f32 from vector<1xf32>
    %mul3A_1171 = vector.broadcast %squeeze3A_1170 : f32 to vector<16xf32>
    %mul3A_1172 = arith.mulf %get3A_1168, %mul3A_1171 : vector<16xf32>
    %add3A_1173 = arith.addf %add3A_1164, %mul3A_1172 : vector<16xf32>
    %get3A_1174 = arith.constant 8 : i32
    %get3A_1175 = arith.index_cast %get3A_1174 : i32 to index
    %get3A_1176 = arith.constant 96 : index
    %get3A_1177 = tpu.vector_load %arg9[%get3A_1175, %get3A_1176] {strides = array<i32>} : memref<13x128xf32, #tpu.memory_space<vmem>>, vector<16xf32>,
    %slice3A_1178 = vector.extract_strided_slice %get3A_366 {offsets = [8], sizes = [1], strides = [1]} : vector<16xf32> to vector<1xf32>
    %squeeze3A_1179 = vector.extract %slice3A_1178[0] : f32 from vector<1xf32>
    %mul3A_1180 = vector.broadcast %squeeze3A_1179 : f32 to vector<16xf32>
    %mul3A_1181 = arith.mulf %get3A_1177, %mul3A_1180 : vector<16xf32>
    %add3A_1182 = arith.addf %add3A_1173, %mul3A_1181 : vector<16xf32>
    %get3A_1183 = arith.constant 9 : i32
    %get3A_1184 = arith.index_cast %get3A_1183 : i32 to index
    %get3A_1185 = arith.constant 96 : index
    %get3A_1186 = tpu.vector_load %arg9[%get3A_1184, %get3A_1185] {strides = array<i32>} : memref<13x128xf32, #tpu.memory_space<vmem>>, vector<16xf32>,
    %slice3A_1187 = vector.extract_strided_slice %get3A_366 {offsets = [9], sizes = [1], strides = [1]} : vector<16xf32> to vector<1xf32>
    %squeeze3A_1188 = vector.extract %slice3A_1187[0] : f32 from vector<1xf32>
    %mul3A_1189 = vector.broadcast %squeeze3A_1188 : f32 to vector<16xf32>
    %mul3A_1190 = arith.mulf %get3A_1186, %mul3A_1189 : vector<16xf32>
    %add3A_1191 = arith.addf %add3A_1182, %mul3A_1190 : vector<16xf32>
    %get3A_1192 = arith.constant 10 : i32
    %get3A_1193 = arith.index_cast %get3A_1192 : i32 to index
    %get3A_1194 = arith.constant 96 : index
    %get3A_1195 = tpu.vector_load %arg9[%get3A_1193, %get3A_1194] {strides = array<i32>} : memref<13x128xf32, #tpu.memory_space<vmem>>, vector<16xf32>,
    %slice3A_1196 = vector.extract_strided_slice %get3A_366 {offsets = [10], sizes = [1], strides = [1]} : vector<16xf32> to vector<1xf32>
    %squeeze3A_1197 = vector.extract %slice3A_1196[0] : f32 from vector<1xf32>
    %mul3A_1198 = vector.broadcast %squeeze3A_1197 : f32 to vector<16xf32>
    %mul3A_1199 = arith.mulf %get3A_1195, %mul3A_1198 : vector<16xf32>
    %add3A_1200 = arith.addf %add3A_1191, %mul3A_1199 : vector<16xf32>
    %get3A_1201 = arith.constant 11 : i32
    %get3A_1202 = arith.index_cast %get3A_1201 : i32 to index
    %get3A_1203 = arith.constant 96 : index
    %get3A_1204 = tpu.vector_load %arg9[%get3A_1202, %get3A_1203] {strides = array<i32>} : memref<13x128xf32, #tpu.memory_space<vmem>>, vector<16xf32>,
    %slice3A_1205 = vector.extract_strided_slice %get3A_366 {offsets = [11], sizes = [1], strides = [1]} : vector<16xf32> to vector<1xf32>
    %squeeze3A_1206 = vector.extract %slice3A_1205[0] : f32 from vector<1xf32>
    %mul3A_1207 = vector.broadcast %squeeze3A_1206 : f32 to vector<16xf32>
    %mul3A_1208 = arith.mulf %get3A_1204, %mul3A_1207 : vector<16xf32>
    %add3A_1209 = arith.addf %add3A_1200, %mul3A_1208 : vector<16xf32>
    %get3A_1210 = arith.constant 12 : i32
    %get3A_1211 = arith.index_cast %get3A_1210 : i32 to index
    %get3A_1212 = arith.constant 96 : index
    %get3A_1213 = tpu.vector_load %arg9[%get3A_1211, %get3A_1212] {strides = array<i32>} : memref<13x128xf32, #tpu.memory_space<vmem>>, vector<16xf32>,
    %slice3A_1214 = vector.extract_strided_slice %get3A_366 {offsets = [12], sizes = [1], strides = [1]} : vector<16xf32> to vector<1xf32>
    %squeeze3A_1215 = vector.extract %slice3A_1214[0] : f32 from vector<1xf32>
    %mul3A_1216 = vector.broadcast %squeeze3A_1215 : f32 to vector<16xf32>
    %mul3A_1217 = arith.mulf %get3A_1213, %mul3A_1216 : vector<16xf32>
    %add3A_1218 = arith.addf %add3A_1209, %mul3A_1217 : vector<16xf32>
    %slice3A_1219 = vector.extract_strided_slice %get3A_366 {offsets = [13], sizes = [1], strides = [1]} : vector<16xf32> to vector<1xf32>
    %squeeze3A_1220 = vector.extract %slice3A_1219[0] : f32 from vector<1xf32>
    %slice3A_1221 = vector.extract_strided_slice %get3A_366 {offsets = [14], sizes = [1], strides = [1]} : vector<16xf32> to vector<1xf32>
    %squeeze3A_1222 = vector.extract %slice3A_1221[0] : f32 from vector<1xf32>
    %add3A_1223 = arith.addf %squeeze3A_1220, %squeeze3A_1222 : f32
    %add3A_1224 = vector.broadcast %add3A_1223 : f32 to vector<16xf32>
    %add3A_1225 = arith.addf %add3A_1218, %add3A_1224 : vector<16xf32>
    %get3A_1226 = arith.constant 0 : i32
    %get3A_1227 = arith.index_cast %get3A_1226 : i32 to index
    %get3A_1228 = arith.constant 112 : index
    %get3A_1229 = tpu.vector_load %arg9[%get3A_1227, %get3A_1228] {strides = array<i32>} : memref<13x128xf32, #tpu.memory_space<vmem>>, vector<16xf32>,
    %slice3A_1230 = vector.extract_strided_slice %get3A_366 {offsets = [0], sizes = [1], strides = [1]} : vector<16xf32> to vector<1xf32>
    %squeeze3A_1231 = vector.extract %slice3A_1230[0] : f32 from vector<1xf32>
    %mul3A_1232 = vector.broadcast %squeeze3A_1231 : f32 to vector<16xf32>
    %mul3A_1233 = arith.mulf %get3A_1229, %mul3A_1232 : vector<16xf32>
    %get3A_1234 = arith.constant 1 : i32
    %get3A_1235 = arith.index_cast %get3A_1234 : i32 to index
    %get3A_1236 = arith.constant 112 : index
    %get3A_1237 = tpu.vector_load %arg9[%get3A_1235, %get3A_1236] {strides = array<i32>} : memref<13x128xf32, #tpu.memory_space<vmem>>, vector<16xf32>,
    %slice3A_1238 = vector.extract_strided_slice %get3A_366 {offsets = [1], sizes = [1], strides = [1]} : vector<16xf32> to vector<1xf32>
    %squeeze3A_1239 = vector.extract %slice3A_1238[0] : f32 from vector<1xf32>
    %mul3A_1240 = vector.broadcast %squeeze3A_1239 : f32 to vector<16xf32>
    %mul3A_1241 = arith.mulf %get3A_1237, %mul3A_1240 : vector<16xf32>
    %add3A_1242 = arith.addf %mul3A_1233, %mul3A_1241 : vector<16xf32>
    %get3A_1243 = arith.constant 2 : i32
    %get3A_1244 = arith.index_cast %get3A_1243 : i32 to index
    %get3A_1245 = arith.constant 112 : index
    %get3A_1246 = tpu.vector_load %arg9[%get3A_1244, %get3A_1245] {strides = array<i32>} : memref<13x128xf32, #tpu.memory_space<vmem>>, vector<16xf32>,
    %slice3A_1247 = vector.extract_strided_slice %get3A_366 {offsets = [2], sizes = [1], strides = [1]} : vector<16xf32> to vector<1xf32>
    %squeeze3A_1248 = vector.extract %slice3A_1247[0] : f32 from vector<1xf32>
    %mul3A_1249 = vector.broadcast %squeeze3A_1248 : f32 to vector<16xf32>
    %mul3A_1250 = arith.mulf %get3A_1246, %mul3A_1249 : vector<16xf32>
    %add3A_1251 = arith.addf %add3A_1242, %mul3A_1250 : vector<16xf32>
    %get3A_1252 = arith.constant 3 : i32
    %get3A_1253 = arith.index_cast %get3A_1252 : i32 to index
    %get3A_1254 = arith.constant 112 : index
    %get3A_1255 = tpu.vector_load %arg9[%get3A_1253, %get3A_1254] {strides = array<i32>} : memref<13x128xf32, #tpu.memory_space<vmem>>, vector<16xf32>,
    %slice3A_1256 = vector.extract_strided_slice %get3A_366 {offsets = [3], sizes = [1], strides = [1]} : vector<16xf32> to vector<1xf32>
    %squeeze3A_1257 = vector.extract %slice3A_1256[0] : f32 from vector<1xf32>
    %mul3A_1258 = vector.broadcast %squeeze3A_1257 : f32 to vector<16xf32>
    %mul3A_1259 = arith.mulf %get3A_1255, %mul3A_1258 : vector<16xf32>
    %add3A_1260 = arith.addf %add3A_1251, %mul3A_1259 : vector<16xf32>
    %get3A_1261 = arith.constant 4 : i32
    %get3A_1262 = arith.index_cast %get3A_1261 : i32 to index
    %get3A_1263 = arith.constant 112 : index
    %get3A_1264 = tpu.vector_load %arg9[%get3A_1262, %get3A_1263] {strides = array<i32>} : memref<13x128xf32, #tpu.memory_space<vmem>>, vector<16xf32>,
    %slice3A_1265 = vector.extract_strided_slice %get3A_366 {offsets = [4], sizes = [1], strides = [1]} : vector<16xf32> to vector<1xf32>
    %squeeze3A_1266 = vector.extract %slice3A_1265[0] : f32 from vector<1xf32>
    %mul3A_1267 = vector.broadcast %squeeze3A_1266 : f32 to vector<16xf32>
    %mul3A_1268 = arith.mulf %get3A_1264, %mul3A_1267 : vector<16xf32>
    %add3A_1269 = arith.addf %add3A_1260, %mul3A_1268 : vector<16xf32>
    %get3A_1270 = arith.constant 5 : i32
    %get3A_1271 = arith.index_cast %get3A_1270 : i32 to index
    %get3A_1272 = arith.constant 112 : index
    %get3A_1273 = tpu.vector_load %arg9[%get3A_1271, %get3A_1272] {strides = array<i32>} : memref<13x128xf32, #tpu.memory_space<vmem>>, vector<16xf32>,
    %slice3A_1274 = vector.extract_strided_slice %get3A_366 {offsets = [5], sizes = [1], strides = [1]} : vector<16xf32> to vector<1xf32>
    %squeeze3A_1275 = vector.extract %slice3A_1274[0] : f32 from vector<1xf32>
    %mul3A_1276 = vector.broadcast %squeeze3A_1275 : f32 to vector<16xf32>
    %mul3A_1277 = arith.mulf %get3A_1273, %mul3A_1276 : vector<16xf32>
    %add3A_1278 = arith.addf %add3A_1269, %mul3A_1277 : vector<16xf32>
    %get3A_1279 = arith.constant 6 : i32
    %get3A_1280 = arith.index_cast %get3A_1279 : i32 to index
    %get3A_1281 = arith.constant 112 : index
    %get3A_1282 = tpu.vector_load %arg9[%get3A_1280, %get3A_1281] {strides = array<i32>} : memref<13x128xf32, #tpu.memory_space<vmem>>, vector<16xf32>,
    %slice3A_1283 = vector.extract_strided_slice %get3A_366 {offsets = [6], sizes = [1], strides = [1]} : vector<16xf32> to vector<1xf32>
    %squeeze3A_1284 = vector.extract %slice3A_1283[0] : f32 from vector<1xf32>
    %mul3A_1285 = vector.broadcast %squeeze3A_1284 : f32 to vector<16xf32>
    %mul3A_1286 = arith.mulf %get3A_1282, %mul3A_1285 : vector<16xf32>
    %add3A_1287 = arith.addf %add3A_1278, %mul3A_1286 : vector<16xf32>
    %get3A_1288 = arith.constant 7 : i32
    %get3A_1289 = arith.index_cast %get3A_1288 : i32 to index
    %get3A_1290 = arith.constant 112 : index
    %get3A_1291 = tpu.vector_load %arg9[%get3A_1289, %get3A_1290] {strides = array<i32>} : memref<13x128xf32, #tpu.memory_space<vmem>>, vector<16xf32>,
    %slice3A_1292 = vector.extract_strided_slice %get3A_366 {offsets = [7], sizes = [1], strides = [1]} : vector<16xf32> to vector<1xf32>
    %squeeze3A_1293 = vector.extract %slice3A_1292[0] : f32 from vector<1xf32>
    %mul3A_1294 = vector.broadcast %squeeze3A_1293 : f32 to vector<16xf32>
    %mul3A_1295 = arith.mulf %get3A_1291, %mul3A_1294 : vector<16xf32>
    %add3A_1296 = arith.addf %add3A_1287, %mul3A_1295 : vector<16xf32>
    %get3A_1297 = arith.constant 8 : i32
    %get3A_1298 = arith.index_cast %get3A_1297 : i32 to index
    %get3A_1299 = arith.constant 112 : index
    %get3A_1300 = tpu.vector_load %arg9[%get3A_1298, %get3A_1299] {strides = array<i32>} : memref<13x128xf32, #tpu.memory_space<vmem>>, vector<16xf32>,
    %slice3A_1301 = vector.extract_strided_slice %get3A_366 {offsets = [8], sizes = [1], strides = [1]} : vector<16xf32> to vector<1xf32>
    %squeeze3A_1302 = vector.extract %slice3A_1301[0] : f32 from vector<1xf32>
    %mul3A_1303 = vector.broadcast %squeeze3A_1302 : f32 to vector<16xf32>
    %mul3A_1304 = arith.mulf %get3A_1300, %mul3A_1303 : vector<16xf32>
    %add3A_1305 = arith.addf %add3A_1296, %mul3A_1304 : vector<16xf32>
    %get3A_1306 = arith.constant 9 : i32
    %get3A_1307 = arith.index_cast %get3A_1306 : i32 to index
    %get3A_1308 = arith.constant 112 : index
    %get3A_1309 = tpu.vector_load %arg9[%get3A_1307, %get3A_1308] {strides = array<i32>} : memref<13x128xf32, #tpu.memory_space<vmem>>, vector<16xf32>,
    %slice3A_1310 = vector.extract_strided_slice %get3A_366 {offsets = [9], sizes = [1], strides = [1]} : vector<16xf32> to vector<1xf32>
    %squeeze3A_1311 = vector.extract %slice3A_1310[0] : f32 from vector<1xf32>
    %mul3A_1312 = vector.broadcast %squeeze3A_1311 : f32 to vector<16xf32>
    %mul3A_1313 = arith.mulf %get3A_1309, %mul3A_1312 : vector<16xf32>
    %add3A_1314 = arith.addf %add3A_1305, %mul3A_1313 : vector<16xf32>
    %get3A_1315 = arith.constant 10 : i32
    %get3A_1316 = arith.index_cast %get3A_1315 : i32 to index
    %get3A_1317 = arith.constant 112 : index
    %get3A_1318 = tpu.vector_load %arg9[%get3A_1316, %get3A_1317] {strides = array<i32>} : memref<13x128xf32, #tpu.memory_space<vmem>>, vector<16xf32>,
    %slice3A_1319 = vector.extract_strided_slice %get3A_366 {offsets = [10], sizes = [1], strides = [1]} : vector<16xf32> to vector<1xf32>
    %squeeze3A_1320 = vector.extract %slice3A_1319[0] : f32 from vector<1xf32>
    %mul3A_1321 = vector.broadcast %squeeze3A_1320 : f32 to vector<16xf32>
    %mul3A_1322 = arith.mulf %get3A_1318, %mul3A_1321 : vector<16xf32>
    %add3A_1323 = arith.addf %add3A_1314, %mul3A_1322 : vector<16xf32>
    %get3A_1324 = arith.constant 11 : i32
    %get3A_1325 = arith.index_cast %get3A_1324 : i32 to index
    %get3A_1326 = arith.constant 112 : index
    %get3A_1327 = tpu.vector_load %arg9[%get3A_1325, %get3A_1326] {strides = array<i32>} : memref<13x128xf32, #tpu.memory_space<vmem>>, vector<16xf32>,
    %slice3A_1328 = vector.extract_strided_slice %get3A_366 {offsets = [11], sizes = [1], strides = [1]} : vector<16xf32> to vector<1xf32>
    %squeeze3A_1329 = vector.extract %slice3A_1328[0] : f32 from vector<1xf32>
    %mul3A_1330 = vector.broadcast %squeeze3A_1329 : f32 to vector<16xf32>
    %mul3A_1331 = arith.mulf %get3A_1327, %mul3A_1330 : vector<16xf32>
    %add3A_1332 = arith.addf %add3A_1323, %mul3A_1331 : vector<16xf32>
    %get3A_1333 = arith.constant 12 : i32
    %get3A_1334 = arith.index_cast %get3A_1333 : i32 to index
    %get3A_1335 = arith.constant 112 : index
    %get3A_1336 = tpu.vector_load %arg9[%get3A_1334, %get3A_1335] {strides = array<i32>} : memref<13x128xf32, #tpu.memory_space<vmem>>, vector<16xf32>,
    %slice3A_1337 = vector.extract_strided_slice %get3A_366 {offsets = [12], sizes = [1], strides = [1]} : vector<16xf32> to vector<1xf32>
    %squeeze3A_1338 = vector.extract %slice3A_1337[0] : f32 from vector<1xf32>
    %mul3A_1339 = vector.broadcast %squeeze3A_1338 : f32 to vector<16xf32>
    %mul3A_1340 = arith.mulf %get3A_1336, %mul3A_1339 : vector<16xf32>
    %add3A_1341 = arith.addf %add3A_1332, %mul3A_1340 : vector<16xf32>
    %slice3A_1342 = vector.extract_strided_slice %get3A_366 {offsets = [13], sizes = [1], strides = [1]} : vector<16xf32> to vector<1xf32>
    %squeeze3A_1343 = vector.extract %slice3A_1342[0] : f32 from vector<1xf32>
    %slice3A_1344 = vector.extract_strided_slice %get3A_366 {offsets = [14], sizes = [1], strides = [1]} : vector<16xf32> to vector<1xf32>
    %squeeze3A_1345 = vector.extract %slice3A_1344[0] : f32 from vector<1xf32>
    %add3A_1346 = arith.addf %squeeze3A_1343, %squeeze3A_1345 : f32
    %add3A_1347 = vector.broadcast %add3A_1346 : f32 to vector<16xf32>
    %add3A_1348 = arith.addf %add3A_1341, %add3A_1347 : vector<16xf32>
    %dma_wait3A = arith.constant 0 : i32
    %dma_wait3A_1349 = arith.constant 0 : i32
    %dma_wait3A_1350 = arith.constant 0 : i32
    %dma_wait3A_1351 = arith.constant 0 : i32
    %dma_wait3A_1352 = tpu.memref_slice %arg8[%dma_wait3A_1350, %dma_wait3A_1351] : memref<26x128xf32, #tpu.memory_space<vmem>> -> memref<1x128xf32, #tpu.memory_space<vmem>>
    %dma_wait3A_1353 = tpu.memref_squeeze %dma_wait3A_1352 : memref<1x128xf32, #tpu.memory_space<vmem>> -> memref<128xf32, #tpu.memory_space<vmem>>
    %dma_wait3A_1354 = arith.constant 0 : i32
    %dma_wait3A_1355 = tpu.memref_slice %arg7[%dma_wait3A_1349, %dma_wait3A_1354] : memref<26x128xi32, #tpu.memory_space<vmem>> -> memref<1x128xi32, #tpu.memory_space<vmem>>
    %dma_wait3A_1356 = tpu.memref_squeeze %dma_wait3A_1355 : memref<1x128xi32, #tpu.memory_space<vmem>> -> memref<128xi32, #tpu.memory_space<vmem>>
    %dma_wait3A_1357 = arith.constant 0 : i32
    %dma_wait3A_1358 = tpu.memref_slice %arg4[%dma_wait3A, %dma_wait3A_1357] : memref<26x100000xf32, #tpu.memory_space<hbm>> -> memref<1x100000xf32, #tpu.memory_space<hbm>>
    %dma_wait3A_1359 = tpu.memref_squeeze %dma_wait3A_1358 : memref<1x100000xf32, #tpu.memory_space<hbm>> -> memref<100000xf32, #tpu.memory_space<hbm>>
    %dma_wait3A_1360 = arith.constant 0 : i32
    %dma_wait3A_1361 = tpu.memref_slice %dma_wait3A_1359[%dma_wait3A_1360] : memref<100000xf32, #tpu.memory_space<hbm>> -> memref<100000xf32, #tpu.memory_space<hbm>>
    tpu.wait_indirect_dma semaphore(%arg12 : memref<!tpu.dma_semaphore, #tpu.memory_space<semaphore_mem>>) src(%dma_wait3A_1361 : memref<100000xf32, #tpu.memory_space<hbm>>) dst(%dma_wait3A_1353 : memref<128xf32, #tpu.memory_space<vmem>>)
    %get3A_1362 = arith.constant 0 : i32
    %get3A_1363 = arith.index_cast %get3A_1362 : i32 to index
    %get3A_1364 = arith.constant 0 : index
    %get3A_1365 = tpu.vector_load %arg8[%get3A_1363, %get3A_1364] {strides = array<i32>} : memref<26x128xf32, #tpu.memory_space<vmem>>, vector<16xf32>,
    %add3A_1366 = arith.addf %add3A_487, %get3A_1365 : vector<16xf32>
    %get3A_1367 = arith.constant 0 : i32
    %get3A_1368 = arith.index_cast %get3A_1367 : i32 to index
    %get3A_1369 = arith.constant 16 : index
    %get3A_1370 = tpu.vector_load %arg8[%get3A_1368, %get3A_1369] {strides = array<i32>} : memref<26x128xf32, #tpu.memory_space<vmem>>, vector<16xf32>,
    %add3A_1371 = arith.addf %add3A_610, %get3A_1370 : vector<16xf32>
    %get3A_1372 = arith.constant 0 : i32
    %get3A_1373 = arith.index_cast %get3A_1372 : i32 to index
    %get3A_1374 = arith.constant 32 : index
    %get3A_1375 = tpu.vector_load %arg8[%get3A_1373, %get3A_1374] {strides = array<i32>} : memref<26x128xf32, #tpu.memory_space<vmem>>, vector<16xf32>,
    %add3A_1376 = arith.addf %add3A_733, %get3A_1375 : vector<16xf32>
    %get3A_1377 = arith.constant 0 : i32
    %get3A_1378 = arith.index_cast %get3A_1377 : i32 to index
    %get3A_1379 = arith.constant 48 : index
    %get3A_1380 = tpu.vector_load %arg8[%get3A_1378, %get3A_1379] {strides = array<i32>} : memref<26x128xf32, #tpu.memory_space<vmem>>, vector<16xf32>,
    %add3A_1381 = arith.addf %add3A_856, %get3A_1380 : vector<16xf32>
    %get3A_1382 = arith.constant 0 : i32
    %get3A_1383 = arith.index_cast %get3A_1382 : i32 to index
    %get3A_1384 = arith.constant 64 : index
    %get3A_1385 = tpu.vector_load %arg8[%get3A_1383, %get3A_1384] {strides = array<i32>} : memref<26x128xf32, #tpu.memory_space<vmem>>, vector<16xf32>,
    %add3A_1386 = arith.addf %add3A_979, %get3A_1385 : vector<16xf32>
    %get3A_1387 = arith.constant 0 : i32
    %get3A_1388 = arith.index_cast %get3A_1387 : i32 to index
    %get3A_1389 = arith.constant 80 : index
    %get3A_1390 = tpu.vector_load %arg8[%get3A_1388, %get3A_1389] {strides = array<i32>} : memref<26x128xf32, #tpu.memory_space<vmem>>, vector<16xf32>,
    %add3A_1391 = arith.addf %add3A_1102, %get3A_1390 : vector<16xf32>
    %get3A_1392 = arith.constant 0 : i32
    %get3A_1393 = arith.index_cast %get3A_1392 : i32 to index
    %get3A_1394 = arith.constant 96 : index
    %get3A_1395 = tpu.vector_load %arg8[%get3A_1393, %get3A_1394] {strides = array<i32>} : memref<26x128xf32, #tpu.memory_space<vmem>>, vector<16xf32>,
    %add3A_1396 = arith.addf %add3A_1225, %get3A_1395 : vector<16xf32>
    %get3A_1397 = arith.constant 0 : i32
    %get3A_1398 = arith.index_cast %get3A_1397 : i32 to index
    %get3A_1399 = arith.constant 112 : index
    %get3A_1400 = tpu.vector_load %arg8[%get3A_1398, %get3A_1399] {strides = array<i32>} : memref<26x128xf32, #tpu.memory_space<vmem>>, vector<16xf32>,
    %add3A_1401 = arith.addf %add3A_1348, %get3A_1400 : vector<16xf32>
    %dma_wait3A_1402 = arith.constant 1 : i32
    %dma_wait3A_1403 = arith.constant 1 : i32
    %dma_wait3A_1404 = arith.constant 1 : i32
    %dma_wait3A_1405 = arith.constant 0 : i32
    %dma_wait3A_1406 = tpu.memref_slice %arg8[%dma_wait3A_1404, %dma_wait3A_1405] : memref<26x128xf32, #tpu.memory_space<vmem>> -> memref<1x128xf32, #tpu.memory_space<vmem>>
    %dma_wait3A_1407 = tpu.memref_squeeze %dma_wait3A_1406 : memref<1x128xf32, #tpu.memory_space<vmem>> -> memref<128xf32, #tpu.memory_space<vmem>>
    %dma_wait3A_1408 = arith.constant 0 : i32
    %dma_wait3A_1409 = tpu.memref_slice %arg7[%dma_wait3A_1403, %dma_wait3A_1408] : memref<26x128xi32, #tpu.memory_space<vmem>> -> memref<1x128xi32, #tpu.memory_space<vmem>>
    %dma_wait3A_1410 = tpu.memref_squeeze %dma_wait3A_1409 : memref<1x128xi32, #tpu.memory_space<vmem>> -> memref<128xi32, #tpu.memory_space<vmem>>
    %dma_wait3A_1411 = arith.constant 0 : i32
    %dma_wait3A_1412 = tpu.memref_slice %arg4[%dma_wait3A_1402, %dma_wait3A_1411] : memref<26x100000xf32, #tpu.memory_space<hbm>> -> memref<1x100000xf32, #tpu.memory_space<hbm>>
    %dma_wait3A_1413 = tpu.memref_squeeze %dma_wait3A_1412 : memref<1x100000xf32, #tpu.memory_space<hbm>> -> memref<100000xf32, #tpu.memory_space<hbm>>
    %dma_wait3A_1414 = arith.constant 0 : i32
    %dma_wait3A_1415 = tpu.memref_slice %dma_wait3A_1413[%dma_wait3A_1414] : memref<100000xf32, #tpu.memory_space<hbm>> -> memref<100000xf32, #tpu.memory_space<hbm>>
    tpu.wait_indirect_dma semaphore(%arg12 : memref<!tpu.dma_semaphore, #tpu.memory_space<semaphore_mem>>) src(%dma_wait3A_1415 : memref<100000xf32, #tpu.memory_space<hbm>>) dst(%dma_wait3A_1407 : memref<128xf32, #tpu.memory_space<vmem>>)
    %get3A_1416 = arith.constant 1 : i32
    %get3A_1417 = arith.index_cast %get3A_1416 : i32 to index
    %get3A_1418 = arith.constant 0 : index
    %get3A_1419 = tpu.vector_load %arg8[%get3A_1417, %get3A_1418] {strides = array<i32>} : memref<26x128xf32, #tpu.memory_space<vmem>>, vector<16xf32>,
    %add3A_1420 = arith.addf %add3A_1366, %get3A_1419 : vector<16xf32>
    %get3A_1421 = arith.constant 1 : i32
    %get3A_1422 = arith.index_cast %get3A_1421 : i32 to index
    %get3A_1423 = arith.constant 16 : index
    %get3A_1424 = tpu.vector_load %arg8[%get3A_1422, %get3A_1423] {strides = array<i32>} : memref<26x128xf32, #tpu.memory_space<vmem>>, vector<16xf32>,
    %add3A_1425 = arith.addf %add3A_1371, %get3A_1424 : vector<16xf32>
    %get3A_1426 = arith.constant 1 : i32
    %get3A_1427 = arith.index_cast %get3A_1426 : i32 to index
    %get3A_1428 = arith.constant 32 : index
    %get3A_1429 = tpu.vector_load %arg8[%get3A_1427, %get3A_1428] {strides = array<i32>} : memref<26x128xf32, #tpu.memory_space<vmem>>, vector<16xf32>,
    %add3A_1430 = arith.addf %add3A_1376, %get3A_1429 : vector<16xf32>
    %get3A_1431 = arith.constant 1 : i32
    %get3A_1432 = arith.index_cast %get3A_1431 : i32 to index
    %get3A_1433 = arith.constant 48 : index
    %get3A_1434 = tpu.vector_load %arg8[%get3A_1432, %get3A_1433] {strides = array<i32>} : memref<26x128xf32, #tpu.memory_space<vmem>>, vector<16xf32>,
    %add3A_1435 = arith.addf %add3A_1381, %get3A_1434 : vector<16xf32>
    %get3A_1436 = arith.constant 1 : i32
    %get3A_1437 = arith.index_cast %get3A_1436 : i32 to index
    %get3A_1438 = arith.constant 64 : index
    %get3A_1439 = tpu.vector_load %arg8[%get3A_1437, %get3A_1438] {strides = array<i32>} : memref<26x128xf32, #tpu.memory_space<vmem>>, vector<16xf32>,
    %add3A_1440 = arith.addf %add3A_1386, %get3A_1439 : vector<16xf32>
    %get3A_1441 = arith.constant 1 : i32
    %get3A_1442 = arith.index_cast %get3A_1441 : i32 to index
    %get3A_1443 = arith.constant 80 : index
    %get3A_1444 = tpu.vector_load %arg8[%get3A_1442, %get3A_1443] {strides = array<i32>} : memref<26x128xf32, #tpu.memory_space<vmem>>, vector<16xf32>,
    %add3A_1445 = arith.addf %add3A_1391, %get3A_1444 : vector<16xf32>
    %get3A_1446 = arith.constant 1 : i32
    %get3A_1447 = arith.index_cast %get3A_1446 : i32 to index
    %get3A_1448 = arith.constant 96 : index
    %get3A_1449 = tpu.vector_load %arg8[%get3A_1447, %get3A_1448] {strides = array<i32>} : memref<26x128xf32, #tpu.memory_space<vmem>>, vector<16xf32>,
    %add3A_1450 = arith.addf %add3A_1396, %get3A_1449 : vector<16xf32>
    %get3A_1451 = arith.constant 1 : i32
    %get3A_1452 = arith.index_cast %get3A_1451 : i32 to index
    %get3A_1453 = arith.constant 112 : index
    %get3A_1454 = tpu.vector_load %arg8[%get3A_1452, %get3A_1453] {strides = array<i32>} : memref<26x128xf32, #tpu.memory_space<vmem>>, vector<16xf32>,
    %add3A_1455 = arith.addf %add3A_1401, %get3A_1454 : vector<16xf32>
    %dma_wait3A_1456 = arith.constant 2 : i32
    %dma_wait3A_1457 = arith.constant 2 : i32
    %dma_wait3A_1458 = arith.constant 2 : i32
    %dma_wait3A_1459 = arith.constant 0 : i32
    %dma_wait3A_1460 = tpu.memref_slice %arg8[%dma_wait3A_1458, %dma_wait3A_1459] : memref<26x128xf32, #tpu.memory_space<vmem>> -> memref<1x128xf32, #tpu.memory_space<vmem>>
    %dma_wait3A_1461 = tpu.memref_squeeze %dma_wait3A_1460 : memref<1x128xf32, #tpu.memory_space<vmem>> -> memref<128xf32, #tpu.memory_space<vmem>>
    %dma_wait3A_1462 = arith.constant 0 : i32
    %dma_wait3A_1463 = tpu.memref_slice %arg7[%dma_wait3A_1457, %dma_wait3A_1462] : memref<26x128xi32, #tpu.memory_space<vmem>> -> memref<1x128xi32, #tpu.memory_space<vmem>>
    %dma_wait3A_1464 = tpu.memref_squeeze %dma_wait3A_1463 : memref<1x128xi32, #tpu.memory_space<vmem>> -> memref<128xi32, #tpu.memory_space<vmem>>
    %dma_wait3A_1465 = arith.constant 0 : i32
    %dma_wait3A_1466 = tpu.memref_slice %arg4[%dma_wait3A_1456, %dma_wait3A_1465] : memref<26x100000xf32, #tpu.memory_space<hbm>> -> memref<1x100000xf32, #tpu.memory_space<hbm>>
    %dma_wait3A_1467 = tpu.memref_squeeze %dma_wait3A_1466 : memref<1x100000xf32, #tpu.memory_space<hbm>> -> memref<100000xf32, #tpu.memory_space<hbm>>
    %dma_wait3A_1468 = arith.constant 0 : i32
    %dma_wait3A_1469 = tpu.memref_slice %dma_wait3A_1467[%dma_wait3A_1468] : memref<100000xf32, #tpu.memory_space<hbm>> -> memref<100000xf32, #tpu.memory_space<hbm>>
    tpu.wait_indirect_dma semaphore(%arg12 : memref<!tpu.dma_semaphore, #tpu.memory_space<semaphore_mem>>) src(%dma_wait3A_1469 : memref<100000xf32, #tpu.memory_space<hbm>>) dst(%dma_wait3A_1461 : memref<128xf32, #tpu.memory_space<vmem>>)
    %get3A_1470 = arith.constant 2 : i32
    %get3A_1471 = arith.index_cast %get3A_1470 : i32 to index
    %get3A_1472 = arith.constant 0 : index
    %get3A_1473 = tpu.vector_load %arg8[%get3A_1471, %get3A_1472] {strides = array<i32>} : memref<26x128xf32, #tpu.memory_space<vmem>>, vector<16xf32>,
    %add3A_1474 = arith.addf %add3A_1420, %get3A_1473 : vector<16xf32>
    %get3A_1475 = arith.constant 2 : i32
    %get3A_1476 = arith.index_cast %get3A_1475 : i32 to index
    %get3A_1477 = arith.constant 16 : index
    %get3A_1478 = tpu.vector_load %arg8[%get3A_1476, %get3A_1477] {strides = array<i32>} : memref<26x128xf32, #tpu.memory_space<vmem>>, vector<16xf32>,
    %add3A_1479 = arith.addf %add3A_1425, %get3A_1478 : vector<16xf32>
    %get3A_1480 = arith.constant 2 : i32
    %get3A_1481 = arith.index_cast %get3A_1480 : i32 to index
    %get3A_1482 = arith.constant 32 : index
    %get3A_1483 = tpu.vector_load %arg8[%get3A_1481, %get3A_1482] {strides = array<i32>} : memref<26x128xf32, #tpu.memory_space<vmem>>, vector<16xf32>,
    %add3A_1484 = arith.addf %add3A_1430, %get3A_1483 : vector<16xf32>
    %get3A_1485 = arith.constant 2 : i32
    %get3A_1486 = arith.index_cast %get3A_1485 : i32 to index
    %get3A_1487 = arith.constant 48 : index
    %get3A_1488 = tpu.vector_load %arg8[%get3A_1486, %get3A_1487] {strides = array<i32>} : memref<26x128xf32, #tpu.memory_space<vmem>>, vector<16xf32>,
    %add3A_1489 = arith.addf %add3A_1435, %get3A_1488 : vector<16xf32>
    %get3A_1490 = arith.constant 2 : i32
    %get3A_1491 = arith.index_cast %get3A_1490 : i32 to index
    %get3A_1492 = arith.constant 64 : index
    %get3A_1493 = tpu.vector_load %arg8[%get3A_1491, %get3A_1492] {strides = array<i32>} : memref<26x128xf32, #tpu.memory_space<vmem>>, vector<16xf32>,
    %add3A_1494 = arith.addf %add3A_1440, %get3A_1493 : vector<16xf32>
    %get3A_1495 = arith.constant 2 : i32
    %get3A_1496 = arith.index_cast %get3A_1495 : i32 to index
    %get3A_1497 = arith.constant 80 : index
    %get3A_1498 = tpu.vector_load %arg8[%get3A_1496, %get3A_1497] {strides = array<i32>} : memref<26x128xf32, #tpu.memory_space<vmem>>, vector<16xf32>,
    %add3A_1499 = arith.addf %add3A_1445, %get3A_1498 : vector<16xf32>
    %get3A_1500 = arith.constant 2 : i32
    %get3A_1501 = arith.index_cast %get3A_1500 : i32 to index
    %get3A_1502 = arith.constant 96 : index
    %get3A_1503 = tpu.vector_load %arg8[%get3A_1501, %get3A_1502] {strides = array<i32>} : memref<26x128xf32, #tpu.memory_space<vmem>>, vector<16xf32>,
    %add3A_1504 = arith.addf %add3A_1450, %get3A_1503 : vector<16xf32>
    %get3A_1505 = arith.constant 2 : i32
    %get3A_1506 = arith.index_cast %get3A_1505 : i32 to index
    %get3A_1507 = arith.constant 112 : index
    %get3A_1508 = tpu.vector_load %arg8[%get3A_1506, %get3A_1507] {strides = array<i32>} : memref<26x128xf32, #tpu.memory_space<vmem>>, vector<16xf32>,
    %add3A_1509 = arith.addf %add3A_1455, %get3A_1508 : vector<16xf32>
    %dma_wait3A_1510 = arith.constant 3 : i32
    %dma_wait3A_1511 = arith.constant 3 : i32
    %dma_wait3A_1512 = arith.constant 3 : i32
    %dma_wait3A_1513 = arith.constant 0 : i32
    %dma_wait3A_1514 = tpu.memref_slice %arg8[%dma_wait3A_1512, %dma_wait3A_1513] : memref<26x128xf32, #tpu.memory_space<vmem>> -> memref<1x128xf32, #tpu.memory_space<vmem>>
    %dma_wait3A_1515 = tpu.memref_squeeze %dma_wait3A_1514 : memref<1x128xf32, #tpu.memory_space<vmem>> -> memref<128xf32, #tpu.memory_space<vmem>>
    %dma_wait3A_1516 = arith.constant 0 : i32
    %dma_wait3A_1517 = tpu.memref_slice %arg7[%dma_wait3A_1511, %dma_wait3A_1516] : memref<26x128xi32, #tpu.memory_space<vmem>> -> memref<1x128xi32, #tpu.memory_space<vmem>>
    %dma_wait3A_1518 = tpu.memref_squeeze %dma_wait3A_1517 : memref<1x128xi32, #tpu.memory_space<vmem>> -> memref<128xi32, #tpu.memory_space<vmem>>
    %dma_wait3A_1519 = arith.constant 0 : i32
    %dma_wait3A_1520 = tpu.memref_slice %arg4[%dma_wait3A_1510, %dma_wait3A_1519] : memref<26x100000xf32, #tpu.memory_space<hbm>> -> memref<1x100000xf32, #tpu.memory_space<hbm>>
    %dma_wait3A_1521 = tpu.memref_squeeze %dma_wait3A_1520 : memref<1x100000xf32, #tpu.memory_space<hbm>> -> memref<100000xf32, #tpu.memory_space<hbm>>
    %dma_wait3A_1522 = arith.constant 0 : i32
    %dma_wait3A_1523 = tpu.memref_slice %dma_wait3A_1521[%dma_wait3A_1522] : memref<100000xf32, #tpu.memory_space<hbm>> -> memref<100000xf32, #tpu.memory_space<hbm>>
    tpu.wait_indirect_dma semaphore(%arg12 : memref<!tpu.dma_semaphore, #tpu.memory_space<semaphore_mem>>) src(%dma_wait3A_1523 : memref<100000xf32, #tpu.memory_space<hbm>>) dst(%dma_wait3A_1515 : memref<128xf32, #tpu.memory_space<vmem>>)
    %get3A_1524 = arith.constant 3 : i32
    %get3A_1525 = arith.index_cast %get3A_1524 : i32 to index
    %get3A_1526 = arith.constant 0 : index
    %get3A_1527 = tpu.vector_load %arg8[%get3A_1525, %get3A_1526] {strides = array<i32>} : memref<26x128xf32, #tpu.memory_space<vmem>>, vector<16xf32>,
    %add3A_1528 = arith.addf %add3A_1474, %get3A_1527 : vector<16xf32>
    %get3A_1529 = arith.constant 3 : i32
    %get3A_1530 = arith.index_cast %get3A_1529 : i32 to index
    %get3A_1531 = arith.constant 16 : index
    %get3A_1532 = tpu.vector_load %arg8[%get3A_1530, %get3A_1531] {strides = array<i32>} : memref<26x128xf32, #tpu.memory_space<vmem>>, vector<16xf32>,
    %add3A_1533 = arith.addf %add3A_1479, %get3A_1532 : vector<16xf32>
    %get3A_1534 = arith.constant 3 : i32
    %get3A_1535 = arith.index_cast %get3A_1534 : i32 to index
    %get3A_1536 = arith.constant 32 : index
    %get3A_1537 = tpu.vector_load %arg8[%get3A_1535, %get3A_1536] {strides = array<i32>} : memref<26x128xf32, #tpu.memory_space<vmem>>, vector<16xf32>,
    %add3A_1538 = arith.addf %add3A_1484, %get3A_1537 : vector<16xf32>
    %get3A_1539 = arith.constant 3 : i32
    %get3A_1540 = arith.index_cast %get3A_1539 : i32 to index
    %get3A_1541 = arith.constant 48 : index
    %get3A_1542 = tpu.vector_load %arg8[%get3A_1540, %get3A_1541] {strides = array<i32>} : memref<26x128xf32, #tpu.memory_space<vmem>>, vector<16xf32>,
    %add3A_1543 = arith.addf %add3A_1489, %get3A_1542 : vector<16xf32>
    %get3A_1544 = arith.constant 3 : i32
    %get3A_1545 = arith.index_cast %get3A_1544 : i32 to index
    %get3A_1546 = arith.constant 64 : index
    %get3A_1547 = tpu.vector_load %arg8[%get3A_1545, %get3A_1546] {strides = array<i32>} : memref<26x128xf32, #tpu.memory_space<vmem>>, vector<16xf32>,
    %add3A_1548 = arith.addf %add3A_1494, %get3A_1547 : vector<16xf32>
    %get3A_1549 = arith.constant 3 : i32
    %get3A_1550 = arith.index_cast %get3A_1549 : i32 to index
    %get3A_1551 = arith.constant 80 : index
    %get3A_1552 = tpu.vector_load %arg8[%get3A_1550, %get3A_1551] {strides = array<i32>} : memref<26x128xf32, #tpu.memory_space<vmem>>, vector<16xf32>,
    %add3A_1553 = arith.addf %add3A_1499, %get3A_1552 : vector<16xf32>
    %get3A_1554 = arith.constant 3 : i32
    %get3A_1555 = arith.index_cast %get3A_1554 : i32 to index
    %get3A_1556 = arith.constant 96 : index
    %get3A_1557 = tpu.vector_load %arg8[%get3A_1555, %get3A_1556] {strides = array<i32>} : memref<26x128xf32, #tpu.memory_space<vmem>>, vector<16xf32>,
    %add3A_1558 = arith.addf %add3A_1504, %get3A_1557 : vector<16xf32>
    %get3A_1559 = arith.constant 3 : i32
    %get3A_1560 = arith.index_cast %get3A_1559 : i32 to index
    %get3A_1561 = arith.constant 112 : index
    %get3A_1562 = tpu.vector_load %arg8[%get3A_1560, %get3A_1561] {strides = array<i32>} : memref<26x128xf32, #tpu.memory_space<vmem>>, vector<16xf32>,
    %add3A_1563 = arith.addf %add3A_1509, %get3A_1562 : vector<16xf32>
    %dma_wait3A_1564 = arith.constant 4 : i32
    %dma_wait3A_1565 = arith.constant 4 : i32
    %dma_wait3A_1566 = arith.constant 4 : i32
    %dma_wait3A_1567 = arith.constant 0 : i32
    %dma_wait3A_1568 = tpu.memref_slice %arg8[%dma_wait3A_1566, %dma_wait3A_1567] : memref<26x128xf32, #tpu.memory_space<vmem>> -> memref<1x128xf32, #tpu.memory_space<vmem>>
    %dma_wait3A_1569 = tpu.memref_squeeze %dma_wait3A_1568 : memref<1x128xf32, #tpu.memory_space<vmem>> -> memref<128xf32, #tpu.memory_space<vmem>>
    %dma_wait3A_1570 = arith.constant 0 : i32
    %dma_wait3A_1571 = tpu.memref_slice %arg7[%dma_wait3A_1565, %dma_wait3A_1570] : memref<26x128xi32, #tpu.memory_space<vmem>> -> memref<1x128xi32, #tpu.memory_space<vmem>>
    %dma_wait3A_1572 = tpu.memref_squeeze %dma_wait3A_1571 : memref<1x128xi32, #tpu.memory_space<vmem>> -> memref<128xi32, #tpu.memory_space<vmem>>
    %dma_wait3A_1573 = arith.constant 0 : i32
    %dma_wait3A_1574 = tpu.memref_slice %arg4[%dma_wait3A_1564, %dma_wait3A_1573] : memref<26x100000xf32, #tpu.memory_space<hbm>> -> memref<1x100000xf32, #tpu.memory_space<hbm>>
    %dma_wait3A_1575 = tpu.memref_squeeze %dma_wait3A_1574 : memref<1x100000xf32, #tpu.memory_space<hbm>> -> memref<100000xf32, #tpu.memory_space<hbm>>
    %dma_wait3A_1576 = arith.constant 0 : i32
    %dma_wait3A_1577 = tpu.memref_slice %dma_wait3A_1575[%dma_wait3A_1576] : memref<100000xf32, #tpu.memory_space<hbm>> -> memref<100000xf32, #tpu.memory_space<hbm>>
    tpu.wait_indirect_dma semaphore(%arg12 : memref<!tpu.dma_semaphore, #tpu.memory_space<semaphore_mem>>) src(%dma_wait3A_1577 : memref<100000xf32, #tpu.memory_space<hbm>>) dst(%dma_wait3A_1569 : memref<128xf32, #tpu.memory_space<vmem>>)
    %get3A_1578 = arith.constant 4 : i32
    %get3A_1579 = arith.index_cast %get3A_1578 : i32 to index
    %get3A_1580 = arith.constant 0 : index
    %get3A_1581 = tpu.vector_load %arg8[%get3A_1579, %get3A_1580] {strides = array<i32>} : memref<26x128xf32, #tpu.memory_space<vmem>>, vector<16xf32>,
    %add3A_1582 = arith.addf %add3A_1528, %get3A_1581 : vector<16xf32>
    %get3A_1583 = arith.constant 4 : i32
    %get3A_1584 = arith.index_cast %get3A_1583 : i32 to index
    %get3A_1585 = arith.constant 16 : index
    %get3A_1586 = tpu.vector_load %arg8[%get3A_1584, %get3A_1585] {strides = array<i32>} : memref<26x128xf32, #tpu.memory_space<vmem>>, vector<16xf32>,
    %add3A_1587 = arith.addf %add3A_1533, %get3A_1586 : vector<16xf32>
    %get3A_1588 = arith.constant 4 : i32
    %get3A_1589 = arith.index_cast %get3A_1588 : i32 to index
    %get3A_1590 = arith.constant 32 : index
    %get3A_1591 = tpu.vector_load %arg8[%get3A_1589, %get3A_1590] {strides = array<i32>} : memref<26x128xf32, #tpu.memory_space<vmem>>, vector<16xf32>,
    %add3A_1592 = arith.addf %add3A_1538, %get3A_1591 : vector<16xf32>
    %get3A_1593 = arith.constant 4 : i32
    %get3A_1594 = arith.index_cast %get3A_1593 : i32 to index
    %get3A_1595 = arith.constant 48 : index
    %get3A_1596 = tpu.vector_load %arg8[%get3A_1594, %get3A_1595] {strides = array<i32>} : memref<26x128xf32, #tpu.memory_space<vmem>>, vector<16xf32>,
    %add3A_1597 = arith.addf %add3A_1543, %get3A_1596 : vector<16xf32>
    %get3A_1598 = arith.constant 4 : i32
    %get3A_1599 = arith.index_cast %get3A_1598 : i32 to index
    %get3A_1600 = arith.constant 64 : index
    %get3A_1601 = tpu.vector_load %arg8[%get3A_1599, %get3A_1600] {strides = array<i32>} : memref<26x128xf32, #tpu.memory_space<vmem>>, vector<16xf32>,
    %add3A_1602 = arith.addf %add3A_1548, %get3A_1601 : vector<16xf32>
    %get3A_1603 = arith.constant 4 : i32
    %get3A_1604 = arith.index_cast %get3A_1603 : i32 to index
    %get3A_1605 = arith.constant 80 : index
    %get3A_1606 = tpu.vector_load %arg8[%get3A_1604, %get3A_1605] {strides = array<i32>} : memref<26x128xf32, #tpu.memory_space<vmem>>, vector<16xf32>,
    %add3A_1607 = arith.addf %add3A_1553, %get3A_1606 : vector<16xf32>
    %get3A_1608 = arith.constant 4 : i32
    %get3A_1609 = arith.index_cast %get3A_1608 : i32 to index
    %get3A_1610 = arith.constant 96 : index
    %get3A_1611 = tpu.vector_load %arg8[%get3A_1609, %get3A_1610] {strides = array<i32>} : memref<26x128xf32, #tpu.memory_space<vmem>>, vector<16xf32>,
    %add3A_1612 = arith.addf %add3A_1558, %get3A_1611 : vector<16xf32>
    %get3A_1613 = arith.constant 4 : i32
    %get3A_1614 = arith.index_cast %get3A_1613 : i32 to index
    %get3A_1615 = arith.constant 112 : index
    %get3A_1616 = tpu.vector_load %arg8[%get3A_1614, %get3A_1615] {strides = array<i32>} : memref<26x128xf32, #tpu.memory_space<vmem>>, vector<16xf32>,
    %add3A_1617 = arith.addf %add3A_1563, %get3A_1616 : vector<16xf32>
    %dma_wait3A_1618 = arith.constant 5 : i32
    %dma_wait3A_1619 = arith.constant 5 : i32
    %dma_wait3A_1620 = arith.constant 5 : i32
    %dma_wait3A_1621 = arith.constant 0 : i32
    %dma_wait3A_1622 = tpu.memref_slice %arg8[%dma_wait3A_1620, %dma_wait3A_1621] : memref<26x128xf32, #tpu.memory_space<vmem>> -> memref<1x128xf32, #tpu.memory_space<vmem>>
    %dma_wait3A_1623 = tpu.memref_squeeze %dma_wait3A_1622 : memref<1x128xf32, #tpu.memory_space<vmem>> -> memref<128xf32, #tpu.memory_space<vmem>>
    %dma_wait3A_1624 = arith.constant 0 : i32
    %dma_wait3A_1625 = tpu.memref_slice %arg7[%dma_wait3A_1619, %dma_wait3A_1624] : memref<26x128xi32, #tpu.memory_space<vmem>> -> memref<1x128xi32, #tpu.memory_space<vmem>>
    %dma_wait3A_1626 = tpu.memref_squeeze %dma_wait3A_1625 : memref<1x128xi32, #tpu.memory_space<vmem>> -> memref<128xi32, #tpu.memory_space<vmem>>
    %dma_wait3A_1627 = arith.constant 0 : i32
    %dma_wait3A_1628 = tpu.memref_slice %arg4[%dma_wait3A_1618, %dma_wait3A_1627] : memref<26x100000xf32, #tpu.memory_space<hbm>> -> memref<1x100000xf32, #tpu.memory_space<hbm>>
    %dma_wait3A_1629 = tpu.memref_squeeze %dma_wait3A_1628 : memref<1x100000xf32, #tpu.memory_space<hbm>> -> memref<100000xf32, #tpu.memory_space<hbm>>
    %dma_wait3A_1630 = arith.constant 0 : i32
    %dma_wait3A_1631 = tpu.memref_slice %dma_wait3A_1629[%dma_wait3A_1630] : memref<100000xf32, #tpu.memory_space<hbm>> -> memref<100000xf32, #tpu.memory_space<hbm>>
    tpu.wait_indirect_dma semaphore(%arg12 : memref<!tpu.dma_semaphore, #tpu.memory_space<semaphore_mem>>) src(%dma_wait3A_1631 : memref<100000xf32, #tpu.memory_space<hbm>>) dst(%dma_wait3A_1623 : memref<128xf32, #tpu.memory_space<vmem>>)
    %get3A_1632 = arith.constant 5 : i32
    %get3A_1633 = arith.index_cast %get3A_1632 : i32 to index
    %get3A_1634 = arith.constant 0 : index
    %get3A_1635 = tpu.vector_load %arg8[%get3A_1633, %get3A_1634] {strides = array<i32>} : memref<26x128xf32, #tpu.memory_space<vmem>>, vector<16xf32>,
    %add3A_1636 = arith.addf %add3A_1582, %get3A_1635 : vector<16xf32>
    %get3A_1637 = arith.constant 5 : i32
    %get3A_1638 = arith.index_cast %get3A_1637 : i32 to index
    %get3A_1639 = arith.constant 16 : index
    %get3A_1640 = tpu.vector_load %arg8[%get3A_1638, %get3A_1639] {strides = array<i32>} : memref<26x128xf32, #tpu.memory_space<vmem>>, vector<16xf32>,
    %add3A_1641 = arith.addf %add3A_1587, %get3A_1640 : vector<16xf32>
    %get3A_1642 = arith.constant 5 : i32
    %get3A_1643 = arith.index_cast %get3A_1642 : i32 to index
    %get3A_1644 = arith.constant 32 : index
    %get3A_1645 = tpu.vector_load %arg8[%get3A_1643, %get3A_1644] {strides = array<i32>} : memref<26x128xf32, #tpu.memory_space<vmem>>, vector<16xf32>,
    %add3A_1646 = arith.addf %add3A_1592, %get3A_1645 : vector<16xf32>
    %get3A_1647 = arith.constant 5 : i32
    %get3A_1648 = arith.index_cast %get3A_1647 : i32 to index
    %get3A_1649 = arith.constant 48 : index
    %get3A_1650 = tpu.vector_load %arg8[%get3A_1648, %get3A_1649] {strides = array<i32>} : memref<26x128xf32, #tpu.memory_space<vmem>>, vector<16xf32>,
    %add3A_1651 = arith.addf %add3A_1597, %get3A_1650 : vector<16xf32>
    %get3A_1652 = arith.constant 5 : i32
    %get3A_1653 = arith.index_cast %get3A_1652 : i32 to index
    %get3A_1654 = arith.constant 64 : index
    %get3A_1655 = tpu.vector_load %arg8[%get3A_1653, %get3A_1654] {strides = array<i32>} : memref<26x128xf32, #tpu.memory_space<vmem>>, vector<16xf32>,
    %add3A_1656 = arith.addf %add3A_1602, %get3A_1655 : vector<16xf32>
    %get3A_1657 = arith.constant 5 : i32
    %get3A_1658 = arith.index_cast %get3A_1657 : i32 to index
    %get3A_1659 = arith.constant 80 : index
    %get3A_1660 = tpu.vector_load %arg8[%get3A_1658, %get3A_1659] {strides = array<i32>} : memref<26x128xf32, #tpu.memory_space<vmem>>, vector<16xf32>,
    %add3A_1661 = arith.addf %add3A_1607, %get3A_1660 : vector<16xf32>
    %get3A_1662 = arith.constant 5 : i32
    %get3A_1663 = arith.index_cast %get3A_1662 : i32 to index
    %get3A_1664 = arith.constant 96 : index
    %get3A_1665 = tpu.vector_load %arg8[%get3A_1663, %get3A_1664] {strides = array<i32>} : memref<26x128xf32, #tpu.memory_space<vmem>>, vector<16xf32>,
    %add3A_1666 = arith.addf %add3A_1612, %get3A_1665 : vector<16xf32>
    %get3A_1667 = arith.constant 5 : i32
    %get3A_1668 = arith.index_cast %get3A_1667 : i32 to index
    %get3A_1669 = arith.constant 112 : index
    %get3A_1670 = tpu.vector_load %arg8[%get3A_1668, %get3A_1669] {strides = array<i32>} : memref<26x128xf32, #tpu.memory_space<vmem>>, vector<16xf32>,
    %add3A_1671 = arith.addf %add3A_1617, %get3A_1670 : vector<16xf32>
    %dma_wait3A_1672 = arith.constant 6 : i32
    %dma_wait3A_1673 = arith.constant 6 : i32
    %dma_wait3A_1674 = arith.constant 6 : i32
    %dma_wait3A_1675 = arith.constant 0 : i32
    %dma_wait3A_1676 = tpu.memref_slice %arg8[%dma_wait3A_1674, %dma_wait3A_1675] : memref<26x128xf32, #tpu.memory_space<vmem>> -> memref<1x128xf32, #tpu.memory_space<vmem>>
    %dma_wait3A_1677 = tpu.memref_squeeze %dma_wait3A_1676 : memref<1x128xf32, #tpu.memory_space<vmem>> -> memref<128xf32, #tpu.memory_space<vmem>>
    %dma_wait3A_1678 = arith.constant 0 : i32
    %dma_wait3A_1679 = tpu.memref_slice %arg7[%dma_wait3A_1673, %dma_wait3A_1678] : memref<26x128xi32, #tpu.memory_space<vmem>> -> memref<1x128xi32, #tpu.memory_space<vmem>>
    %dma_wait3A_1680 = tpu.memref_squeeze %dma_wait3A_1679 : memref<1x128xi32, #tpu.memory_space<vmem>> -> memref<128xi32, #tpu.memory_space<vmem>>
    %dma_wait3A_1681 = arith.constant 0 : i32
    %dma_wait3A_1682 = tpu.memref_slice %arg4[%dma_wait3A_1672, %dma_wait3A_1681] : memref<26x100000xf32, #tpu.memory_space<hbm>> -> memref<1x100000xf32, #tpu.memory_space<hbm>>
    %dma_wait3A_1683 = tpu.memref_squeeze %dma_wait3A_1682 : memref<1x100000xf32, #tpu.memory_space<hbm>> -> memref<100000xf32, #tpu.memory_space<hbm>>
    %dma_wait3A_1684 = arith.constant 0 : i32
    %dma_wait3A_1685 = tpu.memref_slice %dma_wait3A_1683[%dma_wait3A_1684] : memref<100000xf32, #tpu.memory_space<hbm>> -> memref<100000xf32, #tpu.memory_space<hbm>>
    tpu.wait_indirect_dma semaphore(%arg12 : memref<!tpu.dma_semaphore, #tpu.memory_space<semaphore_mem>>) src(%dma_wait3A_1685 : memref<100000xf32, #tpu.memory_space<hbm>>) dst(%dma_wait3A_1677 : memref<128xf32, #tpu.memory_space<vmem>>)
    %get3A_1686 = arith.constant 6 : i32
    %get3A_1687 = arith.index_cast %get3A_1686 : i32 to index
    %get3A_1688 = arith.constant 0 : index
    %get3A_1689 = tpu.vector_load %arg8[%get3A_1687, %get3A_1688] {strides = array<i32>} : memref<26x128xf32, #tpu.memory_space<vmem>>, vector<16xf32>,
    %add3A_1690 = arith.addf %add3A_1636, %get3A_1689 : vector<16xf32>
    %get3A_1691 = arith.constant 6 : i32
    %get3A_1692 = arith.index_cast %get3A_1691 : i32 to index
    %get3A_1693 = arith.constant 16 : index
    %get3A_1694 = tpu.vector_load %arg8[%get3A_1692, %get3A_1693] {strides = array<i32>} : memref<26x128xf32, #tpu.memory_space<vmem>>, vector<16xf32>,
    %add3A_1695 = arith.addf %add3A_1641, %get3A_1694 : vector<16xf32>
    %get3A_1696 = arith.constant 6 : i32
    %get3A_1697 = arith.index_cast %get3A_1696 : i32 to index
    %get3A_1698 = arith.constant 32 : index
    %get3A_1699 = tpu.vector_load %arg8[%get3A_1697, %get3A_1698] {strides = array<i32>} : memref<26x128xf32, #tpu.memory_space<vmem>>, vector<16xf32>,
    %add3A_1700 = arith.addf %add3A_1646, %get3A_1699 : vector<16xf32>
    %get3A_1701 = arith.constant 6 : i32
    %get3A_1702 = arith.index_cast %get3A_1701 : i32 to index
    %get3A_1703 = arith.constant 48 : index
    %get3A_1704 = tpu.vector_load %arg8[%get3A_1702, %get3A_1703] {strides = array<i32>} : memref<26x128xf32, #tpu.memory_space<vmem>>, vector<16xf32>,
    %add3A_1705 = arith.addf %add3A_1651, %get3A_1704 : vector<16xf32>
    %get3A_1706 = arith.constant 6 : i32
    %get3A_1707 = arith.index_cast %get3A_1706 : i32 to index
    %get3A_1708 = arith.constant 64 : index
    %get3A_1709 = tpu.vector_load %arg8[%get3A_1707, %get3A_1708] {strides = array<i32>} : memref<26x128xf32, #tpu.memory_space<vmem>>, vector<16xf32>,
    %add3A_1710 = arith.addf %add3A_1656, %get3A_1709 : vector<16xf32>
    %get3A_1711 = arith.constant 6 : i32
    %get3A_1712 = arith.index_cast %get3A_1711 : i32 to index
    %get3A_1713 = arith.constant 80 : index
    %get3A_1714 = tpu.vector_load %arg8[%get3A_1712, %get3A_1713] {strides = array<i32>} : memref<26x128xf32, #tpu.memory_space<vmem>>, vector<16xf32>,
    %add3A_1715 = arith.addf %add3A_1661, %get3A_1714 : vector<16xf32>
    %get3A_1716 = arith.constant 6 : i32
    %get3A_1717 = arith.index_cast %get3A_1716 : i32 to index
    %get3A_1718 = arith.constant 96 : index
    %get3A_1719 = tpu.vector_load %arg8[%get3A_1717, %get3A_1718] {strides = array<i32>} : memref<26x128xf32, #tpu.memory_space<vmem>>, vector<16xf32>,
    %add3A_1720 = arith.addf %add3A_1666, %get3A_1719 : vector<16xf32>
    %get3A_1721 = arith.constant 6 : i32
    %get3A_1722 = arith.index_cast %get3A_1721 : i32 to index
    %get3A_1723 = arith.constant 112 : index
    %get3A_1724 = tpu.vector_load %arg8[%get3A_1722, %get3A_1723] {strides = array<i32>} : memref<26x128xf32, #tpu.memory_space<vmem>>, vector<16xf32>,
    %add3A_1725 = arith.addf %add3A_1671, %get3A_1724 : vector<16xf32>
    %dma_wait3A_1726 = arith.constant 7 : i32
    %dma_wait3A_1727 = arith.constant 7 : i32
    %dma_wait3A_1728 = arith.constant 7 : i32
    %dma_wait3A_1729 = arith.constant 0 : i32
    %dma_wait3A_1730 = tpu.memref_slice %arg8[%dma_wait3A_1728, %dma_wait3A_1729] : memref<26x128xf32, #tpu.memory_space<vmem>> -> memref<1x128xf32, #tpu.memory_space<vmem>>
    %dma_wait3A_1731 = tpu.memref_squeeze %dma_wait3A_1730 : memref<1x128xf32, #tpu.memory_space<vmem>> -> memref<128xf32, #tpu.memory_space<vmem>>
    %dma_wait3A_1732 = arith.constant 0 : i32
    %dma_wait3A_1733 = tpu.memref_slice %arg7[%dma_wait3A_1727, %dma_wait3A_1732] : memref<26x128xi32, #tpu.memory_space<vmem>> -> memref<1x128xi32, #tpu.memory_space<vmem>>
    %dma_wait3A_1734 = tpu.memref_squeeze %dma_wait3A_1733 : memref<1x128xi32, #tpu.memory_space<vmem>> -> memref<128xi32, #tpu.memory_space<vmem>>
    %dma_wait3A_1735 = arith.constant 0 : i32
    %dma_wait3A_1736 = tpu.memref_slice %arg4[%dma_wait3A_1726, %dma_wait3A_1735] : memref<26x100000xf32, #tpu.memory_space<hbm>> -> memref<1x100000xf32, #tpu.memory_space<hbm>>
    %dma_wait3A_1737 = tpu.memref_squeeze %dma_wait3A_1736 : memref<1x100000xf32, #tpu.memory_space<hbm>> -> memref<100000xf32, #tpu.memory_space<hbm>>
    %dma_wait3A_1738 = arith.constant 0 : i32
    %dma_wait3A_1739 = tpu.memref_slice %dma_wait3A_1737[%dma_wait3A_1738] : memref<100000xf32, #tpu.memory_space<hbm>> -> memref<100000xf32, #tpu.memory_space<hbm>>
    tpu.wait_indirect_dma semaphore(%arg12 : memref<!tpu.dma_semaphore, #tpu.memory_space<semaphore_mem>>) src(%dma_wait3A_1739 : memref<100000xf32, #tpu.memory_space<hbm>>) dst(%dma_wait3A_1731 : memref<128xf32, #tpu.memory_space<vmem>>)
    %get3A_1740 = arith.constant 7 : i32
    %get3A_1741 = arith.index_cast %get3A_1740 : i32 to index
    %get3A_1742 = arith.constant 0 : index
    %get3A_1743 = tpu.vector_load %arg8[%get3A_1741, %get3A_1742] {strides = array<i32>} : memref<26x128xf32, #tpu.memory_space<vmem>>, vector<16xf32>,
    %add3A_1744 = arith.addf %add3A_1690, %get3A_1743 : vector<16xf32>
    %get3A_1745 = arith.constant 7 : i32
    %get3A_1746 = arith.index_cast %get3A_1745 : i32 to index
    %get3A_1747 = arith.constant 16 : index
    %get3A_1748 = tpu.vector_load %arg8[%get3A_1746, %get3A_1747] {strides = array<i32>} : memref<26x128xf32, #tpu.memory_space<vmem>>, vector<16xf32>,
    %add3A_1749 = arith.addf %add3A_1695, %get3A_1748 : vector<16xf32>
    %get3A_1750 = arith.constant 7 : i32
    %get3A_1751 = arith.index_cast %get3A_1750 : i32 to index
    %get3A_1752 = arith.constant 32 : index
    %get3A_1753 = tpu.vector_load %arg8[%get3A_1751, %get3A_1752] {strides = array<i32>} : memref<26x128xf32, #tpu.memory_space<vmem>>, vector<16xf32>,
    %add3A_1754 = arith.addf %add3A_1700, %get3A_1753 : vector<16xf32>
    %get3A_1755 = arith.constant 7 : i32
    %get3A_1756 = arith.index_cast %get3A_1755 : i32 to index
    %get3A_1757 = arith.constant 48 : index
    %get3A_1758 = tpu.vector_load %arg8[%get3A_1756, %get3A_1757] {strides = array<i32>} : memref<26x128xf32, #tpu.memory_space<vmem>>, vector<16xf32>,
    %add3A_1759 = arith.addf %add3A_1705, %get3A_1758 : vector<16xf32>
    %get3A_1760 = arith.constant 7 : i32
    %get3A_1761 = arith.index_cast %get3A_1760 : i32 to index
    %get3A_1762 = arith.constant 64 : index
    %get3A_1763 = tpu.vector_load %arg8[%get3A_1761, %get3A_1762] {strides = array<i32>} : memref<26x128xf32, #tpu.memory_space<vmem>>, vector<16xf32>,
    %add3A_1764 = arith.addf %add3A_1710, %get3A_1763 : vector<16xf32>
    %get3A_1765 = arith.constant 7 : i32
    %get3A_1766 = arith.index_cast %get3A_1765 : i32 to index
    %get3A_1767 = arith.constant 80 : index
    %get3A_1768 = tpu.vector_load %arg8[%get3A_1766, %get3A_1767] {strides = array<i32>} : memref<26x128xf32, #tpu.memory_space<vmem>>, vector<16xf32>,
    %add3A_1769 = arith.addf %add3A_1715, %get3A_1768 : vector<16xf32>
    %get3A_1770 = arith.constant 7 : i32
    %get3A_1771 = arith.index_cast %get3A_1770 : i32 to index
    %get3A_1772 = arith.constant 96 : index
    %get3A_1773 = tpu.vector_load %arg8[%get3A_1771, %get3A_1772] {strides = array<i32>} : memref<26x128xf32, #tpu.memory_space<vmem>>, vector<16xf32>,
    %add3A_1774 = arith.addf %add3A_1720, %get3A_1773 : vector<16xf32>
    %get3A_1775 = arith.constant 7 : i32
    %get3A_1776 = arith.index_cast %get3A_1775 : i32 to index
    %get3A_1777 = arith.constant 112 : index
    %get3A_1778 = tpu.vector_load %arg8[%get3A_1776, %get3A_1777] {strides = array<i32>} : memref<26x128xf32, #tpu.memory_space<vmem>>, vector<16xf32>,
    %add3A_1779 = arith.addf %add3A_1725, %get3A_1778 : vector<16xf32>
    %dma_wait3A_1780 = arith.constant 8 : i32
    %dma_wait3A_1781 = arith.constant 8 : i32
    %dma_wait3A_1782 = arith.constant 8 : i32
    %dma_wait3A_1783 = arith.constant 0 : i32
    %dma_wait3A_1784 = tpu.memref_slice %arg8[%dma_wait3A_1782, %dma_wait3A_1783] : memref<26x128xf32, #tpu.memory_space<vmem>> -> memref<1x128xf32, #tpu.memory_space<vmem>>
    %dma_wait3A_1785 = tpu.memref_squeeze %dma_wait3A_1784 : memref<1x128xf32, #tpu.memory_space<vmem>> -> memref<128xf32, #tpu.memory_space<vmem>>
    %dma_wait3A_1786 = arith.constant 0 : i32
    %dma_wait3A_1787 = tpu.memref_slice %arg7[%dma_wait3A_1781, %dma_wait3A_1786] : memref<26x128xi32, #tpu.memory_space<vmem>> -> memref<1x128xi32, #tpu.memory_space<vmem>>
    %dma_wait3A_1788 = tpu.memref_squeeze %dma_wait3A_1787 : memref<1x128xi32, #tpu.memory_space<vmem>> -> memref<128xi32, #tpu.memory_space<vmem>>
    %dma_wait3A_1789 = arith.constant 0 : i32
    %dma_wait3A_1790 = tpu.memref_slice %arg4[%dma_wait3A_1780, %dma_wait3A_1789] : memref<26x100000xf32, #tpu.memory_space<hbm>> -> memref<1x100000xf32, #tpu.memory_space<hbm>>
    %dma_wait3A_1791 = tpu.memref_squeeze %dma_wait3A_1790 : memref<1x100000xf32, #tpu.memory_space<hbm>> -> memref<100000xf32, #tpu.memory_space<hbm>>
    %dma_wait3A_1792 = arith.constant 0 : i32
    %dma_wait3A_1793 = tpu.memref_slice %dma_wait3A_1791[%dma_wait3A_1792] : memref<100000xf32, #tpu.memory_space<hbm>> -> memref<100000xf32, #tpu.memory_space<hbm>>
    tpu.wait_indirect_dma semaphore(%arg12 : memref<!tpu.dma_semaphore, #tpu.memory_space<semaphore_mem>>) src(%dma_wait3A_1793 : memref<100000xf32, #tpu.memory_space<hbm>>) dst(%dma_wait3A_1785 : memref<128xf32, #tpu.memory_space<vmem>>)
    %get3A_1794 = arith.constant 8 : i32
    %get3A_1795 = arith.index_cast %get3A_1794 : i32 to index
    %get3A_1796 = arith.constant 0 : index
    %get3A_1797 = tpu.vector_load %arg8[%get3A_1795, %get3A_1796] {strides = array<i32>} : memref<26x128xf32, #tpu.memory_space<vmem>>, vector<16xf32>,
    %add3A_1798 = arith.addf %add3A_1744, %get3A_1797 : vector<16xf32>
    %get3A_1799 = arith.constant 8 : i32
    %get3A_1800 = arith.index_cast %get3A_1799 : i32 to index
    %get3A_1801 = arith.constant 16 : index
    %get3A_1802 = tpu.vector_load %arg8[%get3A_1800, %get3A_1801] {strides = array<i32>} : memref<26x128xf32, #tpu.memory_space<vmem>>, vector<16xf32>,
    %add3A_1803 = arith.addf %add3A_1749, %get3A_1802 : vector<16xf32>
    %get3A_1804 = arith.constant 8 : i32
    %get3A_1805 = arith.index_cast %get3A_1804 : i32 to index
    %get3A_1806 = arith.constant 32 : index
    %get3A_1807 = tpu.vector_load %arg8[%get3A_1805, %get3A_1806] {strides = array<i32>} : memref<26x128xf32, #tpu.memory_space<vmem>>, vector<16xf32>,
    %add3A_1808 = arith.addf %add3A_1754, %get3A_1807 : vector<16xf32>
    %get3A_1809 = arith.constant 8 : i32
    %get3A_1810 = arith.index_cast %get3A_1809 : i32 to index
    %get3A_1811 = arith.constant 48 : index
    %get3A_1812 = tpu.vector_load %arg8[%get3A_1810, %get3A_1811] {strides = array<i32>} : memref<26x128xf32, #tpu.memory_space<vmem>>, vector<16xf32>,
    %add3A_1813 = arith.addf %add3A_1759, %get3A_1812 : vector<16xf32>
    %get3A_1814 = arith.constant 8 : i32
    %get3A_1815 = arith.index_cast %get3A_1814 : i32 to index
    %get3A_1816 = arith.constant 64 : index
    %get3A_1817 = tpu.vector_load %arg8[%get3A_1815, %get3A_1816] {strides = array<i32>} : memref<26x128xf32, #tpu.memory_space<vmem>>, vector<16xf32>,
    %add3A_1818 = arith.addf %add3A_1764, %get3A_1817 : vector<16xf32>
    %get3A_1819 = arith.constant 8 : i32
    %get3A_1820 = arith.index_cast %get3A_1819 : i32 to index
    %get3A_1821 = arith.constant 80 : index
    %get3A_1822 = tpu.vector_load %arg8[%get3A_1820, %get3A_1821] {strides = array<i32>} : memref<26x128xf32, #tpu.memory_space<vmem>>, vector<16xf32>,
    %add3A_1823 = arith.addf %add3A_1769, %get3A_1822 : vector<16xf32>
    %get3A_1824 = arith.constant 8 : i32
    %get3A_1825 = arith.index_cast %get3A_1824 : i32 to index
    %get3A_1826 = arith.constant 96 : index
    %get3A_1827 = tpu.vector_load %arg8[%get3A_1825, %get3A_1826] {strides = array<i32>} : memref<26x128xf32, #tpu.memory_space<vmem>>, vector<16xf32>,
    %add3A_1828 = arith.addf %add3A_1774, %get3A_1827 : vector<16xf32>
    %get3A_1829 = arith.constant 8 : i32
    %get3A_1830 = arith.index_cast %get3A_1829 : i32 to index
    %get3A_1831 = arith.constant 112 : index
    %get3A_1832 = tpu.vector_load %arg8[%get3A_1830, %get3A_1831] {strides = array<i32>} : memref<26x128xf32, #tpu.memory_space<vmem>>, vector<16xf32>,
    %add3A_1833 = arith.addf %add3A_1779, %get3A_1832 : vector<16xf32>
    %dma_wait3A_1834 = arith.constant 9 : i32
    %dma_wait3A_1835 = arith.constant 9 : i32
    %dma_wait3A_1836 = arith.constant 9 : i32
    %dma_wait3A_1837 = arith.constant 0 : i32
    %dma_wait3A_1838 = tpu.memref_slice %arg8[%dma_wait3A_1836, %dma_wait3A_1837] : memref<26x128xf32, #tpu.memory_space<vmem>> -> memref<1x128xf32, #tpu.memory_space<vmem>>
    %dma_wait3A_1839 = tpu.memref_squeeze %dma_wait3A_1838 : memref<1x128xf32, #tpu.memory_space<vmem>> -> memref<128xf32, #tpu.memory_space<vmem>>
    %dma_wait3A_1840 = arith.constant 0 : i32
    %dma_wait3A_1841 = tpu.memref_slice %arg7[%dma_wait3A_1835, %dma_wait3A_1840] : memref<26x128xi32, #tpu.memory_space<vmem>> -> memref<1x128xi32, #tpu.memory_space<vmem>>
    %dma_wait3A_1842 = tpu.memref_squeeze %dma_wait3A_1841 : memref<1x128xi32, #tpu.memory_space<vmem>> -> memref<128xi32, #tpu.memory_space<vmem>>
    %dma_wait3A_1843 = arith.constant 0 : i32
    %dma_wait3A_1844 = tpu.memref_slice %arg4[%dma_wait3A_1834, %dma_wait3A_1843] : memref<26x100000xf32, #tpu.memory_space<hbm>> -> memref<1x100000xf32, #tpu.memory_space<hbm>>
    %dma_wait3A_1845 = tpu.memref_squeeze %dma_wait3A_1844 : memref<1x100000xf32, #tpu.memory_space<hbm>> -> memref<100000xf32, #tpu.memory_space<hbm>>
    %dma_wait3A_1846 = arith.constant 0 : i32
    %dma_wait3A_1847 = tpu.memref_slice %dma_wait3A_1845[%dma_wait3A_1846] : memref<100000xf32, #tpu.memory_space<hbm>> -> memref<100000xf32, #tpu.memory_space<hbm>>
    tpu.wait_indirect_dma semaphore(%arg12 : memref<!tpu.dma_semaphore, #tpu.memory_space<semaphore_mem>>) src(%dma_wait3A_1847 : memref<100000xf32, #tpu.memory_space<hbm>>) dst(%dma_wait3A_1839 : memref<128xf32, #tpu.memory_space<vmem>>)
    %get3A_1848 = arith.constant 9 : i32
    %get3A_1849 = arith.index_cast %get3A_1848 : i32 to index
    %get3A_1850 = arith.constant 0 : index
    %get3A_1851 = tpu.vector_load %arg8[%get3A_1849, %get3A_1850] {strides = array<i32>} : memref<26x128xf32, #tpu.memory_space<vmem>>, vector<16xf32>,
    %add3A_1852 = arith.addf %add3A_1798, %get3A_1851 : vector<16xf32>
    %get3A_1853 = arith.constant 9 : i32
    %get3A_1854 = arith.index_cast %get3A_1853 : i32 to index
    %get3A_1855 = arith.constant 16 : index
    %get3A_1856 = tpu.vector_load %arg8[%get3A_1854, %get3A_1855] {strides = array<i32>} : memref<26x128xf32, #tpu.memory_space<vmem>>, vector<16xf32>,
    %add3A_1857 = arith.addf %add3A_1803, %get3A_1856 : vector<16xf32>
    %get3A_1858 = arith.constant 9 : i32
    %get3A_1859 = arith.index_cast %get3A_1858 : i32 to index
    %get3A_1860 = arith.constant 32 : index
    %get3A_1861 = tpu.vector_load %arg8[%get3A_1859, %get3A_1860] {strides = array<i32>} : memref<26x128xf32, #tpu.memory_space<vmem>>, vector<16xf32>,
    %add3A_1862 = arith.addf %add3A_1808, %get3A_1861 : vector<16xf32>
    %get3A_1863 = arith.constant 9 : i32
    %get3A_1864 = arith.index_cast %get3A_1863 : i32 to index
    %get3A_1865 = arith.constant 48 : index
    %get3A_1866 = tpu.vector_load %arg8[%get3A_1864, %get3A_1865] {strides = array<i32>} : memref<26x128xf32, #tpu.memory_space<vmem>>, vector<16xf32>,
    %add3A_1867 = arith.addf %add3A_1813, %get3A_1866 : vector<16xf32>
    %get3A_1868 = arith.constant 9 : i32
    %get3A_1869 = arith.index_cast %get3A_1868 : i32 to index
    %get3A_1870 = arith.constant 64 : index
    %get3A_1871 = tpu.vector_load %arg8[%get3A_1869, %get3A_1870] {strides = array<i32>} : memref<26x128xf32, #tpu.memory_space<vmem>>, vector<16xf32>,
    %add3A_1872 = arith.addf %add3A_1818, %get3A_1871 : vector<16xf32>
    %get3A_1873 = arith.constant 9 : i32
    %get3A_1874 = arith.index_cast %get3A_1873 : i32 to index
    %get3A_1875 = arith.constant 80 : index
    %get3A_1876 = tpu.vector_load %arg8[%get3A_1874, %get3A_1875] {strides = array<i32>} : memref<26x128xf32, #tpu.memory_space<vmem>>, vector<16xf32>,
    %add3A_1877 = arith.addf %add3A_1823, %get3A_1876 : vector<16xf32>
    %get3A_1878 = arith.constant 9 : i32
    %get3A_1879 = arith.index_cast %get3A_1878 : i32 to index
    %get3A_1880 = arith.constant 96 : index
    %get3A_1881 = tpu.vector_load %arg8[%get3A_1879, %get3A_1880] {strides = array<i32>} : memref<26x128xf32, #tpu.memory_space<vmem>>, vector<16xf32>,
    %add3A_1882 = arith.addf %add3A_1828, %get3A_1881 : vector<16xf32>
    %get3A_1883 = arith.constant 9 : i32
    %get3A_1884 = arith.index_cast %get3A_1883 : i32 to index
    %get3A_1885 = arith.constant 112 : index
    %get3A_1886 = tpu.vector_load %arg8[%get3A_1884, %get3A_1885] {strides = array<i32>} : memref<26x128xf32, #tpu.memory_space<vmem>>, vector<16xf32>,
    %add3A_1887 = arith.addf %add3A_1833, %get3A_1886 : vector<16xf32>
    %dma_wait3A_1888 = arith.constant 10 : i32
    %dma_wait3A_1889 = arith.constant 10 : i32
    %dma_wait3A_1890 = arith.constant 10 : i32
    %dma_wait3A_1891 = arith.constant 0 : i32
    %dma_wait3A_1892 = tpu.memref_slice %arg8[%dma_wait3A_1890, %dma_wait3A_1891] : memref<26x128xf32, #tpu.memory_space<vmem>> -> memref<1x128xf32, #tpu.memory_space<vmem>>
    %dma_wait3A_1893 = tpu.memref_squeeze %dma_wait3A_1892 : memref<1x128xf32, #tpu.memory_space<vmem>> -> memref<128xf32, #tpu.memory_space<vmem>>
    %dma_wait3A_1894 = arith.constant 0 : i32
    %dma_wait3A_1895 = tpu.memref_slice %arg7[%dma_wait3A_1889, %dma_wait3A_1894] : memref<26x128xi32, #tpu.memory_space<vmem>> -> memref<1x128xi32, #tpu.memory_space<vmem>>
    %dma_wait3A_1896 = tpu.memref_squeeze %dma_wait3A_1895 : memref<1x128xi32, #tpu.memory_space<vmem>> -> memref<128xi32, #tpu.memory_space<vmem>>
    %dma_wait3A_1897 = arith.constant 0 : i32
    %dma_wait3A_1898 = tpu.memref_slice %arg4[%dma_wait3A_1888, %dma_wait3A_1897] : memref<26x100000xf32, #tpu.memory_space<hbm>> -> memref<1x100000xf32, #tpu.memory_space<hbm>>
    %dma_wait3A_1899 = tpu.memref_squeeze %dma_wait3A_1898 : memref<1x100000xf32, #tpu.memory_space<hbm>> -> memref<100000xf32, #tpu.memory_space<hbm>>
    %dma_wait3A_1900 = arith.constant 0 : i32
    %dma_wait3A_1901 = tpu.memref_slice %dma_wait3A_1899[%dma_wait3A_1900] : memref<100000xf32, #tpu.memory_space<hbm>> -> memref<100000xf32, #tpu.memory_space<hbm>>
    tpu.wait_indirect_dma semaphore(%arg12 : memref<!tpu.dma_semaphore, #tpu.memory_space<semaphore_mem>>) src(%dma_wait3A_1901 : memref<100000xf32, #tpu.memory_space<hbm>>) dst(%dma_wait3A_1893 : memref<128xf32, #tpu.memory_space<vmem>>)
    %get3A_1902 = arith.constant 10 : i32
    %get3A_1903 = arith.index_cast %get3A_1902 : i32 to index
    %get3A_1904 = arith.constant 0 : index
    %get3A_1905 = tpu.vector_load %arg8[%get3A_1903, %get3A_1904] {strides = array<i32>} : memref<26x128xf32, #tpu.memory_space<vmem>>, vector<16xf32>,
    %add3A_1906 = arith.addf %add3A_1852, %get3A_1905 : vector<16xf32>
    %get3A_1907 = arith.constant 10 : i32
    %get3A_1908 = arith.index_cast %get3A_1907 : i32 to index
    %get3A_1909 = arith.constant 16 : index
    %get3A_1910 = tpu.vector_load %arg8[%get3A_1908, %get3A_1909] {strides = array<i32>} : memref<26x128xf32, #tpu.memory_space<vmem>>, vector<16xf32>,
    %add3A_1911 = arith.addf %add3A_1857, %get3A_1910 : vector<16xf32>
    %get3A_1912 = arith.constant 10 : i32
    %get3A_1913 = arith.index_cast %get3A_1912 : i32 to index
    %get3A_1914 = arith.constant 32 : index
    %get3A_1915 = tpu.vector_load %arg8[%get3A_1913, %get3A_1914] {strides = array<i32>} : memref<26x128xf32, #tpu.memory_space<vmem>>, vector<16xf32>,
    %add3A_1916 = arith.addf %add3A_1862, %get3A_1915 : vector<16xf32>
    %get3A_1917 = arith.constant 10 : i32
    %get3A_1918 = arith.index_cast %get3A_1917 : i32 to index
    %get3A_1919 = arith.constant 48 : index
    %get3A_1920 = tpu.vector_load %arg8[%get3A_1918, %get3A_1919] {strides = array<i32>} : memref<26x128xf32, #tpu.memory_space<vmem>>, vector<16xf32>,
    %add3A_1921 = arith.addf %add3A_1867, %get3A_1920 : vector<16xf32>
    %get3A_1922 = arith.constant 10 : i32
    %get3A_1923 = arith.index_cast %get3A_1922 : i32 to index
    %get3A_1924 = arith.constant 64 : index
    %get3A_1925 = tpu.vector_load %arg8[%get3A_1923, %get3A_1924] {strides = array<i32>} : memref<26x128xf32, #tpu.memory_space<vmem>>, vector<16xf32>,
    %add3A_1926 = arith.addf %add3A_1872, %get3A_1925 : vector<16xf32>
    %get3A_1927 = arith.constant 10 : i32
    %get3A_1928 = arith.index_cast %get3A_1927 : i32 to index
    %get3A_1929 = arith.constant 80 : index
    %get3A_1930 = tpu.vector_load %arg8[%get3A_1928, %get3A_1929] {strides = array<i32>} : memref<26x128xf32, #tpu.memory_space<vmem>>, vector<16xf32>,
    %add3A_1931 = arith.addf %add3A_1877, %get3A_1930 : vector<16xf32>
    %get3A_1932 = arith.constant 10 : i32
    %get3A_1933 = arith.index_cast %get3A_1932 : i32 to index
    %get3A_1934 = arith.constant 96 : index
    %get3A_1935 = tpu.vector_load %arg8[%get3A_1933, %get3A_1934] {strides = array<i32>} : memref<26x128xf32, #tpu.memory_space<vmem>>, vector<16xf32>,
    %add3A_1936 = arith.addf %add3A_1882, %get3A_1935 : vector<16xf32>
    %get3A_1937 = arith.constant 10 : i32
    %get3A_1938 = arith.index_cast %get3A_1937 : i32 to index
    %get3A_1939 = arith.constant 112 : index
    %get3A_1940 = tpu.vector_load %arg8[%get3A_1938, %get3A_1939] {strides = array<i32>} : memref<26x128xf32, #tpu.memory_space<vmem>>, vector<16xf32>,
    %add3A_1941 = arith.addf %add3A_1887, %get3A_1940 : vector<16xf32>
    %dma_wait3A_1942 = arith.constant 11 : i32
    %dma_wait3A_1943 = arith.constant 11 : i32
    %dma_wait3A_1944 = arith.constant 11 : i32
    %dma_wait3A_1945 = arith.constant 0 : i32
    %dma_wait3A_1946 = tpu.memref_slice %arg8[%dma_wait3A_1944, %dma_wait3A_1945] : memref<26x128xf32, #tpu.memory_space<vmem>> -> memref<1x128xf32, #tpu.memory_space<vmem>>
    %dma_wait3A_1947 = tpu.memref_squeeze %dma_wait3A_1946 : memref<1x128xf32, #tpu.memory_space<vmem>> -> memref<128xf32, #tpu.memory_space<vmem>>
    %dma_wait3A_1948 = arith.constant 0 : i32
    %dma_wait3A_1949 = tpu.memref_slice %arg7[%dma_wait3A_1943, %dma_wait3A_1948] : memref<26x128xi32, #tpu.memory_space<vmem>> -> memref<1x128xi32, #tpu.memory_space<vmem>>
    %dma_wait3A_1950 = tpu.memref_squeeze %dma_wait3A_1949 : memref<1x128xi32, #tpu.memory_space<vmem>> -> memref<128xi32, #tpu.memory_space<vmem>>
    %dma_wait3A_1951 = arith.constant 0 : i32
    %dma_wait3A_1952 = tpu.memref_slice %arg4[%dma_wait3A_1942, %dma_wait3A_1951] : memref<26x100000xf32, #tpu.memory_space<hbm>> -> memref<1x100000xf32, #tpu.memory_space<hbm>>
    %dma_wait3A_1953 = tpu.memref_squeeze %dma_wait3A_1952 : memref<1x100000xf32, #tpu.memory_space<hbm>> -> memref<100000xf32, #tpu.memory_space<hbm>>
    %dma_wait3A_1954 = arith.constant 0 : i32
    %dma_wait3A_1955 = tpu.memref_slice %dma_wait3A_1953[%dma_wait3A_1954] : memref<100000xf32, #tpu.memory_space<hbm>> -> memref<100000xf32, #tpu.memory_space<hbm>>
    tpu.wait_indirect_dma semaphore(%arg12 : memref<!tpu.dma_semaphore, #tpu.memory_space<semaphore_mem>>) src(%dma_wait3A_1955 : memref<100000xf32, #tpu.memory_space<hbm>>) dst(%dma_wait3A_1947 : memref<128xf32, #tpu.memory_space<vmem>>)
    %get3A_1956 = arith.constant 11 : i32
    %get3A_1957 = arith.index_cast %get3A_1956 : i32 to index
    %get3A_1958 = arith.constant 0 : index
    %get3A_1959 = tpu.vector_load %arg8[%get3A_1957, %get3A_1958] {strides = array<i32>} : memref<26x128xf32, #tpu.memory_space<vmem>>, vector<16xf32>,
    %add3A_1960 = arith.addf %add3A_1906, %get3A_1959 : vector<16xf32>
    %get3A_1961 = arith.constant 11 : i32
    %get3A_1962 = arith.index_cast %get3A_1961 : i32 to index
    %get3A_1963 = arith.constant 16 : index
    %get3A_1964 = tpu.vector_load %arg8[%get3A_1962, %get3A_1963] {strides = array<i32>} : memref<26x128xf32, #tpu.memory_space<vmem>>, vector<16xf32>,
    %add3A_1965 = arith.addf %add3A_1911, %get3A_1964 : vector<16xf32>
    %get3A_1966 = arith.constant 11 : i32
    %get3A_1967 = arith.index_cast %get3A_1966 : i32 to index
    %get3A_1968 = arith.constant 32 : index
    %get3A_1969 = tpu.vector_load %arg8[%get3A_1967, %get3A_1968] {strides = array<i32>} : memref<26x128xf32, #tpu.memory_space<vmem>>, vector<16xf32>,
    %add3A_1970 = arith.addf %add3A_1916, %get3A_1969 : vector<16xf32>
    %get3A_1971 = arith.constant 11 : i32
    %get3A_1972 = arith.index_cast %get3A_1971 : i32 to index
    %get3A_1973 = arith.constant 48 : index
    %get3A_1974 = tpu.vector_load %arg8[%get3A_1972, %get3A_1973] {strides = array<i32>} : memref<26x128xf32, #tpu.memory_space<vmem>>, vector<16xf32>,
    %add3A_1975 = arith.addf %add3A_1921, %get3A_1974 : vector<16xf32>
    %get3A_1976 = arith.constant 11 : i32
    %get3A_1977 = arith.index_cast %get3A_1976 : i32 to index
    %get3A_1978 = arith.constant 64 : index
    %get3A_1979 = tpu.vector_load %arg8[%get3A_1977, %get3A_1978] {strides = array<i32>} : memref<26x128xf32, #tpu.memory_space<vmem>>, vector<16xf32>,
    %add3A_1980 = arith.addf %add3A_1926, %get3A_1979 : vector<16xf32>
    %get3A_1981 = arith.constant 11 : i32
    %get3A_1982 = arith.index_cast %get3A_1981 : i32 to index
    %get3A_1983 = arith.constant 80 : index
    %get3A_1984 = tpu.vector_load %arg8[%get3A_1982, %get3A_1983] {strides = array<i32>} : memref<26x128xf32, #tpu.memory_space<vmem>>, vector<16xf32>,
    %add3A_1985 = arith.addf %add3A_1931, %get3A_1984 : vector<16xf32>
    %get3A_1986 = arith.constant 11 : i32
    %get3A_1987 = arith.index_cast %get3A_1986 : i32 to index
    %get3A_1988 = arith.constant 96 : index
    %get3A_1989 = tpu.vector_load %arg8[%get3A_1987, %get3A_1988] {strides = array<i32>} : memref<26x128xf32, #tpu.memory_space<vmem>>, vector<16xf32>,
    %add3A_1990 = arith.addf %add3A_1936, %get3A_1989 : vector<16xf32>
    %get3A_1991 = arith.constant 11 : i32
    %get3A_1992 = arith.index_cast %get3A_1991 : i32 to index
    %get3A_1993 = arith.constant 112 : index
    %get3A_1994 = tpu.vector_load %arg8[%get3A_1992, %get3A_1993] {strides = array<i32>} : memref<26x128xf32, #tpu.memory_space<vmem>>, vector<16xf32>,
    %add3A_1995 = arith.addf %add3A_1941, %get3A_1994 : vector<16xf32>
    %dma_wait3A_1996 = arith.constant 12 : i32
    %dma_wait3A_1997 = arith.constant 12 : i32
    %dma_wait3A_1998 = arith.constant 12 : i32
    %dma_wait3A_1999 = arith.constant 0 : i32
    %dma_wait3A_2000 = tpu.memref_slice %arg8[%dma_wait3A_1998, %dma_wait3A_1999] : memref<26x128xf32, #tpu.memory_space<vmem>> -> memref<1x128xf32, #tpu.memory_space<vmem>>
    %dma_wait3A_2001 = tpu.memref_squeeze %dma_wait3A_2000 : memref<1x128xf32, #tpu.memory_space<vmem>> -> memref<128xf32, #tpu.memory_space<vmem>>
    %dma_wait3A_2002 = arith.constant 0 : i32
    %dma_wait3A_2003 = tpu.memref_slice %arg7[%dma_wait3A_1997, %dma_wait3A_2002] : memref<26x128xi32, #tpu.memory_space<vmem>> -> memref<1x128xi32, #tpu.memory_space<vmem>>
    %dma_wait3A_2004 = tpu.memref_squeeze %dma_wait3A_2003 : memref<1x128xi32, #tpu.memory_space<vmem>> -> memref<128xi32, #tpu.memory_space<vmem>>
    %dma_wait3A_2005 = arith.constant 0 : i32
    %dma_wait3A_2006 = tpu.memref_slice %arg4[%dma_wait3A_1996, %dma_wait3A_2005] : memref<26x100000xf32, #tpu.memory_space<hbm>> -> memref<1x100000xf32, #tpu.memory_space<hbm>>
    %dma_wait3A_2007 = tpu.memref_squeeze %dma_wait3A_2006 : memref<1x100000xf32, #tpu.memory_space<hbm>> -> memref<100000xf32, #tpu.memory_space<hbm>>
    %dma_wait3A_2008 = arith.constant 0 : i32
    %dma_wait3A_2009 = tpu.memref_slice %dma_wait3A_2007[%dma_wait3A_2008] : memref<100000xf32, #tpu.memory_space<hbm>> -> memref<100000xf32, #tpu.memory_space<hbm>>
    tpu.wait_indirect_dma semaphore(%arg12 : memref<!tpu.dma_semaphore, #tpu.memory_space<semaphore_mem>>) src(%dma_wait3A_2009 : memref<100000xf32, #tpu.memory_space<hbm>>) dst(%dma_wait3A_2001 : memref<128xf32, #tpu.memory_space<vmem>>)
    %get3A_2010 = arith.constant 12 : i32
    %get3A_2011 = arith.index_cast %get3A_2010 : i32 to index
    %get3A_2012 = arith.constant 0 : index
    %get3A_2013 = tpu.vector_load %arg8[%get3A_2011, %get3A_2012] {strides = array<i32>} : memref<26x128xf32, #tpu.memory_space<vmem>>, vector<16xf32>,
    %add3A_2014 = arith.addf %add3A_1960, %get3A_2013 : vector<16xf32>
    %get3A_2015 = arith.constant 12 : i32
    %get3A_2016 = arith.index_cast %get3A_2015 : i32 to index
    %get3A_2017 = arith.constant 16 : index
    %get3A_2018 = tpu.vector_load %arg8[%get3A_2016, %get3A_2017] {strides = array<i32>} : memref<26x128xf32, #tpu.memory_space<vmem>>, vector<16xf32>,
    %add3A_2019 = arith.addf %add3A_1965, %get3A_2018 : vector<16xf32>
    %get3A_2020 = arith.constant 12 : i32
    %get3A_2021 = arith.index_cast %get3A_2020 : i32 to index
    %get3A_2022 = arith.constant 32 : index
    %get3A_2023 = tpu.vector_load %arg8[%get3A_2021, %get3A_2022] {strides = array<i32>} : memref<26x128xf32, #tpu.memory_space<vmem>>, vector<16xf32>,
    %add3A_2024 = arith.addf %add3A_1970, %get3A_2023 : vector<16xf32>
    %get3A_2025 = arith.constant 12 : i32
    %get3A_2026 = arith.index_cast %get3A_2025 : i32 to index
    %get3A_2027 = arith.constant 48 : index
    %get3A_2028 = tpu.vector_load %arg8[%get3A_2026, %get3A_2027] {strides = array<i32>} : memref<26x128xf32, #tpu.memory_space<vmem>>, vector<16xf32>,
    %add3A_2029 = arith.addf %add3A_1975, %get3A_2028 : vector<16xf32>
    %get3A_2030 = arith.constant 12 : i32
    %get3A_2031 = arith.index_cast %get3A_2030 : i32 to index
    %get3A_2032 = arith.constant 64 : index
    %get3A_2033 = tpu.vector_load %arg8[%get3A_2031, %get3A_2032] {strides = array<i32>} : memref<26x128xf32, #tpu.memory_space<vmem>>, vector<16xf32>,
    %add3A_2034 = arith.addf %add3A_1980, %get3A_2033 : vector<16xf32>
    %get3A_2035 = arith.constant 12 : i32
    %get3A_2036 = arith.index_cast %get3A_2035 : i32 to index
    %get3A_2037 = arith.constant 80 : index
    %get3A_2038 = tpu.vector_load %arg8[%get3A_2036, %get3A_2037] {strides = array<i32>} : memref<26x128xf32, #tpu.memory_space<vmem>>, vector<16xf32>,
    %add3A_2039 = arith.addf %add3A_1985, %get3A_2038 : vector<16xf32>
    %get3A_2040 = arith.constant 12 : i32
    %get3A_2041 = arith.index_cast %get3A_2040 : i32 to index
    %get3A_2042 = arith.constant 96 : index
    %get3A_2043 = tpu.vector_load %arg8[%get3A_2041, %get3A_2042] {strides = array<i32>} : memref<26x128xf32, #tpu.memory_space<vmem>>, vector<16xf32>,
    %add3A_2044 = arith.addf %add3A_1990, %get3A_2043 : vector<16xf32>
    %get3A_2045 = arith.constant 12 : i32
    %get3A_2046 = arith.index_cast %get3A_2045 : i32 to index
    %get3A_2047 = arith.constant 112 : index
    %get3A_2048 = tpu.vector_load %arg8[%get3A_2046, %get3A_2047] {strides = array<i32>} : memref<26x128xf32, #tpu.memory_space<vmem>>, vector<16xf32>,
    %add3A_2049 = arith.addf %add3A_1995, %get3A_2048 : vector<16xf32>
    %dma_wait3A_2050 = arith.constant 13 : i32
    %dma_wait3A_2051 = arith.constant 13 : i32
    %dma_wait3A_2052 = arith.constant 13 : i32
    %dma_wait3A_2053 = arith.constant 0 : i32
    %dma_wait3A_2054 = tpu.memref_slice %arg8[%dma_wait3A_2052, %dma_wait3A_2053] : memref<26x128xf32, #tpu.memory_space<vmem>> -> memref<1x128xf32, #tpu.memory_space<vmem>>
    %dma_wait3A_2055 = tpu.memref_squeeze %dma_wait3A_2054 : memref<1x128xf32, #tpu.memory_space<vmem>> -> memref<128xf32, #tpu.memory_space<vmem>>
    %dma_wait3A_2056 = arith.constant 0 : i32
    %dma_wait3A_2057 = tpu.memref_slice %arg7[%dma_wait3A_2051, %dma_wait3A_2056] : memref<26x128xi32, #tpu.memory_space<vmem>> -> memref<1x128xi32, #tpu.memory_space<vmem>>
    %dma_wait3A_2058 = tpu.memref_squeeze %dma_wait3A_2057 : memref<1x128xi32, #tpu.memory_space<vmem>> -> memref<128xi32, #tpu.memory_space<vmem>>
    %dma_wait3A_2059 = arith.constant 0 : i32
    %dma_wait3A_2060 = tpu.memref_slice %arg4[%dma_wait3A_2050, %dma_wait3A_2059] : memref<26x100000xf32, #tpu.memory_space<hbm>> -> memref<1x100000xf32, #tpu.memory_space<hbm>>
    %dma_wait3A_2061 = tpu.memref_squeeze %dma_wait3A_2060 : memref<1x100000xf32, #tpu.memory_space<hbm>> -> memref<100000xf32, #tpu.memory_space<hbm>>
    %dma_wait3A_2062 = arith.constant 0 : i32
    %dma_wait3A_2063 = tpu.memref_slice %dma_wait3A_2061[%dma_wait3A_2062] : memref<100000xf32, #tpu.memory_space<hbm>> -> memref<100000xf32, #tpu.memory_space<hbm>>
    tpu.wait_indirect_dma semaphore(%arg12 : memref<!tpu.dma_semaphore, #tpu.memory_space<semaphore_mem>>) src(%dma_wait3A_2063 : memref<100000xf32, #tpu.memory_space<hbm>>) dst(%dma_wait3A_2055 : memref<128xf32, #tpu.memory_space<vmem>>)
    %get3A_2064 = arith.constant 13 : i32
    %get3A_2065 = arith.index_cast %get3A_2064 : i32 to index
    %get3A_2066 = arith.constant 0 : index
    %get3A_2067 = tpu.vector_load %arg8[%get3A_2065, %get3A_2066] {strides = array<i32>} : memref<26x128xf32, #tpu.memory_space<vmem>>, vector<16xf32>,
    %add3A_2068 = arith.addf %add3A_2014, %get3A_2067 : vector<16xf32>
    %get3A_2069 = arith.constant 13 : i32
    %get3A_2070 = arith.index_cast %get3A_2069 : i32 to index
    %get3A_2071 = arith.constant 16 : index
    %get3A_2072 = tpu.vector_load %arg8[%get3A_2070, %get3A_2071] {strides = array<i32>} : memref<26x128xf32, #tpu.memory_space<vmem>>, vector<16xf32>,
    %add3A_2073 = arith.addf %add3A_2019, %get3A_2072 : vector<16xf32>
    %get3A_2074 = arith.constant 13 : i32
    %get3A_2075 = arith.index_cast %get3A_2074 : i32 to index
    %get3A_2076 = arith.constant 32 : index
    %get3A_2077 = tpu.vector_load %arg8[%get3A_2075, %get3A_2076] {strides = array<i32>} : memref<26x128xf32, #tpu.memory_space<vmem>>, vector<16xf32>,
    %add3A_2078 = arith.addf %add3A_2024, %get3A_2077 : vector<16xf32>
    %get3A_2079 = arith.constant 13 : i32
    %get3A_2080 = arith.index_cast %get3A_2079 : i32 to index
    %get3A_2081 = arith.constant 48 : index
    %get3A_2082 = tpu.vector_load %arg8[%get3A_2080, %get3A_2081] {strides = array<i32>} : memref<26x128xf32, #tpu.memory_space<vmem>>, vector<16xf32>,
    %add3A_2083 = arith.addf %add3A_2029, %get3A_2082 : vector<16xf32>
    %get3A_2084 = arith.constant 13 : i32
    %get3A_2085 = arith.index_cast %get3A_2084 : i32 to index
    %get3A_2086 = arith.constant 64 : index
    %get3A_2087 = tpu.vector_load %arg8[%get3A_2085, %get3A_2086] {strides = array<i32>} : memref<26x128xf32, #tpu.memory_space<vmem>>, vector<16xf32>,
    %add3A_2088 = arith.addf %add3A_2034, %get3A_2087 : vector<16xf32>
    %get3A_2089 = arith.constant 13 : i32
    %get3A_2090 = arith.index_cast %get3A_2089 : i32 to index
    %get3A_2091 = arith.constant 80 : index
    %get3A_2092 = tpu.vector_load %arg8[%get3A_2090, %get3A_2091] {strides = array<i32>} : memref<26x128xf32, #tpu.memory_space<vmem>>, vector<16xf32>,
    %add3A_2093 = arith.addf %add3A_2039, %get3A_2092 : vector<16xf32>
    %get3A_2094 = arith.constant 13 : i32
    %get3A_2095 = arith.index_cast %get3A_2094 : i32 to index
    %get3A_2096 = arith.constant 96 : index
    %get3A_2097 = tpu.vector_load %arg8[%get3A_2095, %get3A_2096] {strides = array<i32>} : memref<26x128xf32, #tpu.memory_space<vmem>>, vector<16xf32>,
    %add3A_2098 = arith.addf %add3A_2044, %get3A_2097 : vector<16xf32>
    %get3A_2099 = arith.constant 13 : i32
    %get3A_2100 = arith.index_cast %get3A_2099 : i32 to index
    %get3A_2101 = arith.constant 112 : index
    %get3A_2102 = tpu.vector_load %arg8[%get3A_2100, %get3A_2101] {strides = array<i32>} : memref<26x128xf32, #tpu.memory_space<vmem>>, vector<16xf32>,
    %add3A_2103 = arith.addf %add3A_2049, %get3A_2102 : vector<16xf32>
    %dma_wait3A_2104 = arith.constant 14 : i32
    %dma_wait3A_2105 = arith.constant 14 : i32
    %dma_wait3A_2106 = arith.constant 14 : i32
    %dma_wait3A_2107 = arith.constant 0 : i32
    %dma_wait3A_2108 = tpu.memref_slice %arg8[%dma_wait3A_2106, %dma_wait3A_2107] : memref<26x128xf32, #tpu.memory_space<vmem>> -> memref<1x128xf32, #tpu.memory_space<vmem>>
    %dma_wait3A_2109 = tpu.memref_squeeze %dma_wait3A_2108 : memref<1x128xf32, #tpu.memory_space<vmem>> -> memref<128xf32, #tpu.memory_space<vmem>>
    %dma_wait3A_2110 = arith.constant 0 : i32
    %dma_wait3A_2111 = tpu.memref_slice %arg7[%dma_wait3A_2105, %dma_wait3A_2110] : memref<26x128xi32, #tpu.memory_space<vmem>> -> memref<1x128xi32, #tpu.memory_space<vmem>>
    %dma_wait3A_2112 = tpu.memref_squeeze %dma_wait3A_2111 : memref<1x128xi32, #tpu.memory_space<vmem>> -> memref<128xi32, #tpu.memory_space<vmem>>
    %dma_wait3A_2113 = arith.constant 0 : i32
    %dma_wait3A_2114 = tpu.memref_slice %arg4[%dma_wait3A_2104, %dma_wait3A_2113] : memref<26x100000xf32, #tpu.memory_space<hbm>> -> memref<1x100000xf32, #tpu.memory_space<hbm>>
    %dma_wait3A_2115 = tpu.memref_squeeze %dma_wait3A_2114 : memref<1x100000xf32, #tpu.memory_space<hbm>> -> memref<100000xf32, #tpu.memory_space<hbm>>
    %dma_wait3A_2116 = arith.constant 0 : i32
    %dma_wait3A_2117 = tpu.memref_slice %dma_wait3A_2115[%dma_wait3A_2116] : memref<100000xf32, #tpu.memory_space<hbm>> -> memref<100000xf32, #tpu.memory_space<hbm>>
    tpu.wait_indirect_dma semaphore(%arg12 : memref<!tpu.dma_semaphore, #tpu.memory_space<semaphore_mem>>) src(%dma_wait3A_2117 : memref<100000xf32, #tpu.memory_space<hbm>>) dst(%dma_wait3A_2109 : memref<128xf32, #tpu.memory_space<vmem>>)
    %get3A_2118 = arith.constant 14 : i32
    %get3A_2119 = arith.index_cast %get3A_2118 : i32 to index
    %get3A_2120 = arith.constant 0 : index
    %get3A_2121 = tpu.vector_load %arg8[%get3A_2119, %get3A_2120] {strides = array<i32>} : memref<26x128xf32, #tpu.memory_space<vmem>>, vector<16xf32>,
    %add3A_2122 = arith.addf %add3A_2068, %get3A_2121 : vector<16xf32>
    %get3A_2123 = arith.constant 14 : i32
    %get3A_2124 = arith.index_cast %get3A_2123 : i32 to index
    %get3A_2125 = arith.constant 16 : index
    %get3A_2126 = tpu.vector_load %arg8[%get3A_2124, %get3A_2125] {strides = array<i32>} : memref<26x128xf32, #tpu.memory_space<vmem>>, vector<16xf32>,
    %add3A_2127 = arith.addf %add3A_2073, %get3A_2126 : vector<16xf32>
    %get3A_2128 = arith.constant 14 : i32
    %get3A_2129 = arith.index_cast %get3A_2128 : i32 to index
    %get3A_2130 = arith.constant 32 : index
    %get3A_2131 = tpu.vector_load %arg8[%get3A_2129, %get3A_2130] {strides = array<i32>} : memref<26x128xf32, #tpu.memory_space<vmem>>, vector<16xf32>,
    %add3A_2132 = arith.addf %add3A_2078, %get3A_2131 : vector<16xf32>
    %get3A_2133 = arith.constant 14 : i32
    %get3A_2134 = arith.index_cast %get3A_2133 : i32 to index
    %get3A_2135 = arith.constant 48 : index
    %get3A_2136 = tpu.vector_load %arg8[%get3A_2134, %get3A_2135] {strides = array<i32>} : memref<26x128xf32, #tpu.memory_space<vmem>>, vector<16xf32>,
    %add3A_2137 = arith.addf %add3A_2083, %get3A_2136 : vector<16xf32>
    %get3A_2138 = arith.constant 14 : i32
    %get3A_2139 = arith.index_cast %get3A_2138 : i32 to index
    %get3A_2140 = arith.constant 64 : index
    %get3A_2141 = tpu.vector_load %arg8[%get3A_2139, %get3A_2140] {strides = array<i32>} : memref<26x128xf32, #tpu.memory_space<vmem>>, vector<16xf32>,
    %add3A_2142 = arith.addf %add3A_2088, %get3A_2141 : vector<16xf32>
    %get3A_2143 = arith.constant 14 : i32
    %get3A_2144 = arith.index_cast %get3A_2143 : i32 to index
    %get3A_2145 = arith.constant 80 : index
    %get3A_2146 = tpu.vector_load %arg8[%get3A_2144, %get3A_2145] {strides = array<i32>} : memref<26x128xf32, #tpu.memory_space<vmem>>, vector<16xf32>,
    %add3A_2147 = arith.addf %add3A_2093, %get3A_2146 : vector<16xf32>
    %get3A_2148 = arith.constant 14 : i32
    %get3A_2149 = arith.index_cast %get3A_2148 : i32 to index
    %get3A_2150 = arith.constant 96 : index
    %get3A_2151 = tpu.vector_load %arg8[%get3A_2149, %get3A_2150] {strides = array<i32>} : memref<26x128xf32, #tpu.memory_space<vmem>>, vector<16xf32>,
    %add3A_2152 = arith.addf %add3A_2098, %get3A_2151 : vector<16xf32>
    %get3A_2153 = arith.constant 14 : i32
    %get3A_2154 = arith.index_cast %get3A_2153 : i32 to index
    %get3A_2155 = arith.constant 112 : index
    %get3A_2156 = tpu.vector_load %arg8[%get3A_2154, %get3A_2155] {strides = array<i32>} : memref<26x128xf32, #tpu.memory_space<vmem>>, vector<16xf32>,
    %add3A_2157 = arith.addf %add3A_2103, %get3A_2156 : vector<16xf32>
    %dma_wait3A_2158 = arith.constant 15 : i32
    %dma_wait3A_2159 = arith.constant 15 : i32
    %dma_wait3A_2160 = arith.constant 15 : i32
    %dma_wait3A_2161 = arith.constant 0 : i32
    %dma_wait3A_2162 = tpu.memref_slice %arg8[%dma_wait3A_2160, %dma_wait3A_2161] : memref<26x128xf32, #tpu.memory_space<vmem>> -> memref<1x128xf32, #tpu.memory_space<vmem>>
    %dma_wait3A_2163 = tpu.memref_squeeze %dma_wait3A_2162 : memref<1x128xf32, #tpu.memory_space<vmem>> -> memref<128xf32, #tpu.memory_space<vmem>>
    %dma_wait3A_2164 = arith.constant 0 : i32
    %dma_wait3A_2165 = tpu.memref_slice %arg7[%dma_wait3A_2159, %dma_wait3A_2164] : memref<26x128xi32, #tpu.memory_space<vmem>> -> memref<1x128xi32, #tpu.memory_space<vmem>>
    %dma_wait3A_2166 = tpu.memref_squeeze %dma_wait3A_2165 : memref<1x128xi32, #tpu.memory_space<vmem>> -> memref<128xi32, #tpu.memory_space<vmem>>
    %dma_wait3A_2167 = arith.constant 0 : i32
    %dma_wait3A_2168 = tpu.memref_slice %arg4[%dma_wait3A_2158, %dma_wait3A_2167] : memref<26x100000xf32, #tpu.memory_space<hbm>> -> memref<1x100000xf32, #tpu.memory_space<hbm>>
    %dma_wait3A_2169 = tpu.memref_squeeze %dma_wait3A_2168 : memref<1x100000xf32, #tpu.memory_space<hbm>> -> memref<100000xf32, #tpu.memory_space<hbm>>
    %dma_wait3A_2170 = arith.constant 0 : i32
    %dma_wait3A_2171 = tpu.memref_slice %dma_wait3A_2169[%dma_wait3A_2170] : memref<100000xf32, #tpu.memory_space<hbm>> -> memref<100000xf32, #tpu.memory_space<hbm>>
    tpu.wait_indirect_dma semaphore(%arg12 : memref<!tpu.dma_semaphore, #tpu.memory_space<semaphore_mem>>) src(%dma_wait3A_2171 : memref<100000xf32, #tpu.memory_space<hbm>>) dst(%dma_wait3A_2163 : memref<128xf32, #tpu.memory_space<vmem>>)
    %get3A_2172 = arith.constant 15 : i32
    %get3A_2173 = arith.index_cast %get3A_2172 : i32 to index
    %get3A_2174 = arith.constant 0 : index
    %get3A_2175 = tpu.vector_load %arg8[%get3A_2173, %get3A_2174] {strides = array<i32>} : memref<26x128xf32, #tpu.memory_space<vmem>>, vector<16xf32>,
    %add3A_2176 = arith.addf %add3A_2122, %get3A_2175 : vector<16xf32>
    %get3A_2177 = arith.constant 15 : i32
    %get3A_2178 = arith.index_cast %get3A_2177 : i32 to index
    %get3A_2179 = arith.constant 16 : index
    %get3A_2180 = tpu.vector_load %arg8[%get3A_2178, %get3A_2179] {strides = array<i32>} : memref<26x128xf32, #tpu.memory_space<vmem>>, vector<16xf32>,
    %add3A_2181 = arith.addf %add3A_2127, %get3A_2180 : vector<16xf32>
    %get3A_2182 = arith.constant 15 : i32
    %get3A_2183 = arith.index_cast %get3A_2182 : i32 to index
    %get3A_2184 = arith.constant 32 : index
    %get3A_2185 = tpu.vector_load %arg8[%get3A_2183, %get3A_2184] {strides = array<i32>} : memref<26x128xf32, #tpu.memory_space<vmem>>, vector<16xf32>,
    %add3A_2186 = arith.addf %add3A_2132, %get3A_2185 : vector<16xf32>
    %get3A_2187 = arith.constant 15 : i32
    %get3A_2188 = arith.index_cast %get3A_2187 : i32 to index
    %get3A_2189 = arith.constant 48 : index
    %get3A_2190 = tpu.vector_load %arg8[%get3A_2188, %get3A_2189] {strides = array<i32>} : memref<26x128xf32, #tpu.memory_space<vmem>>, vector<16xf32>,
    %add3A_2191 = arith.addf %add3A_2137, %get3A_2190 : vector<16xf32>
    %get3A_2192 = arith.constant 15 : i32
    %get3A_2193 = arith.index_cast %get3A_2192 : i32 to index
    %get3A_2194 = arith.constant 64 : index
    %get3A_2195 = tpu.vector_load %arg8[%get3A_2193, %get3A_2194] {strides = array<i32>} : memref<26x128xf32, #tpu.memory_space<vmem>>, vector<16xf32>,
    %add3A_2196 = arith.addf %add3A_2142, %get3A_2195 : vector<16xf32>
    %get3A_2197 = arith.constant 15 : i32
    %get3A_2198 = arith.index_cast %get3A_2197 : i32 to index
    %get3A_2199 = arith.constant 80 : index
    %get3A_2200 = tpu.vector_load %arg8[%get3A_2198, %get3A_2199] {strides = array<i32>} : memref<26x128xf32, #tpu.memory_space<vmem>>, vector<16xf32>,
    %add3A_2201 = arith.addf %add3A_2147, %get3A_2200 : vector<16xf32>
    %get3A_2202 = arith.constant 15 : i32
    %get3A_2203 = arith.index_cast %get3A_2202 : i32 to index
    %get3A_2204 = arith.constant 96 : index
    %get3A_2205 = tpu.vector_load %arg8[%get3A_2203, %get3A_2204] {strides = array<i32>} : memref<26x128xf32, #tpu.memory_space<vmem>>, vector<16xf32>,
    %add3A_2206 = arith.addf %add3A_2152, %get3A_2205 : vector<16xf32>
    %get3A_2207 = arith.constant 15 : i32
    %get3A_2208 = arith.index_cast %get3A_2207 : i32 to index
    %get3A_2209 = arith.constant 112 : index
    %get3A_2210 = tpu.vector_load %arg8[%get3A_2208, %get3A_2209] {strides = array<i32>} : memref<26x128xf32, #tpu.memory_space<vmem>>, vector<16xf32>,
    %add3A_2211 = arith.addf %add3A_2157, %get3A_2210 : vector<16xf32>
    %dma_wait3A_2212 = arith.constant 16 : i32
    %dma_wait3A_2213 = arith.constant 16 : i32
    %dma_wait3A_2214 = arith.constant 16 : i32
    %dma_wait3A_2215 = arith.constant 0 : i32
    %dma_wait3A_2216 = tpu.memref_slice %arg8[%dma_wait3A_2214, %dma_wait3A_2215] : memref<26x128xf32, #tpu.memory_space<vmem>> -> memref<1x128xf32, #tpu.memory_space<vmem>>
    %dma_wait3A_2217 = tpu.memref_squeeze %dma_wait3A_2216 : memref<1x128xf32, #tpu.memory_space<vmem>> -> memref<128xf32, #tpu.memory_space<vmem>>
    %dma_wait3A_2218 = arith.constant 0 : i32
    %dma_wait3A_2219 = tpu.memref_slice %arg7[%dma_wait3A_2213, %dma_wait3A_2218] : memref<26x128xi32, #tpu.memory_space<vmem>> -> memref<1x128xi32, #tpu.memory_space<vmem>>
    %dma_wait3A_2220 = tpu.memref_squeeze %dma_wait3A_2219 : memref<1x128xi32, #tpu.memory_space<vmem>> -> memref<128xi32, #tpu.memory_space<vmem>>
    %dma_wait3A_2221 = arith.constant 0 : i32
    %dma_wait3A_2222 = tpu.memref_slice %arg4[%dma_wait3A_2212, %dma_wait3A_2221] : memref<26x100000xf32, #tpu.memory_space<hbm>> -> memref<1x100000xf32, #tpu.memory_space<hbm>>
    %dma_wait3A_2223 = tpu.memref_squeeze %dma_wait3A_2222 : memref<1x100000xf32, #tpu.memory_space<hbm>> -> memref<100000xf32, #tpu.memory_space<hbm>>
    %dma_wait3A_2224 = arith.constant 0 : i32
    %dma_wait3A_2225 = tpu.memref_slice %dma_wait3A_2223[%dma_wait3A_2224] : memref<100000xf32, #tpu.memory_space<hbm>> -> memref<100000xf32, #tpu.memory_space<hbm>>
    tpu.wait_indirect_dma semaphore(%arg12 : memref<!tpu.dma_semaphore, #tpu.memory_space<semaphore_mem>>) src(%dma_wait3A_2225 : memref<100000xf32, #tpu.memory_space<hbm>>) dst(%dma_wait3A_2217 : memref<128xf32, #tpu.memory_space<vmem>>)
    %get3A_2226 = arith.constant 16 : i32
    %get3A_2227 = arith.index_cast %get3A_2226 : i32 to index
    %get3A_2228 = arith.constant 0 : index
    %get3A_2229 = tpu.vector_load %arg8[%get3A_2227, %get3A_2228] {strides = array<i32>} : memref<26x128xf32, #tpu.memory_space<vmem>>, vector<16xf32>,
    %add3A_2230 = arith.addf %add3A_2176, %get3A_2229 : vector<16xf32>
    %get3A_2231 = arith.constant 16 : i32
    %get3A_2232 = arith.index_cast %get3A_2231 : i32 to index
    %get3A_2233 = arith.constant 16 : index
    %get3A_2234 = tpu.vector_load %arg8[%get3A_2232, %get3A_2233] {strides = array<i32>} : memref<26x128xf32, #tpu.memory_space<vmem>>, vector<16xf32>,
    %add3A_2235 = arith.addf %add3A_2181, %get3A_2234 : vector<16xf32>
    %get3A_2236 = arith.constant 16 : i32
    %get3A_2237 = arith.index_cast %get3A_2236 : i32 to index
    %get3A_2238 = arith.constant 32 : index
    %get3A_2239 = tpu.vector_load %arg8[%get3A_2237, %get3A_2238] {strides = array<i32>} : memref<26x128xf32, #tpu.memory_space<vmem>>, vector<16xf32>,
    %add3A_2240 = arith.addf %add3A_2186, %get3A_2239 : vector<16xf32>
    %get3A_2241 = arith.constant 16 : i32
    %get3A_2242 = arith.index_cast %get3A_2241 : i32 to index
    %get3A_2243 = arith.constant 48 : index
    %get3A_2244 = tpu.vector_load %arg8[%get3A_2242, %get3A_2243] {strides = array<i32>} : memref<26x128xf32, #tpu.memory_space<vmem>>, vector<16xf32>,
    %add3A_2245 = arith.addf %add3A_2191, %get3A_2244 : vector<16xf32>
    %get3A_2246 = arith.constant 16 : i32
    %get3A_2247 = arith.index_cast %get3A_2246 : i32 to index
    %get3A_2248 = arith.constant 64 : index
    %get3A_2249 = tpu.vector_load %arg8[%get3A_2247, %get3A_2248] {strides = array<i32>} : memref<26x128xf32, #tpu.memory_space<vmem>>, vector<16xf32>,
    %add3A_2250 = arith.addf %add3A_2196, %get3A_2249 : vector<16xf32>
    %get3A_2251 = arith.constant 16 : i32
    %get3A_2252 = arith.index_cast %get3A_2251 : i32 to index
    %get3A_2253 = arith.constant 80 : index
    %get3A_2254 = tpu.vector_load %arg8[%get3A_2252, %get3A_2253] {strides = array<i32>} : memref<26x128xf32, #tpu.memory_space<vmem>>, vector<16xf32>,
    %add3A_2255 = arith.addf %add3A_2201, %get3A_2254 : vector<16xf32>
    %get3A_2256 = arith.constant 16 : i32
    %get3A_2257 = arith.index_cast %get3A_2256 : i32 to index
    %get3A_2258 = arith.constant 96 : index
    %get3A_2259 = tpu.vector_load %arg8[%get3A_2257, %get3A_2258] {strides = array<i32>} : memref<26x128xf32, #tpu.memory_space<vmem>>, vector<16xf32>,
    %add3A_2260 = arith.addf %add3A_2206, %get3A_2259 : vector<16xf32>
    %get3A_2261 = arith.constant 16 : i32
    %get3A_2262 = arith.index_cast %get3A_2261 : i32 to index
    %get3A_2263 = arith.constant 112 : index
    %get3A_2264 = tpu.vector_load %arg8[%get3A_2262, %get3A_2263] {strides = array<i32>} : memref<26x128xf32, #tpu.memory_space<vmem>>, vector<16xf32>,
    %add3A_2265 = arith.addf %add3A_2211, %get3A_2264 : vector<16xf32>
    %dma_wait3A_2266 = arith.constant 17 : i32
    %dma_wait3A_2267 = arith.constant 17 : i32
    %dma_wait3A_2268 = arith.constant 17 : i32
    %dma_wait3A_2269 = arith.constant 0 : i32
    %dma_wait3A_2270 = tpu.memref_slice %arg8[%dma_wait3A_2268, %dma_wait3A_2269] : memref<26x128xf32, #tpu.memory_space<vmem>> -> memref<1x128xf32, #tpu.memory_space<vmem>>
    %dma_wait3A_2271 = tpu.memref_squeeze %dma_wait3A_2270 : memref<1x128xf32, #tpu.memory_space<vmem>> -> memref<128xf32, #tpu.memory_space<vmem>>
    %dma_wait3A_2272 = arith.constant 0 : i32
    %dma_wait3A_2273 = tpu.memref_slice %arg7[%dma_wait3A_2267, %dma_wait3A_2272] : memref<26x128xi32, #tpu.memory_space<vmem>> -> memref<1x128xi32, #tpu.memory_space<vmem>>
    %dma_wait3A_2274 = tpu.memref_squeeze %dma_wait3A_2273 : memref<1x128xi32, #tpu.memory_space<vmem>> -> memref<128xi32, #tpu.memory_space<vmem>>
    %dma_wait3A_2275 = arith.constant 0 : i32
    %dma_wait3A_2276 = tpu.memref_slice %arg4[%dma_wait3A_2266, %dma_wait3A_2275] : memref<26x100000xf32, #tpu.memory_space<hbm>> -> memref<1x100000xf32, #tpu.memory_space<hbm>>
    %dma_wait3A_2277 = tpu.memref_squeeze %dma_wait3A_2276 : memref<1x100000xf32, #tpu.memory_space<hbm>> -> memref<100000xf32, #tpu.memory_space<hbm>>
    %dma_wait3A_2278 = arith.constant 0 : i32
    %dma_wait3A_2279 = tpu.memref_slice %dma_wait3A_2277[%dma_wait3A_2278] : memref<100000xf32, #tpu.memory_space<hbm>> -> memref<100000xf32, #tpu.memory_space<hbm>>
    tpu.wait_indirect_dma semaphore(%arg12 : memref<!tpu.dma_semaphore, #tpu.memory_space<semaphore_mem>>) src(%dma_wait3A_2279 : memref<100000xf32, #tpu.memory_space<hbm>>) dst(%dma_wait3A_2271 : memref<128xf32, #tpu.memory_space<vmem>>)
    %get3A_2280 = arith.constant 17 : i32
    %get3A_2281 = arith.index_cast %get3A_2280 : i32 to index
    %get3A_2282 = arith.constant 0 : index
    %get3A_2283 = tpu.vector_load %arg8[%get3A_2281, %get3A_2282] {strides = array<i32>} : memref<26x128xf32, #tpu.memory_space<vmem>>, vector<16xf32>,
    %add3A_2284 = arith.addf %add3A_2230, %get3A_2283 : vector<16xf32>
    %get3A_2285 = arith.constant 17 : i32
    %get3A_2286 = arith.index_cast %get3A_2285 : i32 to index
    %get3A_2287 = arith.constant 16 : index
    %get3A_2288 = tpu.vector_load %arg8[%get3A_2286, %get3A_2287] {strides = array<i32>} : memref<26x128xf32, #tpu.memory_space<vmem>>, vector<16xf32>,
    %add3A_2289 = arith.addf %add3A_2235, %get3A_2288 : vector<16xf32>
    %get3A_2290 = arith.constant 17 : i32
    %get3A_2291 = arith.index_cast %get3A_2290 : i32 to index
    %get3A_2292 = arith.constant 32 : index
    %get3A_2293 = tpu.vector_load %arg8[%get3A_2291, %get3A_2292] {strides = array<i32>} : memref<26x128xf32, #tpu.memory_space<vmem>>, vector<16xf32>,
    %add3A_2294 = arith.addf %add3A_2240, %get3A_2293 : vector<16xf32>
    %get3A_2295 = arith.constant 17 : i32
    %get3A_2296 = arith.index_cast %get3A_2295 : i32 to index
    %get3A_2297 = arith.constant 48 : index
    %get3A_2298 = tpu.vector_load %arg8[%get3A_2296, %get3A_2297] {strides = array<i32>} : memref<26x128xf32, #tpu.memory_space<vmem>>, vector<16xf32>,
    %add3A_2299 = arith.addf %add3A_2245, %get3A_2298 : vector<16xf32>
    %get3A_2300 = arith.constant 17 : i32
    %get3A_2301 = arith.index_cast %get3A_2300 : i32 to index
    %get3A_2302 = arith.constant 64 : index
    %get3A_2303 = tpu.vector_load %arg8[%get3A_2301, %get3A_2302] {strides = array<i32>} : memref<26x128xf32, #tpu.memory_space<vmem>>, vector<16xf32>,
    %add3A_2304 = arith.addf %add3A_2250, %get3A_2303 : vector<16xf32>
    %get3A_2305 = arith.constant 17 : i32
    %get3A_2306 = arith.index_cast %get3A_2305 : i32 to index
    %get3A_2307 = arith.constant 80 : index
    %get3A_2308 = tpu.vector_load %arg8[%get3A_2306, %get3A_2307] {strides = array<i32>} : memref<26x128xf32, #tpu.memory_space<vmem>>, vector<16xf32>,
    %add3A_2309 = arith.addf %add3A_2255, %get3A_2308 : vector<16xf32>
    %get3A_2310 = arith.constant 17 : i32
    %get3A_2311 = arith.index_cast %get3A_2310 : i32 to index
    %get3A_2312 = arith.constant 96 : index
    %get3A_2313 = tpu.vector_load %arg8[%get3A_2311, %get3A_2312] {strides = array<i32>} : memref<26x128xf32, #tpu.memory_space<vmem>>, vector<16xf32>,
    %add3A_2314 = arith.addf %add3A_2260, %get3A_2313 : vector<16xf32>
    %get3A_2315 = arith.constant 17 : i32
    %get3A_2316 = arith.index_cast %get3A_2315 : i32 to index
    %get3A_2317 = arith.constant 112 : index
    %get3A_2318 = tpu.vector_load %arg8[%get3A_2316, %get3A_2317] {strides = array<i32>} : memref<26x128xf32, #tpu.memory_space<vmem>>, vector<16xf32>,
    %add3A_2319 = arith.addf %add3A_2265, %get3A_2318 : vector<16xf32>
    %dma_wait3A_2320 = arith.constant 18 : i32
    %dma_wait3A_2321 = arith.constant 18 : i32
    %dma_wait3A_2322 = arith.constant 18 : i32
    %dma_wait3A_2323 = arith.constant 0 : i32
    %dma_wait3A_2324 = tpu.memref_slice %arg8[%dma_wait3A_2322, %dma_wait3A_2323] : memref<26x128xf32, #tpu.memory_space<vmem>> -> memref<1x128xf32, #tpu.memory_space<vmem>>
    %dma_wait3A_2325 = tpu.memref_squeeze %dma_wait3A_2324 : memref<1x128xf32, #tpu.memory_space<vmem>> -> memref<128xf32, #tpu.memory_space<vmem>>
    %dma_wait3A_2326 = arith.constant 0 : i32
    %dma_wait3A_2327 = tpu.memref_slice %arg7[%dma_wait3A_2321, %dma_wait3A_2326] : memref<26x128xi32, #tpu.memory_space<vmem>> -> memref<1x128xi32, #tpu.memory_space<vmem>>
    %dma_wait3A_2328 = tpu.memref_squeeze %dma_wait3A_2327 : memref<1x128xi32, #tpu.memory_space<vmem>> -> memref<128xi32, #tpu.memory_space<vmem>>
    %dma_wait3A_2329 = arith.constant 0 : i32
    %dma_wait3A_2330 = tpu.memref_slice %arg4[%dma_wait3A_2320, %dma_wait3A_2329] : memref<26x100000xf32, #tpu.memory_space<hbm>> -> memref<1x100000xf32, #tpu.memory_space<hbm>>
    %dma_wait3A_2331 = tpu.memref_squeeze %dma_wait3A_2330 : memref<1x100000xf32, #tpu.memory_space<hbm>> -> memref<100000xf32, #tpu.memory_space<hbm>>
    %dma_wait3A_2332 = arith.constant 0 : i32
    %dma_wait3A_2333 = tpu.memref_slice %dma_wait3A_2331[%dma_wait3A_2332] : memref<100000xf32, #tpu.memory_space<hbm>> -> memref<100000xf32, #tpu.memory_space<hbm>>
    tpu.wait_indirect_dma semaphore(%arg12 : memref<!tpu.dma_semaphore, #tpu.memory_space<semaphore_mem>>) src(%dma_wait3A_2333 : memref<100000xf32, #tpu.memory_space<hbm>>) dst(%dma_wait3A_2325 : memref<128xf32, #tpu.memory_space<vmem>>)
    %get3A_2334 = arith.constant 18 : i32
    %get3A_2335 = arith.index_cast %get3A_2334 : i32 to index
    %get3A_2336 = arith.constant 0 : index
    %get3A_2337 = tpu.vector_load %arg8[%get3A_2335, %get3A_2336] {strides = array<i32>} : memref<26x128xf32, #tpu.memory_space<vmem>>, vector<16xf32>,
    %add3A_2338 = arith.addf %add3A_2284, %get3A_2337 : vector<16xf32>
    %get3A_2339 = arith.constant 18 : i32
    %get3A_2340 = arith.index_cast %get3A_2339 : i32 to index
    %get3A_2341 = arith.constant 16 : index
    %get3A_2342 = tpu.vector_load %arg8[%get3A_2340, %get3A_2341] {strides = array<i32>} : memref<26x128xf32, #tpu.memory_space<vmem>>, vector<16xf32>,
    %add3A_2343 = arith.addf %add3A_2289, %get3A_2342 : vector<16xf32>
    %get3A_2344 = arith.constant 18 : i32
    %get3A_2345 = arith.index_cast %get3A_2344 : i32 to index
    %get3A_2346 = arith.constant 32 : index
    %get3A_2347 = tpu.vector_load %arg8[%get3A_2345, %get3A_2346] {strides = array<i32>} : memref<26x128xf32, #tpu.memory_space<vmem>>, vector<16xf32>,
    %add3A_2348 = arith.addf %add3A_2294, %get3A_2347 : vector<16xf32>
    %get3A_2349 = arith.constant 18 : i32
    %get3A_2350 = arith.index_cast %get3A_2349 : i32 to index
    %get3A_2351 = arith.constant 48 : index
    %get3A_2352 = tpu.vector_load %arg8[%get3A_2350, %get3A_2351] {strides = array<i32>} : memref<26x128xf32, #tpu.memory_space<vmem>>, vector<16xf32>,
    %add3A_2353 = arith.addf %add3A_2299, %get3A_2352 : vector<16xf32>
    %get3A_2354 = arith.constant 18 : i32
    %get3A_2355 = arith.index_cast %get3A_2354 : i32 to index
    %get3A_2356 = arith.constant 64 : index
    %get3A_2357 = tpu.vector_load %arg8[%get3A_2355, %get3A_2356] {strides = array<i32>} : memref<26x128xf32, #tpu.memory_space<vmem>>, vector<16xf32>,
    %add3A_2358 = arith.addf %add3A_2304, %get3A_2357 : vector<16xf32>
    %get3A_2359 = arith.constant 18 : i32
    %get3A_2360 = arith.index_cast %get3A_2359 : i32 to index
    %get3A_2361 = arith.constant 80 : index
    %get3A_2362 = tpu.vector_load %arg8[%get3A_2360, %get3A_2361] {strides = array<i32>} : memref<26x128xf32, #tpu.memory_space<vmem>>, vector<16xf32>,
    %add3A_2363 = arith.addf %add3A_2309, %get3A_2362 : vector<16xf32>
    %get3A_2364 = arith.constant 18 : i32
    %get3A_2365 = arith.index_cast %get3A_2364 : i32 to index
    %get3A_2366 = arith.constant 96 : index
    %get3A_2367 = tpu.vector_load %arg8[%get3A_2365, %get3A_2366] {strides = array<i32>} : memref<26x128xf32, #tpu.memory_space<vmem>>, vector<16xf32>,
    %add3A_2368 = arith.addf %add3A_2314, %get3A_2367 : vector<16xf32>
    %get3A_2369 = arith.constant 18 : i32
    %get3A_2370 = arith.index_cast %get3A_2369 : i32 to index
    %get3A_2371 = arith.constant 112 : index
    %get3A_2372 = tpu.vector_load %arg8[%get3A_2370, %get3A_2371] {strides = array<i32>} : memref<26x128xf32, #tpu.memory_space<vmem>>, vector<16xf32>,
    %add3A_2373 = arith.addf %add3A_2319, %get3A_2372 : vector<16xf32>
    %dma_wait3A_2374 = arith.constant 19 : i32
    %dma_wait3A_2375 = arith.constant 19 : i32
    %dma_wait3A_2376 = arith.constant 19 : i32
    %dma_wait3A_2377 = arith.constant 0 : i32
    %dma_wait3A_2378 = tpu.memref_slice %arg8[%dma_wait3A_2376, %dma_wait3A_2377] : memref<26x128xf32, #tpu.memory_space<vmem>> -> memref<1x128xf32, #tpu.memory_space<vmem>>
    %dma_wait3A_2379 = tpu.memref_squeeze %dma_wait3A_2378 : memref<1x128xf32, #tpu.memory_space<vmem>> -> memref<128xf32, #tpu.memory_space<vmem>>
    %dma_wait3A_2380 = arith.constant 0 : i32
    %dma_wait3A_2381 = tpu.memref_slice %arg7[%dma_wait3A_2375, %dma_wait3A_2380] : memref<26x128xi32, #tpu.memory_space<vmem>> -> memref<1x128xi32, #tpu.memory_space<vmem>>
    %dma_wait3A_2382 = tpu.memref_squeeze %dma_wait3A_2381 : memref<1x128xi32, #tpu.memory_space<vmem>> -> memref<128xi32, #tpu.memory_space<vmem>>
    %dma_wait3A_2383 = arith.constant 0 : i32
    %dma_wait3A_2384 = tpu.memref_slice %arg4[%dma_wait3A_2374, %dma_wait3A_2383] : memref<26x100000xf32, #tpu.memory_space<hbm>> -> memref<1x100000xf32, #tpu.memory_space<hbm>>
    %dma_wait3A_2385 = tpu.memref_squeeze %dma_wait3A_2384 : memref<1x100000xf32, #tpu.memory_space<hbm>> -> memref<100000xf32, #tpu.memory_space<hbm>>
    %dma_wait3A_2386 = arith.constant 0 : i32
    %dma_wait3A_2387 = tpu.memref_slice %dma_wait3A_2385[%dma_wait3A_2386] : memref<100000xf32, #tpu.memory_space<hbm>> -> memref<100000xf32, #tpu.memory_space<hbm>>
    tpu.wait_indirect_dma semaphore(%arg12 : memref<!tpu.dma_semaphore, #tpu.memory_space<semaphore_mem>>) src(%dma_wait3A_2387 : memref<100000xf32, #tpu.memory_space<hbm>>) dst(%dma_wait3A_2379 : memref<128xf32, #tpu.memory_space<vmem>>)
    %get3A_2388 = arith.constant 19 : i32
    %get3A_2389 = arith.index_cast %get3A_2388 : i32 to index
    %get3A_2390 = arith.constant 0 : index
    %get3A_2391 = tpu.vector_load %arg8[%get3A_2389, %get3A_2390] {strides = array<i32>} : memref<26x128xf32, #tpu.memory_space<vmem>>, vector<16xf32>,
    %add3A_2392 = arith.addf %add3A_2338, %get3A_2391 : vector<16xf32>
    %get3A_2393 = arith.constant 19 : i32
    %get3A_2394 = arith.index_cast %get3A_2393 : i32 to index
    %get3A_2395 = arith.constant 16 : index
    %get3A_2396 = tpu.vector_load %arg8[%get3A_2394, %get3A_2395] {strides = array<i32>} : memref<26x128xf32, #tpu.memory_space<vmem>>, vector<16xf32>,
    %add3A_2397 = arith.addf %add3A_2343, %get3A_2396 : vector<16xf32>
    %get3A_2398 = arith.constant 19 : i32
    %get3A_2399 = arith.index_cast %get3A_2398 : i32 to index
    %get3A_2400 = arith.constant 32 : index
    %get3A_2401 = tpu.vector_load %arg8[%get3A_2399, %get3A_2400] {strides = array<i32>} : memref<26x128xf32, #tpu.memory_space<vmem>>, vector<16xf32>,
    %add3A_2402 = arith.addf %add3A_2348, %get3A_2401 : vector<16xf32>
    %get3A_2403 = arith.constant 19 : i32
    %get3A_2404 = arith.index_cast %get3A_2403 : i32 to index
    %get3A_2405 = arith.constant 48 : index
    %get3A_2406 = tpu.vector_load %arg8[%get3A_2404, %get3A_2405] {strides = array<i32>} : memref<26x128xf32, #tpu.memory_space<vmem>>, vector<16xf32>,
    %add3A_2407 = arith.addf %add3A_2353, %get3A_2406 : vector<16xf32>
    %get3A_2408 = arith.constant 19 : i32
    %get3A_2409 = arith.index_cast %get3A_2408 : i32 to index
    %get3A_2410 = arith.constant 64 : index
    %get3A_2411 = tpu.vector_load %arg8[%get3A_2409, %get3A_2410] {strides = array<i32>} : memref<26x128xf32, #tpu.memory_space<vmem>>, vector<16xf32>,
    %add3A_2412 = arith.addf %add3A_2358, %get3A_2411 : vector<16xf32>
    %get3A_2413 = arith.constant 19 : i32
    %get3A_2414 = arith.index_cast %get3A_2413 : i32 to index
    %get3A_2415 = arith.constant 80 : index
    %get3A_2416 = tpu.vector_load %arg8[%get3A_2414, %get3A_2415] {strides = array<i32>} : memref<26x128xf32, #tpu.memory_space<vmem>>, vector<16xf32>,
    %add3A_2417 = arith.addf %add3A_2363, %get3A_2416 : vector<16xf32>
    %get3A_2418 = arith.constant 19 : i32
    %get3A_2419 = arith.index_cast %get3A_2418 : i32 to index
    %get3A_2420 = arith.constant 96 : index
    %get3A_2421 = tpu.vector_load %arg8[%get3A_2419, %get3A_2420] {strides = array<i32>} : memref<26x128xf32, #tpu.memory_space<vmem>>, vector<16xf32>,
    %add3A_2422 = arith.addf %add3A_2368, %get3A_2421 : vector<16xf32>
    %get3A_2423 = arith.constant 19 : i32
    %get3A_2424 = arith.index_cast %get3A_2423 : i32 to index
    %get3A_2425 = arith.constant 112 : index
    %get3A_2426 = tpu.vector_load %arg8[%get3A_2424, %get3A_2425] {strides = array<i32>} : memref<26x128xf32, #tpu.memory_space<vmem>>, vector<16xf32>,
    %add3A_2427 = arith.addf %add3A_2373, %get3A_2426 : vector<16xf32>
    %dma_wait3A_2428 = arith.constant 20 : i32
    %dma_wait3A_2429 = arith.constant 20 : i32
    %dma_wait3A_2430 = arith.constant 20 : i32
    %dma_wait3A_2431 = arith.constant 0 : i32
    %dma_wait3A_2432 = tpu.memref_slice %arg8[%dma_wait3A_2430, %dma_wait3A_2431] : memref<26x128xf32, #tpu.memory_space<vmem>> -> memref<1x128xf32, #tpu.memory_space<vmem>>
    %dma_wait3A_2433 = tpu.memref_squeeze %dma_wait3A_2432 : memref<1x128xf32, #tpu.memory_space<vmem>> -> memref<128xf32, #tpu.memory_space<vmem>>
    %dma_wait3A_2434 = arith.constant 0 : i32
    %dma_wait3A_2435 = tpu.memref_slice %arg7[%dma_wait3A_2429, %dma_wait3A_2434] : memref<26x128xi32, #tpu.memory_space<vmem>> -> memref<1x128xi32, #tpu.memory_space<vmem>>
    %dma_wait3A_2436 = tpu.memref_squeeze %dma_wait3A_2435 : memref<1x128xi32, #tpu.memory_space<vmem>> -> memref<128xi32, #tpu.memory_space<vmem>>
    %dma_wait3A_2437 = arith.constant 0 : i32
    %dma_wait3A_2438 = tpu.memref_slice %arg4[%dma_wait3A_2428, %dma_wait3A_2437] : memref<26x100000xf32, #tpu.memory_space<hbm>> -> memref<1x100000xf32, #tpu.memory_space<hbm>>
    %dma_wait3A_2439 = tpu.memref_squeeze %dma_wait3A_2438 : memref<1x100000xf32, #tpu.memory_space<hbm>> -> memref<100000xf32, #tpu.memory_space<hbm>>
    %dma_wait3A_2440 = arith.constant 0 : i32
    %dma_wait3A_2441 = tpu.memref_slice %dma_wait3A_2439[%dma_wait3A_2440] : memref<100000xf32, #tpu.memory_space<hbm>> -> memref<100000xf32, #tpu.memory_space<hbm>>
    tpu.wait_indirect_dma semaphore(%arg12 : memref<!tpu.dma_semaphore, #tpu.memory_space<semaphore_mem>>) src(%dma_wait3A_2441 : memref<100000xf32, #tpu.memory_space<hbm>>) dst(%dma_wait3A_2433 : memref<128xf32, #tpu.memory_space<vmem>>)
    %get3A_2442 = arith.constant 20 : i32
    %get3A_2443 = arith.index_cast %get3A_2442 : i32 to index
    %get3A_2444 = arith.constant 0 : index
    %get3A_2445 = tpu.vector_load %arg8[%get3A_2443, %get3A_2444] {strides = array<i32>} : memref<26x128xf32, #tpu.memory_space<vmem>>, vector<16xf32>,
    %add3A_2446 = arith.addf %add3A_2392, %get3A_2445 : vector<16xf32>
    %get3A_2447 = arith.constant 20 : i32
    %get3A_2448 = arith.index_cast %get3A_2447 : i32 to index
    %get3A_2449 = arith.constant 16 : index
    %get3A_2450 = tpu.vector_load %arg8[%get3A_2448, %get3A_2449] {strides = array<i32>} : memref<26x128xf32, #tpu.memory_space<vmem>>, vector<16xf32>,
    %add3A_2451 = arith.addf %add3A_2397, %get3A_2450 : vector<16xf32>
    %get3A_2452 = arith.constant 20 : i32
    %get3A_2453 = arith.index_cast %get3A_2452 : i32 to index
    %get3A_2454 = arith.constant 32 : index
    %get3A_2455 = tpu.vector_load %arg8[%get3A_2453, %get3A_2454] {strides = array<i32>} : memref<26x128xf32, #tpu.memory_space<vmem>>, vector<16xf32>,
    %add3A_2456 = arith.addf %add3A_2402, %get3A_2455 : vector<16xf32>
    %get3A_2457 = arith.constant 20 : i32
    %get3A_2458 = arith.index_cast %get3A_2457 : i32 to index
    %get3A_2459 = arith.constant 48 : index
    %get3A_2460 = tpu.vector_load %arg8[%get3A_2458, %get3A_2459] {strides = array<i32>} : memref<26x128xf32, #tpu.memory_space<vmem>>, vector<16xf32>,
    %add3A_2461 = arith.addf %add3A_2407, %get3A_2460 : vector<16xf32>
    %get3A_2462 = arith.constant 20 : i32
    %get3A_2463 = arith.index_cast %get3A_2462 : i32 to index
    %get3A_2464 = arith.constant 64 : index
    %get3A_2465 = tpu.vector_load %arg8[%get3A_2463, %get3A_2464] {strides = array<i32>} : memref<26x128xf32, #tpu.memory_space<vmem>>, vector<16xf32>,
    %add3A_2466 = arith.addf %add3A_2412, %get3A_2465 : vector<16xf32>
    %get3A_2467 = arith.constant 20 : i32
    %get3A_2468 = arith.index_cast %get3A_2467 : i32 to index
    %get3A_2469 = arith.constant 80 : index
    %get3A_2470 = tpu.vector_load %arg8[%get3A_2468, %get3A_2469] {strides = array<i32>} : memref<26x128xf32, #tpu.memory_space<vmem>>, vector<16xf32>,
    %add3A_2471 = arith.addf %add3A_2417, %get3A_2470 : vector<16xf32>
    %get3A_2472 = arith.constant 20 : i32
    %get3A_2473 = arith.index_cast %get3A_2472 : i32 to index
    %get3A_2474 = arith.constant 96 : index
    %get3A_2475 = tpu.vector_load %arg8[%get3A_2473, %get3A_2474] {strides = array<i32>} : memref<26x128xf32, #tpu.memory_space<vmem>>, vector<16xf32>,
    %add3A_2476 = arith.addf %add3A_2422, %get3A_2475 : vector<16xf32>
    %get3A_2477 = arith.constant 20 : i32
    %get3A_2478 = arith.index_cast %get3A_2477 : i32 to index
    %get3A_2479 = arith.constant 112 : index
    %get3A_2480 = tpu.vector_load %arg8[%get3A_2478, %get3A_2479] {strides = array<i32>} : memref<26x128xf32, #tpu.memory_space<vmem>>, vector<16xf32>,
    %add3A_2481 = arith.addf %add3A_2427, %get3A_2480 : vector<16xf32>
    %dma_wait3A_2482 = arith.constant 21 : i32
    %dma_wait3A_2483 = arith.constant 21 : i32
    %dma_wait3A_2484 = arith.constant 21 : i32
    %dma_wait3A_2485 = arith.constant 0 : i32
    %dma_wait3A_2486 = tpu.memref_slice %arg8[%dma_wait3A_2484, %dma_wait3A_2485] : memref<26x128xf32, #tpu.memory_space<vmem>> -> memref<1x128xf32, #tpu.memory_space<vmem>>
    %dma_wait3A_2487 = tpu.memref_squeeze %dma_wait3A_2486 : memref<1x128xf32, #tpu.memory_space<vmem>> -> memref<128xf32, #tpu.memory_space<vmem>>
    %dma_wait3A_2488 = arith.constant 0 : i32
    %dma_wait3A_2489 = tpu.memref_slice %arg7[%dma_wait3A_2483, %dma_wait3A_2488] : memref<26x128xi32, #tpu.memory_space<vmem>> -> memref<1x128xi32, #tpu.memory_space<vmem>>
    %dma_wait3A_2490 = tpu.memref_squeeze %dma_wait3A_2489 : memref<1x128xi32, #tpu.memory_space<vmem>> -> memref<128xi32, #tpu.memory_space<vmem>>
    %dma_wait3A_2491 = arith.constant 0 : i32
    %dma_wait3A_2492 = tpu.memref_slice %arg4[%dma_wait3A_2482, %dma_wait3A_2491] : memref<26x100000xf32, #tpu.memory_space<hbm>> -> memref<1x100000xf32, #tpu.memory_space<hbm>>
    %dma_wait3A_2493 = tpu.memref_squeeze %dma_wait3A_2492 : memref<1x100000xf32, #tpu.memory_space<hbm>> -> memref<100000xf32, #tpu.memory_space<hbm>>
    %dma_wait3A_2494 = arith.constant 0 : i32
    %dma_wait3A_2495 = tpu.memref_slice %dma_wait3A_2493[%dma_wait3A_2494] : memref<100000xf32, #tpu.memory_space<hbm>> -> memref<100000xf32, #tpu.memory_space<hbm>>
    tpu.wait_indirect_dma semaphore(%arg12 : memref<!tpu.dma_semaphore, #tpu.memory_space<semaphore_mem>>) src(%dma_wait3A_2495 : memref<100000xf32, #tpu.memory_space<hbm>>) dst(%dma_wait3A_2487 : memref<128xf32, #tpu.memory_space<vmem>>)
    %get3A_2496 = arith.constant 21 : i32
    %get3A_2497 = arith.index_cast %get3A_2496 : i32 to index
    %get3A_2498 = arith.constant 0 : index
    %get3A_2499 = tpu.vector_load %arg8[%get3A_2497, %get3A_2498] {strides = array<i32>} : memref<26x128xf32, #tpu.memory_space<vmem>>, vector<16xf32>,
    %add3A_2500 = arith.addf %add3A_2446, %get3A_2499 : vector<16xf32>
    %get3A_2501 = arith.constant 21 : i32
    %get3A_2502 = arith.index_cast %get3A_2501 : i32 to index
    %get3A_2503 = arith.constant 16 : index
    %get3A_2504 = tpu.vector_load %arg8[%get3A_2502, %get3A_2503] {strides = array<i32>} : memref<26x128xf32, #tpu.memory_space<vmem>>, vector<16xf32>,
    %add3A_2505 = arith.addf %add3A_2451, %get3A_2504 : vector<16xf32>
    %get3A_2506 = arith.constant 21 : i32
    %get3A_2507 = arith.index_cast %get3A_2506 : i32 to index
    %get3A_2508 = arith.constant 32 : index
    %get3A_2509 = tpu.vector_load %arg8[%get3A_2507, %get3A_2508] {strides = array<i32>} : memref<26x128xf32, #tpu.memory_space<vmem>>, vector<16xf32>,
    %add3A_2510 = arith.addf %add3A_2456, %get3A_2509 : vector<16xf32>
    %get3A_2511 = arith.constant 21 : i32
    %get3A_2512 = arith.index_cast %get3A_2511 : i32 to index
    %get3A_2513 = arith.constant 48 : index
    %get3A_2514 = tpu.vector_load %arg8[%get3A_2512, %get3A_2513] {strides = array<i32>} : memref<26x128xf32, #tpu.memory_space<vmem>>, vector<16xf32>,
    %add3A_2515 = arith.addf %add3A_2461, %get3A_2514 : vector<16xf32>
    %get3A_2516 = arith.constant 21 : i32
    %get3A_2517 = arith.index_cast %get3A_2516 : i32 to index
    %get3A_2518 = arith.constant 64 : index
    %get3A_2519 = tpu.vector_load %arg8[%get3A_2517, %get3A_2518] {strides = array<i32>} : memref<26x128xf32, #tpu.memory_space<vmem>>, vector<16xf32>,
    %add3A_2520 = arith.addf %add3A_2466, %get3A_2519 : vector<16xf32>
    %get3A_2521 = arith.constant 21 : i32
    %get3A_2522 = arith.index_cast %get3A_2521 : i32 to index
    %get3A_2523 = arith.constant 80 : index
    %get3A_2524 = tpu.vector_load %arg8[%get3A_2522, %get3A_2523] {strides = array<i32>} : memref<26x128xf32, #tpu.memory_space<vmem>>, vector<16xf32>,
    %add3A_2525 = arith.addf %add3A_2471, %get3A_2524 : vector<16xf32>
    %get3A_2526 = arith.constant 21 : i32
    %get3A_2527 = arith.index_cast %get3A_2526 : i32 to index
    %get3A_2528 = arith.constant 96 : index
    %get3A_2529 = tpu.vector_load %arg8[%get3A_2527, %get3A_2528] {strides = array<i32>} : memref<26x128xf32, #tpu.memory_space<vmem>>, vector<16xf32>,
    %add3A_2530 = arith.addf %add3A_2476, %get3A_2529 : vector<16xf32>
    %get3A_2531 = arith.constant 21 : i32
    %get3A_2532 = arith.index_cast %get3A_2531 : i32 to index
    %get3A_2533 = arith.constant 112 : index
    %get3A_2534 = tpu.vector_load %arg8[%get3A_2532, %get3A_2533] {strides = array<i32>} : memref<26x128xf32, #tpu.memory_space<vmem>>, vector<16xf32>,
    %add3A_2535 = arith.addf %add3A_2481, %get3A_2534 : vector<16xf32>
    %dma_wait3A_2536 = arith.constant 22 : i32
    %dma_wait3A_2537 = arith.constant 22 : i32
    %dma_wait3A_2538 = arith.constant 22 : i32
    %dma_wait3A_2539 = arith.constant 0 : i32
    %dma_wait3A_2540 = tpu.memref_slice %arg8[%dma_wait3A_2538, %dma_wait3A_2539] : memref<26x128xf32, #tpu.memory_space<vmem>> -> memref<1x128xf32, #tpu.memory_space<vmem>>
    %dma_wait3A_2541 = tpu.memref_squeeze %dma_wait3A_2540 : memref<1x128xf32, #tpu.memory_space<vmem>> -> memref<128xf32, #tpu.memory_space<vmem>>
    %dma_wait3A_2542 = arith.constant 0 : i32
    %dma_wait3A_2543 = tpu.memref_slice %arg7[%dma_wait3A_2537, %dma_wait3A_2542] : memref<26x128xi32, #tpu.memory_space<vmem>> -> memref<1x128xi32, #tpu.memory_space<vmem>>
    %dma_wait3A_2544 = tpu.memref_squeeze %dma_wait3A_2543 : memref<1x128xi32, #tpu.memory_space<vmem>> -> memref<128xi32, #tpu.memory_space<vmem>>
    %dma_wait3A_2545 = arith.constant 0 : i32
    %dma_wait3A_2546 = tpu.memref_slice %arg4[%dma_wait3A_2536, %dma_wait3A_2545] : memref<26x100000xf32, #tpu.memory_space<hbm>> -> memref<1x100000xf32, #tpu.memory_space<hbm>>
    %dma_wait3A_2547 = tpu.memref_squeeze %dma_wait3A_2546 : memref<1x100000xf32, #tpu.memory_space<hbm>> -> memref<100000xf32, #tpu.memory_space<hbm>>
    %dma_wait3A_2548 = arith.constant 0 : i32
    %dma_wait3A_2549 = tpu.memref_slice %dma_wait3A_2547[%dma_wait3A_2548] : memref<100000xf32, #tpu.memory_space<hbm>> -> memref<100000xf32, #tpu.memory_space<hbm>>
    tpu.wait_indirect_dma semaphore(%arg12 : memref<!tpu.dma_semaphore, #tpu.memory_space<semaphore_mem>>) src(%dma_wait3A_2549 : memref<100000xf32, #tpu.memory_space<hbm>>) dst(%dma_wait3A_2541 : memref<128xf32, #tpu.memory_space<vmem>>)
    %get3A_2550 = arith.constant 22 : i32
    %get3A_2551 = arith.index_cast %get3A_2550 : i32 to index
    %get3A_2552 = arith.constant 0 : index
    %get3A_2553 = tpu.vector_load %arg8[%get3A_2551, %get3A_2552] {strides = array<i32>} : memref<26x128xf32, #tpu.memory_space<vmem>>, vector<16xf32>,
    %add3A_2554 = arith.addf %add3A_2500, %get3A_2553 : vector<16xf32>
    %get3A_2555 = arith.constant 22 : i32
    %get3A_2556 = arith.index_cast %get3A_2555 : i32 to index
    %get3A_2557 = arith.constant 16 : index
    %get3A_2558 = tpu.vector_load %arg8[%get3A_2556, %get3A_2557] {strides = array<i32>} : memref<26x128xf32, #tpu.memory_space<vmem>>, vector<16xf32>,
    %add3A_2559 = arith.addf %add3A_2505, %get3A_2558 : vector<16xf32>
    %get3A_2560 = arith.constant 22 : i32
    %get3A_2561 = arith.index_cast %get3A_2560 : i32 to index
    %get3A_2562 = arith.constant 32 : index
    %get3A_2563 = tpu.vector_load %arg8[%get3A_2561, %get3A_2562] {strides = array<i32>} : memref<26x128xf32, #tpu.memory_space<vmem>>, vector<16xf32>,
    %add3A_2564 = arith.addf %add3A_2510, %get3A_2563 : vector<16xf32>
    %get3A_2565 = arith.constant 22 : i32
    %get3A_2566 = arith.index_cast %get3A_2565 : i32 to index
    %get3A_2567 = arith.constant 48 : index
    %get3A_2568 = tpu.vector_load %arg8[%get3A_2566, %get3A_2567] {strides = array<i32>} : memref<26x128xf32, #tpu.memory_space<vmem>>, vector<16xf32>,
    %add3A_2569 = arith.addf %add3A_2515, %get3A_2568 : vector<16xf32>
    %get3A_2570 = arith.constant 22 : i32
    %get3A_2571 = arith.index_cast %get3A_2570 : i32 to index
    %get3A_2572 = arith.constant 64 : index
    %get3A_2573 = tpu.vector_load %arg8[%get3A_2571, %get3A_2572] {strides = array<i32>} : memref<26x128xf32, #tpu.memory_space<vmem>>, vector<16xf32>,
    %add3A_2574 = arith.addf %add3A_2520, %get3A_2573 : vector<16xf32>
    %get3A_2575 = arith.constant 22 : i32
    %get3A_2576 = arith.index_cast %get3A_2575 : i32 to index
    %get3A_2577 = arith.constant 80 : index
    %get3A_2578 = tpu.vector_load %arg8[%get3A_2576, %get3A_2577] {strides = array<i32>} : memref<26x128xf32, #tpu.memory_space<vmem>>, vector<16xf32>,
    %add3A_2579 = arith.addf %add3A_2525, %get3A_2578 : vector<16xf32>
    %get3A_2580 = arith.constant 22 : i32
    %get3A_2581 = arith.index_cast %get3A_2580 : i32 to index
    %get3A_2582 = arith.constant 96 : index
    %get3A_2583 = tpu.vector_load %arg8[%get3A_2581, %get3A_2582] {strides = array<i32>} : memref<26x128xf32, #tpu.memory_space<vmem>>, vector<16xf32>,
    %add3A_2584 = arith.addf %add3A_2530, %get3A_2583 : vector<16xf32>
    %get3A_2585 = arith.constant 22 : i32
    %get3A_2586 = arith.index_cast %get3A_2585 : i32 to index
    %get3A_2587 = arith.constant 112 : index
    %get3A_2588 = tpu.vector_load %arg8[%get3A_2586, %get3A_2587] {strides = array<i32>} : memref<26x128xf32, #tpu.memory_space<vmem>>, vector<16xf32>,
    %add3A_2589 = arith.addf %add3A_2535, %get3A_2588 : vector<16xf32>
    %dma_wait3A_2590 = arith.constant 23 : i32
    %dma_wait3A_2591 = arith.constant 23 : i32
    %dma_wait3A_2592 = arith.constant 23 : i32
    %dma_wait3A_2593 = arith.constant 0 : i32
    %dma_wait3A_2594 = tpu.memref_slice %arg8[%dma_wait3A_2592, %dma_wait3A_2593] : memref<26x128xf32, #tpu.memory_space<vmem>> -> memref<1x128xf32, #tpu.memory_space<vmem>>
    %dma_wait3A_2595 = tpu.memref_squeeze %dma_wait3A_2594 : memref<1x128xf32, #tpu.memory_space<vmem>> -> memref<128xf32, #tpu.memory_space<vmem>>
    %dma_wait3A_2596 = arith.constant 0 : i32
    %dma_wait3A_2597 = tpu.memref_slice %arg7[%dma_wait3A_2591, %dma_wait3A_2596] : memref<26x128xi32, #tpu.memory_space<vmem>> -> memref<1x128xi32, #tpu.memory_space<vmem>>
    %dma_wait3A_2598 = tpu.memref_squeeze %dma_wait3A_2597 : memref<1x128xi32, #tpu.memory_space<vmem>> -> memref<128xi32, #tpu.memory_space<vmem>>
    %dma_wait3A_2599 = arith.constant 0 : i32
    %dma_wait3A_2600 = tpu.memref_slice %arg4[%dma_wait3A_2590, %dma_wait3A_2599] : memref<26x100000xf32, #tpu.memory_space<hbm>> -> memref<1x100000xf32, #tpu.memory_space<hbm>>
    %dma_wait3A_2601 = tpu.memref_squeeze %dma_wait3A_2600 : memref<1x100000xf32, #tpu.memory_space<hbm>> -> memref<100000xf32, #tpu.memory_space<hbm>>
    %dma_wait3A_2602 = arith.constant 0 : i32
    %dma_wait3A_2603 = tpu.memref_slice %dma_wait3A_2601[%dma_wait3A_2602] : memref<100000xf32, #tpu.memory_space<hbm>> -> memref<100000xf32, #tpu.memory_space<hbm>>
    tpu.wait_indirect_dma semaphore(%arg12 : memref<!tpu.dma_semaphore, #tpu.memory_space<semaphore_mem>>) src(%dma_wait3A_2603 : memref<100000xf32, #tpu.memory_space<hbm>>) dst(%dma_wait3A_2595 : memref<128xf32, #tpu.memory_space<vmem>>)
    %get3A_2604 = arith.constant 23 : i32
    %get3A_2605 = arith.index_cast %get3A_2604 : i32 to index
    %get3A_2606 = arith.constant 0 : index
    %get3A_2607 = tpu.vector_load %arg8[%get3A_2605, %get3A_2606] {strides = array<i32>} : memref<26x128xf32, #tpu.memory_space<vmem>>, vector<16xf32>,
    %add3A_2608 = arith.addf %add3A_2554, %get3A_2607 : vector<16xf32>
    %get3A_2609 = arith.constant 23 : i32
    %get3A_2610 = arith.index_cast %get3A_2609 : i32 to index
    %get3A_2611 = arith.constant 16 : index
    %get3A_2612 = tpu.vector_load %arg8[%get3A_2610, %get3A_2611] {strides = array<i32>} : memref<26x128xf32, #tpu.memory_space<vmem>>, vector<16xf32>,
    %add3A_2613 = arith.addf %add3A_2559, %get3A_2612 : vector<16xf32>
    %get3A_2614 = arith.constant 23 : i32
    %get3A_2615 = arith.index_cast %get3A_2614 : i32 to index
    %get3A_2616 = arith.constant 32 : index
    %get3A_2617 = tpu.vector_load %arg8[%get3A_2615, %get3A_2616] {strides = array<i32>} : memref<26x128xf32, #tpu.memory_space<vmem>>, vector<16xf32>,
    %add3A_2618 = arith.addf %add3A_2564, %get3A_2617 : vector<16xf32>
    %get3A_2619 = arith.constant 23 : i32
    %get3A_2620 = arith.index_cast %get3A_2619 : i32 to index
    %get3A_2621 = arith.constant 48 : index
    %get3A_2622 = tpu.vector_load %arg8[%get3A_2620, %get3A_2621] {strides = array<i32>} : memref<26x128xf32, #tpu.memory_space<vmem>>, vector<16xf32>,
    %add3A_2623 = arith.addf %add3A_2569, %get3A_2622 : vector<16xf32>
    %get3A_2624 = arith.constant 23 : i32
    %get3A_2625 = arith.index_cast %get3A_2624 : i32 to index
    %get3A_2626 = arith.constant 64 : index
    %get3A_2627 = tpu.vector_load %arg8[%get3A_2625, %get3A_2626] {strides = array<i32>} : memref<26x128xf32, #tpu.memory_space<vmem>>, vector<16xf32>,
    %add3A_2628 = arith.addf %add3A_2574, %get3A_2627 : vector<16xf32>
    %get3A_2629 = arith.constant 23 : i32
    %get3A_2630 = arith.index_cast %get3A_2629 : i32 to index
    %get3A_2631 = arith.constant 80 : index
    %get3A_2632 = tpu.vector_load %arg8[%get3A_2630, %get3A_2631] {strides = array<i32>} : memref<26x128xf32, #tpu.memory_space<vmem>>, vector<16xf32>,
    %add3A_2633 = arith.addf %add3A_2579, %get3A_2632 : vector<16xf32>
    %get3A_2634 = arith.constant 23 : i32
    %get3A_2635 = arith.index_cast %get3A_2634 : i32 to index
    %get3A_2636 = arith.constant 96 : index
    %get3A_2637 = tpu.vector_load %arg8[%get3A_2635, %get3A_2636] {strides = array<i32>} : memref<26x128xf32, #tpu.memory_space<vmem>>, vector<16xf32>,
    %add3A_2638 = arith.addf %add3A_2584, %get3A_2637 : vector<16xf32>
    %get3A_2639 = arith.constant 23 : i32
    %get3A_2640 = arith.index_cast %get3A_2639 : i32 to index
    %get3A_2641 = arith.constant 112 : index
    %get3A_2642 = tpu.vector_load %arg8[%get3A_2640, %get3A_2641] {strides = array<i32>} : memref<26x128xf32, #tpu.memory_space<vmem>>, vector<16xf32>,
    %add3A_2643 = arith.addf %add3A_2589, %get3A_2642 : vector<16xf32>
    %dma_wait3A_2644 = arith.constant 24 : i32
    %dma_wait3A_2645 = arith.constant 24 : i32
    %dma_wait3A_2646 = arith.constant 24 : i32
    %dma_wait3A_2647 = arith.constant 0 : i32
    %dma_wait3A_2648 = tpu.memref_slice %arg8[%dma_wait3A_2646, %dma_wait3A_2647] : memref<26x128xf32, #tpu.memory_space<vmem>> -> memref<1x128xf32, #tpu.memory_space<vmem>>
    %dma_wait3A_2649 = tpu.memref_squeeze %dma_wait3A_2648 : memref<1x128xf32, #tpu.memory_space<vmem>> -> memref<128xf32, #tpu.memory_space<vmem>>
    %dma_wait3A_2650 = arith.constant 0 : i32
    %dma_wait3A_2651 = tpu.memref_slice %arg7[%dma_wait3A_2645, %dma_wait3A_2650] : memref<26x128xi32, #tpu.memory_space<vmem>> -> memref<1x128xi32, #tpu.memory_space<vmem>>
    %dma_wait3A_2652 = tpu.memref_squeeze %dma_wait3A_2651 : memref<1x128xi32, #tpu.memory_space<vmem>> -> memref<128xi32, #tpu.memory_space<vmem>>
    %dma_wait3A_2653 = arith.constant 0 : i32
    %dma_wait3A_2654 = tpu.memref_slice %arg4[%dma_wait3A_2644, %dma_wait3A_2653] : memref<26x100000xf32, #tpu.memory_space<hbm>> -> memref<1x100000xf32, #tpu.memory_space<hbm>>
    %dma_wait3A_2655 = tpu.memref_squeeze %dma_wait3A_2654 : memref<1x100000xf32, #tpu.memory_space<hbm>> -> memref<100000xf32, #tpu.memory_space<hbm>>
    %dma_wait3A_2656 = arith.constant 0 : i32
    %dma_wait3A_2657 = tpu.memref_slice %dma_wait3A_2655[%dma_wait3A_2656] : memref<100000xf32, #tpu.memory_space<hbm>> -> memref<100000xf32, #tpu.memory_space<hbm>>
    tpu.wait_indirect_dma semaphore(%arg12 : memref<!tpu.dma_semaphore, #tpu.memory_space<semaphore_mem>>) src(%dma_wait3A_2657 : memref<100000xf32, #tpu.memory_space<hbm>>) dst(%dma_wait3A_2649 : memref<128xf32, #tpu.memory_space<vmem>>)
    %get3A_2658 = arith.constant 24 : i32
    %get3A_2659 = arith.index_cast %get3A_2658 : i32 to index
    %get3A_2660 = arith.constant 0 : index
    %get3A_2661 = tpu.vector_load %arg8[%get3A_2659, %get3A_2660] {strides = array<i32>} : memref<26x128xf32, #tpu.memory_space<vmem>>, vector<16xf32>,
    %add3A_2662 = arith.addf %add3A_2608, %get3A_2661 : vector<16xf32>
    %get3A_2663 = arith.constant 24 : i32
    %get3A_2664 = arith.index_cast %get3A_2663 : i32 to index
    %get3A_2665 = arith.constant 16 : index
    %get3A_2666 = tpu.vector_load %arg8[%get3A_2664, %get3A_2665] {strides = array<i32>} : memref<26x128xf32, #tpu.memory_space<vmem>>, vector<16xf32>,
    %add3A_2667 = arith.addf %add3A_2613, %get3A_2666 : vector<16xf32>
    %get3A_2668 = arith.constant 24 : i32
    %get3A_2669 = arith.index_cast %get3A_2668 : i32 to index
    %get3A_2670 = arith.constant 32 : index
    %get3A_2671 = tpu.vector_load %arg8[%get3A_2669, %get3A_2670] {strides = array<i32>} : memref<26x128xf32, #tpu.memory_space<vmem>>, vector<16xf32>,
    %add3A_2672 = arith.addf %add3A_2618, %get3A_2671 : vector<16xf32>
    %get3A_2673 = arith.constant 24 : i32
    %get3A_2674 = arith.index_cast %get3A_2673 : i32 to index
    %get3A_2675 = arith.constant 48 : index
    %get3A_2676 = tpu.vector_load %arg8[%get3A_2674, %get3A_2675] {strides = array<i32>} : memref<26x128xf32, #tpu.memory_space<vmem>>, vector<16xf32>,
    %add3A_2677 = arith.addf %add3A_2623, %get3A_2676 : vector<16xf32>
    %get3A_2678 = arith.constant 24 : i32
    %get3A_2679 = arith.index_cast %get3A_2678 : i32 to index
    %get3A_2680 = arith.constant 64 : index
    %get3A_2681 = tpu.vector_load %arg8[%get3A_2679, %get3A_2680] {strides = array<i32>} : memref<26x128xf32, #tpu.memory_space<vmem>>, vector<16xf32>,
    %add3A_2682 = arith.addf %add3A_2628, %get3A_2681 : vector<16xf32>
    %get3A_2683 = arith.constant 24 : i32
    %get3A_2684 = arith.index_cast %get3A_2683 : i32 to index
    %get3A_2685 = arith.constant 80 : index
    %get3A_2686 = tpu.vector_load %arg8[%get3A_2684, %get3A_2685] {strides = array<i32>} : memref<26x128xf32, #tpu.memory_space<vmem>>, vector<16xf32>,
    %add3A_2687 = arith.addf %add3A_2633, %get3A_2686 : vector<16xf32>
    %get3A_2688 = arith.constant 24 : i32
    %get3A_2689 = arith.index_cast %get3A_2688 : i32 to index
    %get3A_2690 = arith.constant 96 : index
    %get3A_2691 = tpu.vector_load %arg8[%get3A_2689, %get3A_2690] {strides = array<i32>} : memref<26x128xf32, #tpu.memory_space<vmem>>, vector<16xf32>,
    %add3A_2692 = arith.addf %add3A_2638, %get3A_2691 : vector<16xf32>
    %get3A_2693 = arith.constant 24 : i32
    %get3A_2694 = arith.index_cast %get3A_2693 : i32 to index
    %get3A_2695 = arith.constant 112 : index
    %get3A_2696 = tpu.vector_load %arg8[%get3A_2694, %get3A_2695] {strides = array<i32>} : memref<26x128xf32, #tpu.memory_space<vmem>>, vector<16xf32>,
    %add3A_2697 = arith.addf %add3A_2643, %get3A_2696 : vector<16xf32>
    %dma_wait3A_2698 = arith.constant 25 : i32
    %dma_wait3A_2699 = arith.constant 25 : i32
    %dma_wait3A_2700 = arith.constant 25 : i32
    %dma_wait3A_2701 = arith.constant 0 : i32
    %dma_wait3A_2702 = tpu.memref_slice %arg8[%dma_wait3A_2700, %dma_wait3A_2701] : memref<26x128xf32, #tpu.memory_space<vmem>> -> memref<1x128xf32, #tpu.memory_space<vmem>>
    %dma_wait3A_2703 = tpu.memref_squeeze %dma_wait3A_2702 : memref<1x128xf32, #tpu.memory_space<vmem>> -> memref<128xf32, #tpu.memory_space<vmem>>
    %dma_wait3A_2704 = arith.constant 0 : i32
    %dma_wait3A_2705 = tpu.memref_slice %arg7[%dma_wait3A_2699, %dma_wait3A_2704] : memref<26x128xi32, #tpu.memory_space<vmem>> -> memref<1x128xi32, #tpu.memory_space<vmem>>
    %dma_wait3A_2706 = tpu.memref_squeeze %dma_wait3A_2705 : memref<1x128xi32, #tpu.memory_space<vmem>> -> memref<128xi32, #tpu.memory_space<vmem>>
    %dma_wait3A_2707 = arith.constant 0 : i32
    %dma_wait3A_2708 = tpu.memref_slice %arg4[%dma_wait3A_2698, %dma_wait3A_2707] : memref<26x100000xf32, #tpu.memory_space<hbm>> -> memref<1x100000xf32, #tpu.memory_space<hbm>>
    %dma_wait3A_2709 = tpu.memref_squeeze %dma_wait3A_2708 : memref<1x100000xf32, #tpu.memory_space<hbm>> -> memref<100000xf32, #tpu.memory_space<hbm>>
    %dma_wait3A_2710 = arith.constant 0 : i32
    %dma_wait3A_2711 = tpu.memref_slice %dma_wait3A_2709[%dma_wait3A_2710] : memref<100000xf32, #tpu.memory_space<hbm>> -> memref<100000xf32, #tpu.memory_space<hbm>>
    tpu.wait_indirect_dma semaphore(%arg12 : memref<!tpu.dma_semaphore, #tpu.memory_space<semaphore_mem>>) src(%dma_wait3A_2711 : memref<100000xf32, #tpu.memory_space<hbm>>) dst(%dma_wait3A_2703 : memref<128xf32, #tpu.memory_space<vmem>>)
    %get3A_2712 = arith.constant 25 : i32
    %get3A_2713 = arith.index_cast %get3A_2712 : i32 to index
    %get3A_2714 = arith.constant 0 : index
    %get3A_2715 = tpu.vector_load %arg8[%get3A_2713, %get3A_2714] {strides = array<i32>} : memref<26x128xf32, #tpu.memory_space<vmem>>, vector<16xf32>,
    %add3A_2716 = arith.addf %add3A_2662, %get3A_2715 : vector<16xf32>
    %get3A_2717 = arith.constant 25 : i32
    %get3A_2718 = arith.index_cast %get3A_2717 : i32 to index
    %get3A_2719 = arith.constant 16 : index
    %get3A_2720 = tpu.vector_load %arg8[%get3A_2718, %get3A_2719] {strides = array<i32>} : memref<26x128xf32, #tpu.memory_space<vmem>>, vector<16xf32>,
    %add3A_2721 = arith.addf %add3A_2667, %get3A_2720 : vector<16xf32>
    %get3A_2722 = arith.constant 25 : i32
    %get3A_2723 = arith.index_cast %get3A_2722 : i32 to index
    %get3A_2724 = arith.constant 32 : index
    %get3A_2725 = tpu.vector_load %arg8[%get3A_2723, %get3A_2724] {strides = array<i32>} : memref<26x128xf32, #tpu.memory_space<vmem>>, vector<16xf32>,
    %add3A_2726 = arith.addf %add3A_2672, %get3A_2725 : vector<16xf32>
    %get3A_2727 = arith.constant 25 : i32
    %get3A_2728 = arith.index_cast %get3A_2727 : i32 to index
    %get3A_2729 = arith.constant 48 : index
    %get3A_2730 = tpu.vector_load %arg8[%get3A_2728, %get3A_2729] {strides = array<i32>} : memref<26x128xf32, #tpu.memory_space<vmem>>, vector<16xf32>,
    %add3A_2731 = arith.addf %add3A_2677, %get3A_2730 : vector<16xf32>
    %get3A_2732 = arith.constant 25 : i32
    %get3A_2733 = arith.index_cast %get3A_2732 : i32 to index
    %get3A_2734 = arith.constant 64 : index
    %get3A_2735 = tpu.vector_load %arg8[%get3A_2733, %get3A_2734] {strides = array<i32>} : memref<26x128xf32, #tpu.memory_space<vmem>>, vector<16xf32>,
    %add3A_2736 = arith.addf %add3A_2682, %get3A_2735 : vector<16xf32>
    %get3A_2737 = arith.constant 25 : i32
    %get3A_2738 = arith.index_cast %get3A_2737 : i32 to index
    %get3A_2739 = arith.constant 80 : index
    %get3A_2740 = tpu.vector_load %arg8[%get3A_2738, %get3A_2739] {strides = array<i32>} : memref<26x128xf32, #tpu.memory_space<vmem>>, vector<16xf32>,
    %add3A_2741 = arith.addf %add3A_2687, %get3A_2740 : vector<16xf32>
    %get3A_2742 = arith.constant 25 : i32
    %get3A_2743 = arith.index_cast %get3A_2742 : i32 to index
    %get3A_2744 = arith.constant 96 : index
    %get3A_2745 = tpu.vector_load %arg8[%get3A_2743, %get3A_2744] {strides = array<i32>} : memref<26x128xf32, #tpu.memory_space<vmem>>, vector<16xf32>,
    %add3A_2746 = arith.addf %add3A_2692, %get3A_2745 : vector<16xf32>
    %get3A_2747 = arith.constant 25 : i32
    %get3A_2748 = arith.index_cast %get3A_2747 : i32 to index
    %get3A_2749 = arith.constant 112 : index
    %get3A_2750 = tpu.vector_load %arg8[%get3A_2748, %get3A_2749] {strides = array<i32>} : memref<26x128xf32, #tpu.memory_space<vmem>>, vector<16xf32>,
    %add3A_2751 = arith.addf %add3A_2697, %get3A_2750 : vector<16xf32>
    %neg3A = arith.constant 0.000000e+00 : f32
    %neg3A_2752 = vector.broadcast %neg3A : f32 to vector<16xf32>
    %neg3A_2753 = arith.subf %neg3A_2752, %add3A_2716 : vector<16xf32>
    %exp3A = math.exp %neg3A_2753 : vector<16xf32>
    %add3A_2754 = arith.constant 1.000000e+00 : f32
    %add3A_2755 = vector.broadcast %add3A_2754 : f32 to vector<16xf32>
    %add3A_2756 = arith.addf %add3A_2755, %exp3A : vector<16xf32>
    %div3A = arith.constant 1.000000e+00 : f32
    %div3A_2757 = vector.broadcast %div3A : f32 to vector<16xf32>
    %div3A_2758 = arith.divf %div3A_2757, %add3A_2756 : vector<16xf32>
    %swap3A = arith.constant 0 : index
    %swap3A_2759 = tpu.vector_load %arg11[%swap3A] {strides = array<i32>} : memref<128xf32, #tpu.memory_space<vmem>>, vector<16xf32>,
    tpu.vector_store %arg11[%swap3A], %div3A_2758 {strides = array<i32>} : memref<128xf32, #tpu.memory_space<vmem>>, vector<16xf32>,
    %neg3A_2760 = arith.constant 0.000000e+00 : f32
    %neg3A_2761 = vector.broadcast %neg3A_2760 : f32 to vector<16xf32>
    %neg3A_2762 = arith.subf %neg3A_2761, %add3A_2721 : vector<16xf32>
    %exp3A_2763 = math.exp %neg3A_2762 : vector<16xf32>
    %add3A_2764 = arith.constant 1.000000e+00 : f32
    %add3A_2765 = vector.broadcast %add3A_2764 : f32 to vector<16xf32>
    %add3A_2766 = arith.addf %add3A_2765, %exp3A_2763 : vector<16xf32>
    %div3A_2767 = arith.constant 1.000000e+00 : f32
    %div3A_2768 = vector.broadcast %div3A_2767 : f32 to vector<16xf32>
    %div3A_2769 = arith.divf %div3A_2768, %add3A_2766 : vector<16xf32>
    %swap3A_2770 = arith.constant 16 : index
    %swap3A_2771 = tpu.vector_load %arg11[%swap3A_2770] {strides = array<i32>} : memref<128xf32, #tpu.memory_space<vmem>>, vector<16xf32>,
    tpu.vector_store %arg11[%swap3A_2770], %div3A_2769 {strides = array<i32>} : memref<128xf32, #tpu.memory_space<vmem>>, vector<16xf32>,
    %neg3A_2772 = arith.constant 0.000000e+00 : f32
    %neg3A_2773 = vector.broadcast %neg3A_2772 : f32 to vector<16xf32>
    %neg3A_2774 = arith.subf %neg3A_2773, %add3A_2726 : vector<16xf32>
    %exp3A_2775 = math.exp %neg3A_2774 : vector<16xf32>
    %add3A_2776 = arith.constant 1.000000e+00 : f32
    %add3A_2777 = vector.broadcast %add3A_2776 : f32 to vector<16xf32>
    %add3A_2778 = arith.addf %add3A_2777, %exp3A_2775 : vector<16xf32>
    %div3A_2779 = arith.constant 1.000000e+00 : f32
    %div3A_2780 = vector.broadcast %div3A_2779 : f32 to vector<16xf32>
    %div3A_2781 = arith.divf %div3A_2780, %add3A_2778 : vector<16xf32>
    %swap3A_2782 = arith.constant 32 : index
    %swap3A_2783 = tpu.vector_load %arg11[%swap3A_2782] {strides = array<i32>} : memref<128xf32, #tpu.memory_space<vmem>>, vector<16xf32>,
    tpu.vector_store %arg11[%swap3A_2782], %div3A_2781 {strides = array<i32>} : memref<128xf32, #tpu.memory_space<vmem>>, vector<16xf32>,
    %neg3A_2784 = arith.constant 0.000000e+00 : f32
    %neg3A_2785 = vector.broadcast %neg3A_2784 : f32 to vector<16xf32>
    %neg3A_2786 = arith.subf %neg3A_2785, %add3A_2731 : vector<16xf32>
    %exp3A_2787 = math.exp %neg3A_2786 : vector<16xf32>
    %add3A_2788 = arith.constant 1.000000e+00 : f32
    %add3A_2789 = vector.broadcast %add3A_2788 : f32 to vector<16xf32>
    %add3A_2790 = arith.addf %add3A_2789, %exp3A_2787 : vector<16xf32>
    %div3A_2791 = arith.constant 1.000000e+00 : f32
    %div3A_2792 = vector.broadcast %div3A_2791 : f32 to vector<16xf32>
    %div3A_2793 = arith.divf %div3A_2792, %add3A_2790 : vector<16xf32>
    %swap3A_2794 = arith.constant 48 : index
    %swap3A_2795 = tpu.vector_load %arg11[%swap3A_2794] {strides = array<i32>} : memref<128xf32, #tpu.memory_space<vmem>>, vector<16xf32>,
    tpu.vector_store %arg11[%swap3A_2794], %div3A_2793 {strides = array<i32>} : memref<128xf32, #tpu.memory_space<vmem>>, vector<16xf32>,
    %neg3A_2796 = arith.constant 0.000000e+00 : f32
    %neg3A_2797 = vector.broadcast %neg3A_2796 : f32 to vector<16xf32>
    %neg3A_2798 = arith.subf %neg3A_2797, %add3A_2736 : vector<16xf32>
    %exp3A_2799 = math.exp %neg3A_2798 : vector<16xf32>
    %add3A_2800 = arith.constant 1.000000e+00 : f32
    %add3A_2801 = vector.broadcast %add3A_2800 : f32 to vector<16xf32>
    %add3A_2802 = arith.addf %add3A_2801, %exp3A_2799 : vector<16xf32>
    %div3A_2803 = arith.constant 1.000000e+00 : f32
    %div3A_2804 = vector.broadcast %div3A_2803 : f32 to vector<16xf32>
    %div3A_2805 = arith.divf %div3A_2804, %add3A_2802 : vector<16xf32>
    %swap3A_2806 = arith.constant 64 : index
    %swap3A_2807 = tpu.vector_load %arg11[%swap3A_2806] {strides = array<i32>} : memref<128xf32, #tpu.memory_space<vmem>>, vector<16xf32>,
    tpu.vector_store %arg11[%swap3A_2806], %div3A_2805 {strides = array<i32>} : memref<128xf32, #tpu.memory_space<vmem>>, vector<16xf32>,
    %neg3A_2808 = arith.constant 0.000000e+00 : f32
    %neg3A_2809 = vector.broadcast %neg3A_2808 : f32 to vector<16xf32>
    %neg3A_2810 = arith.subf %neg3A_2809, %add3A_2741 : vector<16xf32>
    %exp3A_2811 = math.exp %neg3A_2810 : vector<16xf32>
    %add3A_2812 = arith.constant 1.000000e+00 : f32
    %add3A_2813 = vector.broadcast %add3A_2812 : f32 to vector<16xf32>
    %add3A_2814 = arith.addf %add3A_2813, %exp3A_2811 : vector<16xf32>
    %div3A_2815 = arith.constant 1.000000e+00 : f32
    %div3A_2816 = vector.broadcast %div3A_2815 : f32 to vector<16xf32>
    %div3A_2817 = arith.divf %div3A_2816, %add3A_2814 : vector<16xf32>
    %swap3A_2818 = arith.constant 80 : index
    %swap3A_2819 = tpu.vector_load %arg11[%swap3A_2818] {strides = array<i32>} : memref<128xf32, #tpu.memory_space<vmem>>, vector<16xf32>,
    tpu.vector_store %arg11[%swap3A_2818], %div3A_2817 {strides = array<i32>} : memref<128xf32, #tpu.memory_space<vmem>>, vector<16xf32>,
    %neg3A_2820 = arith.constant 0.000000e+00 : f32
    %neg3A_2821 = vector.broadcast %neg3A_2820 : f32 to vector<16xf32>
    %neg3A_2822 = arith.subf %neg3A_2821, %add3A_2746 : vector<16xf32>
    %exp3A_2823 = math.exp %neg3A_2822 : vector<16xf32>
    %add3A_2824 = arith.constant 1.000000e+00 : f32
    %add3A_2825 = vector.broadcast %add3A_2824 : f32 to vector<16xf32>
    %add3A_2826 = arith.addf %add3A_2825, %exp3A_2823 : vector<16xf32>
    %div3A_2827 = arith.constant 1.000000e+00 : f32
    %div3A_2828 = vector.broadcast %div3A_2827 : f32 to vector<16xf32>
    %div3A_2829 = arith.divf %div3A_2828, %add3A_2826 : vector<16xf32>
    %swap3A_2830 = arith.constant 96 : index
    %swap3A_2831 = tpu.vector_load %arg11[%swap3A_2830] {strides = array<i32>} : memref<128xf32, #tpu.memory_space<vmem>>, vector<16xf32>,
    tpu.vector_store %arg11[%swap3A_2830], %div3A_2829 {strides = array<i32>} : memref<128xf32, #tpu.memory_space<vmem>>, vector<16xf32>,
    %neg3A_2832 = arith.constant 0.000000e+00 : f32
    %neg3A_2833 = vector.broadcast %neg3A_2832 : f32 to vector<16xf32>
    %neg3A_2834 = arith.subf %neg3A_2833, %add3A_2751 : vector<16xf32>
    %exp3A_2835 = math.exp %neg3A_2834 : vector<16xf32>
    %add3A_2836 = arith.constant 1.000000e+00 : f32
    %add3A_2837 = vector.broadcast %add3A_2836 : f32 to vector<16xf32>
    %add3A_2838 = arith.addf %add3A_2837, %exp3A_2835 : vector<16xf32>
    %div3A_2839 = arith.constant 1.000000e+00 : f32
    %div3A_2840 = vector.broadcast %div3A_2839 : f32 to vector<16xf32>
    %div3A_2841 = arith.divf %div3A_2840, %add3A_2838 : vector<16xf32>
    %swap3A_2842 = arith.constant 112 : index
    %swap3A_2843 = tpu.vector_load %arg11[%swap3A_2842] {strides = array<i32>} : memref<128xf32, #tpu.memory_space<vmem>>, vector<16xf32>,
    tpu.vector_store %arg11[%swap3A_2842], %div3A_2841 {strides = array<i32>} : memref<128xf32, #tpu.memory_space<vmem>>, vector<16xf32>,
    "tpu.region"() ({
      %run_scoped3A = tpu.sem_alloc : memref<!tpu.dma_semaphore, #tpu.memory_space<semaphore_mem>>
      %dma_start3A_2844 = tpu.memref_slice %arg6[%mul3A_2] : memref<4096xf32, #tpu.memory_space<hbm>> -> memref<128xf32, #tpu.memory_space<hbm>>
      %dma_start3A_2845 = tpu.memref_slice %arg6[%mul3A_2] : memref<4096xf32, #tpu.memory_space<hbm>> -> memref<128xf32, #tpu.memory_space<hbm>>
      tpu.enqueue_dma source(%arg11 : memref<128xf32, #tpu.memory_space<vmem>>) target(%dma_start3A_2845 : memref<128xf32, #tpu.memory_space<hbm>>) target_semaphore(%run_scoped3A : memref<!tpu.dma_semaphore, #tpu.memory_space<semaphore_mem>>)
      %dma_wait3A_2846 = tpu.memref_slice %arg6[%mul3A_2] : memref<4096xf32, #tpu.memory_space<hbm>> -> memref<128xf32, #tpu.memory_space<hbm>>
      %dma_wait3A_2847 = tpu.memref_slice %arg6[%mul3A_2] : memref<4096xf32, #tpu.memory_space<hbm>> -> memref<128xf32, #tpu.memory_space<hbm>>
      tpu.wait_dma2 semaphore(%run_scoped3A : memref<!tpu.dma_semaphore, #tpu.memory_space<semaphore_mem>>) src(%arg11 : memref<128xf32, #tpu.memory_space<vmem>>) dst(%dma_wait3A_2847 : memref<128xf32, #tpu.memory_space<hbm>>)
      tpu.yield
    }) : () -> ()
    return
  }
}

</mosaic_0001>

<sc_bundles>
// kernel: _run.3.cloned.1.call-start
scs
__scs_entry_jumppad:
0x0: {  	(pc) =	sbr.rel $0x88, $3  }
0x1: {  	(tag) =	ssettag $0x0;
	lr =	simm.s32 $0x1  }
0x2: {  	[smem:$0x3F9D] =	sst lr;
	_ =	strace $0xD0000000  }
0x3: {  	_ = 	snop  }
0x4: {  	_ = 	snop  }
0x5: {  	_ = 	snop  }
0x6: {  	_ = 	snop  }
0x7: {  	_ = 	snop  }
__scs_overlays_trampoline_lowered:
0x8: {  	[smem:$0x3FAC] =	sst s0  }
0x9: {  	[smem:$0x3FAD] =	sst s1  }
0xa: {  	[smem:$0x3FAE] =	sst s2  }
0xb: {  	[smem:$0x3FAF] =	sst s3  }
0xc: {  	[smem:$0x3FB0] =	sst s4  }
0xd: {  	[smem:$0x3FB1] =	sst s5  }
0xe: {  	[smem:$0x3FB2] =	sst s6  }
0xf: {  	[smem:$0x3FB3] =	sst s7  }
0x10: {  	[smem:$0x3FB4] =	sst s8  }
0x11: {  	[smem:$0x3FB5] =	sst s9;
	s0 =	simm.s32 @!p0 $0x0  }
0x12: {  	s1 =	sld [smem:$0x3F9B];
	s0 =	simm.s32 @p0 $0x1  }
0x13: {  	[smem:$0x3FB6] =	sst s0;
	s0 =	simm.s32 @!p1 $0x0  }
0x14: {  	s2 =	sld [smem:$0x3F9A];
	s0 =	simm.s32 @p1 $0x1  }
0x15: {  	[smem:$0x3FB7] =	sst s0;
	s0 =	simm.s32 @!p2 $0x0  }
0x16: {  	s3 =	sld [smem:$0x3FDB];
	s0 =	simm.s32 @p2 $0x1  }
0x17: {  	s4 =	simm.s32 $0x1BF5;
	[smem:$0x3FB9] =	sst s0  }
0x18: {  	s0 =	sld [smem:$0x3F9C];
	_ =	swait.ge [sflag:s4], $0x0  }
0x19: {  	s7 =	sld [smem:$0x3F9D]  }
0x1a: {  	s8 =	sadd.s32 $0xFFFFE003, lr  }
0x1b: {  	s9 =	sadd.s32 $0xFFFFFEF7, lr;
	s5 =	simm.s32 $0xFFFFFFFF;
	p2 =	slt.u32 s8, $0xFFFFF086  }
0x1c: {  	p1 =	slt.u32 s9, $0xF7A;
	s5 =	simm.s32 @!p2 $0x0  }
0x1d: {  	s5 =	simm.s32 @p1 $0x1;
	p0 =	seq.s32 s7, s2  }
0x1e: {  	s7 =	smul.u32 @!p0 $0xF7A, s2;
	p2 =	seq.s32 @!p0 s5, $0x0  }
0x1f: {  	s9 =	smul.u32 $0xF7A, s1;
	s8 =	simm.s32 @!p0 $0x1BF5;
	p2 =	por !p2, p0  }
0x20: {  	[sflag:s8] =	ssyncset.s32 @!p0 $0xFFFFF086;
	s6 =	sadd.s32 @!p0 s3, s7;
	s7 =	simm.s32 @!p0 $0x108  }
0x21: {  	s3 =	sadd.s32 s3, s9;
	s6 =	sadd.s32 @!p0 $0x88, s6;
	s7 =	simm.s32 @p2 $0x1082  }
0x22: {  	[simem:s7], [sflag:s8] =	dma.local @!p0 [hbm:s6], $0xF7A  }
0x23: {  	s9 =	sor.u32 $0xD0000000, s2;
	s6 =	simm.s32 $0x108;
	_ =	swait.ge @!p0 [sflag:s8], $0x0  }
0x24: {  	s3 =	sadd.s32 $0x88, s3;
	s6 =	simm.s32 @!p1 $0x1082;
	[sflag:s4] =	ssyncset.s32 $0xFFFFF086  }
0x25: {  	[simem:s6], [sflag:s4] =	dma.local [hbm:s3], $0xF7A  }
0x26: {  	[smem:$0x3F9D] =	sst s1;
	(tag) =	ssettag s2;
	_ =	strace s9  }
0x27: {  	s1 =	sld [smem:$0x3FAD]  }
0x28: {  	s2 =	sld [smem:$0x3FAE]  }
0x29: {  	s4 =	sld [smem:$0x3FB0]  }
0x2a: {  	p0 =	seq.s32 s5, $0x0;
	s5 =	sld [smem:$0x3FB1]  }
0x2b: {  	s6 =	sld [smem:$0x3FB2]  }
0x2c: {  	s7 =	sld [smem:$0x3FB3]  }
0x2d: {  	s3 =	simm.s32 $0x108;
	s8 =	sld [smem:$0x3FB4]  }
0x2e: {  	s3 =	simm.s32 @!p0 $0x1082;
	s9 =	sld [smem:$0x3FB5]  }
0x2f: {  	lr =	sadd.s32 s0, s3;
	s0 =	sld [smem:$0x3FAC]  }
0x30: {  	s3 =	sld [smem:$0x3FAF]  }
0x31: {  	[smem:$0x3FB8] =	sst s10  }
0x32: {  	s10 =	sld [smem:$0x3FB6];
	_ =	sdelay $0x3  }
0x33: {  	p0 =	seq.s32 s10, $0x1;
	s10 =	sld [smem:$0x3FB8];
	_ =	sdelay $0x3  }
0x34: {  	[smem:$0x3FB8] =	sst s10  }
0x35: {  	s10 =	sld [smem:$0x3FB7];
	_ =	sdelay $0x3  }
0x36: {  	p1 =	seq.s32 s10, $0x1;
	s10 =	sld [smem:$0x3FB8];
	_ =	sdelay $0x3  }
0x37: {  	[smem:$0x3FB8] =	sst s10  }
0x38: {  	s10 =	sld [smem:$0x3FB9]  }
0x39: {  	_ = 	snop;
	(pc) =	sbr.ind lr, $3  }
0x3a: {  	_ = 	snop  }
0x3b: {  	_ = 	snop  }
0x3c: {  	p2 =	seq.s32 s10, $0x1;
	s10 =	sld [smem:$0x3FB8]  }
0x3d: {  	_ =	shalt  }
0x3e: {  	_ =	shalt  }
0x3f: {  	_ =	shalt  }
0x40: {  	_ =	shalt  }
0x41: {  	_ =	shalt  }
0x42: {  	_ =	shalt  }
0x43: {  	_ =	shalt  }
0x44: {  	_ =	shalt  }
0x45: {  	_ =	shalt  }
0x46: {  	_ =	shalt  }
0x47: {  	_ =	shalt  }
0x48: {  	_ =	shalt  }
0x49: {  	_ =	shalt  }
0x4a: {  	_ =	shalt  }
0x4b: {  	_ =	shalt  }
0x4c: {  	_ =	shalt  }
0x4d: {  	_ =	shalt  }
0x4e: {  	_ =	shalt  }
0x4f: {  	_ =	shalt  }
0x50: {  	_ =	shalt  }
0x51: {  	_ =	shalt  }
0x52: {  	_ =	shalt  }
0x53: {  	_ =	shalt  }
0x54: {  	_ =	shalt  }
0x55: {  	_ =	shalt  }
0x56: {  	_ =	shalt  }
0x57: {  	_ =	shalt  }
0x58: {  	_ =	shalt  }
0x59: {  	_ =	shalt  }
0x5a: {  	_ =	shalt  }
0x5b: {  	_ =	shalt  }
0x5c: {  	_ =	shalt  }
0x5d: {  	_ =	shalt  }
0x5e: {  	_ =	shalt  }
0x5f: {  	_ =	shalt  }
0x60: {  	_ =	shalt  }
0x61: {  	_ =	shalt  }
0x62: {  	_ =	shalt  }
0x63: {  	_ =	shalt  }
0x64: {  	_ =	shalt  }
0x65: {  	_ =	shalt  }
0x66: {  	_ =	shalt  }
0x67: {  	_ =	shalt  }
0x68: {  	_ =	shalt  }
0x69: {  	_ =	shalt  }
0x6a: {  	_ =	shalt  }
0x6b: {  	_ =	shalt  }
0x6c: {  	_ =	shalt  }
0x6d: {  	_ =	shalt  }
0x6e: {  	_ =	shalt  }
0x6f: {  	_ =	shalt  }
0x70: {  	_ =	shalt  }
0x71: {  	_ =	shalt  }
0x72: {  	_ =	shalt  }
0x73: {  	_ =	shalt  }
0x74: {  	_ =	shalt  }
0x75: {  	_ =	shalt  }
0x76: {  	_ =	shalt  }
0x77: {  	_ =	shalt  }
0x78: {  	_ =	shalt  }
0x79: {  	_ =	shalt  }
0x7a: {  	_ =	shalt  }
0x7b: {  	_ =	shalt  }
0x7c: {  	_ =	shalt  }
0x7d: {  	_ =	shalt  }
0x7e: {  	_ =	shalt  }
0x7f: {  	_ =	shalt  }
0x80: {  	_ =	shalt  }
0x81: {  	_ =	shalt  }
0x82: {  	_ =	shalt  }
0x83: {  	_ =	shalt  }
0x84: {  	_ =	shalt  }
0x85: {  	_ =	shalt  }
0x86: {  	_ =	shalt  }
0x87: {  	_ =	shalt  }
.Lfunc_end0:
.L_simem_size_0:
called_computation_lowered:
.L_overlay_start_0:
0x88: {  	s2 =	sld [smem:$0x3FD9]  }
0x89: {  	s3 =	sld [smem:$0x3FFE];
	_ =	sdelay $0x1  }
0x8a: {  	s1 =	srdreg.scid  }
0x8b: {  	s0 =	sand.u32 $0x1, s1  }
0x8c: {  	s17 =	sshll.u32 s0, $0xA;
	s2 =	sadd.s32 s3, s2  }
0x8d: {  	s2 =	sadd.s32 s2, s17  }
0x8e: {  	[smem:$0x3FC4] =	sst s2  }
0x8f: {  	_ = 	snop  }
0x90: {  	s2 =	sld [smem:$0x3FC6]  }
0x91: {  	s18 =	sld [smem:$0x3FD0];
	(tm) =	ssettm $0x1  }
0x92: {  	s4 =	sld [smem:$0x3FFB];
	_ =	sdelay $0x3  }
0x93: {  	_ =	strace s4  }
0x94: {  	s4 =	sld [smem:$0x3FFC];
	_ =	sdelay $0x3  }
0x95: {  	_ =	strace s4  }
0x96: {  	s4 =	sld [smem:$0x3FFD];
	_ =	sdelay $0x3  }
0x97: {  	_ =	strace s4  }
0x98: {  	_ =	strace $0x8FFFFFFF  }
0x99: {  	s19 =	sld [smem:$0x3FDB];
	_ =	sdelay $0x1  }
0x9a: {  	s5 =	simm.s32 $_scs_section_size  }
0x9b: {  	s6 =	simm.s32 $_size__tile_overlayer_lowered;
	s7 =	simm.s32 $_tile_overlayer_lowered  }
0x9c: {  	s22 =	simm.s32 $0x1BFF;
	s21 =	sshll.u32 s7, $0x1;
	s4 =	sadd.s32 s5, s19  }
0x9d: {  	s8 =	simm.s32 $0x0;
	s20 =	sshll.u32 s6, $0x1;
	s6 =	sadd.s32 s21, s4  }
0x9e: {  	[timem:s8], [sflag:s22] =	dma.local [hbm:s6], s20  }
0x9f: {  	_ =	swait.ge [sflag:s22], s20  }
0xa0: {  	s5 =	ssub.s32 $0x0, s20;
	[sflag:s22] =	ssyncset.done $0x0  }
0xa1: {  	[sflag:s22] =	ssyncadd.s32 s5;
	_ =	sdelay $0x1  }
0xa2: {  	s23 =	simm.s32 $0x1B8B  }
0xa3: {  	_ =	swait.ge [sflag:s23], $0x1  }
0xa4: {  	[sflag:s23] =	ssyncset.done $0x0  }
0xa5: {  	s25 =	simm.s32 $0x1B8E;
	s24 =	sld [smem:$0x3FFE];
	[sflag:s23] =	ssyncadd.s32 $0xFFFFFFFF  }
0xa6: {  	s26 =	simm.s32 $execute0_lowered;
	[smem:$0x3FD2] =	sst s25  }
0xa7: {  	s6 =	sshll.u32 s26, $0x1;
	_ =	strace $0x80000046;
	[dreg:$0x1] =	wrdreg $0xFFFFFFFF  }
0xa8: {  	s28 =	simm.s32 $_size_execute0_lowered;
	s4 =	sadd.s32 s4, s6;
	[dreg:$0x0] =	wrdreg $0x0  }
0xa9: {  	s6 =	sshll.u32 s28, $0x1;
	[dreg:$0x2] =	wrdreg s4  }
0xaa: {  	[dreg:$0x3] =	wrdreg s6  }
0xab: {  	[dreg:$0x4] =	wrdreg $0xC0  }
0xac: {  	_ =	task [dreg:s8], $0x5FFFF  }
0xad: {  	[dreg:$0x1] =	wrdreg $0xFFFFFFFF  }
0xae: {  	[dreg:$0x0] =	wrdreg $0x60  }
0xaf: {  	[dreg:$0x2] =	wrdreg s24  }
0xb0: {  	[dreg:$0x3] =	wrdreg s2  }
0xb1: {  	[dreg:$0x4] =	wrdreg s18  }
0xb2: {  	[dreg:$0x5] =	wrdreg $0x9  }
0xb3: {  	_ =	task.clear_ibuf [dreg:s8], $0x6FFFF;
	_ =	strace $0x90000046  }
0xb4: {  	s29 =	simm.s32 $0x9;
	_ =	strace $0x80000048  }
0xb5: {  	_ =	swait.ge [sflag:s29], $0x1  }
0xb6: {  	[sflag:s29] =	ssyncadd.s32 $0xFFFFFFFF  }
0xb7: {  	_ =	strace $0x90000048  }
0xb8: {  	_ =	sfence  }
0xb9: {  	s30 =	sld [smem:$0x0];
	_ =	sdelay $0x2  }
0xba: {  	s31 =	sshll.u32 s1, $0xD;
	s1 =	sshrl.u32 s1, $0x2  }
0xbb: {  	s3 =	sand.u32 $0x4000, s31;
	s1 =	sadd.s32 s1, s30  }
0xbc: {  	s0 =	sor.u32 s3, s0;
	s1 =	sshll.u32 s1, $0x11  }
0xbd: {  	s0 =	sor.u32 s1, s0  }
0xbe: {  	s0 =	sadd.s32 $0x8F2B, s0  }
0xbf: {  	[sflag:s0] =	ssyncadd.remote.s32 $0x1  }
0xc0: {  	_ =	sfence.sel $0xFFFF  }
0xc1: {  	[dreg:$0x0] =	wrdreg $0xFFFFFFFF;
	(pc) =	sbr.abs _section_cstart, $3  }
0xc2: {  	[dreg:$0x1] =	wrdreg $0xFFFFFFFF  }
0xc3: {  	_ =	task.clear_ibuf [dreg:s8], $0x2FFFF;
	_ =	strace $0x9FFFFFFF  }
0xc4: {  	(tm) =	ssettm $0x7FFFFFFF  }
0xc5: {  	_ =	shalt  }
tec
execute0_lowered:
.L_overlay_start_1:
0x0: {  	(tag) =	ssettag $0x1  }
0x1: {  	s5 =	rddreg [dreg:$0x0]  }
0x2: {  	s0 =	rddreg [dreg:$0x1]  }
0x3: {  	s4 =	rddreg [dreg:$0x2];
	s2 =	srdreg.scid  }
0x4: {  	[dreg:$0x5] =	wrdreg s0;
	s3 =	sand.u32 $0x1, s2;
	s2 =	simm.s32 $0x0  }
0x5: {  	s8 =	sadd.s32 $0x5200, s5;
	[smem:$0x7FF] =	sst s2  }
0x6: {  	s20 =	sadd.s32 $0x82D4, s5;
	_ =	strace $0x80000047;
	[dreg:$0x4] =	wrdreg s8  }
0x7: {  	s21 =	sadd.s32 $0xB3A8, s5;
	[dreg:$0x7] =	wrdreg s20  }
0x8: {  	s22 =	sadd.s32 $0xE47C, s5;
	[dreg:$0x8] =	wrdreg s21  }
0x9: {  	s23 =	sadd.s32 $0x11550, s5;
	[dreg:$0x9] =	wrdreg s22  }
0xa: {  	s24 =	sadd.s32 $0x14624, s5;
	[dreg:$0xa] =	wrdreg s23  }
0xb: {  	s25 =	sadd.s32 $0x176F8, s5;
	[dreg:$0xb] =	wrdreg s24  }
0xc: {  	s26 =	sadd.s32 $0x1A7CC, s5;
	[dreg:$0xc] =	wrdreg s25  }
0xd: {  	s30 =	sadd.s32 $0x1D8A0, s5;
	[dreg:$0xd] =	wrdreg s26  }
0xe: {  	s31 =	sadd.s32 $0x20974, s5;
	[dreg:$0xe] =	wrdreg s30  }
0xf: {  	s0 =	sadd.s32 $0x23A48, s5;
	[dreg:$0xf] =	wrdreg s31  }
0x10: {  	s1 =	sadd.s32 $0x26B1C, s5;
	[dreg:$0x10] =	wrdreg s0  }
0x11: {  	s9 =	sadd.s32 $0x29BF0, s5;
	[dreg:$0x11] =	wrdreg s1  }
0x12: {  	s10 =	sadd.s32 $0x2CCC4, s5;
	[dreg:$0x12] =	wrdreg s9  }
0x13: {  	s11 =	sadd.s32 $0x2FD98, s5;
	[dreg:$0x13] =	wrdreg s10  }
0x14: {  	s12 =	sadd.s32 $0x32E6C, s5;
	[dreg:$0x14] =	wrdreg s11  }
0x15: {  	s13 =	sadd.s32 $0x35F40, s5;
	[dreg:$0x15] =	wrdreg s12  }
0x16: {  	s14 =	sadd.s32 $0x39014, s5;
	[dreg:$0x16] =	wrdreg s13  }
0x17: {  	s15 =	sadd.s32 $0x3C0E8, s5;
	[dreg:$0x17] =	wrdreg s14  }
0x18: {  	s16 =	sadd.s32 $0x3F1BC, s5;
	[dreg:$0x18] =	wrdreg s15  }
0x19: {  	s18 =	stileid.u32;
	s17 =	sadd.s32 $0x42290, s5;
	[dreg:$0x19] =	wrdreg s16  }
0x1a: {  	s6 =	sshll.u32 s18, $0x5;
	s18 =	sadd.s32 $0x45364, s5;
	[dreg:$0x1a] =	wrdreg s17  }
0x1b: {  	[dreg:$0x1b] =	wrdreg s18;
	s20 =	sadd.s32 $0x4B50C, s5  }
0x1c: {  	s21 =	sadd.s32 $0x4E5E0, s5;
	[dreg:$0x1d] =	wrdreg s20  }
0x1d: {  	s23 =	simm.s32 $0xD00;
	[dreg:$0x1e] =	wrdreg s21  }
0x1e: {  	s24 =	simm.s32 $0xD80;
	[smem:$0x7DF] =	sst s23  }
0x1f: {  	s25 =	simm.s32 $0x100;
	[smem:$0x7E0] =	sst s24  }
0x20: {  	s26 =	simm.s32 $0xE00;
	[smem:$0x7E1] =	sst s25  }
0x21: {  	s30 =	simm.s32 $0x180;
	[smem:$0x7E2] =	sst s26  }
0x22: {  	s31 =	simm.s32 $0xE80;
	[smem:$0x7E3] =	sst s30  }
0x23: {  	s0 =	simm.s32 $0x200;
	[smem:$0x7E4] =	sst s31  }
0x24: {  	s1 =	simm.s32 $0xF00;
	[smem:$0x7E5] =	sst s0  }
0x25: {  	s8 =	simm.s32 $0x380;
	[smem:$0x7E6] =	sst s1  }
0x26: {  	s9 =	simm.s32 $0x1080;
	[smem:$0x7EA] =	sst s8  }
0x27: {  	s10 =	simm.s32 $0x400;
	[smem:$0x7EB] =	sst s9  }
0x28: {  	s28 =	simm.s32 $0x1;
	s11 =	simm.s32 $0x1100;
	[smem:$0x7EC] =	sst s10  }
0x29: {  	s29 =	simm.s32 $0x2090;
	s12 =	simm.s32 $0x480;
	[smem:$0x7ED] =	sst s11  }
0x2a: {  	s7 =	sshll.u32 s3, $0x4;
	s13 =	simm.s32 $0x1180;
	[smem:$0x7EE] =	sst s12  }
0x2b: {  	s3 =	ssub.s32 $0x2, s3;
	s14 =	simm.s32 $0x500;
	[smem:$0x7EF] =	sst s13  }
0x2c: {  	s6 =	sor.u32 s7, s6;
	s15 =	simm.s32 $0x1200;
	[smem:$0x7F0] =	sst s14  }
0x2d: {  	s16 =	simm.s32 $0x580;
	s17 =	simm.s32 $0x1280;
	[smem:$0x7F1] =	sst s15  }
0x2e: {  	s18 =	simm.s32 $0x600;
	s7 =	sadd.s32 s6, s5;
	[smem:$0x7F2] =	sst s16  }
0x2f: {  	s4 =	sadd.s32 s4, s6;
	s6 =	simm.s32 $0xF80;
	[smem:$0x7F3] =	sst s17  }
0x30: {  	[smem:$0x7F4] =	sst s18;
	s20 =	simm.s32 $0x680;
	s21 =	simm.s32 $0x1380  }
0x31: {  	s23 =	sshrl.u32 s3, $0x1;
	s24 =	simm.s32 $0x1400;
	s25 =	simm.s32 $0x780  }
0x32: {  	s26 =	simm.s32 $0x1480;
	s30 =	simm.s32 $0x800;
	[smem:$0x7DE] =	sst s4  }
0x33: {  	s31 =	simm.s32 $0x1500;
	s9 =	simm.s32 $0x900;
	[smem:$0x7E8] =	sst s6  }
0x34: {  	s10 =	simm.s32 $0x1600;
	s11 =	simm.s32 $0x980;
	[smem:$0x7F6] =	sst s20  }
0x35: {  	s12 =	simm.s32 $0x1680;
	s13 =	simm.s32 $0xA00;
	[smem:$0x7F7] =	sst s21  }
0x36: {  	s14 =	simm.s32 $0x1700;
	s15 =	simm.s32 $0xA80;
	[smem:$0x7F9] =	sst s24  }
0x37: {  	s16 =	simm.s32 $0x1780;
	s17 =	simm.s32 $0xB00;
	[smem:$0x7FA] =	sst s25  }
0x38: {  	s18 =	simm.s32 $0x1800;
	s19 =	sadd.s32 $0x1E00, s7;
	[smem:$0x7FB] =	sst s26  }
0x39: {  	s22 =	sadd.s32 $0x400, s7;
	s7 =	simm.s32 $0x300;
	[smem:$0x7FC] =	sst s30  }
0x3a: {  	s3 =	ssub.s32 s3, s23;
	s4 =	simm.s32 $0x80;
	[smem:$0x7FD] =	sst s31  }
0x3b: {  	s6 =	simm.s32 $0x2;
	s20 =	simm.s32 $0x1880;
	[dreg:$0x6] =	wrdreg s19  }
0x3c: {  	s21 =	simm.s32 $0xC00;
	s23 =	simm.s32 $0xC80;
	[smem:$0x7DD] =	sst s22  }
0x3d: {  	s24 =	simm.s32 $0x1980;
	s19 =	sadd.s32 $0x48438, s5;
	[smem:$0x7E9] =	sst s7  }
0x3e: {  	s25 =	simm.s32 $0x1A00;
	s5 =	sadd.s32 $0x516B4, s5;
	[dreg:$0x1c] =	wrdreg s19  }
0x3f: {  	s26 =	simm.s32 $0x2080;
	s22 =	simm.s32 $0x700;
	[dreg:$0x1f] =	wrdreg s5  }
0x40: {  	s3 =	smax.u32 s3, $0x1;
	s5 =	simm.s32 $0x280;
	[smem:$0x7F8] =	sst s22  }
0x41: {  	s19 =	simm.s32 $0x1300;
	s22 =	simm.s32 $0x1900;
	[smem:$0x7E7] =	sst s5  }
0x42: {  	[smem:$0x7F5] =	sst s19;
	s5 =	simm.s32 $0x1000;
	s19 =	simm.s32 $0xB80  }
.LBB2_1:
0x43: {  	s30 =	rddreg [dreg:$0x6]  }
0x44: {  	[tilespmem:s2], [sflag:$0x2] =	stream.strided.gather [hbm4b:s30+s4], $0xD00, s5, s4, $0x38;
	[tilespmem:$0x2110] =	vst v63  }
0x45: {  	_ =	swait.ge [sflag:s6], $0xD00  }
0x46: {  	s7 =	rddreg [dreg:$0x4]  }
0x47: {  	s31 =	sld [smem:$0x7DF]  }
0x48: {  	s30 =	rddreg [dreg:$0x7]  }
0x49: {  	s8 =	sld [smem:$0x7E0]  }
0x4a: {  	[sflag:s6] =	ssyncset.done $0x0;
	s0 =	rddreg [dreg:$0x8]  }
0x4b: {  	s1 =	sld [smem:$0x7E1];
	[sflag:s6] =	ssyncadd.s32 $0xFFFFF300  }
0x4c: {  	[tilespmem:s31], [sflag:$0x1] =	stream.indirect.gather [hbm4b:s7+s4], $0x1, s2, s4, $0xb8;
	[tilespmem:$0x2110] =	vst v63  }
0x4d: {  	s7 =	sld [smem:$0x7E2]  }
0x4e: {  	s31 =	sld [smem:$0x7E5]  }
0x4f: {  	[tilespmem:s8], [sflag:$0x1] =	stream.indirect.gather [hbm4b:s30+s4], $0x1, s4, s4, $0xb8;
	[tilespmem:$0x2110] =	vst v63  }
0x50: {  	s30 =	rddreg [dreg:$0xa]  }
0x51: {  	[tilespmem:s7], [sflag:$0x1] =	stream.indirect.gather [hbm4b:s0+s4], $0x1, s1, s4, $0xb8;
	[tilespmem:$0x2110] =	vst v63  }
0x52: {  	s1 =	sld [smem:$0x7E3]  }
0x53: {  	s7 =	sld [smem:$0x7E4]  }
0x54: {  	s8 =	sld [smem:$0x7E6]  }
0x55: {  	s0 =	rddreg [dreg:$0x9]  }
0x56: {  	[tilespmem:s7], [sflag:$0x1] =	stream.indirect.gather [hbm4b:s0+s4], $0x1, s1, s4, $0xb8;
	[tilespmem:$0x2110] =	vst v63  }
0x57: {  	s0 =	rddreg [dreg:$0xb]  }
0x58: {  	s1 =	sld [smem:$0x7E7]  }
0x59: {  	s7 =	sld [smem:$0x7E8]  }
0x5a: {  	[tilespmem:s8], [sflag:$0x1] =	stream.indirect.gather [hbm4b:s30+s4], $0x1, s31, s4, $0xb8;
	[tilespmem:$0x2110] =	vst v63  }
0x5b: {  	s8 =	rddreg [dreg:$0xc]  }
0x5c: {  	s31 =	sld [smem:$0x7E9]  }
0x5d: {  	s30 =	sld [smem:$0x7EC]  }
0x5e: {  	[tilespmem:s7], [sflag:$0x1] =	stream.indirect.gather [hbm4b:s0+s4], $0x1, s1, s4, $0xb8;
	[tilespmem:$0x2110] =	vst v63  }
0x5f: {  	s0 =	rddreg [dreg:$0xd]  }
0x60: {  	s1 =	sld [smem:$0x7EA]  }
0x61: {  	s7 =	sld [smem:$0x7EB]  }
0x62: {  	[tilespmem:s5], [sflag:$0x1] =	stream.indirect.gather [hbm4b:s8+s4], $0x1, s31, s4, $0xb8;
	[tilespmem:$0x2110] =	vst v63  }
0x63: {  	s8 =	rddreg [dreg:$0xe]  }
0x64: {  	s31 =	sld [smem:$0x7ED]  }
0x65: {  	[tilespmem:s7], [sflag:$0x1] =	stream.indirect.gather [hbm4b:s0+s4], $0x1, s1, s4, $0xb8;
	[tilespmem:$0x2110] =	vst v63  }
0x66: {  	s0 =	rddreg [dreg:$0xf]  }
0x67: {  	s1 =	sld [smem:$0x7EE]  }
0x68: {  	s7 =	sld [smem:$0x7EF]  }
0x69: {  	[tilespmem:s31], [sflag:$0x1] =	stream.indirect.gather [hbm4b:s8+s4], $0x1, s30, s4, $0xb8;
	[tilespmem:$0x2110] =	vst v63  }
0x6a: {  	s8 =	rddreg [dreg:$0x10]  }
0x6b: {  	s30 =	sld [smem:$0x7F0]  }
0x6c: {  	s31 =	sld [smem:$0x7F1]  }
0x6d: {  	[tilespmem:s7], [sflag:$0x1] =	stream.indirect.gather [hbm4b:s0+s4], $0x1, s1, s4, $0xb8;
	[tilespmem:$0x2110] =	vst v63  }
0x6e: {  	s0 =	rddreg [dreg:$0x11]  }
0x6f: {  	s1 =	sld [smem:$0x7F2]  }
0x70: {  	s7 =	sld [smem:$0x7F3]  }
0x71: {  	[tilespmem:s31], [sflag:$0x1] =	stream.indirect.gather [hbm4b:s8+s4], $0x1, s30, s4, $0xb8;
	[tilespmem:$0x2110] =	vst v63  }
0x72: {  	s8 =	rddreg [dreg:$0x12]  }
0x73: {  	s30 =	sld [smem:$0x7F4]  }
0x74: {  	s31 =	sld [smem:$0x7F5]  }
0x75: {  	[tilespmem:s7], [sflag:$0x1] =	stream.indirect.gather [hbm4b:s0+s4], $0x1, s1, s4, $0xb8;
	[tilespmem:$0x2110] =	vst v63  }
0x76: {  	s0 =	rddreg [dreg:$0x13]  }
0x77: {  	s1 =	sld [smem:$0x7F6]  }
0x78: {  	s7 =	sld [smem:$0x7F7]  }
0x79: {  	[tilespmem:s31], [sflag:$0x1] =	stream.indirect.gather [hbm4b:s8+s4], $0x1, s30, s4, $0xb8;
	[tilespmem:$0x2110] =	vst v63  }
0x7a: {  	s8 =	rddreg [dreg:$0x14]  }
0x7b: {  	s30 =	sld [smem:$0x7F8]  }
0x7c: {  	s31 =	sld [smem:$0x7F9]  }
0x7d: {  	[tilespmem:s7], [sflag:$0x1] =	stream.indirect.gather [hbm4b:s0+s4], $0x1, s1, s4, $0xb8;
	[tilespmem:$0x2110] =	vst v63  }
0x7e: {  	s0 =	rddreg [dreg:$0x15]  }
0x7f: {  	s1 =	sld [smem:$0x7FA]  }
0x80: {  	s7 =	sld [smem:$0x7FB]  }
0x81: {  	[tilespmem:s31], [sflag:$0x1] =	stream.indirect.gather [hbm4b:s8+s4], $0x1, s30, s4, $0xb8;
	[tilespmem:$0x2110] =	vst v63  }
0x82: {  	s8 =	rddreg [dreg:$0x16]  }
0x83: {  	s30 =	sld [smem:$0x7FC]  }
0x84: {  	s31 =	sld [smem:$0x7FD]  }
0x85: {  	[tilespmem:s7], [sflag:$0x1] =	stream.indirect.gather [hbm4b:s0+s4], $0x1, s1, s4, $0xb8;
	[tilespmem:$0x2110] =	vst v63  }
0x86: {  	s7 =	rddreg [dreg:$0x17]  }
0x87: {  	[tilespmem:s31], [sflag:$0x1] =	stream.indirect.gather [hbm4b:s8+s4], $0x1, s30, s4, $0xb8;
	[tilespmem:$0x2110] =	vst v63  }
0x88: {  	s1 =	rddreg [dreg:$0x18];
	s30 =	simm.s32 $0x880;
	s31 =	simm.s32 $0x1580  }
0x89: {  	[tilespmem:s31], [sflag:$0x1] =	stream.indirect.gather [hbm4b:s7+s4], $0x1, s30, s4, $0xb8;
	[tilespmem:$0x2110] =	vst v63  }
0x8a: {  	s8 =	rddreg [dreg:$0x1a]  }
0x8b: {  	[tilespmem:s10], [sflag:$0x1] =	stream.indirect.gather [hbm4b:s1+s4], $0x1, s9, s4, $0xb8;
	[tilespmem:$0x2110] =	vst v63  }
0x8c: {  	s7 =	rddreg [dreg:$0x19]  }
0x8d: {  	[tilespmem:s12], [sflag:$0x1] =	stream.indirect.gather [hbm4b:s7+s4], $0x1, s11, s4, $0xb8;
	[tilespmem:$0x2110] =	vst v63  }
0x8e: {  	s30 =	rddreg [dreg:$0x1b]  }
0x8f: {  	[tilespmem:s14], [sflag:$0x1] =	stream.indirect.gather [hbm4b:s8+s4], $0x1, s13, s4, $0xb8;
	[tilespmem:$0x2110] =	vst v63  }
0x90: {  	s31 =	rddreg [dreg:$0x1c]  }
0x91: {  	[tilespmem:s16], [sflag:$0x1] =	stream.indirect.gather [hbm4b:s30+s4], $0x1, s15, s4, $0xb8;
	[tilespmem:$0x2110] =	vst v63  }
0x92: {  	s7 =	rddreg [dreg:$0x1d]  }
0x93: {  	[tilespmem:s18], [sflag:$0x1] =	stream.indirect.gather [hbm4b:s31+s4], $0x1, s17, s4, $0xb8;
	[tilespmem:$0x2110] =	vst v63  }
0x94: {  	s8 =	rddreg [dreg:$0x1e]  }
0x95: {  	[tilespmem:s20], [sflag:$0x1] =	stream.indirect.gather [hbm4b:s7+s4], $0x1, s19, s4, $0xb8;
	[tilespmem:$0x2110] =	vst v63  }
0x96: {  	s30 =	rddreg [dreg:$0x1f]  }
0x97: {  	[tilespmem:s22], [sflag:$0x1] =	stream.indirect.gather [hbm4b:s8+s4], $0x1, s21, s4, $0xb8;
	[tilespmem:$0x2110] =	vst v63  }
0x98: {  	s31 =	sld [smem:$0x7DD]  }
0x99: {  	[tilespmem:s24], [sflag:$0x1] =	stream.indirect.gather [hbm4b:s30+s4], $0x1, s23, s4, $0xb8;
	[tilespmem:$0x2110] =	vst v63  }
0x9a: {  	_ = 	snop  }
0x9b: {  	[tilespmem:s25], [sflag:$0x2] =	stream.strided.gather [hbm4b:s31+s4], $0x680, s5, s4, $0x38;
	[tilespmem:$0x2110] =	vst v63  }
0x9c: {  	_ =	swait.ge [sflag:s6], $0x680  }
0x9d: {  	[sflag:s6] =	ssyncset.done $0x0  }
0x9e: {  	s1 =	rddreg [dreg:$0x5];
	[sflag:s6] =	ssyncadd.s32 $0xFFFFF980  }
0x9f: {  	[tilespmem:s26], [sflag:$0x2] =	stream.linear.gather [hbm4b:s1+s2], $0x10, $0x38;
	[tilespmem:$0x2110] =	vst v63  }
0xa0: {  	_ =	swait.ge [sflag:s6], $0x10  }
0xa1: {  	[sflag:s6] =	ssyncset.done $0x0  }
0xa2: {  	[sflag:s6] =	ssyncadd.s32 $0xFFFFFFF0  }
0xa3: {  	v13 =	vld [tilespmem:$0x2080]  }
0xa4: {  	v63 =	vld [tilespmem:$0x1A00]  }
0xa5: {  	v3 =	vld [tilespmem:$0x1A80]  }
0xa6: {  	v37 =	vld [tilespmem:$0x1B00]  }
0xa7: {  	v5 =	vld [tilespmem:$0x1B80]  }
0xa8: {  	v9 =	vld [tilespmem:$0x1C00]  }
0xa9: {  	v10 =	vld [tilespmem:$0x1C80]  }
0xaa: {  	v32 =	vld [tilespmem:$0x1D00]  }
0xab: {  	v14 =	vld [tilespmem:$0x1D80]  }
0xac: {  	v19 =	vld [tilespmem:$0x1E00]  }
0xad: {  	v22 =	vld [tilespmem:$0x1E80]  }
0xae: {  	v29 =	vld [tilespmem:$0x1F00]  }
0xaf: {  	v54 =	vld [tilespmem:$0x1F80]  }
0xb0: {  	v46 =	vld [tilespmem:$0x2000]  }
0xb1: {  	v6 =	vld [tilespmem:$0x1A10]  }
0xb2: {  	v7 =	vld [tilespmem:$0x1A90]  }
0xb3: {  	v11 =	vld [tilespmem:$0x1B10]  }
0xb4: {  	v57 =	vld [tilespmem:$0x1B90]  }
0xb5: {  	v12 =	vld [tilespmem:$0x1C10]  }
0xb6: {  	v17 =	vld [tilespmem:$0x1C90]  }
0xb7: {  	v18 =	vld [tilespmem:$0x1D10]  }
0xb8: {  	v21 =	vld [tilespmem:$0x1D90]  }
0xb9: {  	v23 =	vld [tilespmem:$0x1E10]  }
0xba: {  	v30 =	vld [tilespmem:$0x1E90]  }
0xbb: {  	v44 =	vld [tilespmem:$0x1F10]  }
0xbc: {  	v56 =	vld [tilespmem:$0x1F90]  }
0xbd: {  	v0 =	vld [tilespmem:$0x2010]  }
0xbe: {  	v15 =	vld [tilespmem:$0x1A20]  }
0xbf: {  	v16 =	vld [tilespmem:$0x1AA0]  }
0xc0: {  	v20 =	vld [tilespmem:$0x1B20]  }
0xc1: {  	v24 =	vld [tilespmem:$0x1BA0]  }
0xc2: {  	v27 =	vld [tilespmem:$0x1C20]  }
0xc3: {  	v31 =	vld [tilespmem:$0x1CA0]  }
0xc4: {  	v38 =	vld [tilespmem:$0x1D20]  }
0xc5: {  	v42 =	vld [tilespmem:$0x1DA0]  }
0xc6: {  	v51 =	vld [tilespmem:$0x1E20]  }
0xc7: {  	v50 =	vld [tilespmem:$0x1EA0]  }
0xc8: {  	v52 =	vld [tilespmem:$0x1F20]  }
0xc9: {  	v53 =	vld [tilespmem:$0x1FA0]  }
0xca: {  	v55 =	vld [tilespmem:$0x2020]  }
0xcb: {  	v26 =	vld [tilespmem:$0x1A30]  }
0xcc: {  	v25 =	vld [tilespmem:$0x1AB0]  }
0xcd: {  	v28 =	vld [tilespmem:$0x1B30]  }
0xce: {  	v33 =	vld [tilespmem:$0x1BB0]  }
0xcf: {  	v39 =	vld [tilespmem:$0x1C30]  }
0xd0: {  	v43 =	vld [tilespmem:$0x1CB0]  }
0xd1: {  	v49 =	vld [tilespmem:$0x1D30]  }
0xd2: {  	v60 =	vld [tilespmem:$0x1DB0]  }
0xd3: {  	v62 =	vld [tilespmem:$0x1E30]  }
0xd4: {  	v58 =	vld [tilespmem:$0x1EB0]  }
0xd5: {  	v59 =	vld [tilespmem:$0x1F30]  }
0xd6: {  	v61 =	vld [tilespmem:$0x1FB0]  }
0xd7: {  	v4 =	vld [tilespmem:$0x2030];
	[tilespmem:$0x1F450] =	vst v0  }
0xd8: {  	v35 =	vld [tilespmem:$0x1A40];
	[tilespmem:$0x1F460] =	vst v50  }
0xd9: {  	v34 =	vld [tilespmem:$0x1AC0];
	[tilespmem:$0x1F470] =	vst v52  }
0xda: {  	v40 =	vld [tilespmem:$0x1B40];
	[tilespmem:$0x1F4B0] =	vst v53  }
0xdb: {  	v8 =	vld [tilespmem:$0x1D40];
	[tilespmem:$0x1F510] =	vst v55  }
0xdc: {  	v36 =	vld [tilespmem:$0x1DC0];
	[tilespmem:$0x1F480] =	vst v58  }
0xdd: {  	v41 =	vld [tilespmem:$0x1E40];
	[tilespmem:$0x1F4D0] =	vst v59  }
0xde: {  	v45 =	vld [tilespmem:$0x1EC0];
	[tilespmem:$0x1F530] =	vst v61  }
0xdf: {  	v48 =	vld [tilespmem:$0x1F40];
	[tilespmem:$0x1F560] =	vst v4  }
0xe0: {  	[tilespmem:$0x1F490] =	vst v8;
	v52 =	vld [tilespmem:$0x1FC0]  }
0xe1: {  	[tilespmem:$0x1F4A0] =	vst v36;
	v53 =	vld [tilespmem:$0x2040]  }
0xe2: {  	[tilespmem:$0x1F4E0] =	vst v41;
	v55 =	vld [tilespmem:$0x1BD0]  }
0xe3: {  	[tilespmem:$0x1F500] =	vst v45;
	v59 =	vld [tilespmem:$0x1C50]  }
0xe4: {  	[tilespmem:$0x1F540] =	vst v48;
	v4 =	vld [tilespmem:$0x1CD0]  }
0xe5: {  	v8 =	vld [tilespmem:$0x1D50];
	[tilespmem:$0x1F570] =	vst v52  }
0xe6: {  	v36 =	vld [tilespmem:$0x1DD0];
	[tilespmem:$0x1F5F0] =	vst v53  }
0xe7: {  	v41 =	vld [tilespmem:$0x1E50];
	[tilespmem:$0x1F4C0] =	vst v55  }
0xe8: {  	v45 =	vld [tilespmem:$0x1ED0];
	[tilespmem:$0x1F4F0] =	vst v59  }
0xe9: {  	v48 =	vld [tilespmem:$0x1F50];
	[tilespmem:$0x1F520] =	vst v4  }
0xea: {  	[tilespmem:$0x1F550] =	vst v8;
	v55 =	vld [tilespmem:$0x1FD0]  }
0xeb: {  	[tilespmem:$0x1F580] =	vst v36;
	v59 =	vld [tilespmem:$0x2050]  }
0xec: {  	[tilespmem:$0x1F5B0] =	vst v41;
	v4 =	vld [tilespmem:$0x1A60]  }
0xed: {  	[tilespmem:$0x1F600] =	vst v45;
	v8 =	vld [tilespmem:$0x1AE0]  }
0xee: {  	[tilespmem:$0x1F650] =	vst v48;
	v36 =	vld [tilespmem:$0x1B60]  }
0xef: {  	v41 =	vld [tilespmem:$0x1BE0];
	[tilespmem:$0x1F6C0] =	vst v55  }
0xf0: {  	v45 =	vld [tilespmem:$0x1C60];
	[tilespmem:$0x1F730] =	vst v59  }
0xf1: {  	v48 =	vld [tilespmem:$0x1CE0];
	[tilespmem:$0x1F590] =	vst v4  }
0xf2: {  	[tilespmem:$0x1F5A0] =	vst v8;
	v55 =	vld [tilespmem:$0x1D60]  }
0xf3: {  	[tilespmem:$0x1F5D0] =	vst v36;
	v59 =	vld [tilespmem:$0x1DE0]  }
0xf4: {  	[tilespmem:$0x1F610] =	vst v41;
	v4 =	vld [tilespmem:$0x1E60]  }
0xf5: {  	[tilespmem:$0x1F630] =	vst v45;
	v8 =	vld [tilespmem:$0x1EE0]  }
0xf6: {  	[tilespmem:$0x1F660] =	vst v48;
	v36 =	vld [tilespmem:$0x1F60]  }
0xf7: {  	v41 =	vld [tilespmem:$0x1FE0];
	[tilespmem:$0x1F690] =	vst v55  }
0xf8: {  	v45 =	vld [tilespmem:$0x2060];
	[tilespmem:$0x1F6D0] =	vst v59  }
0xf9: {  	v48 =	vld [tilespmem:$0x1A70];
	[tilespmem:$0x1F700] =	vst v4  }
0xfa: {  	(v2sf) =	vpush v13, $0xD;
	[tilespmem:$0x1F740] =	vst v8;
	v55 =	vld [tilespmem:$0x1AF0]  }
0xfb: {  	(v2sf) =	vpush v13, $0xE;
	[tilespmem:$0x1F770] =	vst v36;
	v59 =	vld [tilespmem:$0x1B70]  }
0xfc: {  	[tilespmem:$0x1F7A0] =	vst v41;
	v4 =	vld [tilespmem:$0x1BF0]  }
0xfd: {  	[tilespmem:$0x1F7E0] =	vst v45;
	v8 =	vld [tilespmem:$0x1C70]  }
0xfe: {  	[tilespmem:$0x1F5C0] =	vst v48;
	v36 =	vld [tilespmem:$0x1CF0]  }
0xff: {  	v41 =	vld [tilespmem:$0x1D70];
	[tilespmem:$0x1F5E0] =	vst v55  }
0x100: {  	v45 =	vld [tilespmem:$0x1DF0];
	[tilespmem:$0x1F620] =	vst v59  }
0x101: {  	v48 =	vld [tilespmem:$0x1E70];
	[tilespmem:$0x1F640] =	vst v4  }
0x102: {  	[tilespmem:$0x1F670] =	vst v8;
	v55 =	vld [tilespmem:$0x1EF0]  }
0x103: {  	[tilespmem:$0x1F6A0] =	vst v36;
	v59 =	vld [tilespmem:$0x1F70]  }
0x104: {  	[tilespmem:$0x1F6E0] =	vst v41;
	v4 =	vld [tilespmem:$0x1FF0]  }
0x105: {  	[tilespmem:$0x1F710] =	vst v45;
	v8 =	vld [tilespmem:$0x2070]  }
0x106: {  	v47 =	vld [tilespmem:$0x1BC0];
	[tilespmem:$0x1F750] =	vst v48  }
0x107: {  	v50 =	vld [tilespmem:$0x1C40];
	[tilespmem:$0x1F780] =	vst v55  }
0x108: {  	v58 =	vld [tilespmem:$0x1CC0];
	[tilespmem:$0x1F7B0] =	vst v59  }
0x109: {  	v61 =	vld [tilespmem:$0x1B50];
	s7 =	spop (v2sf);
	[tilespmem:$0x1F7F0] =	vst v4  }
0x10a: {  	v52 =	vld [tilespmem:$0x1A50];
	s8 =	spop (v2sf);
	[tilespmem:$0x1F820] =	vst v8  }
0x10b: {  	v53 =	vld [tilespmem:$0x1AD0];
	_ =	swait.ge [sflag:s28], $0x80  }
0x10c: {  	[sflag:s28] =	ssyncset.done $0x0  }
0x10d: {  	[sflag:s28] =	ssyncadd.s32 $0xFFFFFF80  }
0x10e: {  	v36 =	vld [tilespmem:$0xD00]  }
0x10f: {  	v41 =	vld [tilespmem:$0xD10]  }
0x110: {  	v45 =	vld [tilespmem:$0xD20]  }
0x111: {  	v48 =	vld [tilespmem:$0xD30]  }
0x112: {  	v55 =	vld [tilespmem:$0xD40]  }
0x113: {  	v59 =	vld [tilespmem:$0xD50];
	[tilespmem:$0x1F680] =	vst v36  }
0x114: {  	v4 =	vld [tilespmem:$0xD60];
	[tilespmem:$0x1F7D0] =	vst v41  }
0x115: {  	v8 =	vld [tilespmem:$0xD70];
	[tilespmem:$0x1F860] =	vst v45  }
0x116: {  	[tilespmem:$0x1F8A0] =	vst v48  }
0x117: {  	[tilespmem:$0x1F8B0] =	vst v55  }
0x118: {  	[tilespmem:$0x1F8E0] =	vst v59  }
0x119: {  	[tilespmem:$0x1F8F0] =	vst v4  }
0x11a: {  	[tilespmem:$0x1F940] =	vst v8  }
0x11b: {  	_ =	swait.ge [sflag:s28], $0x80  }
0x11c: {  	[sflag:s28] =	ssyncset.done $0x0  }
0x11d: {  	[sflag:s28] =	ssyncadd.s32 $0xFFFFFF80  }
0x11e: {  	v36 =	vld [tilespmem:$0xD80]  }
0x11f: {  	v41 =	vld [tilespmem:$0xD90]  }
0x120: {  	v45 =	vld [tilespmem:$0xDA0]  }
0x121: {  	v48 =	vld [tilespmem:$0xDB0]  }
0x122: {  	v55 =	vld [tilespmem:$0xDC0]  }
0x123: {  	v59 =	vld [tilespmem:$0xDD0];
	[tilespmem:$0x1F6B0] =	vst v36  }
0x124: {  	v4 =	vld [tilespmem:$0xDE0];
	[tilespmem:$0x1F810] =	vst v41  }
0x125: {  	v8 =	vld [tilespmem:$0xDF0];
	[tilespmem:$0x1F910] =	vst v45  }
0x126: {  	[tilespmem:$0x1F970] =	vst v48  }
0x127: {  	[tilespmem:$0x1F9A0] =	vst v55  }
0x128: {  	[tilespmem:$0x1F9D0] =	vst v59  }
0x129: {  	[tilespmem:$0x1FA00] =	vst v4  }
0x12a: {  	[tilespmem:$0x1FA30] =	vst v8  }
0x12b: {  	_ =	swait.ge [sflag:s28], $0x80  }
0x12c: {  	[sflag:s28] =	ssyncset.done $0x0  }
0x12d: {  	[sflag:s28] =	ssyncadd.s32 $0xFFFFFF80  }
0x12e: {  	v36 =	vld [tilespmem:$0xE00]  }
0x12f: {  	v41 =	vld [tilespmem:$0xE10]  }
0x130: {  	v45 =	vld [tilespmem:$0xE20]  }
0x131: {  	v48 =	vld [tilespmem:$0xE30]  }
0x132: {  	v55 =	vld [tilespmem:$0xE40]  }
0x133: {  	v59 =	vld [tilespmem:$0xE50];
	[tilespmem:$0x1F6F0] =	vst v36  }
0x134: {  	v4 =	vld [tilespmem:$0xE60];
	[tilespmem:$0x1F840] =	vst v41  }
0x135: {  	v8 =	vld [tilespmem:$0xE70];
	[tilespmem:$0x1F930] =	vst v45  }
0x136: {  	[tilespmem:$0x1FA60] =	vst v48  }
0x137: {  	[tilespmem:$0x1FB20] =	vst v55  }
0x138: {  	[tilespmem:$0x1FC00] =	vst v59  }
0x139: {  	[tilespmem:$0x1FCF0] =	vst v4  }
0x13a: {  	[tilespmem:$0x1FDF0] =	vst v8  }
0x13b: {  	_ =	swait.ge [sflag:s28], $0x80  }
0x13c: {  	[sflag:s28] =	ssyncset.done $0x0  }
0x13d: {  	[sflag:s28] =	ssyncadd.s32 $0xFFFFFF80  }
0x13e: {  	v36 =	vld [tilespmem:$0xE80]  }
0x13f: {  	v41 =	vld [tilespmem:$0xE90]  }
0x140: {  	v45 =	vld [tilespmem:$0xEA0]  }
0x141: {  	v48 =	vld [tilespmem:$0xEB0]  }
0x142: {  	v55 =	vld [tilespmem:$0xEC0]  }
0x143: {  	v59 =	vld [tilespmem:$0xED0];
	[tilespmem:$0x1F720] =	vst v36  }
0x144: {  	v4 =	vld [tilespmem:$0xEE0];
	[tilespmem:$0x1F870] =	vst v41  }
0x145: {  	v8 =	vld [tilespmem:$0xEF0];
	[tilespmem:$0x1F960] =	vst v45  }
0x146: {  	[tilespmem:$0x1FA90] =	vst v48  }
0x147: {  	[tilespmem:$0x1FB50] =	vst v55  }
0x148: {  	[tilespmem:$0x1FC30] =	vst v59  }
0x149: {  	[tilespmem:$0x1FD20] =	vst v4  }
0x14a: {  	[tilespmem:$0x1FE20] =	vst v8  }
0x14b: {  	_ =	swait.ge [sflag:s28], $0x80  }
0x14c: {  	[sflag:s28] =	ssyncset.done $0x0  }
0x14d: {  	[sflag:s28] =	ssyncadd.s32 $0xFFFFFF80  }
0x14e: {  	v36 =	vld [tilespmem:$0xF00]  }
0x14f: {  	v41 =	vld [tilespmem:$0xF10]  }
0x150: {  	v45 =	vld [tilespmem:$0xF20]  }
0x151: {  	v48 =	vld [tilespmem:$0xF30]  }
0x152: {  	v55 =	vld [tilespmem:$0xF40]  }
0x153: {  	v59 =	vld [tilespmem:$0xF50];
	[tilespmem:$0x1F760] =	vst v36  }
0x154: {  	v4 =	vld [tilespmem:$0xF60];
	[tilespmem:$0x1F890] =	vst v41  }
0x155: {  	v8 =	vld [tilespmem:$0xF70];
	[tilespmem:$0x1F990] =	vst v45  }
0x156: {  	[tilespmem:$0x1FAB0] =	vst v48  }
0x157: {  	[tilespmem:$0x1FB80] =	vst v55  }
0x158: {  	[tilespmem:$0x1FC60] =	vst v59  }
0x159: {  	[tilespmem:$0x1FD50] =	vst v4  }
0x15a: {  	[tilespmem:$0x1FE50] =	vst v8  }
0x15b: {  	_ =	swait.ge [sflag:s28], $0x80  }
0x15c: {  	[sflag:s28] =	ssyncset.done $0x0  }
0x15d: {  	[sflag:s28] =	ssyncadd.s32 $0xFFFFFF80  }
0x15e: {  	v36 =	vld [tilespmem:$0xF80]  }
0x15f: {  	v41 =	vld [tilespmem:$0xF90]  }
0x160: {  	v45 =	vld [tilespmem:$0xFA0]  }
0x161: {  	v48 =	vld [tilespmem:$0xFB0]  }
0x162: {  	v55 =	vld [tilespmem:$0xFC0]  }
0x163: {  	v59 =	vld [tilespmem:$0xFD0];
	[tilespmem:$0x1F790] =	vst v36  }
0x164: {  	v4 =	vld [tilespmem:$0xFE0];
	[tilespmem:$0x1F8C0] =	vst v41  }
0x165: {  	v8 =	vld [tilespmem:$0xFF0];
	[tilespmem:$0x1F9C0] =	vst v45  }
0x166: {  	[tilespmem:$0x1FAD0] =	vst v48  }
0x167: {  	[tilespmem:$0x1FBA0] =	vst v55  }
0x168: {  	[tilespmem:$0x1FC90] =	vst v59  }
0x169: {  	[tilespmem:$0x1FD80] =	vst v4  }
0x16a: {  	[tilespmem:$0x1FE80] =	vst v8  }
0x16b: {  	_ =	swait.ge [sflag:s28], $0x80  }
0x16c: {  	[sflag:s28] =	ssyncset.done $0x0  }
0x16d: {  	[sflag:s28] =	ssyncadd.s32 $0xFFFFFF80  }
0x16e: {  	v36 =	vld [tilespmem:$0x1000]  }
0x16f: {  	v41 =	vld [tilespmem:$0x1010]  }
0x170: {  	v45 =	vld [tilespmem:$0x1020]  }
0x171: {  	v48 =	vld [tilespmem:$0x1030]  }
0x172: {  	v55 =	vld [tilespmem:$0x1040]  }
0x173: {  	v59 =	vld [tilespmem:$0x1050];
	[tilespmem:$0x1F7C0] =	vst v36  }
0x174: {  	v4 =	vld [tilespmem:$0x1060];
	[tilespmem:$0x1F8D0] =	vst v41  }
0x175: {  	v8 =	vld [tilespmem:$0x1070];
	[tilespmem:$0x1F9F0] =	vst v45  }
0x176: {  	[tilespmem:$0x1FAF0] =	vst v48  }
0x177: {  	[tilespmem:$0x1FBC0] =	vst v55  }
0x178: {  	[tilespmem:$0x1FCB0] =	vst v59  }
0x179: {  	[tilespmem:$0x1FDB0] =	vst v4  }
0x17a: {  	[tilespmem:$0x1FEB0] =	vst v8  }
0x17b: {  	_ =	swait.ge [sflag:s28], $0x80  }
0x17c: {  	[sflag:s28] =	ssyncset.done $0x0  }
0x17d: {  	[sflag:s28] =	ssyncadd.s32 $0xFFFFFF80  }
0x17e: {  	v36 =	vld [tilespmem:$0x1080]  }
0x17f: {  	v41 =	vld [tilespmem:$0x1090]  }
0x180: {  	v45 =	vld [tilespmem:$0x10A0]  }
0x181: {  	v48 =	vld [tilespmem:$0x10B0]  }
0x182: {  	v55 =	vld [tilespmem:$0x10C0]  }
0x183: {  	v59 =	vld [tilespmem:$0x10D0];
	[tilespmem:$0x1F800] =	vst v36  }
0x184: {  	v4 =	vld [tilespmem:$0x10E0];
	[tilespmem:$0x1F900] =	vst v41  }
0x185: {  	v8 =	vld [tilespmem:$0x10F0];
	[tilespmem:$0x1FA20] =	vst v45  }
0x186: {  	[tilespmem:$0x1FB10] =	vst v48  }
0x187: {  	[tilespmem:$0x1FBE0] =	vst v55  }
0x188: {  	[tilespmem:$0x1FCD0] =	vst v59  }
0x189: {  	[tilespmem:$0x1FDD0] =	vst v4  }
0x18a: {  	[tilespmem:$0x1FEE0] =	vst v8  }
0x18b: {  	_ =	swait.ge [sflag:s28], $0x80  }
0x18c: {  	[sflag:s28] =	ssyncset.done $0x0  }
0x18d: {  	[sflag:s28] =	ssyncadd.s32 $0xFFFFFF80  }
0x18e: {  	v36 =	vld [tilespmem:$0x1100]  }
0x18f: {  	v41 =	vld [tilespmem:$0x1110]  }
0x190: {  	v45 =	vld [tilespmem:$0x1120]  }
0x191: {  	v48 =	vld [tilespmem:$0x1130]  }
0x192: {  	v55 =	vld [tilespmem:$0x1140]  }
0x193: {  	v59 =	vld [tilespmem:$0x1150];
	[tilespmem:$0x1F830] =	vst v36  }
0x194: {  	v4 =	vld [tilespmem:$0x1160];
	[tilespmem:$0x1F920] =	vst v41  }
0x195: {  	v8 =	vld [tilespmem:$0x1170];
	[tilespmem:$0x1FA50] =	vst v45  }
0x196: {  	[tilespmem:$0x1FB40] =	vst v48  }
0x197: {  	[tilespmem:$0x1FC20] =	vst v55  }
0x198: {  	[tilespmem:$0x1FD10] =	vst v59  }
0x199: {  	[tilespmem:$0x1FE10] =	vst v4  }
0x19a: {  	[tilespmem:$0x1FF10] =	vst v8  }
0x19b: {  	_ =	swait.ge [sflag:s28], $0x80  }
0x19c: {  	[sflag:s28] =	ssyncset.done $0x0  }
0x19d: {  	[sflag:s28] =	ssyncadd.s32 $0xFFFFFF80  }
0x19e: {  	v36 =	vld [tilespmem:$0x1180]  }
0x19f: {  	v41 =	vld [tilespmem:$0x1190]  }
0x1a0: {  	v45 =	vld [tilespmem:$0x11A0]  }
0x1a1: {  	v48 =	vld [tilespmem:$0x11B0]  }
0x1a2: {  	v55 =	vld [tilespmem:$0x11C0]  }
0x1a3: {  	v59 =	vld [tilespmem:$0x11D0];
	[tilespmem:$0x1F850] =	vst v36  }
0x1a4: {  	v4 =	vld [tilespmem:$0x11E0];
	[tilespmem:$0x1F950] =	vst v41  }
0x1a5: {  	v8 =	vld [tilespmem:$0x11F0];
	[tilespmem:$0x1FA80] =	vst v45  }
0x1a6: {  	[tilespmem:$0x1FB70] =	vst v48  }
0x1a7: {  	[tilespmem:$0x1FC50] =	vst v55  }
0x1a8: {  	[tilespmem:$0x1FD40] =	vst v59  }
0x1a9: {  	[tilespmem:$0x1FE40] =	vst v4  }
0x1aa: {  	[tilespmem:$0x1FF30] =	vst v8  }
0x1ab: {  	_ =	swait.ge [sflag:s28], $0x80  }
0x1ac: {  	[sflag:s28] =	ssyncset.done $0x0  }
0x1ad: {  	[sflag:s28] =	ssyncadd.s32 $0xFFFFFF80  }
0x1ae: {  	v36 =	vld [tilespmem:$0x1200]  }
0x1af: {  	v41 =	vld [tilespmem:$0x1210]  }
0x1b0: {  	v45 =	vld [tilespmem:$0x1220]  }
0x1b1: {  	v48 =	vld [tilespmem:$0x1230]  }
0x1b2: {  	v55 =	vld [tilespmem:$0x1240]  }
0x1b3: {  	v59 =	vld [tilespmem:$0x1250];
	[tilespmem:$0x1F880] =	vst v36  }
0x1b4: {  	v4 =	vld [tilespmem:$0x1260];
	[tilespmem:$0x1F980] =	vst v41  }
0x1b5: {  	v8 =	vld [tilespmem:$0x1270];
	[tilespmem:$0x1FAA0] =	vst v45  }
0x1b6: {  	[tilespmem:$0x1FB90] =	vst v48  }
0x1b7: {  	[tilespmem:$0x1FC80] =	vst v55  }
0x1b8: {  	[tilespmem:$0x1FD70] =	vst v59  }
0x1b9: {  	[tilespmem:$0x1FE70] =	vst v4  }
0x1ba: {  	[tilespmem:$0x1FF50] =	vst v8  }
0x1bb: {  	_ =	swait.ge [sflag:s28], $0x80  }
0x1bc: {  	[sflag:s28] =	ssyncset.done $0x0  }
0x1bd: {  	[sflag:s28] =	ssyncadd.s32 $0xFFFFFF80  }
0x1be: {  	v36 =	vld [tilespmem:$0x1290]  }
0x1bf: {  	v41 =	vld [tilespmem:$0x12A0]  }
0x1c0: {  	v45 =	vld [tilespmem:$0x12B0]  }
0x1c1: {  	v48 =	vld [tilespmem:$0x12C0]  }
0x1c2: {  	v55 =	vld [tilespmem:$0x12D0]  }
0x1c3: {  	v4 =	vld [tilespmem:$0x12E0];
	[tilespmem:$0x1F9B0] =	vst v36  }
0x1c4: {  	v8 =	vld [tilespmem:$0x12F0];
	[tilespmem:$0x1FAC0] =	vst v41  }
0x1c5: {  	[tilespmem:$0x1FBB0] =	vst v45  }
0x1c6: {  	[tilespmem:$0x1FCA0] =	vst v48  }
0x1c7: {  	[tilespmem:$0x1FDA0] =	vst v55  }
0x1c8: {  	[tilespmem:$0x1FEA0] =	vst v4  }
0x1c9: {  	[tilespmem:$0x1FF70] =	vst v8  }
0x1ca: {  	v59 =	vld [tilespmem:$0x1280];
	_ =	swait.ge [sflag:s28], $0x80  }
0x1cb: {  	[sflag:s28] =	ssyncset.done $0x0  }
0x1cc: {  	[sflag:s28] =	ssyncadd.s32 $0xFFFFFF80  }
0x1cd: {  	v36 =	vld [tilespmem:$0x1310]  }
0x1ce: {  	v41 =	vld [tilespmem:$0x1320]  }
0x1cf: {  	v45 =	vld [tilespmem:$0x1330]  }
0x1d0: {  	v48 =	vld [tilespmem:$0x1340]  }
0x1d1: {  	v4 =	vld [tilespmem:$0x1350]  }
0x1d2: {  	v8 =	vld [tilespmem:$0x1360];
	[tilespmem:$0x1F9E0] =	vst v36  }
0x1d3: {  	[tilespmem:$0x1FAE0] =	vst v41;
	v36 =	vld [tilespmem:$0x1370]  }
0x1d4: {  	[tilespmem:$0x1FBD0] =	vst v45  }
0x1d5: {  	[tilespmem:$0x1FCC0] =	vst v48  }
0x1d6: {  	[tilespmem:$0x1FDC0] =	vst v4  }
0x1d7: {  	[tilespmem:$0x1FED0] =	vst v8  }
0x1d8: {  	[tilespmem:$0x1FF90] =	vst v36  }
0x1d9: {  	v55 =	vld [tilespmem:$0x1300];
	_ =	swait.ge [sflag:s28], $0x80  }
0x1da: {  	[sflag:s28] =	ssyncset.done $0x0  }
0x1db: {  	[sflag:s28] =	ssyncadd.s32 $0xFFFFFF80  }
0x1dc: {  	v41 =	vld [tilespmem:$0x1390]  }
0x1dd: {  	v45 =	vld [tilespmem:$0x13A0]  }
0x1de: {  	v4 =	vld [tilespmem:$0x13B0]  }
0x1df: {  	v8 =	vld [tilespmem:$0x13C0]  }
0x1e0: {  	v36 =	vld [tilespmem:$0x13D0]  }
0x1e1: {  	[tilespmem:$0x1FA10] =	vst v41;
	v41 =	vld [tilespmem:$0x13E0]  }
0x1e2: {  	[tilespmem:$0x1FB00] =	vst v45;
	v45 =	vld [tilespmem:$0x13F0]  }
0x1e3: {  	[tilespmem:$0x1FBF0] =	vst v4  }
0x1e4: {  	[tilespmem:$0x1FCE0] =	vst v8  }
0x1e5: {  	[tilespmem:$0x1FDE0] =	vst v36  }
0x1e6: {  	[tilespmem:$0x1FEF0] =	vst v41  }
0x1e7: {  	[tilespmem:$0x1FFA0] =	vst v45  }
0x1e8: {  	v48 =	vld [tilespmem:$0x1380];
	_ =	swait.ge [sflag:s28], $0x80  }
0x1e9: {  	[sflag:s28] =	ssyncset.done $0x0  }
0x1ea: {  	[sflag:s28] =	ssyncadd.s32 $0xFFFFFF80  }
0x1eb: {  	v4 =	vld [tilespmem:$0x1410]  }
0x1ec: {  	v8 =	vld [tilespmem:$0x1420]  }
0x1ed: {  	v36 =	vld [tilespmem:$0x1430];
	_ =	sdelay $0x1  }
0x1ee: {  	v41 =	vld [tilespmem:$0x1440]  }
0x1ef: {  	[tilespmem:$0x1FA40] =	vst v4;
	v4 =	vld [tilespmem:$0x1450]  }
0x1f0: {  	[tilespmem:$0x1FB30] =	vst v8;
	v8 =	vld [tilespmem:$0x1460]  }
0x1f1: {  	[tilespmem:$0x1FC10] =	vst v36;
	v36 =	vld [tilespmem:$0x1470];
	_ =	sdelay $0x1  }
0x1f2: {  	[tilespmem:$0x1FD00] =	vst v41  }
0x1f3: {  	[tilespmem:$0x1FE00] =	vst v4  }
0x1f4: {  	[tilespmem:$0x1FF00] =	vst v8  }
0x1f5: {  	[tilespmem:$0x1FFB0] =	vst v36  }
0x1f6: {  	v45 =	vld [tilespmem:$0x1400];
	_ =	swait.ge [sflag:s28], $0x80  }
0x1f7: {  	[sflag:s28] =	ssyncset.done $0x0  }
0x1f8: {  	[sflag:s28] =	ssyncadd.s32 $0xFFFFFF80  }
0x1f9: {  	v41 =	vld [tilespmem:$0x1490];
	_ =	sdelay $0x1  }
0x1fa: {  	v1 =	vbroadcast v13, $0x0;
	_ =	sdelay $0x1  }
0x1fb: {  	v4 =	vmul.f32 v1, v63;
	v63 =	vld [tilespmem:$0x14A0]  }
0x1fc: {  	[tilespmem:$0x1FA70] =	vst v41;
	v41 =	vld [tilespmem:$0x14B0];
	_ =	sdelay $0x3  }
0x1fd: {  	[tilespmem:$0x1FB60] =	vst v63;
	v63 =	vld [tilespmem:$0x14C0]  }
0x1fe: {  	[tilespmem:$0x1FC40] =	vst v41;
	v41 =	vld [tilespmem:$0x14D0];
	_ =	sdelay $0x3  }
0x1ff: {  	[tilespmem:$0x1FD30] =	vst v63;
	v63 =	vld [tilespmem:$0x14E0]  }
0x200: {  	[tilespmem:$0x1FE30] =	vst v41;
	v41 =	vld [tilespmem:$0x14F0];
	_ =	sdelay $0x3  }
0x201: {  	[tilespmem:$0x1FF20] =	vst v63  }
0x202: {  	[tilespmem:$0x1FFC0] =	vst v41  }
0x203: {  	v36 =	vld [tilespmem:$0x1480];
	_ =	swait.ge [sflag:s28], $0x80  }
0x204: {  	v2 =	vbroadcast v13, $0x1;
	[sflag:s28] =	ssyncset.done $0x0  }
0x205: {  	[sflag:s28] =	ssyncadd.s32 $0xFFFFFF80  }
0x206: {  	v3 =	vmul.f32 v3, v2;
	v8 =	vbroadcast v13, $0x2;
	v41 =	vld [tilespmem:$0x1530];
	_ =	sdelay $0x1  }
0x207: {  	v4 =	vadd.f32 v3, v4;
	v37 =	vmul.f32 v37, v8;
	v3 =	vbroadcast v13, $0x3;
	_ =	sdelay $0x1  }
0x208: {  	v37 =	vadd.f32 v37, v4;
	v5 =	vmul.f32 v5, v3;
	v4 =	vbroadcast v13, $0x4  }
0x209: {  	v6 =	vmul.f32 v6, v1;
	v7 =	vmul.f32 v7, v2;
	[tilespmem:$0x1FC70] =	vst v41;
	v41 =	vld [tilespmem:$0x1540]  }
0x20a: {  	v37 =	vadd.f32 v5, v37;
	v9 =	vmul.f32 v9, v4;
	v5 =	vbroadcast v13, $0x5  }
0x20b: {  	v7 =	vadd.f32 v7, v6;
	v11 =	vmul.f32 v11, v8  }
0x20c: {  	v9 =	vadd.f32 v9, v37;
	v63 =	vmul.f32 v10, v5;
	v10 =	vbroadcast v13, $0x6  }
0x20d: {  	v7 =	vadd.f32 v11, v7  }
0x20e: {  	v11 =	vmul.f32 v57, v3;
	v0 =	vadd.f32 v63, v9;
	v32 =	vmul.f32 v32, v10;
	[tilespmem:$0x1FD60] =	vst v41;
	v41 =	vld [tilespmem:$0x1560]  }
0x20f: {  	v6 =	vbroadcast v13, $0x7  }
0x210: {  	v7 =	vadd.f32 v11, v7;
	v11 =	vmul.f32 v12, v4;
	v0 =	vadd.f32 v32, v0;
	v32 =	vld [tilespmem:$0x1550]  }
0x211: {  	v9 =	vmul.f32 v14, v6;
	v14 =	vbroadcast v13, $0x8  }
0x212: {  	v7 =	vadd.f32 v11, v7;
	v11 =	vmul.f32 v17, v5  }
0x213: {  	v12 =	vmul.f32 v19, v14;
	v9 =	vadd.f32 v9, v0;
	v0 =	vbroadcast v13, $0x9;
	[tilespmem:$0x1FF40] =	vst v41;
	v41 =	vld [tilespmem:$0x1570]  }
0x214: {  	v7 =	vadd.f32 v11, v7  }
0x215: {  	v11 =	vbroadcast v13, $0xA;
	v9 =	vadd.f32 v12, v9;
	[tilespmem:$0x1FE60] =	vst v32;
	v32 =	vmul.f32 v22, v0  }
0x216: {  	v15 =	vmul.f32 v15, v1;
	v22 =	vmul.f32 v18, v10  }
0x217: {  	v16 =	vmul.f32 v16, v2;
	v29 =	vmul.f32 v29, v11;
	v37 =	vld [tilespmem:$0x1500];
	v12 =	vadd.f32 v32, v9  }
0x218: {  	v63 =	vld [tilespmem:$0x1510];
	v7 =	vadd.f32 v22, v7;
	v32 =	vmul.f32 v21, v6;
	v9 =	vmul.f32 v23, v14;
	[tilespmem:$0x1FFD0] =	vst v41  }
0x219: {  	v15 =	vadd.f32 v16, v15;
	v57 =	vld [tilespmem:$0x1520];
	v23 =	vbroadcast v13, $0xB;
	v41 =	vmul.f32 v20, v8;
	_ =	swait.ge [sflag:s28], $0x80  }
0x21a: {  	v27 =	vmul.f32 v27, v4;
	v22 =	vmul.f32 v24, v3;
	v7 =	vadd.f32 v32, v7;
	[sflag:s28] =	ssyncset.done $0x0  }
0x21b: {  	v16 =	vadd.f32 v29, v12;
	v24 =	vmul.f32 v54, v23;
	v15 =	vadd.f32 v41, v15;
	[sflag:s28] =	ssyncadd.s32 $0xFFFFFF80  }
0x21c: {  	v18 =	vadd.f32 v9, v7;
	v7 =	vbroadcast v13, $0xC;
	v13 =	vmul.f32 v30, v0;
	v29 =	vld [tilespmem:$0x15C0]  }
0x21d: {  	v16 =	vadd.f32 v24, v16;
	v24 =	vmul.f32 v25, v2;
	v15 =	vadd.f32 v22, v15;
	v25 =	vld [tilespmem:$0x15D0]  }
0x21e: {  	v30 =	vmul.f32 v26, v1;
	v26 =	vmul.f32 v31, v5;
	v31 =	vld [tilespmem:$0x15F0]  }
0x21f: {  	v15 =	vadd.f32 v27, v15;
	v27 =	vld [tilespmem:$0x15E0];
	_ =	sdelay $0x1  }
0x220: {  	[tilespmem:$0x1FD90] =	vst v29  }
0x221: {  	v19 =	vadd.f32 v24, v30;
	v30 =	vmul.f32 v28, v8;
	v20 =	vld [tilespmem:$0x1580];
	[tilespmem:$0x1FE90] =	vst v25  }
0x222: {  	v32 =	vld [tilespmem:$0x1590];
	[tilespmem:$0x1FFE0] =	vst v31  }
0x223: {  	v9 =	vmul.f32 v33, v3;
	v19 =	vadd.f32 v30, v19;
	v41 =	vld [tilespmem:$0x15A0];
	[tilespmem:$0x1FF60] =	vst v27  }
0x224: {  	v54 =	vld [tilespmem:$0x15B0];
	_ =	swait.ge [sflag:s28], $0x80  }
0x225: {  	v19 =	vadd.f32 v9, v19;
	v29 =	vmul.f32 v46, v7;
	v31 =	vmul.f32 v39, v4;
	[sflag:s28] =	ssyncset.done $0x0  }
0x226: {  	v46 =	vmul.f32 v38, v10;
	v38 =	vmul.f32 v43, v5;
	v43 =	vld [tilespmem:$0x1F450];
	[sflag:s28] =	ssyncadd.s32 $0xFFFFFF80  }
0x227: {  	v12 =	vmul.f32 v42, v6;
	v42 =	vmul.f32 v49, v10;
	v19 =	vadd.f32 v31, v19;
	v49 =	vld [tilespmem:$0x1650]  }
0x228: {  	v31 =	vld [tilespmem:$0x1660]  }
0x229: {  	v15 =	vadd.f32 v26, v15;
	v19 =	vadd.f32 v38, v19;
	v38 =	vld [tilespmem:$0x1670]  }
0x22a: {  	v33 =	vmul.f32 v35, v1;
	v35 =	vmul.f32 v51, v14;
	v51 =	vld [tilespmem:$0x1F460]  }
0x22b: {  	v44 =	vmul.f32 v44, v11;
	v17 =	vadd.f32 v13, v18;
	v15 =	vadd.f32 v46, v15;
	v27 =	vld [tilespmem:$0x1600]  }
0x22c: {  	v34 =	vmul.f32 v34, v2;
	v21 =	vld [tilespmem:$0x1610];
	[tilespmem:$0x1FEC0] =	vst v49  }
0x22d: {  	v13 =	vmul.f32 v56, v23;
	v17 =	vadd.f32 v44, v17;
	v18 =	vadd.f32 v12, v15;
	v9 =	vld [tilespmem:$0x1620];
	[tilespmem:$0x1FF80] =	vst v31  }
0x22e: {  	v60 =	vmul.f32 v60, v6;
	v40 =	vmul.f32 v40, v8;
	v39 =	vadd.f32 v34, v33;
	v46 =	vld [tilespmem:$0x1630];
	[tilespmem:$0x1FFF0] =	vst v38  }
0x22f: {  	v17 =	vadd.f32 v13, v17;
	v18 =	vadd.f32 v35, v18;
	v35 =	vld [tilespmem:$0x1640];
	v44 =	vmul.f32 v43, v7;
	_ =	swait.ge [sflag:s28], $0x80  }
0x230: {  	v47 =	vmul.f32 v47, v3;
	v22 =	vadd.f32 v40, v39;
	v56 =	vmul.f32 v51, v0;
	v40 =	vld [tilespmem:$0x1F470]  }
0x231: {  	v19 =	vadd.f32 v42, v19;
	v26 =	vadd.f32 v44, v17;
	v44 =	vmul.f32 v52, v1;
	v52 =	vld [tilespmem:$0x1F480]  }
0x232: {  	v34 =	vmul.f32 v50, v4;
	v33 =	vadd.f32 v47, v22;
	v18 =	vadd.f32 v56, v18;
	v56 =	vld [tilespmem:$0x1F490]  }
0x233: {  	v39 =	vmul.f32 v62, v14;
	v19 =	vadd.f32 v60, v19;
	v31 =	vld [tilespmem:$0x1F4A0]  }
0x234: {  	v47 =	vmul.f32 v53, v2;
	v17 =	vadd.f32 v34, v33;
	v34 =	vld [tilespmem:$0x1F4B0]  }
0x235: {  	v19 =	vadd.f32 v39, v19;
	v39 =	vld [tilespmem:$0x1F4C0]  }
0x236: {  	[sflag:s28] =	ssyncset.done $0x0;
	v60 =	vadd.f32 v47, v44;
	v44 =	vld [tilespmem:$0x1F4E0]  }
0x237: {  	v51 =	vld [tilespmem:$0x1F4F0];
	[sflag:s28] =	ssyncadd.s32 $0xFFFFFF80  }
0x238: {  	v50 =	vld [tilespmem:$0x1680]  }
0x239: {  	v16 =	vadd.f32 v29, v16;
	v29 =	vld [tilespmem:$0x1690]  }
0x23a: {  	v61 =	vmul.f32 v61, v8;
	v24 =	vld [tilespmem:$0x16A0]  }
0x23b: {  	v43 =	vmul.f32 v58, v5;
	v49 =	vld [tilespmem:$0x16C0]  }
0x23c: {  	v22 =	vadd.f32 v61, v60;
	v61 =	vld [tilespmem:$0x1F520]  }
0x23d: {  	v17 =	vadd.f32 v43, v17;
	v58 =	vmul.f32 v56, v10;
	v38 =	vmul.f32 v34, v23;
	v34 =	vld [tilespmem:$0x16D0]  }
0x23e: {  	v42 =	vmul.f32 v40, v11;
	v33 =	vmul.f32 v31, v6;
	v31 =	vld [tilespmem:$0x16E0]  }
0x23f: {  	v40 =	vmul.f32 v39, v3;
	v62 =	vadd.f32 v58, v17;
	v17 =	vld [tilespmem:$0x16B0]  }
0x240: {  	v53 =	vmul.f32 v52, v0;
	v18 =	vadd.f32 v42, v18;
	v42 =	vld [tilespmem:$0x1F4D0]  }
0x241: {  	v52 =	vmul.f32 v51, v4;
	v22 =	vadd.f32 v40, v22;
	v58 =	vld [tilespmem:$0x1F510]  }
0x242: {  	v47 =	vmul.f32 v44, v14;
	v19 =	vadd.f32 v53, v19;
	v53 =	vld [tilespmem:$0x1F500];
	v25 =	vadd.f32 v33, v62  }
0x243: {  	v22 =	vadd.f32 v52, v22;
	v52 =	vld [tilespmem:$0x1F540]  }
0x244: {  	v25 =	vadd.f32 v47, v25;
	v47 =	vld [tilespmem:$0x1F530]  }
0x245: {  	v43 =	vmul.f32 v42, v11;
	v42 =	vld [tilespmem:$0x16F0];
	_ =	swait.ge [sflag:s28], $0x80  }
0x246: {  	v60 =	vmul.f32 v58, v7;
	v58 =	vld [tilespmem:$0x1F550]  }
0x247: {  	v62 =	vmul.f32 v61, v5;
	v61 =	vld [tilespmem:$0x1F560]  }
0x248: {  	v56 =	vmul.f32 v53, v0;
	v33 =	vld [tilespmem:$0x1F570]  }
0x249: {  	v18 =	vadd.f32 v38, v18;
	v39 =	vld [tilespmem:$0x1F580]  }
0x24a: {  	[sflag:s28] =	ssyncset.done $0x0;
	v19 =	vadd.f32 v43, v19;
	v25 =	vadd.f32 v56, v25;
	v53 =	vmul.f32 v52, v11;
	v43 =	vld [tilespmem:$0x1F590]  }
0x24b: {  	v44 =	vadd.f32 v60, v18;
	[sflag:s28] =	ssyncadd.s32 $0xFFFFFF80;
	v52 =	vld [tilespmem:$0x1F5F0]  }
0x24c: {  	v56 =	vadd.f32 v62, v22;
	v25 =	vadd.f32 v53, v25;
	v53 =	vld [tilespmem:$0x1700];
	v60 =	vmul.f32 v58, v10  }
0x24d: {  	v51 =	vmul.f32 v47, v23;
	v62 =	vmul.f32 v61, v7;
	v61 =	vld [tilespmem:$0x1F5B0]  }
0x24e: {  	v18 =	vadd.f32 v60, v56;
	v56 =	vld [tilespmem:$0x1F5A0]  }
0x24f: {  	v19 =	vadd.f32 v51, v19;
	v38 =	vmul.f32 v33, v23;
	v51 =	vld [tilespmem:$0x1710]  }
0x250: {  	v40 =	vmul.f32 v39, v6;
	v39 =	vld [tilespmem:$0x1F5D0]  }
0x251: {  	v22 =	vadd.f32 v38, v25;
	v38 =	vld [tilespmem:$0x1F5C0]  }
0x252: {  	v60 =	vadd.f32 v62, v19;
	v25 =	vld [tilespmem:$0x1730];
	v18 =	vadd.f32 v40, v18;
	v62 =	vmul.f32 v61, v14  }
0x253: {  	v47 =	vmul.f32 v43, v1;
	v19 =	vld [tilespmem:$0x1740];
	v58 =	vmul.f32 v56, v2  }
0x254: {  	v18 =	vadd.f32 v62, v18;
	v62 =	vld [tilespmem:$0x1F610]  }
0x255: {  	v28 =	vadd.f32 v58, v47;
	v47 =	vld [tilespmem:$0x1F5E0]  }
0x256: {  	v56 =	vmul.f32 v52, v7;
	v58 =	vld [tilespmem:$0x1F600]  }
0x257: {  	v43 =	vmul.f32 v39, v8;
	v39 =	vld [tilespmem:$0x1F620]  }
0x258: {  	v30 =	vadd.f32 v56, v22;
	v56 =	vld [tilespmem:$0x1F630]  }
0x259: {  	v40 =	vld [tilespmem:$0x1720]  }
0x25a: {  	v1 =	vmul.f32 v38, v1;
	v28 =	vadd.f32 v43, v28;
	v43 =	vld [tilespmem:$0x1770];
	v2 =	vmul.f32 v47, v2  }
0x25b: {  	v15 =	vmul.f32 v62, v3;
	v61 =	vmul.f32 v58, v0;
	v47 =	vld [tilespmem:$0x1750]  }
0x25c: {  	v1 =	vadd.f32 v2, v1;
	v2 =	vmul.f32 v39, v8;
	v39 =	vld [tilespmem:$0x1760]  }
0x25d: {  	v52 =	vadd.f32 v15, v28;
	v58 =	vmul.f32 v56, v4;
	v8 =	vadd.f32 v61, v18;
	v61 =	vld [tilespmem:$0x1F640];
	_ =	swait.ge [sflag:s28], $0x80  }
0x25e: {  	v33 =	vld [tilespmem:$0x1F650]  }
0x25f: {  	v28 =	vadd.f32 v58, v52;
	v52 =	vld [tilespmem:$0x1F660]  }
0x260: {  	v58 =	vld [tilespmem:$0x1F670]  }
0x261: {  	v18 =	vld [tilespmem:$0x1F690]  }
0x262: {  	s30 =	sadd.f32 s8, s7;
	v13 =	vld [tilespmem:$0x1F6E0]  }
0x263: {  	v15 =	vld [tilespmem:$0x1F6F0]  }
0x264: {  	v62 =	vadd.f32 s30, v16;
	v16 =	vld [tilespmem:$0x1F700]  }
0x265: {  	v1 =	vadd.f32 v2, v1;
	v2 =	vmul.f32 v61, v3;
	v61 =	vld [tilespmem:$0x1F680]  }
0x266: {  	[sflag:s28] =	ssyncset.done $0x0;
	v38 =	vmul.f32 v33, v11;
	v33 =	vld [tilespmem:$0x1F6B0]  }
0x267: {  	[sflag:s28] =	ssyncadd.s32 $0xFFFFFF80;
	v56 =	vmul.f32 v52, v5;
	v52 =	vld [tilespmem:$0x1F6C0]  }
0x268: {  	v22 =	vmul.f32 v18, v10;
	v10 =	vmul.f32 v13, v10;
	v13 =	vld [tilespmem:$0x17B0]  }
0x269: {  	v18 =	vmul.f32 v16, v14;
	v16 =	vld [tilespmem:$0x1F750]  }
0x26a: {  	v1 =	vadd.f32 v2, v1;
	v2 =	vmul.f32 v58, v4;
	v58 =	vld [tilespmem:$0x1780]  }
0x26b: {  	v3 =	vadd.f32 v61, v62;
	v62 =	vadd.f32 v56, v28;
	v28 =	vld [tilespmem:$0x1F6A0]  }
0x26c: {  	v61 =	vld [tilespmem:$0x1F6D0]  }
0x26d: {  	v56 =	vld [tilespmem:$0x1790]  }
0x26e: {  	v4 =	vadd.f32 v38, v8;
	v8 =	vmul.f32 v52, v23;
	v52 =	vld [tilespmem:$0x17A0]  }
0x26f: {  	v3 =	vadd.f32 v33, v3;
	v33 =	vld [tilespmem:$0x1F710]  }
0x270: {  	v1 =	vadd.f32 v2, v1;
	v38 =	vadd.f32 v22, v62;
	v22 =	vld [tilespmem:$0x17D0];
	v2 =	vmul.f32 v28, v5  }
0x271: {  	v62 =	vmul.f32 v61, v6;
	v28 =	vld [tilespmem:$0x17C0]  }
0x272: {  	v61 =	vld [tilespmem:$0x1F730];
	v2 =	vadd.f32 v2, v1  }
0x273: {  	v5 =	vadd.f32 v62, v38;
	v38 =	vld [tilespmem:$0x1F720]  }
0x274: {  	v2 =	vadd.f32 v10, v2;
	v10 =	vld [tilespmem:$0x1F740]  }
0x275: {  	v6 =	vmul.f32 v33, v6;
	v33 =	vmul.f32 v16, v14;
	v16 =	vld [tilespmem:$0x17F0]  }
0x276: {  	v3 =	vadd.f32 v15, v3;
	v5 =	vadd.f32 v18, v5;
	v18 =	vld [tilespmem:$0x17E0]  }
0x277: {  	v62 =	vmul.f32 v61, v7;
	v61 =	vld [tilespmem:$0x1F770]  }
0x278: {  	v3 =	vadd.f32 v38, v3;
	v38 =	vld [tilespmem:$0x1F760];
	_ =	swait.ge [sflag:s28], $0x80  }
0x279: {  	v12 =	vmul.f32 v10, v0;
	v10 =	vld [tilespmem:$0x1F780]  }
0x27a: {  	v2 =	vadd.f32 v6, v2  }
0x27b: {  	v4 =	vadd.f32 v8, v4;
	v15 =	vld [tilespmem:$0x1F7A0]  }
0x27c: {  	v2 =	vadd.f32 v33, v2;
	v33 =	vld [tilespmem:$0x1F7B0]  }
0x27d: {  	v4 =	vadd.f32 v62, v4;
	v62 =	vmul.f32 v61, v11;
	v61 =	vld [tilespmem:$0x1F820]  }
0x27e: {  	v5 =	vadd.f32 v12, v5;
	v0 =	vmul.f32 v10, v0;
	v10 =	vld [tilespmem:$0x1F7D0]  }
0x27f: {  	v12 =	vld [tilespmem:$0x1F790]  }
0x280: {  	v5 =	vadd.f32 v62, v5;
	v62 =	vld [tilespmem:$0x1F7C0]  }
0x281: {  	v14 =	vadd.f32 s30, v26;
	v3 =	vadd.f32 v38, v3;
	v38 =	vmul.f32 v33, v11;
	v11 =	vld [tilespmem:$0x1F7E0]  }
0x282: {  	[sflag:s28] =	ssyncset.done $0x0;
	v26 =	vmul.f32 v15, v23;
	v33 =	vld [tilespmem:$0x1F810]  }
0x283: {  	[sflag:s28] =	ssyncadd.s32 $0xFFFFFF80;
	v6 =	vadd.f32 v10, v14;
	v14 =	vld [tilespmem:$0x1F7F0]  }
0x284: {  	v5 =	vadd.f32 v26, v5;
	v26 =	vld [tilespmem:$0x1810];
	v3 =	vadd.f32 v12, v3  }
0x285: {  	v0 =	vadd.f32 v0, v2;
	v2 =	vld [tilespmem:$0x1840]  }
0x286: {  	v3 =	vadd.f32 v62, v3;
	v62 =	vld [tilespmem:$0x1800]  }
0x287: {  	v12 =	vmul.f32 v11, v7;
	v11 =	vld [tilespmem:$0x1F830]  }
0x288: {  	v15 =	vmul.f32 v14, v23;
	v23 =	vld [tilespmem:$0x1F800]  }
0x289: {  	v10 =	vld [tilespmem:$0x1820]  }
0x28a: {  	v5 =	vadd.f32 v12, v5;
	v12 =	vld [tilespmem:$0x1F840]  }
0x28b: {  	v0 =	vadd.f32 v38, v0;
	v38 =	vadd.f32 v33, v6;
	v6 =	vld [tilespmem:$0x1830]  }
0x28c: {  	v33 =	vld [tilespmem:$0x1850]  }
0x28d: {  	v3 =	vadd.f32 v23, v3;
	v23 =	vld [tilespmem:$0x1F860]  }
0x28e: {  	v0 =	vadd.f32 v15, v0;
	v15 =	vld [tilespmem:$0x1F850]  }
0x28f: {  	v14 =	vadd.f32 s30, v44;
	v44 =	vld [tilespmem:$0x1860]  }
0x290: {  	v8 =	vadd.f32 v12, v38;
	v38 =	vld [tilespmem:$0x1F870]  }
0x291: {  	v3 =	vadd.f32 v11, v3;
	v11 =	vld [tilespmem:$0x1F880]  }
0x292: {  	v14 =	vadd.f32 v23, v14;
	v23 =	vld [tilespmem:$0x1870];
	_ =	swait.ge [sflag:s28], $0x80  }
0x293: {  	v3 =	vadd.f32 v15, v3;
	v15 =	vld [tilespmem:$0x1F890];
	_ =	sdelay $0x2  }
0x294: {  	v7 =	vmul.f32 v61, v7;
	v12 =	vadd.f32 s30, v60;
	v61 =	vadd.f32 v38, v8;
	v60 =	vld [tilespmem:$0x1F8C0]  }
0x295: {  	v38 =	vld [tilespmem:$0x1F8A0]  }
0x296: {  	v0 =	vadd.f32 v7, v0;
	v7 =	vadd.f32 v15, v61;
	v61 =	vld [tilespmem:$0x1F8D0];
	_ =	sdelay $0x1  }
0x297: {  	v15 =	vld [tilespmem:$0x1F900]  }
0x298: {  	v7 =	vadd.f32 v60, v7  }
0x299: {  	v3 =	vadd.f32 v11, v3  }
0x29a: {  	v8 =	vadd.f32 v38, v12;
	v12 =	vld [tilespmem:$0x1F8F0];
	v7 =	vadd.f32 v61, v7  }
0x29b: {  	v3 =	vadd.f32 v59, v3  }
0x29c: {  	v38 =	vadd.f32 v15, v7;
	v15 =	vld [tilespmem:$0x1F920]  }
0x29d: {  	v5 =	vadd.f32 s30, v5;
	v11 =	vld [tilespmem:$0x1F8E0];
	v3 =	vadd.f32 v55, v3  }
0x29e: {  	[sflag:s28] =	ssyncset.done $0x0;
	v59 =	vld [tilespmem:$0x1F8B0]  }
0x29f: {  	[sflag:s28] =	ssyncadd.s32 $0xFFFFFF80;
	v3 =	vadd.f32 v48, v3;
	v5 =	vadd.f32 v12, v5;
	v12 =	vld [tilespmem:$0x1F910]  }
0x2a0: {  	v30 =	vadd.f32 s30, v30;
	v4 =	vadd.f32 s30, v4;
	v55 =	vld [tilespmem:$0x1890]  }
0x2a1: {  	v3 =	vadd.f32 v45, v3;
	v45 =	vadd.f32 v15, v38;
	v38 =	vld [tilespmem:$0x1F930]  }
0x2a2: {  	v60 =	vld [tilespmem:$0x1880]  }
0x2a3: {  	v59 =	vadd.f32 v59, v30;
	v30 =	vadd.f32 v11, v4;
	v11 =	vld [tilespmem:$0x18B0]  }
0x2a4: {  	v4 =	vld [tilespmem:$0x18D0];
	v14 =	vadd.f32 v12, v14  }
0x2a5: {  	v61 =	vld [tilespmem:$0x18A0]  }
0x2a6: {  	v14 =	vadd.f32 v38, v14;
	v38 =	vld [tilespmem:$0x1F950]  }
0x2a7: {  	v3 =	vadd.f32 v36, v3;
	v36 =	vld [tilespmem:$0x18F0]  }
0x2a8: {  	v7 =	vld [tilespmem:$0x18C0]  }
0x2a9: {  	v12 =	vld [tilespmem:$0x1F940]  }
0x2aa: {  	v15 =	vld [tilespmem:$0x18E0];
	_ =	swait.ge [sflag:s28], $0x80  }
0x2ab: {  	v45 =	vadd.f32 v38, v45;
	v38 =	vld [tilespmem:$0x1F970]  }
0x2ac: {  	v48 =	vadd.f32 s30, v0;
	_ =	sdelay $0x1  }
0x2ad: {  	v48 =	vadd.f32 v12, v48;
	v12 =	vld [tilespmem:$0x1F960];
	_ =	sdelay $0x1  }
0x2ae: {  	v3 =	vadd.f32 v37, v3;
	v37 =	vadd.f32 v38, v8;
	v38 =	vld [tilespmem:$0x1F990];
	_ =	sdelay $0x2  }
0x2af: {  	v14 =	vadd.f32 v12, v14;
	v12 =	vld [tilespmem:$0x1F980];
	_ =	sdelay $0x1  }
0x2b0: {  	v14 =	vadd.f32 v38, v14;
	v38 =	vld [tilespmem:$0x1F9C0];
	_ =	sdelay $0x2  }
0x2b1: {  	v8 =	vadd.f32 v12, v45;
	v12 =	vld [tilespmem:$0x1F9B0];
	_ =	sdelay $0x1  }
0x2b2: {  	v14 =	vadd.f32 v38, v14;
	v38 =	vld [tilespmem:$0x1F9E0];
	_ =	sdelay $0x2  }
0x2b3: {  	v8 =	vadd.f32 v12, v8;
	v12 =	vld [tilespmem:$0x1F9D0];
	_ =	sdelay $0x1  }
0x2b4: {  	v8 =	vadd.f32 v38, v8;
	v38 =	vld [tilespmem:$0x1FA00];
	_ =	sdelay $0x2  }
0x2b5: {  	v30 =	vadd.f32 v12, v30;
	v12 =	vld [tilespmem:$0x1F9F0];
	_ =	sdelay $0x1  }
0x2b6: {  	v5 =	vadd.f32 v38, v5;
	v38 =	vld [tilespmem:$0x1FA20];
	_ =	sdelay $0x1  }
0x2b7: {  	[sflag:s28] =	ssyncset.done $0x0  }
0x2b8: {  	[sflag:s28] =	ssyncadd.s32 $0xFFFFFF80;
	v14 =	vadd.f32 v12, v14  }
0x2b9: {  	v3 =	vadd.f32 v20, v3;
	v20 =	vld [tilespmem:$0x1900]  }
0x2ba: {  	v14 =	vadd.f32 v38, v14;
	v38 =	vld [tilespmem:$0x1FA30]  }
0x2bb: {  	v3 =	vadd.f32 v27, v3;
	v27 =	vld [tilespmem:$0x1920]  }
0x2bc: {  	v45 =	vld [tilespmem:$0x1F9A0]  }
0x2bd: {  	v12 =	vld [tilespmem:$0x1FA10]  }
0x2be: {  	v1 =	vld [tilespmem:$0x1930]  }
0x2bf: {  	v3 =	vadd.f32 v50, v3;
	v48 =	vadd.f32 v38, v48;
	v38 =	vld [tilespmem:$0x1FA40]  }
0x2c0: {  	v50 =	vld [tilespmem:$0x1940]  }
0x2c1: {  	v3 =	vadd.f32 v53, v3;
	v53 =	vld [tilespmem:$0x1960]  }
0x2c2: {  	v45 =	vadd.f32 v45, v59;
	v59 =	vld [tilespmem:$0x1910];
	v0 =	vadd.f32 v12, v8  }
0x2c3: {  	v8 =	vld [tilespmem:$0x1950]  }
0x2c4: {  	v0 =	vadd.f32 v38, v0;
	v38 =	vld [tilespmem:$0x1FA50]  }
0x2c5: {  	v12 =	vld [tilespmem:$0x1970];
	_ =	swait.ge [sflag:s28], $0x80  }
0x2c6: {  	v3 =	vadd.f32 v58, v3;
	v58 =	vld [tilespmem:$0x1FA70];
	_ =	sdelay $0x2  }
0x2c7: {  	v14 =	vadd.f32 v38, v14;
	v38 =	vld [tilespmem:$0x1FA60]  }
0x2c8: {  	v3 =	vadd.f32 v62, v3;
	v62 =	vld [tilespmem:$0x1FA90]  }
0x2c9: {  	v0 =	vadd.f32 v58, v0;
	v58 =	vld [tilespmem:$0x1FA80]  }
0x2ca: {  	v3 =	vadd.f32 v60, v3;
	v60 =	vld [tilespmem:$0x1FB20]  }
0x2cb: {  	v0 =	vadd.f32 v63, v0;
	v63 =	vld [tilespmem:$0x1FAA0]  }
0x2cc: {  	[sflag:s28] =	ssyncset.done $0x0;
	v37 =	vadd.f32 v38, v37;
	v38 =	vld [tilespmem:$0x1FAB0]  }
0x2cd: {  	[sflag:s28] =	ssyncadd.s32 $0xFFFFFF80;
	v0 =	vadd.f32 v32, v0;
	v32 =	vld [tilespmem:$0x1FAE0]  }
0x2ce: {  	v14 =	vadd.f32 v58, v14;
	v58 =	vld [tilespmem:$0x1980]  }
0x2cf: {  	v37 =	vadd.f32 v62, v37;
	v62 =	vld [tilespmem:$0x1FAC0]  }
0x2d0: {  	v0 =	vadd.f32 v21, v0;
	v21 =	vadd.f32 v60, v45;
	v45 =	vld [tilespmem:$0x1FB80]  }
0x2d1: {  	v60 =	vld [tilespmem:$0x1FBD0]  }
0x2d2: {  	v14 =	vadd.f32 v63, v14;
	v63 =	vld [tilespmem:$0x1FAD0]  }
0x2d3: {  	v3 =	vadd.f32 v20, v3;
	v0 =	vadd.f32 v29, v0;
	v29 =	vld [tilespmem:$0x1FC10]  }
0x2d4: {  	v37 =	vadd.f32 v38, v37;
	v38 =	vld [tilespmem:$0x1FB00]  }
0x2d5: {  	v3 =	vadd.f32 v58, v3;
	v58 =	vld [tilespmem:$0x1FB10]  }
0x2d6: {  	v0 =	vadd.f32 v51, v0;
	v51 =	vld [tilespmem:$0x1990]  }
0x2d7: {  	v14 =	vadd.f32 v62, v14;
	v62 =	vld [tilespmem:$0x1FB30]  }
0x2d8: {  	v20 =	vadd.f32 v63, v37;
	v37 =	vld [tilespmem:$0x1FAF0]  }
0x2d9: {  	v63 =	vld [tilespmem:$0x1FB40]  }
0x2da: {  	v0 =	vadd.f32 v56, v0;
	v56 =	vld [tilespmem:$0x1FB90]  }
0x2db: {  	v14 =	vadd.f32 v32, v14;
	v32 =	vld [tilespmem:$0x1FB50]  }
0x2dc: {  	v0 =	vadd.f32 v26, v0;
	v26 =	vld [tilespmem:$0x1FC00]  }
0x2dd: {  	v14 =	vadd.f32 v38, v14;
	v38 =	vld [tilespmem:$0x1FB70]  }
0x2de: {  	v0 =	vadd.f32 v55, v0;
	v55 =	vld [tilespmem:$0x1FCA0]  }
0x2df: {  	v20 =	vadd.f32 v37, v20;
	v37 =	vld [tilespmem:$0x1FB60]  }
0x2e0: {  	v14 =	vadd.f32 v62, v14;
	v62 =	vld [tilespmem:$0x1FBE0]  }
0x2e1: {  	v3 =	vsub.f32 $0.0e+00, v3;
	v0 =	vadd.f32 v59, v0;
	v59 =	vld [tilespmem:$0x1FBC0]  }
0x2e2: {  	v21 =	vadd.f32 v32, v21;
	v32 =	vld [tilespmem:$0x1FC30];
	v20 =	vadd.f32 v58, v20  }
0x2e3: {  	v58 =	vld [tilespmem:$0x1FBB0]  }
0x2e4: {  	v3 =	vmul.f32 $1.442695020e+00, v3;
	v0 =	vadd.f32 v51, v0;
	v51 =	vld [tilespmem:$0x1FC80];
	v20 =	vadd.f32 v63, v20  }
0x2e5: {  	v63 =	vld [tilespmem:$0x1FBF0]  }
0x2e6: {  	(erf) = vpow2.f32 v3;
	v14 =	vadd.f32 v37, v14;
	v37 =	vld [tilespmem:$0x1FC40];
	v3 =	vadd.f32 v38, v20  }
0x2e7: {  	v20 =	vadd.f32 v45, v21;
	v21 =	vadd.f32 v26, v30;
	v30 =	vld [tilespmem:$0x1FC20]  }
0x2e8: {  	v38 =	vld [tilespmem:$0x1FC50]  }
0x2e9: {  	v14 =	vadd.f32 v57, v14;
	v57 =	vld [tilespmem:$0x1FBA0]  }
0x2ea: {  	v45 =	vld [tilespmem:$0x19A0];
	v3 =	vadd.f32 v56, v3  }
0x2eb: {  	v26 =	vld [tilespmem:$0x1FD40];
	v14 =	vadd.f32 v41, v14  }
0x2ec: {  	v56 =	vld [tilespmem:$0x1FCB0];
	v3 =	vadd.f32 v58, v3  }
0x2ed: {  	v41 =	vld [tilespmem:$0x1FC70];
	v9 =	vadd.f32 v9, v14  }
0x2ee: {  	v58 =	vld [tilespmem:$0x1FCD0];
	v20 =	vadd.f32 v57, v20;
	v3 =	vadd.f32 v60, v3  }
0x2ef: {  	v57 =	vld [tilespmem:$0x1FCC0];
	v9 =	vadd.f32 v24, v9  }
0x2f0: {  	v20 =	vadd.f32 v59, v20;
	v3 =	vadd.f32 v63, v3;
	v59 =	vld [tilespmem:$0x1FCE0]  }
0x2f1: {  	v0 =	vsub.f32 $0.0e+00, v0;
	v63 =	vld [tilespmem:$0x1FD10]  }
0x2f2: {  	v24 =	vpop (erf);
	v9 =	vadd.f32 v40, v9;
	v40 =	vld [tilespmem:$0x1FC60];
	v3 =	vadd.f32 v29, v3  }
0x2f3: {  	v14 =	vadd.f32 v62, v20;
	v20 =	vadd.f32 $1.000000000e+00, v24;
	v62 =	vld [tilespmem:$0x1FD00]  }
0x2f4: {  	v0 =	vmul.f32 $1.442695020e+00, v0;
	v24 =	vld [tilespmem:$0x1FD20];
	v9 =	vadd.f32 v52, v9;
	v3 =	vadd.f32 v37, v3  }
0x2f5: {  	v29 =	vld [tilespmem:$0x1FD60];
	v14 =	vadd.f32 v30, v14;
	(erf) = vrcp.f32 v20  }
0x2f6: {  	v52 =	vld [tilespmem:$0x1FC90];
	(erf) = vpow2.f32 v0;
	v9 =	vadd.f32 v10, v9;
	v3 =	vadd.f32 v41, v3  }
0x2f7: {  	v20 =	vadd.f32 v32, v21;
	v30 =	vld [tilespmem:$0x19B0];
	v0 =	vadd.f32 v38, v14  }
0x2f8: {  	v32 =	vld [tilespmem:$0x1FD70];
	v9 =	vadd.f32 v61, v9;
	v3 =	vadd.f32 v54, v3  }
0x2f9: {  	v37 =	vld [tilespmem:$0x1FD80];
	v10 =	vadd.f32 v40, v20;
	v0 =	vadd.f32 v51, v0  }
0x2fa: {  	v21 =	vld [tilespmem:$0x1FED0];
	v9 =	vadd.f32 v27, v9;
	v3 =	vadd.f32 v46, v3  }
0x2fb: {  	v38 =	vld [tilespmem:$0x1FD90];
	v0 =	vadd.f32 v55, v0  }
0x2fc: {  	v61 =	vld [tilespmem:$0x1FCF0];
	v10 =	vadd.f32 v52, v10;
	v3 =	vadd.f32 v17, v3  }
0x2fd: {  	v40 =	vld [tilespmem:$0x1FDA0];
	v14 =	vadd.f32 v45, v9;
	v0 =	vadd.f32 v57, v0  }
0x2fe: {  	v10 =	vadd.f32 v56, v10;
	v9 =	vpop (erf);
	v3 =	vadd.f32 v25, v3;
	v25 =	vld [tilespmem:$0x1FD30]  }
0x2ff: {  	v41 =	vld [tilespmem:$0x1FDB0];
	v14 =	vsub.f32 $0.0e+00, v14;
	v0 =	vadd.f32 v59, v0;
	v60 =	vpop (erf)  }
0x300: {  	v27 =	vld [tilespmem:$0x1FD50];
	v10 =	vadd.f32 v58, v10;
	v17 =	vadd.f32 $1.000000000e+00, v60  }
0x301: {  	v20 =	vld [tilespmem:$0x1FEC0];
	v5 =	vadd.f32 v61, v5;
	v14 =	vmul.f32 $1.442695020e+00, v14;
	v0 =	vadd.f32 v62, v0  }
0x302: {  	v51 =	vld [tilespmem:$0x1FDE0];
	v10 =	vadd.f32 v63, v10;
	v3 =	vadd.f32 v13, v3;
	(erf) = vrcp.f32 v17  }
0x303: {  	v54 =	vld [tilespmem:$0x1FDF0];
	v5 =	vadd.f32 v24, v5;
	(erf) = vpow2.f32 v14;
	v0 =	vadd.f32 v25, v0  }
0x304: {  	v46 =	vld [tilespmem:$0x1FDD0];
	v10 =	vadd.f32 v26, v10;
	v3 =	vadd.f32 v6, v3  }
0x305: {  	v45 =	vld [tilespmem:$0x1FDC0];
	v5 =	vadd.f32 v27, v5;
	v0 =	vadd.f32 v29, v0  }
0x306: {  	v55 =	vld [tilespmem:$0x1FE00];
	v10 =	vadd.f32 v32, v10;
	v3 =	vadd.f32 v11, v3  }
0x307: {  	v56 =	vld [tilespmem:$0x1FE10];
	v5 =	vadd.f32 v37, v5;
	v0 =	vadd.f32 v38, v0  }
0x308: {  	v57 =	vld [tilespmem:$0x1FE20];
	v10 =	vadd.f32 v40, v10;
	v1 =	vadd.f32 v1, v3  }
0x309: {  	v58 =	vld [tilespmem:$0x1FE30];
	v3 =	vadd.f32 v41, v5;
	v0 =	vadd.f32 v35, v0  }
0x30a: {  	v61 =	vld [tilespmem:$0x1FE60];
	v5 =	vadd.f32 v45, v10;
	v1 =	vadd.f32 v30, v1  }
0x30b: {  	v59 =	vld [tilespmem:$0x1FE40];
	v3 =	vadd.f32 v46, v3;
	v6 =	vpop (erf);
	v0 =	vadd.f32 v49, v0  }
0x30c: {  	v63 =	vld [tilespmem:$0x1FE70];
	v5 =	vadd.f32 v51, v5;
	v1 =	vsub.f32 $0.0e+00, v1;
	v52 =	vpop (erf)  }
0x30d: {  	v60 =	vld [tilespmem:$0x1FE50];
	v10 =	vadd.f32 $1.000000000e+00, v52;
	v0 =	vadd.f32 v19, v0  }
0x30e: {  	v13 =	vld [tilespmem:$0x1FE80];
	v11 =	vadd.f32 v54, v48;
	v5 =	vadd.f32 v55, v5;
	v1 =	vmul.f32 $1.442695020e+00, v1  }
0x30f: {  	v14 =	vld [tilespmem:$0x1FE90];
	v3 =	vadd.f32 v56, v3;
	(erf) = vrcp.f32 v10;
	v0 =	vadd.f32 v28, v0  }
0x310: {  	v17 =	vld [tilespmem:$0x1FEA0];
	v5 =	vadd.f32 v58, v5;
	v10 =	vadd.f32 v57, v11;
	(erf) = vpow2.f32 v1  }
0x311: {  	v19 =	vld [tilespmem:$0x1FEB0];
	v1 =	vadd.f32 v59, v3;
	v0 =	vadd.f32 v2, v0  }
0x312: {  	v62 =	vld [tilespmem:$0x19C0];
	v3 =	vadd.f32 v61, v5;
	v2 =	vadd.f32 v60, v10  }
0x313: {  	v24 =	vld [tilespmem:$0x1FEE0];
	v1 =	vadd.f32 v63, v1;
	v0 =	vadd.f32 v7, v0  }
0x314: {  	v26 =	vld [tilespmem:$0x1FEF0];
	v3 =	vadd.f32 v14, v3;
	v2 =	vadd.f32 v13, v2  }
0x315: {  	v32 =	vld [tilespmem:$0x1FF30];
	v1 =	vadd.f32 v17, v1;
	v0 =	vadd.f32 v50, v0  }
0x316: {  	v28 =	vld [tilespmem:$0x1FF00];
	v3 =	vadd.f32 v20, v3;
	v2 =	vadd.f32 v19, v2  }
0x317: {  	v29 =	vld [tilespmem:$0x1FF10];
	v1 =	vadd.f32 v21, v1;
	v0 =	vadd.f32 v62, v0  }
0x318: {  	v30 =	vld [tilespmem:$0x1FF20];
	v3 =	vadd.f32 v34, v3;
	v2 =	vadd.f32 v24, v2;
	v25 =	vpop (erf)  }
0x319: {  	v37 =	vld [tilespmem:$0x1FF50];
	v1 =	vadd.f32 v26, v1;
	v27 =	vpop (erf);
	v0 =	vsub.f32 $0.0e+00, v0  }
0x31a: {  	v34 =	vld [tilespmem:$0x1FF40];
	v3 =	vadd.f32 v47, v3;
	v7 =	vadd.f32 $1.000000000e+00, v27  }
0x31b: {  	v40 =	vld [tilespmem:$0x1FF70];
	v1 =	vadd.f32 v28, v1;
	v0 =	vmul.f32 $1.442695020e+00, v0  }
0x31c: {  	v38 =	vld [tilespmem:$0x1FF60];
	v2 =	vadd.f32 v29, v2;
	v3 =	vadd.f32 v22, v3;
	(erf) = vrcp.f32 v7  }
0x31d: {  	v41 =	vld [tilespmem:$0x1FF80];
	v1 =	vadd.f32 v30, v1;
	(erf) = vpow2.f32 v0  }
0x31e: {  	v45 =	vld [tilespmem:$0x1FF90];
	v33 =	vadd.f32 v33, v3;
	v0 =	vadd.f32 v32, v2  }
0x31f: {  	v35 =	vld [tilespmem:$0x19D0];
	v1 =	vadd.f32 v34, v1  }
0x320: {  	v2 =	vadd.f32 v4, v33;
	v0 =	vadd.f32 v37, v0  }
0x321: {  	v47 =	vld [tilespmem:$0x1FFA0];
	v1 =	vadd.f32 v38, v1  }
0x322: {  	v2 =	vadd.f32 v8, v2;
	v0 =	vadd.f32 v40, v0  }
0x323: {  	v49 =	vld [tilespmem:$0x1FFB0];
	v1 =	vadd.f32 v41, v1  }
0x324: {  	v2 =	vadd.f32 v35, v2;
	v0 =	vadd.f32 v45, v0  }
0x325: {  	v50 =	vld [tilespmem:$0x1FFC0];
	v1 =	vadd.f32 v31, v1;
	v46 =	vpop (erf)  }
0x326: {  	v2 =	vsub.f32 $0.0e+00, v2;
	v0 =	vadd.f32 v47, v0;
	v48 =	vpop (erf)  }
0x327: {  	v51 =	vld [tilespmem:$0x1FFD0];
	v1 =	vadd.f32 v39, v1;
	v4 =	vadd.f32 $1.000000000e+00, v48  }
0x328: {  	v2 =	vmul.f32 $1.442695020e+00, v2;
	v0 =	vadd.f32 v49, v0  }
0x329: {  	v54 =	vld [tilespmem:$0x1FFE0];
	v1 =	vadd.f32 v18, v1;
	(erf) = vrcp.f32 v4  }
0x32a: {  	v0 =	vadd.f32 v50, v0;
	(erf) = vpow2.f32 v2  }
0x32b: {  	v55 =	vld [tilespmem:$0x1FFF0];
	v1 =	vadd.f32 v44, v1  }
0x32c: {  	v52 =	vld [tilespmem:$0x19E0];
	v0 =	vadd.f32 v51, v0  }
0x32d: {  	v1 =	vadd.f32 v15, v1  }
0x32e: {  	v0 =	vadd.f32 v54, v0  }
0x32f: {  	v1 =	vadd.f32 v53, v1  }
0x330: {  	v0 =	vadd.f32 v55, v0  }
0x331: {  	v1 =	vadd.f32 v52, v1  }
0x332: {  	v0 =	vadd.f32 v42, v0;
	v56 =	vpop (erf)  }
0x333: {  	v1 =	vsub.f32 $0.0e+00, v1;
	v57 =	vpop (erf)  }
0x334: {  	v0 =	vadd.f32 v43, v0;
	v4 =	vadd.f32 $1.000000000e+00, v57  }
0x335: {  	v1 =	vmul.f32 $1.442695020e+00, v1  }
0x336: {  	v0 =	vadd.f32 v16, v0;
	(erf) = vrcp.f32 v4  }
0x337: {  	(erf) = vpow2.f32 v1  }
0x338: {  	v0 =	vadd.f32 v23, v0  }
0x339: {  	v58 =	vld [tilespmem:$0x19F0]  }
0x33a: {  	v0 =	vadd.f32 v36, v0;
	_ =	sdelay $0x1  }
0x33b: {  	v0 =	vadd.f32 v12, v0;
	_ =	sdelay $0x1  }
0x33c: {  	v0 =	vadd.f32 v58, v0  }
0x33d: {  	v59 =	vpop (erf)  }
0x33e: {  	v0 =	vsub.f32 $0.0e+00, v0;
	v60 =	vpop (erf)  }
0x33f: {  	v4 =	vadd.f32 $1.000000000e+00, v60  }
0x340: {  	v0 =	vmul.f32 $1.442695020e+00, v0  }
0x341: {  	(erf) = vrcp.f32 v4  }
0x342: {  	(erf) = vpow2.f32 v0;
	_ =	sdelay $0x7  }
0x343: {  	v61 =	vpop (erf)  }
0x344: {  	v62 =	vpop (erf)  }
0x345: {  	v4 =	vadd.f32 $1.000000000e+00, v62;
	_ =	sdelay $0x1  }
0x346: {  	(erf) = vrcp.f32 v4;
	_ =	sdelay $0x2  }
0x347: {  	[tilespmem:$0x2090] =	vst v9  }
0x348: {  	[tilespmem:$0x20A0] =	vst v6  }
0x349: {  	[tilespmem:$0x20B0] =	vst v25  }
0x34a: {  	[tilespmem:$0x20C0] =	vst v46  }
0x34b: {  	[tilespmem:$0x20D0] =	vst v56  }
0x34c: {  	s31 =	sld [smem:$0x7DE];
	[tilespmem:$0x20E0] =	vst v59  }
0x34d: {  	p0 =	sne.s32 s3, $0x1;
	[tilespmem:$0x20F0] =	vst v61;
	v63 =	vpop (erf)  }
.Ltmp0:
0x34e: {  	[tilespmem:$0x2100] =	vst v63;
	(pc) =	sbr.rel @p0 .LBB2_1-.Ltmp0, $4  }
0x34f: {  	[hbm4b:s31+s2] =	stream.linear.scatter [tilespmem:s29], [sflag:$0x2], $0x80, $0x38;
	[tilespmem:$0x2110] =	vst v63  }
0x350: {  	_ =	swait.ge [sflag:s6], $0x80  }
0x351: {  	[sflag:s6] =	ssyncset.done $0x0  }
0x352: {  	s3 =	sadd.s32 $0xFFFFFFFF, s3;
	[sflag:s6] =	ssyncadd.s32 $0xFFFFFF80  }
0x353: {  	_ =	sfence.sel $0x180000  }
0x354: {  	[bflag:$0x0] =	sbarrier.arrive $0xFFFF  }
0x355: {  	_ =	strace $0x90000047  }
0x356: {  	s0 =	stileid.u32;
	[bflag:$0x2] =	sbarrier.arrive $0xFFFF  }
0x357: {  	p0 =	sne.s32 s0, $0x0;
	s0 =	rddreg [dreg:$0x3]  }
0x358: {  	s0 =	sadd.s32 @!p0 $0x100000, s0  }
0x359: {  	[sflag:s0] =	ssyncadd.tile.s32 @!p0 $0x1;
	_ =	shalt  }
.Lfunc_end2:
_tile_overlayer_lowered:
.L_overlay_start_2:
0x35a: {  	(tag) =	ssettag $0x2  }
0x35b: {  	s0 =	rddreg [dreg:$0x0];
	s2 =	stileid.u32  }
0x35c: {  	s1 =	rddreg [dreg:$0x1];
	p0 =	sne.s32 s2, $0x0  }
0x35d: {  	s3 =	rddreg [dreg:$0x2];
	[bflag:$0x3] =	sbarrier.arrive $0xFFFF;
	s2 =	simm.s32 @!p0 $0x1C02  }
0x35e: {  	[timem:s3], [sflag:s2] =	dma.local @!p0 [hbm:s0], s1  }
0x35f: {  	s0 =	simm.s32 @!p0 $0x2  }
0x360: {  	_ =	swait.ge @!p0 [sflag:s0], s1  }
0x361: {  	s1 =	ssub.s32 @!p0 $0x0, s1;
	[sflag:s0] =	ssyncset.done @!p0 $0x0  }
0x362: {  	[sflag:s0] =	ssyncadd.s32 @!p0 s1  }
0x363: {  	[bflag:$0x3] =	sbarrier.arrive $0xFFFF  }
0x364: {  	_ =	shalt  }

</sc_bundles>
